<compile_context>
chip_gen: v7x
topology: tpu7x:2x2x1
jax: 0.10.2.dev20260603
libtpu: 0.0.44.dev20260713+nightly
codegen_flags: <defaults>
</compile_context>

<pallas_src>
import functools

import jax
import jax.numpy as jnp
from jax import lax
from jax.experimental import pallas as pl
from jax.experimental.pallas import tpu as pltpu
from jax.experimental.pallas import tpu_sc as plsc

T = 2048
D_MODEL = 1024
EXPERT_DIM = 2048
NUM_EXPERTS = 8
K = 2
ENT = T * K
BT = 128
G_MAX = ENT // BT + NUM_EXPERTS
N_PAD = G_MAX * BT
NW = 32
EPW = ENT // NW
NCH = EPW // 16
NCH_ALL = ENT // 16


def _gating_body(x_ref, gw_ref, gb_ref, eid_ref, wts_ref):
    x = x_ref[...]
    logits = jnp.dot(x, gw_ref[...], preferred_element_type=jnp.float32)
    logits = logits + gb_ref[...]
    iota = lax.broadcasted_iota(jnp.int32, (T, NUM_EXPERTS), 1)
    m1 = jnp.max(logits, axis=-1, keepdims=True)
    idx1 = jnp.min(jnp.where(logits == m1, iota, NUM_EXPERTS), axis=-1,
                   keepdims=True)
    masked = jnp.where(iota == idx1, -jnp.inf, logits)
    m2 = jnp.max(masked, axis=-1, keepdims=True)
    idx2 = jnp.min(jnp.where(masked == m2, iota, NUM_EXPERTS), axis=-1,
                   keepdims=True)
    e2 = jnp.exp(m2 - m1)
    s = 1.0 + e2
    eid_ref[...] = jnp.concatenate([idx1, idx2], axis=1)
    wts_ref[...] = jnp.concatenate([1.0 / s, e2 / s], axis=1)


def _gating(x_flat, gate_w, gb):
    return pl.pallas_call(
        _gating_body,
        grid=(1,),
        in_specs=[
            pl.BlockSpec((T, D_MODEL), lambda i: (0, 0)),
            pl.BlockSpec((D_MODEL, NUM_EXPERTS), lambda i: (0, 0)),
            pl.BlockSpec((1, NUM_EXPERTS), lambda i: (0, 0)),
        ],
        out_specs=[
            pl.BlockSpec((T, K), lambda i: (0, 0)),
            pl.BlockSpec((T, K), lambda i: (0, 0)),
        ],
        out_shape=[
            jax.ShapeDtypeStruct((T, K), jnp.int32),
            jax.ShapeDtypeStruct((T, K), jnp.float32),
        ],
    )(x_flat, gate_w, gb)


def _route_body(eid_hbm, tok_hbm, x_hbm, xs_hbm, dest_hbm, meta_hbm,
                eid_all_v, rank_all_v, tok_v, dest_v, dsm_v, base_v, rows_v,
                sem, sem2):
    wid = lax.axis_index("s") * 2 + lax.axis_index("c")
    pltpu.sync_copy(eid_hbm, eid_all_v)
    pltpu.sync_copy(tok_hbm.at[wid], tok_v)

    gat = [pltpu.async_copy(x_hbm.at[tok_v.at[cc]], rows_v.at[cc % 3], sem)
           for cc in range(3)]

    ones16 = jnp.ones((16,), jnp.int32)

    def scan_body(c, carries):
        eid16 = eid_all_v[c]
        rank16 = jnp.zeros((16,), jnp.int32)
        new = []
        for e in range(NUM_EXPERTS):
            m = eid16 == jnp.full((16,), e, jnp.int32)
            mi = jnp.where(m, ones16, ones16 - ones16)
            pc = plsc.cumsum(mi)
            ce = jnp.full((16,), carries[e], jnp.int32)
            rank16 = jnp.where(m, ce + pc - ones16, rank16)
            new.append(carries[e] + jnp.sum(mi))
        rank_all_v[c] = rank16
        return tuple(new)

    cnt = lax.fori_loop(0, NCH_ALL, scan_body,
                        tuple(jnp.int32(0) for _ in range(NUM_EXPERTS)))

    iota16 = lax.iota(jnp.int32, 16)
    cnt_v = jnp.zeros((16,), jnp.int32)
    for e in range(NUM_EXPERTS):
        cnt_v = jnp.where(iota16 == jnp.full((16,), e, jnp.int32),
                          jnp.full((16,), cnt[e], jnp.int32), cnt_v)
    p_v = ((cnt_v + (BT - 1)) // BT) * BT
    cum_v = plsc.cumsum(p_v)
    starts_v = cum_v - p_v
    base_v[...] = starts_v

    @pl.when(wid == 0)
    def _meta():
        dest_v[0] = cum_v // BT
        pltpu.sync_copy(dest_v.at[0], meta_hbm)

    for cc in range(NCH):
        cg = wid * NCH + cc
        eid16 = eid_all_v[cg]
        rank16 = rank_all_v[cg]
        dest16 = plsc.load_gather(base_v, [eid16]) + rank16
        dest_v[cc] = dest16

    for r in range(4):
        row0 = jnp.full((16,), 2 * r, jnp.int32) + iota16 // 8
        col0 = (2 * iota16) % jnp.full((16,), 16, jnp.int32)
        dsm_v[r] = plsc.load_gather(dest_v, [row0, col0])
        col1 = (2 * iota16 + ones16) % jnp.full((16,), 16, jnp.int32)
        dsm_v[4 + r] = plsc.load_gather(dest_v, [row0, col1])
    pltpu.sync_copy(dsm_v.at[pl.ds(0, 4)],
                    dest_hbm.at[pl.ds(4 * wid, 4)])
    pltpu.sync_copy(dsm_v.at[pl.ds(4, 4)],
                    dest_hbm.at[pl.ds(T // 16 + 4 * wid, 4)])

    scat = []
    for cc in range(NCH):
        b = cc % 3
        gat[cc].wait()
        scat.append(
            pltpu.async_copy(rows_v.at[b], xs_hbm.at[dest_v.at[cc]], sem2))
        if cc + 3 < NCH:
            scat[cc].wait()
            gat.append(pltpu.async_copy(x_hbm.at[tok_v.at[cc + 3]],
                                        rows_v.at[b], sem))
    for cc in range(max(0, NCH - 3), NCH):
        scat[cc].wait()


def _route(eid3, tok3, x_flat):
    mesh = plsc.VectorSubcoreMesh(core_axis_name="c", subcore_axis_name="s")
    f = pl.kernel(
        _route_body,
        out_type=[
            jax.ShapeDtypeStruct((N_PAD, D_MODEL), jnp.float32),
            jax.ShapeDtypeStruct((NCH_ALL, 16), jnp.int32),
            jax.ShapeDtypeStruct((16,), jnp.int32),
        ],
        mesh=mesh,
        scratch_types=[
            pltpu.VMEM((NCH_ALL, 16), jnp.int32),
            pltpu.VMEM((NCH_ALL, 16), jnp.int32),
            pltpu.VMEM((NCH, 16), jnp.int32),
            pltpu.VMEM((NCH, 16), jnp.int32),
            pltpu.VMEM((NCH, 16), jnp.int32),
            pltpu.VMEM((16,), jnp.int32),
            pltpu.VMEM((3, 16, D_MODEL), jnp.float32),
            pltpu.SemaphoreType.DMA,
            pltpu.SemaphoreType.DMA,
        ],
        compiler_params=pltpu.CompilerParams(needs_layout_passes=False),
    )
    return f(eid3, tok3, x_flat)


def _ffn_body(meta_ref, xs_ref, w1_ref, b1_ref, w2_ref, b2_ref, out_ref):
    g = pl.program_id(0)

    @pl.when(g < meta_ref[8])
    def _compute():
        x = xs_ref[...]
        h = jnp.dot(x, w1_ref[0], preferred_element_type=jnp.float32)
        h = jnp.maximum(h + b1_ref[0], 0.0)
        o = jnp.dot(h, w2_ref[0], preferred_element_type=jnp.float32)
        out_ref[...] = o + b2_ref[0]


def _expert_of(g, meta_ref):
    e = jnp.int32(0)
    for i in range(NUM_EXPERTS):
        e = e + (g >= meta_ref[i]).astype(jnp.int32)
    return jnp.minimum(e, NUM_EXPERTS - 1)


def _ffn(meta, xs, W1, b1r, W2, b2r):
    grid_spec = pltpu.PrefetchScalarGridSpec(
        num_scalar_prefetch=1,
        grid=(G_MAX,),
        in_specs=[
            pl.BlockSpec((BT, D_MODEL), lambda g, m: (g, 0)),
            pl.BlockSpec((1, D_MODEL, EXPERT_DIM),
                         lambda g, m: (_expert_of(g, m), 0, 0)),
            pl.BlockSpec((1, 1, EXPERT_DIM),
                         lambda g, m: (_expert_of(g, m), 0, 0)),
            pl.BlockSpec((1, EXPERT_DIM, D_MODEL),
                         lambda g, m: (_expert_of(g, m), 0, 0)),
            pl.BlockSpec((1, 1, D_MODEL),
                         lambda g, m: (_expert_of(g, m), 0, 0)),
        ],
        out_specs=pl.BlockSpec((BT, D_MODEL), lambda g, m: (g, 0)),
    )
    return pl.pallas_call(
        _ffn_body,
        grid_spec=grid_spec,
        out_shape=jax.ShapeDtypeStruct((N_PAD, D_MODEL), jnp.float32),
        compiler_params=pltpu.CompilerParams(
            vmem_limit_bytes=120 * 1024 * 1024),
    )(meta, xs, W1, b1r, W2, b2r)


def _cgather_body(ys_hbm, dest_hbm, yi_hbm, dest_v, rows_v, sem, sem2):
    wid = lax.axis_index("s") * 2 + lax.axis_index("c")
    pltpu.sync_copy(dest_hbm.at[wid], dest_v)
    stor = []
    for cc in range(NCH):
        b = cc % 2
        if cc >= 2:
            stor[cc - 2].wait()
        pltpu.async_copy(ys_hbm.at[dest_v.at[cc]], rows_v.at[b], sem).wait()
        base = (wid * NCH + cc) * 16
        stor.append(
            pltpu.async_copy(rows_v.at[b], yi_hbm.at[pl.ds(base, 16)], sem2))
    stor[NCH - 2].wait()
    stor[NCH - 1].wait()


def _cgather(ys, dest3):
    mesh = plsc.VectorSubcoreMesh(core_axis_name="c", subcore_axis_name="s")
    f = pl.kernel(
        _cgather_body,
        out_type=jax.ShapeDtypeStruct((ENT, D_MODEL), jnp.float32),
        mesh=mesh,
        scratch_types=[
            pltpu.VMEM((NCH, 16), jnp.int32),
            pltpu.VMEM((2, 16, D_MODEL), jnp.float32),
            pltpu.SemaphoreType.DMA,
            pltpu.SemaphoreType.DMA,
        ],
        compiler_params=pltpu.CompilerParams(needs_layout_passes=False),
    )
    return f(ys, dest3)


def _combine_body(y0_ref, y1_ref, w_ref, out_ref):
    w = w_ref[...]
    out_ref[...] = w[:, :1] * y0_ref[...] + w[:, 1:] * y1_ref[...]


_BTD = 512


def _combine(ysm, wts):
    return pl.pallas_call(
        _combine_body,
        grid=(T // _BTD,),
        in_specs=[
            pl.BlockSpec((_BTD, D_MODEL), lambda t: (t, 0)),
            pl.BlockSpec((_BTD, D_MODEL), lambda t: (t + T // _BTD, 0)),
            pl.BlockSpec((_BTD, K), lambda t: (t, 0)),
        ],
        out_specs=pl.BlockSpec((_BTD, D_MODEL), lambda t: (t, 0)),
        out_shape=jax.ShapeDtypeStruct((T, D_MODEL), jnp.float32),
    )(ysm, ysm, wts)


def kernel(x, W1, b1, W2, b2, gate_w, gate_b, bias):
    seq_len, batch_size, d_model = x.shape
    x_flat = x.reshape(-1, d_model)
    gb = (gate_b + bias).reshape(1, NUM_EXPERTS)

    eid, wts = _gating(x_flat, gate_w, gb)
    eid3 = eid.reshape(NCH_ALL, 16)
    tok3 = (jnp.arange(ENT, dtype=jnp.int32) // K).reshape(NW, NCH, 16)

    xs, dsm, meta = _route(eid3, tok3, x_flat)
    dest3 = dsm.reshape(NW, NCH, 16)
    ys = _ffn(meta, xs, W1, b1.reshape(NUM_EXPERTS, 1, EXPERT_DIM),
              W2, b2.reshape(NUM_EXPERTS, 1, D_MODEL))
    ysm = _cgather(ys, dest3)
    out = _combine(ysm, wts)
    return out.reshape(seq_len, batch_size, d_model)

# --- scband reference (transcript-rebuilt; emitter-appended) ---
"""Pipeline reference for scband-top-kmo-e-6597069767522 (READ-ONLY COPY).

The authoritative reference and input builder live on the scoring server;
editing this copy changes nothing except your own understanding.
"""

import jax, jax.numpy as jnp
import numpy as np

SEQ = 2048
BATCH = 1
D_MODEL = 1024
EXPERT_DIM = 2048
NUM_EXPERTS = 8
K = 2


def setup_inputs(seed: int = 0) -> dict:
    key = jax.random.key(seed)
    ks = jax.random.split(key, 8)
    x = jax.random.normal(ks[0], (SEQ, BATCH, D_MODEL), dtype=jnp.float32)
    s1 = 1.0 / np.sqrt(D_MODEL)
    s2 = 1.0 / np.sqrt(EXPERT_DIM)
    W1 = jax.random.uniform(ks[1], (NUM_EXPERTS, D_MODEL, EXPERT_DIM), jnp.float32, -s1, s1)
    b1 = jax.random.uniform(ks[2], (NUM_EXPERTS, EXPERT_DIM), jnp.float32, -s1, s1)
    W2 = jax.random.uniform(ks[3], (NUM_EXPERTS, EXPERT_DIM, D_MODEL), jnp.float32, -s2, s2)
    b2 = jax.random.uniform(ks[4], (NUM_EXPERTS, D_MODEL), jnp.float32, -s2, s2)
    gate_w = jax.random.uniform(ks[5], (D_MODEL, NUM_EXPERTS), jnp.float32, -s1, s1)
    gate_b = jax.random.uniform(ks[6], (NUM_EXPERTS,), jnp.float32, -s1, s1)
    bias = jnp.zeros((NUM_EXPERTS,), dtype=jnp.float32)
    return {"x": x, "W1": W1, "b1": b1, "W2": W2, "b2": b2,
            "gate_w": gate_w, "gate_b": gate_b, "bias": bias}


def reference(x, W1, b1, W2, b2, gate_w, gate_b, bias):
    seq_len, batch_size, d_model = x.shape
    x_flat = x.reshape(-1, d_model)
    T = x_flat.shape[0]
    # gating
    gate_logits = x_flat @ gate_w + gate_b + bias
    topk_vals, topk_idx = jax.lax.top_k(gate_logits, K)
    topk_vals = topk_vals - jnp.max(topk_vals, axis=-1, keepdims=True)
    topk_weights = jax.nn.softmax(topk_vals, axis=-1)
    # scatter top-k weights into dense [T, E] combine-weight matrix
    combine = jnp.zeros((T, NUM_EXPERTS), dtype=jnp.float32)
    combine = combine.at[jnp.arange(T)[:, None], topk_idx].add(topk_weights)
    # run all experts (dense equivalent of masked dispatch; non-selected experts get weight 0)
    h = jnp.einsum('td,edf->tef', x_flat, W1) + b1[None, :, :]
    h = jax.nn.relu(h)
    expert_out = jnp.einsum('tef,efd->ted', h, W2) + b2[None, :, :]
    out = jnp.sum(expert_out * combine[:, :, None], axis=1)
    out = out.reshape(seq_len, batch_size, d_model)
    # dropout is identity in eval mode
    return out

if __name__ == "__main__":
    import jax
    _d = setup_inputs()
    print(jax.jit(kernel)(*tuple(_d.values())))

</pallas_src>

<mosaic_0001>
#map = affine_map<(d0, d1) -> (0, 0)>
#map1 = affine_map<(d0, d1) -> (0, 0, 0)>
module attributes {stable_mosaic.version = 14 : i64} {
  func.func @_cgather_body(%arg0: i32, %arg1: i32, %arg2: memref<5120x1024xf32, #tpu.memory_space<hbm>>, %arg3: memref<32x8x16xi32, #tpu.memory_space<hbm>>, %arg4: memref<4096x1024xf32, #tpu.memory_space<hbm>>, %arg5: memref<8x16xi32, #tpu.memory_space<vmem>>, %arg6: memref<2x16x1024xf32, #tpu.memory_space<vmem>>, %arg7: memref<!tpu.dma_semaphore, #tpu.memory_space<semaphore_mem>>, %arg8: memref<!tpu.dma_semaphore, #tpu.memory_space<semaphore_mem>>) attributes {dimension_semantics = [#tpu.dimension_semantics<core_parallel>, #tpu.dimension_semantics<subcore_parallel>], iteration_bounds = array<i64: 2, 16>, scalar_prefetch = 0 : i64, scratch_operands = 4 : i64, tpu.core_type = #tpu.core_type<sc_vector_subcore>, window_params = [{transform_indices = #map}, {transform_indices = #map1}, {transform_indices = #map}]} {
    %mul3A = arith.constant 2 : i32
    %mul3A_0 = arith.muli %arg1, %mul3A : i32
    %add3A = arith.addi %mul3A_0, %arg0 : i32
    "tpu.region"() ({
      %run_scoped3A = tpu.sem_alloc : memref<!tpu.dma_semaphore, #tpu.memory_space<semaphore_mem>>
      %dma_start3A_447 = arith.constant 0 : i32
      %dma_start3A_448 = arith.constant 0 : i32
      %dma_start3A_449 = tpu.memref_slice %arg3[%add3A, %dma_start3A_447, %dma_start3A_448] : memref<32x8x16xi32, #tpu.memory_space<hbm>> -> memref<1x8x16xi32, #tpu.memory_space<hbm>>
      %dma_start3A_450 = tpu.memref_squeeze %dma_start3A_449 : memref<1x8x16xi32, #tpu.memory_space<hbm>> -> memref<8x16xi32, #tpu.memory_space<hbm>>
      %dma_start3A_451 = arith.constant 0 : i32
      %dma_start3A_452 = arith.constant 0 : i32
      %dma_start3A_453 = tpu.memref_slice %arg3[%add3A, %dma_start3A_451, %dma_start3A_452] : memref<32x8x16xi32, #tpu.memory_space<hbm>> -> memref<1x8x16xi32, #tpu.memory_space<hbm>>
      %dma_start3A_454 = tpu.memref_squeeze %dma_start3A_453 : memref<1x8x16xi32, #tpu.memory_space<hbm>> -> memref<8x16xi32, #tpu.memory_space<hbm>>
      tpu.enqueue_dma source(%dma_start3A_454 : memref<8x16xi32, #tpu.memory_space<hbm>>) target(%arg5 : memref<8x16xi32, #tpu.memory_space<vmem>>) target_semaphore(%run_scoped3A : memref<!tpu.dma_semaphore, #tpu.memory_space<semaphore_mem>>)
      %dma_wait3A_455 = arith.constant 0 : i32
      %dma_wait3A_456 = arith.constant 0 : i32
      %dma_wait3A_457 = tpu.memref_slice %arg3[%add3A, %dma_wait3A_455, %dma_wait3A_456] : memref<32x8x16xi32, #tpu.memory_space<hbm>> -> memref<1x8x16xi32, #tpu.memory_space<hbm>>
      %dma_wait3A_458 = tpu.memref_squeeze %dma_wait3A_457 : memref<1x8x16xi32, #tpu.memory_space<hbm>> -> memref<8x16xi32, #tpu.memory_space<hbm>>
      %dma_wait3A_459 = arith.constant 0 : i32
      %dma_wait3A_460 = arith.constant 0 : i32
      %dma_wait3A_461 = tpu.memref_slice %arg3[%add3A, %dma_wait3A_459, %dma_wait3A_460] : memref<32x8x16xi32, #tpu.memory_space<hbm>> -> memref<1x8x16xi32, #tpu.memory_space<hbm>>
      %dma_wait3A_462 = tpu.memref_squeeze %dma_wait3A_461 : memref<1x8x16xi32, #tpu.memory_space<hbm>> -> memref<8x16xi32, #tpu.memory_space<hbm>>
      tpu.wait_dma2 semaphore(%run_scoped3A : memref<!tpu.dma_semaphore, #tpu.memory_space<semaphore_mem>>) src(%dma_wait3A_462 : memref<8x16xi32, #tpu.memory_space<hbm>>) dst(%arg5 : memref<8x16xi32, #tpu.memory_space<vmem>>)
      tpu.yield
    }) : () -> ()
    %dma_start3A = arith.constant 0 : i32
    %dma_start3A_1 = arith.constant 0 : i32
    %dma_start3A_2 = arith.constant 0 : i32
    %dma_start3A_3 = arith.constant 0 : i32
    %dma_start3A_4 = tpu.memref_slice %arg6[%dma_start3A_1, %dma_start3A_2, %dma_start3A_3] : memref<2x16x1024xf32, #tpu.memory_space<vmem>> -> memref<1x16x1024xf32, #tpu.memory_space<vmem>>
    %dma_start3A_5 = tpu.memref_squeeze %dma_start3A_4 : memref<1x16x1024xf32, #tpu.memory_space<vmem>> -> memref<16x1024xf32, #tpu.memory_space<vmem>>
    %dma_start3A_6 = arith.constant 0 : i32
    %dma_start3A_7 = tpu.memref_slice %arg5[%dma_start3A, %dma_start3A_6] : memref<8x16xi32, #tpu.memory_space<vmem>> -> memref<1x16xi32, #tpu.memory_space<vmem>>
    %dma_start3A_8 = tpu.memref_squeeze %dma_start3A_7 : memref<1x16xi32, #tpu.memory_space<vmem>> -> memref<16xi32, #tpu.memory_space<vmem>>
    %dma_start3A_9 = arith.constant 0 : i32
    %dma_start3A_10 = arith.constant 0 : i32
    %dma_start3A_11 = tpu.memref_slice %arg2[%dma_start3A_9, %dma_start3A_10] : memref<5120x1024xf32, #tpu.memory_space<hbm>> -> memref<5120x1024xf32, #tpu.memory_space<hbm>>
    tpu.enqueue_indirect_dma source(%dma_start3A_11 : memref<5120x1024xf32, #tpu.memory_space<hbm>>) target(%dma_start3A_5 : memref<16x1024xf32, #tpu.memory_space<vmem>>) offsets(%dma_start3A_8 : memref<16xi32, #tpu.memory_space<vmem>>) semaphore(%arg7 : memref<!tpu.dma_semaphore, #tpu.memory_space<semaphore_mem>>)
    %dma_wait3A = arith.constant 0 : i32
    %dma_wait3A_12 = arith.constant 0 : i32
    %dma_wait3A_13 = arith.constant 0 : i32
    %dma_wait3A_14 = arith.constant 0 : i32
    %dma_wait3A_15 = tpu.memref_slice %arg6[%dma_wait3A_12, %dma_wait3A_13, %dma_wait3A_14] : memref<2x16x1024xf32, #tpu.memory_space<vmem>> -> memref<1x16x1024xf32, #tpu.memory_space<vmem>>
    %dma_wait3A_16 = tpu.memref_squeeze %dma_wait3A_15 : memref<1x16x1024xf32, #tpu.memory_space<vmem>> -> memref<16x1024xf32, #tpu.memory_space<vmem>>
    %dma_wait3A_17 = arith.constant 0 : i32
    %dma_wait3A_18 = tpu.memref_slice %arg5[%dma_wait3A, %dma_wait3A_17] : memref<8x16xi32, #tpu.memory_space<vmem>> -> memref<1x16xi32, #tpu.memory_space<vmem>>
    %dma_wait3A_19 = tpu.memref_squeeze %dma_wait3A_18 : memref<1x16xi32, #tpu.memory_space<vmem>> -> memref<16xi32, #tpu.memory_space<vmem>>
    %dma_wait3A_20 = arith.constant 0 : i32
    %dma_wait3A_21 = arith.constant 0 : i32
    %dma_wait3A_22 = tpu.memref_slice %arg2[%dma_wait3A_20, %dma_wait3A_21] : memref<5120x1024xf32, #tpu.memory_space<hbm>> -> memref<5120x1024xf32, #tpu.memory_space<hbm>>
    tpu.wait_indirect_dma semaphore(%arg7 : memref<!tpu.dma_semaphore, #tpu.memory_space<semaphore_mem>>) src(%dma_wait3A_22 : memref<5120x1024xf32, #tpu.memory_space<hbm>>) dst(%dma_wait3A_16 : memref<16x1024xf32, #tpu.memory_space<vmem>>)
    %mul3A_23 = arith.constant 8 : i32
    %mul3A_24 = arith.muli %add3A, %mul3A_23 : i32
    %add3A_25 = arith.constant 0 : i32
    %add3A_26 = arith.addi %mul3A_24, %add3A_25 : i32
    %mul3A_27 = arith.constant 16 : i32
    %mul3A_28 = arith.muli %add3A_26, %mul3A_27 : i32
    %dma_start3A_29 = arith.constant 0 : i32
    %dma_start3A_30 = arith.constant 0 : i32
    %dma_start3A_31 = arith.constant 0 : i32
    %dma_start3A_32 = tpu.memref_slice %arg6[%dma_start3A_29, %dma_start3A_30, %dma_start3A_31] : memref<2x16x1024xf32, #tpu.memory_space<vmem>> -> memref<1x16x1024xf32, #tpu.memory_space<vmem>>
    %dma_start3A_33 = tpu.memref_squeeze %dma_start3A_32 : memref<1x16x1024xf32, #tpu.memory_space<vmem>> -> memref<16x1024xf32, #tpu.memory_space<vmem>>
    %dma_start3A_34 = arith.constant 0 : i32
    %dma_start3A_35 = tpu.memref_slice %arg4[%mul3A_28, %dma_start3A_34] : memref<4096x1024xf32, #tpu.memory_space<hbm>> -> memref<16x1024xf32, #tpu.memory_space<hbm>>
    %dma_start3A_36 = arith.constant 0 : i32
    %dma_start3A_37 = tpu.memref_slice %arg4[%mul3A_28, %dma_start3A_36] : memref<4096x1024xf32, #tpu.memory_space<hbm>> -> memref<16x1024xf32, #tpu.memory_space<hbm>>
    %dma_start3A_38 = arith.constant 0 : i32
    %dma_start3A_39 = arith.constant 0 : i32
    %dma_start3A_40 = tpu.memref_slice %arg6[%dma_start3A_29, %dma_start3A_38, %dma_start3A_39] : memref<2x16x1024xf32, #tpu.memory_space<vmem>> -> memref<1x16x1024xf32, #tpu.memory_space<vmem>>
    %dma_start3A_41 = tpu.memref_squeeze %dma_start3A_40 : memref<1x16x1024xf32, #tpu.memory_space<vmem>> -> memref<16x1024xf32, #tpu.memory_space<vmem>>
    tpu.enqueue_dma source(%dma_start3A_41 : memref<16x1024xf32, #tpu.memory_space<vmem>>) target(%dma_start3A_37 : memref<16x1024xf32, #tpu.memory_space<hbm>>) target_semaphore(%arg8 : memref<!tpu.dma_semaphore, #tpu.memory_space<semaphore_mem>>)
    %dma_start3A_42 = arith.constant 1 : i32
    %dma_start3A_43 = arith.constant 1 : i32
    %dma_start3A_44 = arith.constant 0 : i32
    %dma_start3A_45 = arith.constant 0 : i32
    %dma_start3A_46 = tpu.memref_slice %arg6[%dma_start3A_43, %dma_start3A_44, %dma_start3A_45] : memref<2x16x1024xf32, #tpu.memory_space<vmem>> -> memref<1x16x1024xf32, #tpu.memory_space<vmem>>
    %dma_start3A_47 = tpu.memref_squeeze %dma_start3A_46 : memref<1x16x1024xf32, #tpu.memory_space<vmem>> -> memref<16x1024xf32, #tpu.memory_space<vmem>>
    %dma_start3A_48 = arith.constant 0 : i32
    %dma_start3A_49 = tpu.memref_slice %arg5[%dma_start3A_42, %dma_start3A_48] : memref<8x16xi32, #tpu.memory_space<vmem>> -> memref<1x16xi32, #tpu.memory_space<vmem>>
    %dma_start3A_50 = tpu.memref_squeeze %dma_start3A_49 : memref<1x16xi32, #tpu.memory_space<vmem>> -> memref<16xi32, #tpu.memory_space<vmem>>
    %dma_start3A_51 = arith.constant 0 : i32
    %dma_start3A_52 = arith.constant 0 : i32
    %dma_start3A_53 = tpu.memref_slice %arg2[%dma_start3A_51, %dma_start3A_52] : memref<5120x1024xf32, #tpu.memory_space<hbm>> -> memref<5120x1024xf32, #tpu.memory_space<hbm>>
    tpu.enqueue_indirect_dma source(%dma_start3A_53 : memref<5120x1024xf32, #tpu.memory_space<hbm>>) target(%dma_start3A_47 : memref<16x1024xf32, #tpu.memory_space<vmem>>) offsets(%dma_start3A_50 : memref<16xi32, #tpu.memory_space<vmem>>) semaphore(%arg7 : memref<!tpu.dma_semaphore, #tpu.memory_space<semaphore_mem>>)
    %dma_wait3A_54 = arith.constant 1 : i32
    %dma_wait3A_55 = arith.constant 1 : i32
    %dma_wait3A_56 = arith.constant 0 : i32
    %dma_wait3A_57 = arith.constant 0 : i32
    %dma_wait3A_58 = tpu.memref_slice %arg6[%dma_wait3A_55, %dma_wait3A_56, %dma_wait3A_57] : memref<2x16x1024xf32, #tpu.memory_space<vmem>> -> memref<1x16x1024xf32, #tpu.memory_space<vmem>>
    %dma_wait3A_59 = tpu.memref_squeeze %dma_wait3A_58 : memref<1x16x1024xf32, #tpu.memory_space<vmem>> -> memref<16x1024xf32, #tpu.memory_space<vmem>>
    %dma_wait3A_60 = arith.constant 0 : i32
    %dma_wait3A_61 = tpu.memref_slice %arg5[%dma_wait3A_54, %dma_wait3A_60] : memref<8x16xi32, #tpu.memory_space<vmem>> -> memref<1x16xi32, #tpu.memory_space<vmem>>
    %dma_wait3A_62 = tpu.memref_squeeze %dma_wait3A_61 : memref<1x16xi32, #tpu.memory_space<vmem>> -> memref<16xi32, #tpu.memory_space<vmem>>
    %dma_wait3A_63 = arith.constant 0 : i32
    %dma_wait3A_64 = arith.constant 0 : i32
    %dma_wait3A_65 = tpu.memref_slice %arg2[%dma_wait3A_63, %dma_wait3A_64] : memref<5120x1024xf32, #tpu.memory_space<hbm>> -> memref<5120x1024xf32, #tpu.memory_space<hbm>>
    tpu.wait_indirect_dma semaphore(%arg7 : memref<!tpu.dma_semaphore, #tpu.memory_space<semaphore_mem>>) src(%dma_wait3A_65 : memref<5120x1024xf32, #tpu.memory_space<hbm>>) dst(%dma_wait3A_59 : memref<16x1024xf32, #tpu.memory_space<vmem>>)
    %mul3A_66 = arith.constant 8 : i32
    %mul3A_67 = arith.muli %add3A, %mul3A_66 : i32
    %add3A_68 = arith.constant 1 : i32
    %add3A_69 = arith.addi %mul3A_67, %add3A_68 : i32
    %mul3A_70 = arith.constant 16 : i32
    %mul3A_71 = arith.muli %add3A_69, %mul3A_70 : i32
    %dma_start3A_72 = arith.constant 1 : i32
    %dma_start3A_73 = arith.constant 0 : i32
    %dma_start3A_74 = arith.constant 0 : i32
    %dma_start3A_75 = tpu.memref_slice %arg6[%dma_start3A_72, %dma_start3A_73, %dma_start3A_74] : memref<2x16x1024xf32, #tpu.memory_space<vmem>> -> memref<1x16x1024xf32, #tpu.memory_space<vmem>>
    %dma_start3A_76 = tpu.memref_squeeze %dma_start3A_75 : memref<1x16x1024xf32, #tpu.memory_space<vmem>> -> memref<16x1024xf32, #tpu.memory_space<vmem>>
    %dma_start3A_77 = arith.constant 0 : i32
    %dma_start3A_78 = tpu.memref_slice %arg4[%mul3A_71, %dma_start3A_77] : memref<4096x1024xf32, #tpu.memory_space<hbm>> -> memref<16x1024xf32, #tpu.memory_space<hbm>>
    %dma_start3A_79 = arith.constant 0 : i32
    %dma_start3A_80 = tpu.memref_slice %arg4[%mul3A_71, %dma_start3A_79] : memref<4096x1024xf32, #tpu.memory_space<hbm>> -> memref<16x1024xf32, #tpu.memory_space<hbm>>
    %dma_start3A_81 = arith.constant 0 : i32
    %dma_start3A_82 = arith.constant 0 : i32
    %dma_start3A_83 = tpu.memref_slice %arg6[%dma_start3A_72, %dma_start3A_81, %dma_start3A_82] : memref<2x16x1024xf32, #tpu.memory_space<vmem>> -> memref<1x16x1024xf32, #tpu.memory_space<vmem>>
    %dma_start3A_84 = tpu.memref_squeeze %dma_start3A_83 : memref<1x16x1024xf32, #tpu.memory_space<vmem>> -> memref<16x1024xf32, #tpu.memory_space<vmem>>
    tpu.enqueue_dma source(%dma_start3A_84 : memref<16x1024xf32, #tpu.memory_space<vmem>>) target(%dma_start3A_80 : memref<16x1024xf32, #tpu.memory_space<hbm>>) target_semaphore(%arg8 : memref<!tpu.dma_semaphore, #tpu.memory_space<semaphore_mem>>)
    %dma_wait3A_85 = arith.constant 0 : i32
    %dma_wait3A_86 = arith.constant 0 : i32
    %dma_wait3A_87 = arith.constant 0 : i32
    %dma_wait3A_88 = tpu.memref_slice %arg6[%dma_wait3A_85, %dma_wait3A_86, %dma_wait3A_87] : memref<2x16x1024xf32, #tpu.memory_space<vmem>> -> memref<1x16x1024xf32, #tpu.memory_space<vmem>>
    %dma_wait3A_89 = tpu.memref_squeeze %dma_wait3A_88 : memref<1x16x1024xf32, #tpu.memory_space<vmem>> -> memref<16x1024xf32, #tpu.memory_space<vmem>>
    %dma_wait3A_90 = arith.constant 0 : i32
    %dma_wait3A_91 = tpu.memref_slice %arg4[%mul3A_28, %dma_wait3A_90] : memref<4096x1024xf32, #tpu.memory_space<hbm>> -> memref<16x1024xf32, #tpu.memory_space<hbm>>
    %dma_wait3A_92 = arith.constant 0 : i32
    %dma_wait3A_93 = tpu.memref_slice %arg4[%mul3A_28, %dma_wait3A_92] : memref<4096x1024xf32, #tpu.memory_space<hbm>> -> memref<16x1024xf32, #tpu.memory_space<hbm>>
    %dma_wait3A_94 = arith.constant 0 : i32
    %dma_wait3A_95 = arith.constant 0 : i32
    %dma_wait3A_96 = tpu.memref_slice %arg6[%dma_wait3A_85, %dma_wait3A_94, %dma_wait3A_95] : memref<2x16x1024xf32, #tpu.memory_space<vmem>> -> memref<1x16x1024xf32, #tpu.memory_space<vmem>>
    %dma_wait3A_97 = tpu.memref_squeeze %dma_wait3A_96 : memref<1x16x1024xf32, #tpu.memory_space<vmem>> -> memref<16x1024xf32, #tpu.memory_space<vmem>>
    tpu.wait_dma2 semaphore(%arg8 : memref<!tpu.dma_semaphore, #tpu.memory_space<semaphore_mem>>) src(%dma_wait3A_97 : memref<16x1024xf32, #tpu.memory_space<vmem>>) dst(%dma_wait3A_93 : memref<16x1024xf32, #tpu.memory_space<hbm>>)
    %dma_start3A_98 = arith.constant 2 : i32
    %dma_start3A_99 = arith.constant 0 : i32
    %dma_start3A_100 = arith.constant 0 : i32
    %dma_start3A_101 = arith.constant 0 : i32
    %dma_start3A_102 = tpu.memref_slice %arg6[%dma_start3A_99, %dma_start3A_100, %dma_start3A_101] : memref<2x16x1024xf32, #tpu.memory_space<vmem>> -> memref<1x16x1024xf32, #tpu.memory_space<vmem>>
    %dma_start3A_103 = tpu.memref_squeeze %dma_start3A_102 : memref<1x16x1024xf32, #tpu.memory_space<vmem>> -> memref<16x1024xf32, #tpu.memory_space<vmem>>
    %dma_start3A_104 = arith.constant 0 : i32
    %dma_start3A_105 = tpu.memref_slice %arg5[%dma_start3A_98, %dma_start3A_104] : memref<8x16xi32, #tpu.memory_space<vmem>> -> memref<1x16xi32, #tpu.memory_space<vmem>>
    %dma_start3A_106 = tpu.memref_squeeze %dma_start3A_105 : memref<1x16xi32, #tpu.memory_space<vmem>> -> memref<16xi32, #tpu.memory_space<vmem>>
    %dma_start3A_107 = arith.constant 0 : i32
    %dma_start3A_108 = arith.constant 0 : i32
    %dma_start3A_109 = tpu.memref_slice %arg2[%dma_start3A_107, %dma_start3A_108] : memref<5120x1024xf32, #tpu.memory_space<hbm>> -> memref<5120x1024xf32, #tpu.memory_space<hbm>>
    tpu.enqueue_indirect_dma source(%dma_start3A_109 : memref<5120x1024xf32, #tpu.memory_space<hbm>>) target(%dma_start3A_103 : memref<16x1024xf32, #tpu.memory_space<vmem>>) offsets(%dma_start3A_106 : memref<16xi32, #tpu.memory_space<vmem>>) semaphore(%arg7 : memref<!tpu.dma_semaphore, #tpu.memory_space<semaphore_mem>>)
    %dma_wait3A_110 = arith.constant 2 : i32
    %dma_wait3A_111 = arith.constant 0 : i32
    %dma_wait3A_112 = arith.constant 0 : i32
    %dma_wait3A_113 = arith.constant 0 : i32
    %dma_wait3A_114 = tpu.memref_slice %arg6[%dma_wait3A_111, %dma_wait3A_112, %dma_wait3A_113] : memref<2x16x1024xf32, #tpu.memory_space<vmem>> -> memref<1x16x1024xf32, #tpu.memory_space<vmem>>
    %dma_wait3A_115 = tpu.memref_squeeze %dma_wait3A_114 : memref<1x16x1024xf32, #tpu.memory_space<vmem>> -> memref<16x1024xf32, #tpu.memory_space<vmem>>
    %dma_wait3A_116 = arith.constant 0 : i32
    %dma_wait3A_117 = tpu.memref_slice %arg5[%dma_wait3A_110, %dma_wait3A_116] : memref<8x16xi32, #tpu.memory_space<vmem>> -> memref<1x16xi32, #tpu.memory_space<vmem>>
    %dma_wait3A_118 = tpu.memref_squeeze %dma_wait3A_117 : memref<1x16xi32, #tpu.memory_space<vmem>> -> memref<16xi32, #tpu.memory_space<vmem>>
    %dma_wait3A_119 = arith.constant 0 : i32
    %dma_wait3A_120 = arith.constant 0 : i32
    %dma_wait3A_121 = tpu.memref_slice %arg2[%dma_wait3A_119, %dma_wait3A_120] : memref<5120x1024xf32, #tpu.memory_space<hbm>> -> memref<5120x1024xf32, #tpu.memory_space<hbm>>
    tpu.wait_indirect_dma semaphore(%arg7 : memref<!tpu.dma_semaphore, #tpu.memory_space<semaphore_mem>>) src(%dma_wait3A_121 : memref<5120x1024xf32, #tpu.memory_space<hbm>>) dst(%dma_wait3A_115 : memref<16x1024xf32, #tpu.memory_space<vmem>>)
    %mul3A_122 = arith.constant 8 : i32
    %mul3A_123 = arith.muli %add3A, %mul3A_122 : i32
    %add3A_124 = arith.constant 2 : i32
    %add3A_125 = arith.addi %mul3A_123, %add3A_124 : i32
    %mul3A_126 = arith.constant 16 : i32
    %mul3A_127 = arith.muli %add3A_125, %mul3A_126 : i32
    %dma_start3A_128 = arith.constant 0 : i32
    %dma_start3A_129 = arith.constant 0 : i32
    %dma_start3A_130 = arith.constant 0 : i32
    %dma_start3A_131 = tpu.memref_slice %arg6[%dma_start3A_128, %dma_start3A_129, %dma_start3A_130] : memref<2x16x1024xf32, #tpu.memory_space<vmem>> -> memref<1x16x1024xf32, #tpu.memory_space<vmem>>
    %dma_start3A_132 = tpu.memref_squeeze %dma_start3A_131 : memref<1x16x1024xf32, #tpu.memory_space<vmem>> -> memref<16x1024xf32, #tpu.memory_space<vmem>>
    %dma_start3A_133 = arith.constant 0 : i32
    %dma_start3A_134 = tpu.memref_slice %arg4[%mul3A_127, %dma_start3A_133] : memref<4096x1024xf32, #tpu.memory_space<hbm>> -> memref<16x1024xf32, #tpu.memory_space<hbm>>
    %dma_start3A_135 = arith.constant 0 : i32
    %dma_start3A_136 = tpu.memref_slice %arg4[%mul3A_127, %dma_start3A_135] : memref<4096x1024xf32, #tpu.memory_space<hbm>> -> memref<16x1024xf32, #tpu.memory_space<hbm>>
    %dma_start3A_137 = arith.constant 0 : i32
    %dma_start3A_138 = arith.constant 0 : i32
    %dma_start3A_139 = tpu.memref_slice %arg6[%dma_start3A_128, %dma_start3A_137, %dma_start3A_138] : memref<2x16x1024xf32, #tpu.memory_space<vmem>> -> memref<1x16x1024xf32, #tpu.memory_space<vmem>>
    %dma_start3A_140 = tpu.memref_squeeze %dma_start3A_139 : memref<1x16x1024xf32, #tpu.memory_space<vmem>> -> memref<16x1024xf32, #tpu.memory_space<vmem>>
    tpu.enqueue_dma source(%dma_start3A_140 : memref<16x1024xf32, #tpu.memory_space<vmem>>) target(%dma_start3A_136 : memref<16x1024xf32, #tpu.memory_space<hbm>>) target_semaphore(%arg8 : memref<!tpu.dma_semaphore, #tpu.memory_space<semaphore_mem>>)
    %dma_wait3A_141 = arith.constant 1 : i32
    %dma_wait3A_142 = arith.constant 0 : i32
    %dma_wait3A_143 = arith.constant 0 : i32
    %dma_wait3A_144 = tpu.memref_slice %arg6[%dma_wait3A_141, %dma_wait3A_142, %dma_wait3A_143] : memref<2x16x1024xf32, #tpu.memory_space<vmem>> -> memref<1x16x1024xf32, #tpu.memory_space<vmem>>
    %dma_wait3A_145 = tpu.memref_squeeze %dma_wait3A_144 : memref<1x16x1024xf32, #tpu.memory_space<vmem>> -> memref<16x1024xf32, #tpu.memory_space<vmem>>
    %dma_wait3A_146 = arith.constant 0 : i32
    %dma_wait3A_147 = tpu.memref_slice %arg4[%mul3A_71, %dma_wait3A_146] : memref<4096x1024xf32, #tpu.memory_space<hbm>> -> memref<16x1024xf32, #tpu.memory_space<hbm>>
    %dma_wait3A_148 = arith.constant 0 : i32
    %dma_wait3A_149 = tpu.memref_slice %arg4[%mul3A_71, %dma_wait3A_148] : memref<4096x1024xf32, #tpu.memory_space<hbm>> -> memref<16x1024xf32, #tpu.memory_space<hbm>>
    %dma_wait3A_150 = arith.constant 0 : i32
    %dma_wait3A_151 = arith.constant 0 : i32
    %dma_wait3A_152 = tpu.memref_slice %arg6[%dma_wait3A_141, %dma_wait3A_150, %dma_wait3A_151] : memref<2x16x1024xf32, #tpu.memory_space<vmem>> -> memref<1x16x1024xf32, #tpu.memory_space<vmem>>
    %dma_wait3A_153 = tpu.memref_squeeze %dma_wait3A_152 : memref<1x16x1024xf32, #tpu.memory_space<vmem>> -> memref<16x1024xf32, #tpu.memory_space<vmem>>
    tpu.wait_dma2 semaphore(%arg8 : memref<!tpu.dma_semaphore, #tpu.memory_space<semaphore_mem>>) src(%dma_wait3A_153 : memref<16x1024xf32, #tpu.memory_space<vmem>>) dst(%dma_wait3A_149 : memref<16x1024xf32, #tpu.memory_space<hbm>>)
    %dma_start3A_154 = arith.constant 3 : i32
    %dma_start3A_155 = arith.constant 1 : i32
    %dma_start3A_156 = arith.constant 0 : i32
    %dma_start3A_157 = arith.constant 0 : i32
    %dma_start3A_158 = tpu.memref_slice %arg6[%dma_start3A_155, %dma_start3A_156, %dma_start3A_157] : memref<2x16x1024xf32, #tpu.memory_space<vmem>> -> memref<1x16x1024xf32, #tpu.memory_space<vmem>>
    %dma_start3A_159 = tpu.memref_squeeze %dma_start3A_158 : memref<1x16x1024xf32, #tpu.memory_space<vmem>> -> memref<16x1024xf32, #tpu.memory_space<vmem>>
    %dma_start3A_160 = arith.constant 0 : i32
    %dma_start3A_161 = tpu.memref_slice %arg5[%dma_start3A_154, %dma_start3A_160] : memref<8x16xi32, #tpu.memory_space<vmem>> -> memref<1x16xi32, #tpu.memory_space<vmem>>
    %dma_start3A_162 = tpu.memref_squeeze %dma_start3A_161 : memref<1x16xi32, #tpu.memory_space<vmem>> -> memref<16xi32, #tpu.memory_space<vmem>>
    %dma_start3A_163 = arith.constant 0 : i32
    %dma_start3A_164 = arith.constant 0 : i32
    %dma_start3A_165 = tpu.memref_slice %arg2[%dma_start3A_163, %dma_start3A_164] : memref<5120x1024xf32, #tpu.memory_space<hbm>> -> memref<5120x1024xf32, #tpu.memory_space<hbm>>
    tpu.enqueue_indirect_dma source(%dma_start3A_165 : memref<5120x1024xf32, #tpu.memory_space<hbm>>) target(%dma_start3A_159 : memref<16x1024xf32, #tpu.memory_space<vmem>>) offsets(%dma_start3A_162 : memref<16xi32, #tpu.memory_space<vmem>>) semaphore(%arg7 : memref<!tpu.dma_semaphore, #tpu.memory_space<semaphore_mem>>)
    %dma_wait3A_166 = arith.constant 3 : i32
    %dma_wait3A_167 = arith.constant 1 : i32
    %dma_wait3A_168 = arith.constant 0 : i32
    %dma_wait3A_169 = arith.constant 0 : i32
    %dma_wait3A_170 = tpu.memref_slice %arg6[%dma_wait3A_167, %dma_wait3A_168, %dma_wait3A_169] : memref<2x16x1024xf32, #tpu.memory_space<vmem>> -> memref<1x16x1024xf32, #tpu.memory_space<vmem>>
    %dma_wait3A_171 = tpu.memref_squeeze %dma_wait3A_170 : memref<1x16x1024xf32, #tpu.memory_space<vmem>> -> memref<16x1024xf32, #tpu.memory_space<vmem>>
    %dma_wait3A_172 = arith.constant 0 : i32
    %dma_wait3A_173 = tpu.memref_slice %arg5[%dma_wait3A_166, %dma_wait3A_172] : memref<8x16xi32, #tpu.memory_space<vmem>> -> memref<1x16xi32, #tpu.memory_space<vmem>>
    %dma_wait3A_174 = tpu.memref_squeeze %dma_wait3A_173 : memref<1x16xi32, #tpu.memory_space<vmem>> -> memref<16xi32, #tpu.memory_space<vmem>>
    %dma_wait3A_175 = arith.constant 0 : i32
    %dma_wait3A_176 = arith.constant 0 : i32
    %dma_wait3A_177 = tpu.memref_slice %arg2[%dma_wait3A_175, %dma_wait3A_176] : memref<5120x1024xf32, #tpu.memory_space<hbm>> -> memref<5120x1024xf32, #tpu.memory_space<hbm>>
    tpu.wait_indirect_dma semaphore(%arg7 : memref<!tpu.dma_semaphore, #tpu.memory_space<semaphore_mem>>) src(%dma_wait3A_177 : memref<5120x1024xf32, #tpu.memory_space<hbm>>) dst(%dma_wait3A_171 : memref<16x1024xf32, #tpu.memory_space<vmem>>)
    %mul3A_178 = arith.constant 8 : i32
    %mul3A_179 = arith.muli %add3A, %mul3A_178 : i32
    %add3A_180 = arith.constant 3 : i32
    %add3A_181 = arith.addi %mul3A_179, %add3A_180 : i32
    %mul3A_182 = arith.constant 16 : i32
    %mul3A_183 = arith.muli %add3A_181, %mul3A_182 : i32
    %dma_start3A_184 = arith.constant 1 : i32
    %dma_start3A_185 = arith.constant 0 : i32
    %dma_start3A_186 = arith.constant 0 : i32
    %dma_start3A_187 = tpu.memref_slice %arg6[%dma_start3A_184, %dma_start3A_185, %dma_start3A_186] : memref<2x16x1024xf32, #tpu.memory_space<vmem>> -> memref<1x16x1024xf32, #tpu.memory_space<vmem>>
    %dma_start3A_188 = tpu.memref_squeeze %dma_start3A_187 : memref<1x16x1024xf32, #tpu.memory_space<vmem>> -> memref<16x1024xf32, #tpu.memory_space<vmem>>
    %dma_start3A_189 = arith.constant 0 : i32
    %dma_start3A_190 = tpu.memref_slice %arg4[%mul3A_183, %dma_start3A_189] : memref<4096x1024xf32, #tpu.memory_space<hbm>> -> memref<16x1024xf32, #tpu.memory_space<hbm>>
    %dma_start3A_191 = arith.constant 0 : i32
    %dma_start3A_192 = tpu.memref_slice %arg4[%mul3A_183, %dma_start3A_191] : memref<4096x1024xf32, #tpu.memory_space<hbm>> -> memref<16x1024xf32, #tpu.memory_space<hbm>>
    %dma_start3A_193 = arith.constant 0 : i32
    %dma_start3A_194 = arith.constant 0 : i32
    %dma_start3A_195 = tpu.memref_slice %arg6[%dma_start3A_184, %dma_start3A_193, %dma_start3A_194] : memref<2x16x1024xf32, #tpu.memory_space<vmem>> -> memref<1x16x1024xf32, #tpu.memory_space<vmem>>
    %dma_start3A_196 = tpu.memref_squeeze %dma_start3A_195 : memref<1x16x1024xf32, #tpu.memory_space<vmem>> -> memref<16x1024xf32, #tpu.memory_space<vmem>>
    tpu.enqueue_dma source(%dma_start3A_196 : memref<16x1024xf32, #tpu.memory_space<vmem>>) target(%dma_start3A_192 : memref<16x1024xf32, #tpu.memory_space<hbm>>) target_semaphore(%arg8 : memref<!tpu.dma_semaphore, #tpu.memory_space<semaphore_mem>>)
    %dma_wait3A_197 = arith.constant 0 : i32
    %dma_wait3A_198 = arith.constant 0 : i32
    %dma_wait3A_199 = arith.constant 0 : i32
    %dma_wait3A_200 = tpu.memref_slice %arg6[%dma_wait3A_197, %dma_wait3A_198, %dma_wait3A_199] : memref<2x16x1024xf32, #tpu.memory_space<vmem>> -> memref<1x16x1024xf32, #tpu.memory_space<vmem>>
    %dma_wait3A_201 = tpu.memref_squeeze %dma_wait3A_200 : memref<1x16x1024xf32, #tpu.memory_space<vmem>> -> memref<16x1024xf32, #tpu.memory_space<vmem>>
    %dma_wait3A_202 = arith.constant 0 : i32
    %dma_wait3A_203 = tpu.memref_slice %arg4[%mul3A_127, %dma_wait3A_202] : memref<4096x1024xf32, #tpu.memory_space<hbm>> -> memref<16x1024xf32, #tpu.memory_space<hbm>>
    %dma_wait3A_204 = arith.constant 0 : i32
    %dma_wait3A_205 = tpu.memref_slice %arg4[%mul3A_127, %dma_wait3A_204] : memref<4096x1024xf32, #tpu.memory_space<hbm>> -> memref<16x1024xf32, #tpu.memory_space<hbm>>
    %dma_wait3A_206 = arith.constant 0 : i32
    %dma_wait3A_207 = arith.constant 0 : i32
    %dma_wait3A_208 = tpu.memref_slice %arg6[%dma_wait3A_197, %dma_wait3A_206, %dma_wait3A_207] : memref<2x16x1024xf32, #tpu.memory_space<vmem>> -> memref<1x16x1024xf32, #tpu.memory_space<vmem>>
    %dma_wait3A_209 = tpu.memref_squeeze %dma_wait3A_208 : memref<1x16x1024xf32, #tpu.memory_space<vmem>> -> memref<16x1024xf32, #tpu.memory_space<vmem>>
    tpu.wait_dma2 semaphore(%arg8 : memref<!tpu.dma_semaphore, #tpu.memory_space<semaphore_mem>>) src(%dma_wait3A_209 : memref<16x1024xf32, #tpu.memory_space<vmem>>) dst(%dma_wait3A_205 : memref<16x1024xf32, #tpu.memory_space<hbm>>)
    %dma_start3A_210 = arith.constant 4 : i32
    %dma_start3A_211 = arith.constant 0 : i32
    %dma_start3A_212 = arith.constant 0 : i32
    %dma_start3A_213 = arith.constant 0 : i32
    %dma_start3A_214 = tpu.memref_slice %arg6[%dma_start3A_211, %dma_start3A_212, %dma_start3A_213] : memref<2x16x1024xf32, #tpu.memory_space<vmem>> -> memref<1x16x1024xf32, #tpu.memory_space<vmem>>
    %dma_start3A_215 = tpu.memref_squeeze %dma_start3A_214 : memref<1x16x1024xf32, #tpu.memory_space<vmem>> -> memref<16x1024xf32, #tpu.memory_space<vmem>>
    %dma_start3A_216 = arith.constant 0 : i32
    %dma_start3A_217 = tpu.memref_slice %arg5[%dma_start3A_210, %dma_start3A_216] : memref<8x16xi32, #tpu.memory_space<vmem>> -> memref<1x16xi32, #tpu.memory_space<vmem>>
    %dma_start3A_218 = tpu.memref_squeeze %dma_start3A_217 : memref<1x16xi32, #tpu.memory_space<vmem>> -> memref<16xi32, #tpu.memory_space<vmem>>
    %dma_start3A_219 = arith.constant 0 : i32
    %dma_start3A_220 = arith.constant 0 : i32
    %dma_start3A_221 = tpu.memref_slice %arg2[%dma_start3A_219, %dma_start3A_220] : memref<5120x1024xf32, #tpu.memory_space<hbm>> -> memref<5120x1024xf32, #tpu.memory_space<hbm>>
    tpu.enqueue_indirect_dma source(%dma_start3A_221 : memref<5120x1024xf32, #tpu.memory_space<hbm>>) target(%dma_start3A_215 : memref<16x1024xf32, #tpu.memory_space<vmem>>) offsets(%dma_start3A_218 : memref<16xi32, #tpu.memory_space<vmem>>) semaphore(%arg7 : memref<!tpu.dma_semaphore, #tpu.memory_space<semaphore_mem>>)
    %dma_wait3A_222 = arith.constant 4 : i32
    %dma_wait3A_223 = arith.constant 0 : i32
    %dma_wait3A_224 = arith.constant 0 : i32
    %dma_wait3A_225 = arith.constant 0 : i32
    %dma_wait3A_226 = tpu.memref_slice %arg6[%dma_wait3A_223, %dma_wait3A_224, %dma_wait3A_225] : memref<2x16x1024xf32, #tpu.memory_space<vmem>> -> memref<1x16x1024xf32, #tpu.memory_space<vmem>>
    %dma_wait3A_227 = tpu.memref_squeeze %dma_wait3A_226 : memref<1x16x1024xf32, #tpu.memory_space<vmem>> -> memref<16x1024xf32, #tpu.memory_space<vmem>>
    %dma_wait3A_228 = arith.constant 0 : i32
    %dma_wait3A_229 = tpu.memref_slice %arg5[%dma_wait3A_222, %dma_wait3A_228] : memref<8x16xi32, #tpu.memory_space<vmem>> -> memref<1x16xi32, #tpu.memory_space<vmem>>
    %dma_wait3A_230 = tpu.memref_squeeze %dma_wait3A_229 : memref<1x16xi32, #tpu.memory_space<vmem>> -> memref<16xi32, #tpu.memory_space<vmem>>
    %dma_wait3A_231 = arith.constant 0 : i32
    %dma_wait3A_232 = arith.constant 0 : i32
    %dma_wait3A_233 = tpu.memref_slice %arg2[%dma_wait3A_231, %dma_wait3A_232] : memref<5120x1024xf32, #tpu.memory_space<hbm>> -> memref<5120x1024xf32, #tpu.memory_space<hbm>>
    tpu.wait_indirect_dma semaphore(%arg7 : memref<!tpu.dma_semaphore, #tpu.memory_space<semaphore_mem>>) src(%dma_wait3A_233 : memref<5120x1024xf32, #tpu.memory_space<hbm>>) dst(%dma_wait3A_227 : memref<16x1024xf32, #tpu.memory_space<vmem>>)
    %mul3A_234 = arith.constant 8 : i32
    %mul3A_235 = arith.muli %add3A, %mul3A_234 : i32
    %add3A_236 = arith.constant 4 : i32
    %add3A_237 = arith.addi %mul3A_235, %add3A_236 : i32
    %mul3A_238 = arith.constant 16 : i32
    %mul3A_239 = arith.muli %add3A_237, %mul3A_238 : i32
    %dma_start3A_240 = arith.constant 0 : i32
    %dma_start3A_241 = arith.constant 0 : i32
    %dma_start3A_242 = arith.constant 0 : i32
    %dma_start3A_243 = tpu.memref_slice %arg6[%dma_start3A_240, %dma_start3A_241, %dma_start3A_242] : memref<2x16x1024xf32, #tpu.memory_space<vmem>> -> memref<1x16x1024xf32, #tpu.memory_space<vmem>>
    %dma_start3A_244 = tpu.memref_squeeze %dma_start3A_243 : memref<1x16x1024xf32, #tpu.memory_space<vmem>> -> memref<16x1024xf32, #tpu.memory_space<vmem>>
    %dma_start3A_245 = arith.constant 0 : i32
    %dma_start3A_246 = tpu.memref_slice %arg4[%mul3A_239, %dma_start3A_245] : memref<4096x1024xf32, #tpu.memory_space<hbm>> -> memref<16x1024xf32, #tpu.memory_space<hbm>>
    %dma_start3A_247 = arith.constant 0 : i32
    %dma_start3A_248 = tpu.memref_slice %arg4[%mul3A_239, %dma_start3A_247] : memref<4096x1024xf32, #tpu.memory_space<hbm>> -> memref<16x1024xf32, #tpu.memory_space<hbm>>
    %dma_start3A_249 = arith.constant 0 : i32
    %dma_start3A_250 = arith.constant 0 : i32
    %dma_start3A_251 = tpu.memref_slice %arg6[%dma_start3A_240, %dma_start3A_249, %dma_start3A_250] : memref<2x16x1024xf32, #tpu.memory_space<vmem>> -> memref<1x16x1024xf32, #tpu.memory_space<vmem>>
    %dma_start3A_252 = tpu.memref_squeeze %dma_start3A_251 : memref<1x16x1024xf32, #tpu.memory_space<vmem>> -> memref<16x1024xf32, #tpu.memory_space<vmem>>
    tpu.enqueue_dma source(%dma_start3A_252 : memref<16x1024xf32, #tpu.memory_space<vmem>>) target(%dma_start3A_248 : memref<16x1024xf32, #tpu.memory_space<hbm>>) target_semaphore(%arg8 : memref<!tpu.dma_semaphore, #tpu.memory_space<semaphore_mem>>)
    %dma_wait3A_253 = arith.constant 1 : i32
    %dma_wait3A_254 = arith.constant 0 : i32
    %dma_wait3A_255 = arith.constant 0 : i32
    %dma_wait3A_256 = tpu.memref_slice %arg6[%dma_wait3A_253, %dma_wait3A_254, %dma_wait3A_255] : memref<2x16x1024xf32, #tpu.memory_space<vmem>> -> memref<1x16x1024xf32, #tpu.memory_space<vmem>>
    %dma_wait3A_257 = tpu.memref_squeeze %dma_wait3A_256 : memref<1x16x1024xf32, #tpu.memory_space<vmem>> -> memref<16x1024xf32, #tpu.memory_space<vmem>>
    %dma_wait3A_258 = arith.constant 0 : i32
    %dma_wait3A_259 = tpu.memref_slice %arg4[%mul3A_183, %dma_wait3A_258] : memref<4096x1024xf32, #tpu.memory_space<hbm>> -> memref<16x1024xf32, #tpu.memory_space<hbm>>
    %dma_wait3A_260 = arith.constant 0 : i32
    %dma_wait3A_261 = tpu.memref_slice %arg4[%mul3A_183, %dma_wait3A_260] : memref<4096x1024xf32, #tpu.memory_space<hbm>> -> memref<16x1024xf32, #tpu.memory_space<hbm>>
    %dma_wait3A_262 = arith.constant 0 : i32
    %dma_wait3A_263 = arith.constant 0 : i32
    %dma_wait3A_264 = tpu.memref_slice %arg6[%dma_wait3A_253, %dma_wait3A_262, %dma_wait3A_263] : memref<2x16x1024xf32, #tpu.memory_space<vmem>> -> memref<1x16x1024xf32, #tpu.memory_space<vmem>>
    %dma_wait3A_265 = tpu.memref_squeeze %dma_wait3A_264 : memref<1x16x1024xf32, #tpu.memory_space<vmem>> -> memref<16x1024xf32, #tpu.memory_space<vmem>>
    tpu.wait_dma2 semaphore(%arg8 : memref<!tpu.dma_semaphore, #tpu.memory_space<semaphore_mem>>) src(%dma_wait3A_265 : memref<16x1024xf32, #tpu.memory_space<vmem>>) dst(%dma_wait3A_261 : memref<16x1024xf32, #tpu.memory_space<hbm>>)
    %dma_start3A_266 = arith.constant 5 : i32
    %dma_start3A_267 = arith.constant 1 : i32
    %dma_start3A_268 = arith.constant 0 : i32
    %dma_start3A_269 = arith.constant 0 : i32
    %dma_start3A_270 = tpu.memref_slice %arg6[%dma_start3A_267, %dma_start3A_268, %dma_start3A_269] : memref<2x16x1024xf32, #tpu.memory_space<vmem>> -> memref<1x16x1024xf32, #tpu.memory_space<vmem>>
    %dma_start3A_271 = tpu.memref_squeeze %dma_start3A_270 : memref<1x16x1024xf32, #tpu.memory_space<vmem>> -> memref<16x1024xf32, #tpu.memory_space<vmem>>
    %dma_start3A_272 = arith.constant 0 : i32
    %dma_start3A_273 = tpu.memref_slice %arg5[%dma_start3A_266, %dma_start3A_272] : memref<8x16xi32, #tpu.memory_space<vmem>> -> memref<1x16xi32, #tpu.memory_space<vmem>>
    %dma_start3A_274 = tpu.memref_squeeze %dma_start3A_273 : memref<1x16xi32, #tpu.memory_space<vmem>> -> memref<16xi32, #tpu.memory_space<vmem>>
    %dma_start3A_275 = arith.constant 0 : i32
    %dma_start3A_276 = arith.constant 0 : i32
    %dma_start3A_277 = tpu.memref_slice %arg2[%dma_start3A_275, %dma_start3A_276] : memref<5120x1024xf32, #tpu.memory_space<hbm>> -> memref<5120x1024xf32, #tpu.memory_space<hbm>>
    tpu.enqueue_indirect_dma source(%dma_start3A_277 : memref<5120x1024xf32, #tpu.memory_space<hbm>>) target(%dma_start3A_271 : memref<16x1024xf32, #tpu.memory_space<vmem>>) offsets(%dma_start3A_274 : memref<16xi32, #tpu.memory_space<vmem>>) semaphore(%arg7 : memref<!tpu.dma_semaphore, #tpu.memory_space<semaphore_mem>>)
    %dma_wait3A_278 = arith.constant 5 : i32
    %dma_wait3A_279 = arith.constant 1 : i32
    %dma_wait3A_280 = arith.constant 0 : i32
    %dma_wait3A_281 = arith.constant 0 : i32
    %dma_wait3A_282 = tpu.memref_slice %arg6[%dma_wait3A_279, %dma_wait3A_280, %dma_wait3A_281] : memref<2x16x1024xf32, #tpu.memory_space<vmem>> -> memref<1x16x1024xf32, #tpu.memory_space<vmem>>
    %dma_wait3A_283 = tpu.memref_squeeze %dma_wait3A_282 : memref<1x16x1024xf32, #tpu.memory_space<vmem>> -> memref<16x1024xf32, #tpu.memory_space<vmem>>
    %dma_wait3A_284 = arith.constant 0 : i32
    %dma_wait3A_285 = tpu.memref_slice %arg5[%dma_wait3A_278, %dma_wait3A_284] : memref<8x16xi32, #tpu.memory_space<vmem>> -> memref<1x16xi32, #tpu.memory_space<vmem>>
    %dma_wait3A_286 = tpu.memref_squeeze %dma_wait3A_285 : memref<1x16xi32, #tpu.memory_space<vmem>> -> memref<16xi32, #tpu.memory_space<vmem>>
    %dma_wait3A_287 = arith.constant 0 : i32
    %dma_wait3A_288 = arith.constant 0 : i32
    %dma_wait3A_289 = tpu.memref_slice %arg2[%dma_wait3A_287, %dma_wait3A_288] : memref<5120x1024xf32, #tpu.memory_space<hbm>> -> memref<5120x1024xf32, #tpu.memory_space<hbm>>
    tpu.wait_indirect_dma semaphore(%arg7 : memref<!tpu.dma_semaphore, #tpu.memory_space<semaphore_mem>>) src(%dma_wait3A_289 : memref<5120x1024xf32, #tpu.memory_space<hbm>>) dst(%dma_wait3A_283 : memref<16x1024xf32, #tpu.memory_space<vmem>>)
    %mul3A_290 = arith.constant 8 : i32
    %mul3A_291 = arith.muli %add3A, %mul3A_290 : i32
    %add3A_292 = arith.constant 5 : i32
    %add3A_293 = arith.addi %mul3A_291, %add3A_292 : i32
    %mul3A_294 = arith.constant 16 : i32
    %mul3A_295 = arith.muli %add3A_293, %mul3A_294 : i32
    %dma_start3A_296 = arith.constant 1 : i32
    %dma_start3A_297 = arith.constant 0 : i32
    %dma_start3A_298 = arith.constant 0 : i32
    %dma_start3A_299 = tpu.memref_slice %arg6[%dma_start3A_296, %dma_start3A_297, %dma_start3A_298] : memref<2x16x1024xf32, #tpu.memory_space<vmem>> -> memref<1x16x1024xf32, #tpu.memory_space<vmem>>
    %dma_start3A_300 = tpu.memref_squeeze %dma_start3A_299 : memref<1x16x1024xf32, #tpu.memory_space<vmem>> -> memref<16x1024xf32, #tpu.memory_space<vmem>>
    %dma_start3A_301 = arith.constant 0 : i32
    %dma_start3A_302 = tpu.memref_slice %arg4[%mul3A_295, %dma_start3A_301] : memref<4096x1024xf32, #tpu.memory_space<hbm>> -> memref<16x1024xf32, #tpu.memory_space<hbm>>
    %dma_start3A_303 = arith.constant 0 : i32
    %dma_start3A_304 = tpu.memref_slice %arg4[%mul3A_295, %dma_start3A_303] : memref<4096x1024xf32, #tpu.memory_space<hbm>> -> memref<16x1024xf32, #tpu.memory_space<hbm>>
    %dma_start3A_305 = arith.constant 0 : i32
    %dma_start3A_306 = arith.constant 0 : i32
    %dma_start3A_307 = tpu.memref_slice %arg6[%dma_start3A_296, %dma_start3A_305, %dma_start3A_306] : memref<2x16x1024xf32, #tpu.memory_space<vmem>> -> memref<1x16x1024xf32, #tpu.memory_space<vmem>>
    %dma_start3A_308 = tpu.memref_squeeze %dma_start3A_307 : memref<1x16x1024xf32, #tpu.memory_space<vmem>> -> memref<16x1024xf32, #tpu.memory_space<vmem>>
    tpu.enqueue_dma source(%dma_start3A_308 : memref<16x1024xf32, #tpu.memory_space<vmem>>) target(%dma_start3A_304 : memref<16x1024xf32, #tpu.memory_space<hbm>>) target_semaphore(%arg8 : memref<!tpu.dma_semaphore, #tpu.memory_space<semaphore_mem>>)
    %dma_wait3A_309 = arith.constant 0 : i32
    %dma_wait3A_310 = arith.constant 0 : i32
    %dma_wait3A_311 = arith.constant 0 : i32
    %dma_wait3A_312 = tpu.memref_slice %arg6[%dma_wait3A_309, %dma_wait3A_310, %dma_wait3A_311] : memref<2x16x1024xf32, #tpu.memory_space<vmem>> -> memref<1x16x1024xf32, #tpu.memory_space<vmem>>
    %dma_wait3A_313 = tpu.memref_squeeze %dma_wait3A_312 : memref<1x16x1024xf32, #tpu.memory_space<vmem>> -> memref<16x1024xf32, #tpu.memory_space<vmem>>
    %dma_wait3A_314 = arith.constant 0 : i32
    %dma_wait3A_315 = tpu.memref_slice %arg4[%mul3A_239, %dma_wait3A_314] : memref<4096x1024xf32, #tpu.memory_space<hbm>> -> memref<16x1024xf32, #tpu.memory_space<hbm>>
    %dma_wait3A_316 = arith.constant 0 : i32
    %dma_wait3A_317 = tpu.memref_slice %arg4[%mul3A_239, %dma_wait3A_316] : memref<4096x1024xf32, #tpu.memory_space<hbm>> -> memref<16x1024xf32, #tpu.memory_space<hbm>>
    %dma_wait3A_318 = arith.constant 0 : i32
    %dma_wait3A_319 = arith.constant 0 : i32
    %dma_wait3A_320 = tpu.memref_slice %arg6[%dma_wait3A_309, %dma_wait3A_318, %dma_wait3A_319] : memref<2x16x1024xf32, #tpu.memory_space<vmem>> -> memref<1x16x1024xf32, #tpu.memory_space<vmem>>
    %dma_wait3A_321 = tpu.memref_squeeze %dma_wait3A_320 : memref<1x16x1024xf32, #tpu.memory_space<vmem>> -> memref<16x1024xf32, #tpu.memory_space<vmem>>
    tpu.wait_dma2 semaphore(%arg8 : memref<!tpu.dma_semaphore, #tpu.memory_space<semaphore_mem>>) src(%dma_wait3A_321 : memref<16x1024xf32, #tpu.memory_space<vmem>>) dst(%dma_wait3A_317 : memref<16x1024xf32, #tpu.memory_space<hbm>>)
    %dma_start3A_322 = arith.constant 6 : i32
    %dma_start3A_323 = arith.constant 0 : i32
    %dma_start3A_324 = arith.constant 0 : i32
    %dma_start3A_325 = arith.constant 0 : i32
    %dma_start3A_326 = tpu.memref_slice %arg6[%dma_start3A_323, %dma_start3A_324, %dma_start3A_325] : memref<2x16x1024xf32, #tpu.memory_space<vmem>> -> memref<1x16x1024xf32, #tpu.memory_space<vmem>>
    %dma_start3A_327 = tpu.memref_squeeze %dma_start3A_326 : memref<1x16x1024xf32, #tpu.memory_space<vmem>> -> memref<16x1024xf32, #tpu.memory_space<vmem>>
    %dma_start3A_328 = arith.constant 0 : i32
    %dma_start3A_329 = tpu.memref_slice %arg5[%dma_start3A_322, %dma_start3A_328] : memref<8x16xi32, #tpu.memory_space<vmem>> -> memref<1x16xi32, #tpu.memory_space<vmem>>
    %dma_start3A_330 = tpu.memref_squeeze %dma_start3A_329 : memref<1x16xi32, #tpu.memory_space<vmem>> -> memref<16xi32, #tpu.memory_space<vmem>>
    %dma_start3A_331 = arith.constant 0 : i32
    %dma_start3A_332 = arith.constant 0 : i32
    %dma_start3A_333 = tpu.memref_slice %arg2[%dma_start3A_331, %dma_start3A_332] : memref<5120x1024xf32, #tpu.memory_space<hbm>> -> memref<5120x1024xf32, #tpu.memory_space<hbm>>
    tpu.enqueue_indirect_dma source(%dma_start3A_333 : memref<5120x1024xf32, #tpu.memory_space<hbm>>) target(%dma_start3A_327 : memref<16x1024xf32, #tpu.memory_space<vmem>>) offsets(%dma_start3A_330 : memref<16xi32, #tpu.memory_space<vmem>>) semaphore(%arg7 : memref<!tpu.dma_semaphore, #tpu.memory_space<semaphore_mem>>)
    %dma_wait3A_334 = arith.constant 6 : i32
    %dma_wait3A_335 = arith.constant 0 : i32
    %dma_wait3A_336 = arith.constant 0 : i32
    %dma_wait3A_337 = arith.constant 0 : i32
    %dma_wait3A_338 = tpu.memref_slice %arg6[%dma_wait3A_335, %dma_wait3A_336, %dma_wait3A_337] : memref<2x16x1024xf32, #tpu.memory_space<vmem>> -> memref<1x16x1024xf32, #tpu.memory_space<vmem>>
    %dma_wait3A_339 = tpu.memref_squeeze %dma_wait3A_338 : memref<1x16x1024xf32, #tpu.memory_space<vmem>> -> memref<16x1024xf32, #tpu.memory_space<vmem>>
    %dma_wait3A_340 = arith.constant 0 : i32
    %dma_wait3A_341 = tpu.memref_slice %arg5[%dma_wait3A_334, %dma_wait3A_340] : memref<8x16xi32, #tpu.memory_space<vmem>> -> memref<1x16xi32, #tpu.memory_space<vmem>>
    %dma_wait3A_342 = tpu.memref_squeeze %dma_wait3A_341 : memref<1x16xi32, #tpu.memory_space<vmem>> -> memref<16xi32, #tpu.memory_space<vmem>>
    %dma_wait3A_343 = arith.constant 0 : i32
    %dma_wait3A_344 = arith.constant 0 : i32
    %dma_wait3A_345 = tpu.memref_slice %arg2[%dma_wait3A_343, %dma_wait3A_344] : memref<5120x1024xf32, #tpu.memory_space<hbm>> -> memref<5120x1024xf32, #tpu.memory_space<hbm>>
    tpu.wait_indirect_dma semaphore(%arg7 : memref<!tpu.dma_semaphore, #tpu.memory_space<semaphore_mem>>) src(%dma_wait3A_345 : memref<5120x1024xf32, #tpu.memory_space<hbm>>) dst(%dma_wait3A_339 : memref<16x1024xf32, #tpu.memory_space<vmem>>)
    %mul3A_346 = arith.constant 8 : i32
    %mul3A_347 = arith.muli %add3A, %mul3A_346 : i32
    %add3A_348 = arith.constant 6 : i32
    %add3A_349 = arith.addi %mul3A_347, %add3A_348 : i32
    %mul3A_350 = arith.constant 16 : i32
    %mul3A_351 = arith.muli %add3A_349, %mul3A_350 : i32
    %dma_start3A_352 = arith.constant 0 : i32
    %dma_start3A_353 = arith.constant 0 : i32
    %dma_start3A_354 = arith.constant 0 : i32
    %dma_start3A_355 = tpu.memref_slice %arg6[%dma_start3A_352, %dma_start3A_353, %dma_start3A_354] : memref<2x16x1024xf32, #tpu.memory_space<vmem>> -> memref<1x16x1024xf32, #tpu.memory_space<vmem>>
    %dma_start3A_356 = tpu.memref_squeeze %dma_start3A_355 : memref<1x16x1024xf32, #tpu.memory_space<vmem>> -> memref<16x1024xf32, #tpu.memory_space<vmem>>
    %dma_start3A_357 = arith.constant 0 : i32
    %dma_start3A_358 = tpu.memref_slice %arg4[%mul3A_351, %dma_start3A_357] : memref<4096x1024xf32, #tpu.memory_space<hbm>> -> memref<16x1024xf32, #tpu.memory_space<hbm>>
    %dma_start3A_359 = arith.constant 0 : i32
    %dma_start3A_360 = tpu.memref_slice %arg4[%mul3A_351, %dma_start3A_359] : memref<4096x1024xf32, #tpu.memory_space<hbm>> -> memref<16x1024xf32, #tpu.memory_space<hbm>>
    %dma_start3A_361 = arith.constant 0 : i32
    %dma_start3A_362 = arith.constant 0 : i32
    %dma_start3A_363 = tpu.memref_slice %arg6[%dma_start3A_352, %dma_start3A_361, %dma_start3A_362] : memref<2x16x1024xf32, #tpu.memory_space<vmem>> -> memref<1x16x1024xf32, #tpu.memory_space<vmem>>
    %dma_start3A_364 = tpu.memref_squeeze %dma_start3A_363 : memref<1x16x1024xf32, #tpu.memory_space<vmem>> -> memref<16x1024xf32, #tpu.memory_space<vmem>>
    tpu.enqueue_dma source(%dma_start3A_364 : memref<16x1024xf32, #tpu.memory_space<vmem>>) target(%dma_start3A_360 : memref<16x1024xf32, #tpu.memory_space<hbm>>) target_semaphore(%arg8 : memref<!tpu.dma_semaphore, #tpu.memory_space<semaphore_mem>>)
    %dma_wait3A_365 = arith.constant 1 : i32
    %dma_wait3A_366 = arith.constant 0 : i32
    %dma_wait3A_367 = arith.constant 0 : i32
    %dma_wait3A_368 = tpu.memref_slice %arg6[%dma_wait3A_365, %dma_wait3A_366, %dma_wait3A_367] : memref<2x16x1024xf32, #tpu.memory_space<vmem>> -> memref<1x16x1024xf32, #tpu.memory_space<vmem>>
    %dma_wait3A_369 = tpu.memref_squeeze %dma_wait3A_368 : memref<1x16x1024xf32, #tpu.memory_space<vmem>> -> memref<16x1024xf32, #tpu.memory_space<vmem>>
    %dma_wait3A_370 = arith.constant 0 : i32
    %dma_wait3A_371 = tpu.memref_slice %arg4[%mul3A_295, %dma_wait3A_370] : memref<4096x1024xf32, #tpu.memory_space<hbm>> -> memref<16x1024xf32, #tpu.memory_space<hbm>>
    %dma_wait3A_372 = arith.constant 0 : i32
    %dma_wait3A_373 = tpu.memref_slice %arg4[%mul3A_295, %dma_wait3A_372] : memref<4096x1024xf32, #tpu.memory_space<hbm>> -> memref<16x1024xf32, #tpu.memory_space<hbm>>
    %dma_wait3A_374 = arith.constant 0 : i32
    %dma_wait3A_375 = arith.constant 0 : i32
    %dma_wait3A_376 = tpu.memref_slice %arg6[%dma_wait3A_365, %dma_wait3A_374, %dma_wait3A_375] : memref<2x16x1024xf32, #tpu.memory_space<vmem>> -> memref<1x16x1024xf32, #tpu.memory_space<vmem>>
    %dma_wait3A_377 = tpu.memref_squeeze %dma_wait3A_376 : memref<1x16x1024xf32, #tpu.memory_space<vmem>> -> memref<16x1024xf32, #tpu.memory_space<vmem>>
    tpu.wait_dma2 semaphore(%arg8 : memref<!tpu.dma_semaphore, #tpu.memory_space<semaphore_mem>>) src(%dma_wait3A_377 : memref<16x1024xf32, #tpu.memory_space<vmem>>) dst(%dma_wait3A_373 : memref<16x1024xf32, #tpu.memory_space<hbm>>)
    %dma_start3A_378 = arith.constant 7 : i32
    %dma_start3A_379 = arith.constant 1 : i32
    %dma_start3A_380 = arith.constant 0 : i32
    %dma_start3A_381 = arith.constant 0 : i32
    %dma_start3A_382 = tpu.memref_slice %arg6[%dma_start3A_379, %dma_start3A_380, %dma_start3A_381] : memref<2x16x1024xf32, #tpu.memory_space<vmem>> -> memref<1x16x1024xf32, #tpu.memory_space<vmem>>
    %dma_start3A_383 = tpu.memref_squeeze %dma_start3A_382 : memref<1x16x1024xf32, #tpu.memory_space<vmem>> -> memref<16x1024xf32, #tpu.memory_space<vmem>>
    %dma_start3A_384 = arith.constant 0 : i32
    %dma_start3A_385 = tpu.memref_slice %arg5[%dma_start3A_378, %dma_start3A_384] : memref<8x16xi32, #tpu.memory_space<vmem>> -> memref<1x16xi32, #tpu.memory_space<vmem>>
    %dma_start3A_386 = tpu.memref_squeeze %dma_start3A_385 : memref<1x16xi32, #tpu.memory_space<vmem>> -> memref<16xi32, #tpu.memory_space<vmem>>
    %dma_start3A_387 = arith.constant 0 : i32
    %dma_start3A_388 = arith.constant 0 : i32
    %dma_start3A_389 = tpu.memref_slice %arg2[%dma_start3A_387, %dma_start3A_388] : memref<5120x1024xf32, #tpu.memory_space<hbm>> -> memref<5120x1024xf32, #tpu.memory_space<hbm>>
    tpu.enqueue_indirect_dma source(%dma_start3A_389 : memref<5120x1024xf32, #tpu.memory_space<hbm>>) target(%dma_start3A_383 : memref<16x1024xf32, #tpu.memory_space<vmem>>) offsets(%dma_start3A_386 : memref<16xi32, #tpu.memory_space<vmem>>) semaphore(%arg7 : memref<!tpu.dma_semaphore, #tpu.memory_space<semaphore_mem>>)
    %dma_wait3A_390 = arith.constant 7 : i32
    %dma_wait3A_391 = arith.constant 1 : i32
    %dma_wait3A_392 = arith.constant 0 : i32
    %dma_wait3A_393 = arith.constant 0 : i32
    %dma_wait3A_394 = tpu.memref_slice %arg6[%dma_wait3A_391, %dma_wait3A_392, %dma_wait3A_393] : memref<2x16x1024xf32, #tpu.memory_space<vmem>> -> memref<1x16x1024xf32, #tpu.memory_space<vmem>>
    %dma_wait3A_395 = tpu.memref_squeeze %dma_wait3A_394 : memref<1x16x1024xf32, #tpu.memory_space<vmem>> -> memref<16x1024xf32, #tpu.memory_space<vmem>>
    %dma_wait3A_396 = arith.constant 0 : i32
    %dma_wait3A_397 = tpu.memref_slice %arg5[%dma_wait3A_390, %dma_wait3A_396] : memref<8x16xi32, #tpu.memory_space<vmem>> -> memref<1x16xi32, #tpu.memory_space<vmem>>
    %dma_wait3A_398 = tpu.memref_squeeze %dma_wait3A_397 : memref<1x16xi32, #tpu.memory_space<vmem>> -> memref<16xi32, #tpu.memory_space<vmem>>
    %dma_wait3A_399 = arith.constant 0 : i32
    %dma_wait3A_400 = arith.constant 0 : i32
    %dma_wait3A_401 = tpu.memref_slice %arg2[%dma_wait3A_399, %dma_wait3A_400] : memref<5120x1024xf32, #tpu.memory_space<hbm>> -> memref<5120x1024xf32, #tpu.memory_space<hbm>>
    tpu.wait_indirect_dma semaphore(%arg7 : memref<!tpu.dma_semaphore, #tpu.memory_space<semaphore_mem>>) src(%dma_wait3A_401 : memref<5120x1024xf32, #tpu.memory_space<hbm>>) dst(%dma_wait3A_395 : memref<16x1024xf32, #tpu.memory_space<vmem>>)
    %mul3A_402 = arith.constant 8 : i32
    %mul3A_403 = arith.muli %add3A, %mul3A_402 : i32
    %add3A_404 = arith.constant 7 : i32
    %add3A_405 = arith.addi %mul3A_403, %add3A_404 : i32
    %mul3A_406 = arith.constant 16 : i32
    %mul3A_407 = arith.muli %add3A_405, %mul3A_406 : i32
    %dma_start3A_408 = arith.constant 1 : i32
    %dma_start3A_409 = arith.constant 0 : i32
    %dma_start3A_410 = arith.constant 0 : i32
    %dma_start3A_411 = tpu.memref_slice %arg6[%dma_start3A_408, %dma_start3A_409, %dma_start3A_410] : memref<2x16x1024xf32, #tpu.memory_space<vmem>> -> memref<1x16x1024xf32, #tpu.memory_space<vmem>>
    %dma_start3A_412 = tpu.memref_squeeze %dma_start3A_411 : memref<1x16x1024xf32, #tpu.memory_space<vmem>> -> memref<16x1024xf32, #tpu.memory_space<vmem>>
    %dma_start3A_413 = arith.constant 0 : i32
    %dma_start3A_414 = tpu.memref_slice %arg4[%mul3A_407, %dma_start3A_413] : memref<4096x1024xf32, #tpu.memory_space<hbm>> -> memref<16x1024xf32, #tpu.memory_space<hbm>>
    %dma_start3A_415 = arith.constant 0 : i32
    %dma_start3A_416 = tpu.memref_slice %arg4[%mul3A_407, %dma_start3A_415] : memref<4096x1024xf32, #tpu.memory_space<hbm>> -> memref<16x1024xf32, #tpu.memory_space<hbm>>
    %dma_start3A_417 = arith.constant 0 : i32
    %dma_start3A_418 = arith.constant 0 : i32
    %dma_start3A_419 = tpu.memref_slice %arg6[%dma_start3A_408, %dma_start3A_417, %dma_start3A_418] : memref<2x16x1024xf32, #tpu.memory_space<vmem>> -> memref<1x16x1024xf32, #tpu.memory_space<vmem>>
    %dma_start3A_420 = tpu.memref_squeeze %dma_start3A_419 : memref<1x16x1024xf32, #tpu.memory_space<vmem>> -> memref<16x1024xf32, #tpu.memory_space<vmem>>
    tpu.enqueue_dma source(%dma_start3A_420 : memref<16x1024xf32, #tpu.memory_space<vmem>>) target(%dma_start3A_416 : memref<16x1024xf32, #tpu.memory_space<hbm>>) target_semaphore(%arg8 : memref<!tpu.dma_semaphore, #tpu.memory_space<semaphore_mem>>)
    %dma_wait3A_421 = arith.constant 0 : i32
    %dma_wait3A_422 = arith.constant 0 : i32
    %dma_wait3A_423 = arith.constant 0 : i32
    %dma_wait3A_424 = tpu.memref_slice %arg6[%dma_wait3A_421, %dma_wait3A_422, %dma_wait3A_423] : memref<2x16x1024xf32, #tpu.memory_space<vmem>> -> memref<1x16x1024xf32, #tpu.memory_space<vmem>>
    %dma_wait3A_425 = tpu.memref_squeeze %dma_wait3A_424 : memref<1x16x1024xf32, #tpu.memory_space<vmem>> -> memref<16x1024xf32, #tpu.memory_space<vmem>>
    %dma_wait3A_426 = arith.constant 0 : i32
    %dma_wait3A_427 = tpu.memref_slice %arg4[%mul3A_351, %dma_wait3A_426] : memref<4096x1024xf32, #tpu.memory_space<hbm>> -> memref<16x1024xf32, #tpu.memory_space<hbm>>
    %dma_wait3A_428 = arith.constant 0 : i32
    %dma_wait3A_429 = tpu.memref_slice %arg4[%mul3A_351, %dma_wait3A_428] : memref<4096x1024xf32, #tpu.memory_space<hbm>> -> memref<16x1024xf32, #tpu.memory_space<hbm>>
    %dma_wait3A_430 = arith.constant 0 : i32
    %dma_wait3A_431 = arith.constant 0 : i32
    %dma_wait3A_432 = tpu.memref_slice %arg6[%dma_wait3A_421, %dma_wait3A_430, %dma_wait3A_431] : memref<2x16x1024xf32, #tpu.memory_space<vmem>> -> memref<1x16x1024xf32, #tpu.memory_space<vmem>>
    %dma_wait3A_433 = tpu.memref_squeeze %dma_wait3A_432 : memref<1x16x1024xf32, #tpu.memory_space<vmem>> -> memref<16x1024xf32, #tpu.memory_space<vmem>>
    tpu.wait_dma2 semaphore(%arg8 : memref<!tpu.dma_semaphore, #tpu.memory_space<semaphore_mem>>) src(%dma_wait3A_433 : memref<16x1024xf32, #tpu.memory_space<vmem>>) dst(%dma_wait3A_429 : memref<16x1024xf32, #tpu.memory_space<hbm>>)
    %dma_wait3A_434 = arith.constant 1 : i32
    %dma_wait3A_435 = arith.constant 0 : i32
    %dma_wait3A_436 = arith.constant 0 : i32
    %dma_wait3A_437 = tpu.memref_slice %arg6[%dma_wait3A_434, %dma_wait3A_435, %dma_wait3A_436] : memref<2x16x1024xf32, #tpu.memory_space<vmem>> -> memref<1x16x1024xf32, #tpu.memory_space<vmem>>
    %dma_wait3A_438 = tpu.memref_squeeze %dma_wait3A_437 : memref<1x16x1024xf32, #tpu.memory_space<vmem>> -> memref<16x1024xf32, #tpu.memory_space<vmem>>
    %dma_wait3A_439 = arith.constant 0 : i32
    %dma_wait3A_440 = tpu.memref_slice %arg4[%mul3A_407, %dma_wait3A_439] : memref<4096x1024xf32, #tpu.memory_space<hbm>> -> memref<16x1024xf32, #tpu.memory_space<hbm>>
    %dma_wait3A_441 = arith.constant 0 : i32
    %dma_wait3A_442 = tpu.memref_slice %arg4[%mul3A_407, %dma_wait3A_441] : memref<4096x1024xf32, #tpu.memory_space<hbm>> -> memref<16x1024xf32, #tpu.memory_space<hbm>>
    %dma_wait3A_443 = arith.constant 0 : i32
    %dma_wait3A_444 = arith.constant 0 : i32
    %dma_wait3A_445 = tpu.memref_slice %arg6[%dma_wait3A_434, %dma_wait3A_443, %dma_wait3A_444] : memref<2x16x1024xf32, #tpu.memory_space<vmem>> -> memref<1x16x1024xf32, #tpu.memory_space<vmem>>
    %dma_wait3A_446 = tpu.memref_squeeze %dma_wait3A_445 : memref<1x16x1024xf32, #tpu.memory_space<vmem>> -> memref<16x1024xf32, #tpu.memory_space<vmem>>
    tpu.wait_dma2 semaphore(%arg8 : memref<!tpu.dma_semaphore, #tpu.memory_space<semaphore_mem>>) src(%dma_wait3A_446 : memref<16x1024xf32, #tpu.memory_space<vmem>>) dst(%dma_wait3A_442 : memref<16x1024xf32, #tpu.memory_space<hbm>>)
    return
  }
}

#map = affine_map<(d0, d1) -> (0, 0)>
#map1 = affine_map<(d0, d1) -> (0, 0, 0)>
#map2 = affine_map<(d0, d1) -> (0)>
module attributes {stable_mosaic.version = 14 : i64} {
  func.func @_route_body(%arg0: i32, %arg1: i32, %arg2: memref<256x16xi32, #tpu.memory_space<hbm>>, %arg3: memref<32x8x16xi32, #tpu.memory_space<hbm>>, %arg4: memref<2048x1024xf32, #tpu.memory_space<hbm>>, %arg5: memref<5120x1024xf32, #tpu.memory_space<hbm>>, %arg6: memref<256x16xi32, #tpu.memory_space<hbm>>, %arg7: memref<16xi32, #tpu.memory_space<hbm>>, %arg8: memref<256x16xi32, #tpu.memory_space<vmem>>, %arg9: memref<256x16xi32, #tpu.memory_space<vmem>>, %arg10: memref<8x16xi32, #tpu.memory_space<vmem>>, %arg11: memref<8x16xi32, #tpu.memory_space<vmem>>, %arg12: memref<8x16xi32, #tpu.memory_space<vmem>>, %arg13: memref<16xi32, #tpu.memory_space<vmem>>, %arg14: memref<3x16x1024xf32, #tpu.memory_space<vmem>>, %arg15: memref<!tpu.dma_semaphore, #tpu.memory_space<semaphore_mem>>, %arg16: memref<!tpu.dma_semaphore, #tpu.memory_space<semaphore_mem>>) attributes {dimension_semantics = [#tpu.dimension_semantics<core_parallel>, #tpu.dimension_semantics<subcore_parallel>], iteration_bounds = array<i64: 2, 16>, scalar_prefetch = 0 : i64, scratch_operands = 9 : i64, tpu.core_type = #tpu.core_type<sc_vector_subcore>, window_params = [{transform_indices = #map}, {transform_indices = #map1}, {transform_indices = #map}, {transform_indices = #map}, {transform_indices = #map}, {transform_indices = #map2}]} {
    %mul3A = arith.constant 2 : i32
    %mul3A_0 = arith.muli %arg1, %mul3A : i32
    %add3A = arith.addi %mul3A_0, %arg0 : i32
    "tpu.region"() ({
      %run_scoped3A = tpu.sem_alloc : memref<!tpu.dma_semaphore, #tpu.memory_space<semaphore_mem>>
      tpu.enqueue_dma source(%arg2 : memref<256x16xi32, #tpu.memory_space<hbm>>) target(%arg8 : memref<256x16xi32, #tpu.memory_space<vmem>>) target_semaphore(%run_scoped3A : memref<!tpu.dma_semaphore, #tpu.memory_space<semaphore_mem>>)
      tpu.wait_dma2 semaphore(%run_scoped3A : memref<!tpu.dma_semaphore, #tpu.memory_space<semaphore_mem>>) src(%arg2 : memref<256x16xi32, #tpu.memory_space<hbm>>) dst(%arg8 : memref<256x16xi32, #tpu.memory_space<vmem>>)
      tpu.yield
    }) : () -> ()
    "tpu.region"() ({
      %run_scoped3A = tpu.sem_alloc : memref<!tpu.dma_semaphore, #tpu.memory_space<semaphore_mem>>
      %dma_start3A_985 = arith.constant 0 : i32
      %dma_start3A_986 = arith.constant 0 : i32
      %dma_start3A_987 = tpu.memref_slice %arg3[%add3A, %dma_start3A_985, %dma_start3A_986] : memref<32x8x16xi32, #tpu.memory_space<hbm>> -> memref<1x8x16xi32, #tpu.memory_space<hbm>>
      %dma_start3A_988 = tpu.memref_squeeze %dma_start3A_987 : memref<1x8x16xi32, #tpu.memory_space<hbm>> -> memref<8x16xi32, #tpu.memory_space<hbm>>
      %dma_start3A_989 = arith.constant 0 : i32
      %dma_start3A_990 = arith.constant 0 : i32
      %dma_start3A_991 = tpu.memref_slice %arg3[%add3A, %dma_start3A_989, %dma_start3A_990] : memref<32x8x16xi32, #tpu.memory_space<hbm>> -> memref<1x8x16xi32, #tpu.memory_space<hbm>>
      %dma_start3A_992 = tpu.memref_squeeze %dma_start3A_991 : memref<1x8x16xi32, #tpu.memory_space<hbm>> -> memref<8x16xi32, #tpu.memory_space<hbm>>
      tpu.enqueue_dma source(%dma_start3A_992 : memref<8x16xi32, #tpu.memory_space<hbm>>) target(%arg10 : memref<8x16xi32, #tpu.memory_space<vmem>>) target_semaphore(%run_scoped3A : memref<!tpu.dma_semaphore, #tpu.memory_space<semaphore_mem>>)
      %dma_wait3A_993 = arith.constant 0 : i32
      %dma_wait3A_994 = arith.constant 0 : i32
      %dma_wait3A_995 = tpu.memref_slice %arg3[%add3A, %dma_wait3A_993, %dma_wait3A_994] : memref<32x8x16xi32, #tpu.memory_space<hbm>> -> memref<1x8x16xi32, #tpu.memory_space<hbm>>
      %dma_wait3A_996 = tpu.memref_squeeze %dma_wait3A_995 : memref<1x8x16xi32, #tpu.memory_space<hbm>> -> memref<8x16xi32, #tpu.memory_space<hbm>>
      %dma_wait3A_997 = arith.constant 0 : i32
      %dma_wait3A_998 = arith.constant 0 : i32
      %dma_wait3A_999 = tpu.memref_slice %arg3[%add3A, %dma_wait3A_997, %dma_wait3A_998] : memref<32x8x16xi32, #tpu.memory_space<hbm>> -> memref<1x8x16xi32, #tpu.memory_space<hbm>>
      %dma_wait3A_1000 = tpu.memref_squeeze %dma_wait3A_999 : memref<1x8x16xi32, #tpu.memory_space<hbm>> -> memref<8x16xi32, #tpu.memory_space<hbm>>
      tpu.wait_dma2 semaphore(%run_scoped3A : memref<!tpu.dma_semaphore, #tpu.memory_space<semaphore_mem>>) src(%dma_wait3A_1000 : memref<8x16xi32, #tpu.memory_space<hbm>>) dst(%arg10 : memref<8x16xi32, #tpu.memory_space<vmem>>)
      tpu.yield
    }) : () -> ()
    %dma_start3A = arith.constant 0 : i32
    %dma_start3A_1 = arith.constant 0 : i32
    %dma_start3A_2 = arith.constant 0 : i32
    %dma_start3A_3 = arith.constant 0 : i32
    %dma_start3A_4 = tpu.memref_slice %arg14[%dma_start3A_1, %dma_start3A_2, %dma_start3A_3] : memref<3x16x1024xf32, #tpu.memory_space<vmem>> -> memref<1x16x1024xf32, #tpu.memory_space<vmem>>
    %dma_start3A_5 = tpu.memref_squeeze %dma_start3A_4 : memref<1x16x1024xf32, #tpu.memory_space<vmem>> -> memref<16x1024xf32, #tpu.memory_space<vmem>>
    %dma_start3A_6 = arith.constant 0 : i32
    %dma_start3A_7 = tpu.memref_slice %arg10[%dma_start3A, %dma_start3A_6] : memref<8x16xi32, #tpu.memory_space<vmem>> -> memref<1x16xi32, #tpu.memory_space<vmem>>
    %dma_start3A_8 = tpu.memref_squeeze %dma_start3A_7 : memref<1x16xi32, #tpu.memory_space<vmem>> -> memref<16xi32, #tpu.memory_space<vmem>>
    %dma_start3A_9 = arith.constant 0 : i32
    %dma_start3A_10 = arith.constant 0 : i32
    %dma_start3A_11 = tpu.memref_slice %arg4[%dma_start3A_9, %dma_start3A_10] : memref<2048x1024xf32, #tpu.memory_space<hbm>> -> memref<2048x1024xf32, #tpu.memory_space<hbm>>
    tpu.enqueue_indirect_dma source(%dma_start3A_11 : memref<2048x1024xf32, #tpu.memory_space<hbm>>) target(%dma_start3A_5 : memref<16x1024xf32, #tpu.memory_space<vmem>>) offsets(%dma_start3A_8 : memref<16xi32, #tpu.memory_space<vmem>>) semaphore(%arg15 : memref<!tpu.dma_semaphore, #tpu.memory_space<semaphore_mem>>)
    %dma_start3A_12 = arith.constant 1 : i32
    %dma_start3A_13 = arith.constant 1 : i32
    %dma_start3A_14 = arith.constant 0 : i32
    %dma_start3A_15 = arith.constant 0 : i32
    %dma_start3A_16 = tpu.memref_slice %arg14[%dma_start3A_13, %dma_start3A_14, %dma_start3A_15] : memref<3x16x1024xf32, #tpu.memory_space<vmem>> -> memref<1x16x1024xf32, #tpu.memory_space<vmem>>
    %dma_start3A_17 = tpu.memref_squeeze %dma_start3A_16 : memref<1x16x1024xf32, #tpu.memory_space<vmem>> -> memref<16x1024xf32, #tpu.memory_space<vmem>>
    %dma_start3A_18 = arith.constant 0 : i32
    %dma_start3A_19 = tpu.memref_slice %arg10[%dma_start3A_12, %dma_start3A_18] : memref<8x16xi32, #tpu.memory_space<vmem>> -> memref<1x16xi32, #tpu.memory_space<vmem>>
    %dma_start3A_20 = tpu.memref_squeeze %dma_start3A_19 : memref<1x16xi32, #tpu.memory_space<vmem>> -> memref<16xi32, #tpu.memory_space<vmem>>
    %dma_start3A_21 = arith.constant 0 : i32
    %dma_start3A_22 = arith.constant 0 : i32
    %dma_start3A_23 = tpu.memref_slice %arg4[%dma_start3A_21, %dma_start3A_22] : memref<2048x1024xf32, #tpu.memory_space<hbm>> -> memref<2048x1024xf32, #tpu.memory_space<hbm>>
    tpu.enqueue_indirect_dma source(%dma_start3A_23 : memref<2048x1024xf32, #tpu.memory_space<hbm>>) target(%dma_start3A_17 : memref<16x1024xf32, #tpu.memory_space<vmem>>) offsets(%dma_start3A_20 : memref<16xi32, #tpu.memory_space<vmem>>) semaphore(%arg15 : memref<!tpu.dma_semaphore, #tpu.memory_space<semaphore_mem>>)
    %dma_start3A_24 = arith.constant 2 : i32
    %dma_start3A_25 = arith.constant 2 : i32
    %dma_start3A_26 = arith.constant 0 : i32
    %dma_start3A_27 = arith.constant 0 : i32
    %dma_start3A_28 = tpu.memref_slice %arg14[%dma_start3A_25, %dma_start3A_26, %dma_start3A_27] : memref<3x16x1024xf32, #tpu.memory_space<vmem>> -> memref<1x16x1024xf32, #tpu.memory_space<vmem>>
    %dma_start3A_29 = tpu.memref_squeeze %dma_start3A_28 : memref<1x16x1024xf32, #tpu.memory_space<vmem>> -> memref<16x1024xf32, #tpu.memory_space<vmem>>
    %dma_start3A_30 = arith.constant 0 : i32
    %dma_start3A_31 = tpu.memref_slice %arg10[%dma_start3A_24, %dma_start3A_30] : memref<8x16xi32, #tpu.memory_space<vmem>> -> memref<1x16xi32, #tpu.memory_space<vmem>>
    %dma_start3A_32 = tpu.memref_squeeze %dma_start3A_31 : memref<1x16xi32, #tpu.memory_space<vmem>> -> memref<16xi32, #tpu.memory_space<vmem>>
    %dma_start3A_33 = arith.constant 0 : i32
    %dma_start3A_34 = arith.constant 0 : i32
    %dma_start3A_35 = tpu.memref_slice %arg4[%dma_start3A_33, %dma_start3A_34] : memref<2048x1024xf32, #tpu.memory_space<hbm>> -> memref<2048x1024xf32, #tpu.memory_space<hbm>>
    tpu.enqueue_indirect_dma source(%dma_start3A_35 : memref<2048x1024xf32, #tpu.memory_space<hbm>>) target(%dma_start3A_29 : memref<16x1024xf32, #tpu.memory_space<vmem>>) offsets(%dma_start3A_32 : memref<16xi32, #tpu.memory_space<vmem>>) semaphore(%arg15 : memref<!tpu.dma_semaphore, #tpu.memory_space<semaphore_mem>>)
    %broadcast_in_dim3A = arith.constant 1 : i32
    %broadcast_in_dim3A_36 = vector.broadcast %broadcast_in_dim3A : i32 to vector<16xi32>
    %scan3A = arith.constant 0 : i32
    %scan3A_37 = arith.constant 0 : i32
    %scan3A_38 = arith.constant 0 : i32
    %scan3A_39 = arith.constant 0 : i32
    %scan3A_40 = arith.constant 0 : i32
    %scan3A_41 = arith.constant 0 : i32
    %scan3A_42 = arith.constant 0 : i32
    %scan3A_43 = arith.constant 0 : i32
    %scan3A_44 = arith.constant 0 : i32
    %scan3A_45 = arith.constant 256 : i32
    %scan3A_46 = arith.addi %scan3A_44, %scan3A_45 : i32
    %scan3A_47 = arith.constant 1 : i32
    %scan3A_48:8 = scf.for %scan3A_985 = %scan3A_44 to %scan3A_46 step %scan3A_47 iter_args(%scan3A_986 = %scan3A, %scan3A_987 = %scan3A_37, %scan3A_988 = %scan3A_38, %scan3A_989 = %scan3A_39, %scan3A_990 = %scan3A_40, %scan3A_991 = %scan3A_41, %scan3A_992 = %scan3A_42, %scan3A_993 = %scan3A_43) -> (i32, i32, i32, i32, i32, i32, i32, i32)  : i32 {
      %get3A_994 = arith.index_cast %scan3A_985 : i32 to index
      %get3A_995 = arith.constant 0 : index
      %get3A_996 = tpu.vector_load %arg8[%get3A_994, %get3A_995] {strides = array<i32>} : memref<256x16xi32, #tpu.memory_space<vmem>>, vector<16xi32>,
      %broadcast_in_dim3A_997 = arith.constant 0 : i32
      %broadcast_in_dim3A_998 = vector.broadcast %broadcast_in_dim3A_997 : i32 to vector<16xi32>
      %broadcast_in_dim3A_999 = arith.constant 0 : i32
      %broadcast_in_dim3A_1000 = vector.broadcast %broadcast_in_dim3A_999 : i32 to vector<16xi32>
      %eq3A_1001 = arith.cmpi eq, %get3A_996, %broadcast_in_dim3A_1000 : vector<16xi32>
      %sub3A_1002 = arith.subi %broadcast_in_dim3A_36, %broadcast_in_dim3A_36 : vector<16xi32>
      %select_n3A_1003 = arith.select %eq3A_1001, %broadcast_in_dim3A_36, %sub3A_1002 : vector<16xi1>, vector<16xi32>
      %broadcast_in_dim3A_1004 = arith.constant true
      %broadcast_in_dim3A_1005 = vector.broadcast %broadcast_in_dim3A_1004 : i1 to vector<16xi1>
      %masked_cumsum3A_1006 = tpu.scan <sum>, %select_n3A_1003 masked %broadcast_in_dim3A_1005 : vector<16xi32>, vector<16xi1> -> vector<16xi32>
      %broadcast_in_dim3A_1007 = vector.broadcast %scan3A_986 : i32 to vector<16xi32>
      %add3A_1008 = arith.addi %broadcast_in_dim3A_1007, %masked_cumsum3A_1006 : vector<16xi32>
      %sub3A_1009 = arith.subi %add3A_1008, %broadcast_in_dim3A_36 : vector<16xi32>
      %select_n3A_1010 = arith.select %eq3A_1001, %sub3A_1009, %broadcast_in_dim3A_998 : vector<16xi1>, vector<16xi32>
      %reduce_sum3A = arith.constant true
      %reduce_sum3A_1011 = vector.broadcast %reduce_sum3A : i1 to vector<16xi1>
      %reduce_sum3A_1012 = tpu.scan <sum>, %select_n3A_1003 masked %reduce_sum3A_1011 : vector<16xi32>, vector<16xi1> -> vector<16xi32>
      %reduce_sum3A_1013 = vector.extract %reduce_sum3A_1012[15] : i32 from vector<16xi32>
      %add3A_1014 = arith.addi %scan3A_986, %reduce_sum3A_1013 : i32
      %broadcast_in_dim3A_1015 = arith.constant 1 : i32
      %broadcast_in_dim3A_1016 = vector.broadcast %broadcast_in_dim3A_1015 : i32 to vector<16xi32>
      %eq3A_1017 = arith.cmpi eq, %get3A_996, %broadcast_in_dim3A_1016 : vector<16xi32>
      %sub3A_1018 = arith.subi %broadcast_in_dim3A_36, %broadcast_in_dim3A_36 : vector<16xi32>
      %select_n3A_1019 = arith.select %eq3A_1017, %broadcast_in_dim3A_36, %sub3A_1018 : vector<16xi1>, vector<16xi32>
      %broadcast_in_dim3A_1020 = arith.constant true
      %broadcast_in_dim3A_1021 = vector.broadcast %broadcast_in_dim3A_1020 : i1 to vector<16xi1>
      %masked_cumsum3A_1022 = tpu.scan <sum>, %select_n3A_1019 masked %broadcast_in_dim3A_1021 : vector<16xi32>, vector<16xi1> -> vector<16xi32>
      %broadcast_in_dim3A_1023 = vector.broadcast %scan3A_987 : i32 to vector<16xi32>
      %add3A_1024 = arith.addi %broadcast_in_dim3A_1023, %masked_cumsum3A_1022 : vector<16xi32>
      %sub3A_1025 = arith.subi %add3A_1024, %broadcast_in_dim3A_36 : vector<16xi32>
      %select_n3A_1026 = arith.select %eq3A_1017, %sub3A_1025, %select_n3A_1010 : vector<16xi1>, vector<16xi32>
      %reduce_sum3A_1027 = arith.constant true
      %reduce_sum3A_1028 = vector.broadcast %reduce_sum3A_1027 : i1 to vector<16xi1>
      %reduce_sum3A_1029 = tpu.scan <sum>, %select_n3A_1019 masked %reduce_sum3A_1028 : vector<16xi32>, vector<16xi1> -> vector<16xi32>
      %reduce_sum3A_1030 = vector.extract %reduce_sum3A_1029[15] : i32 from vector<16xi32>
      %add3A_1031 = arith.addi %scan3A_987, %reduce_sum3A_1030 : i32
      %broadcast_in_dim3A_1032 = arith.constant 2 : i32
      %broadcast_in_dim3A_1033 = vector.broadcast %broadcast_in_dim3A_1032 : i32 to vector<16xi32>
      %eq3A_1034 = arith.cmpi eq, %get3A_996, %broadcast_in_dim3A_1033 : vector<16xi32>
      %sub3A_1035 = arith.subi %broadcast_in_dim3A_36, %broadcast_in_dim3A_36 : vector<16xi32>
      %select_n3A_1036 = arith.select %eq3A_1034, %broadcast_in_dim3A_36, %sub3A_1035 : vector<16xi1>, vector<16xi32>
      %broadcast_in_dim3A_1037 = arith.constant true
      %broadcast_in_dim3A_1038 = vector.broadcast %broadcast_in_dim3A_1037 : i1 to vector<16xi1>
      %masked_cumsum3A_1039 = tpu.scan <sum>, %select_n3A_1036 masked %broadcast_in_dim3A_1038 : vector<16xi32>, vector<16xi1> -> vector<16xi32>
      %broadcast_in_dim3A_1040 = vector.broadcast %scan3A_988 : i32 to vector<16xi32>
      %add3A_1041 = arith.addi %broadcast_in_dim3A_1040, %masked_cumsum3A_1039 : vector<16xi32>
      %sub3A_1042 = arith.subi %add3A_1041, %broadcast_in_dim3A_36 : vector<16xi32>
      %select_n3A_1043 = arith.select %eq3A_1034, %sub3A_1042, %select_n3A_1026 : vector<16xi1>, vector<16xi32>
      %reduce_sum3A_1044 = arith.constant true
      %reduce_sum3A_1045 = vector.broadcast %reduce_sum3A_1044 : i1 to vector<16xi1>
      %reduce_sum3A_1046 = tpu.scan <sum>, %select_n3A_1036 masked %reduce_sum3A_1045 : vector<16xi32>, vector<16xi1> -> vector<16xi32>
      %reduce_sum3A_1047 = vector.extract %reduce_sum3A_1046[15] : i32 from vector<16xi32>
      %add3A_1048 = arith.addi %scan3A_988, %reduce_sum3A_1047 : i32
      %broadcast_in_dim3A_1049 = arith.constant 3 : i32
      %broadcast_in_dim3A_1050 = vector.broadcast %broadcast_in_dim3A_1049 : i32 to vector<16xi32>
      %eq3A_1051 = arith.cmpi eq, %get3A_996, %broadcast_in_dim3A_1050 : vector<16xi32>
      %sub3A_1052 = arith.subi %broadcast_in_dim3A_36, %broadcast_in_dim3A_36 : vector<16xi32>
      %select_n3A_1053 = arith.select %eq3A_1051, %broadcast_in_dim3A_36, %sub3A_1052 : vector<16xi1>, vector<16xi32>
      %broadcast_in_dim3A_1054 = arith.constant true
      %broadcast_in_dim3A_1055 = vector.broadcast %broadcast_in_dim3A_1054 : i1 to vector<16xi1>
      %masked_cumsum3A_1056 = tpu.scan <sum>, %select_n3A_1053 masked %broadcast_in_dim3A_1055 : vector<16xi32>, vector<16xi1> -> vector<16xi32>
      %broadcast_in_dim3A_1057 = vector.broadcast %scan3A_989 : i32 to vector<16xi32>
      %add3A_1058 = arith.addi %broadcast_in_dim3A_1057, %masked_cumsum3A_1056 : vector<16xi32>
      %sub3A_1059 = arith.subi %add3A_1058, %broadcast_in_dim3A_36 : vector<16xi32>
      %select_n3A_1060 = arith.select %eq3A_1051, %sub3A_1059, %select_n3A_1043 : vector<16xi1>, vector<16xi32>
      %reduce_sum3A_1061 = arith.constant true
      %reduce_sum3A_1062 = vector.broadcast %reduce_sum3A_1061 : i1 to vector<16xi1>
      %reduce_sum3A_1063 = tpu.scan <sum>, %select_n3A_1053 masked %reduce_sum3A_1062 : vector<16xi32>, vector<16xi1> -> vector<16xi32>
      %reduce_sum3A_1064 = vector.extract %reduce_sum3A_1063[15] : i32 from vector<16xi32>
      %add3A_1065 = arith.addi %scan3A_989, %reduce_sum3A_1064 : i32
      %broadcast_in_dim3A_1066 = arith.constant 4 : i32
      %broadcast_in_dim3A_1067 = vector.broadcast %broadcast_in_dim3A_1066 : i32 to vector<16xi32>
      %eq3A_1068 = arith.cmpi eq, %get3A_996, %broadcast_in_dim3A_1067 : vector<16xi32>
      %sub3A_1069 = arith.subi %broadcast_in_dim3A_36, %broadcast_in_dim3A_36 : vector<16xi32>
      %select_n3A_1070 = arith.select %eq3A_1068, %broadcast_in_dim3A_36, %sub3A_1069 : vector<16xi1>, vector<16xi32>
      %broadcast_in_dim3A_1071 = arith.constant true
      %broadcast_in_dim3A_1072 = vector.broadcast %broadcast_in_dim3A_1071 : i1 to vector<16xi1>
      %masked_cumsum3A_1073 = tpu.scan <sum>, %select_n3A_1070 masked %broadcast_in_dim3A_1072 : vector<16xi32>, vector<16xi1> -> vector<16xi32>
      %broadcast_in_dim3A_1074 = vector.broadcast %scan3A_990 : i32 to vector<16xi32>
      %add3A_1075 = arith.addi %broadcast_in_dim3A_1074, %masked_cumsum3A_1073 : vector<16xi32>
      %sub3A_1076 = arith.subi %add3A_1075, %broadcast_in_dim3A_36 : vector<16xi32>
      %select_n3A_1077 = arith.select %eq3A_1068, %sub3A_1076, %select_n3A_1060 : vector<16xi1>, vector<16xi32>
      %reduce_sum3A_1078 = arith.constant true
      %reduce_sum3A_1079 = vector.broadcast %reduce_sum3A_1078 : i1 to vector<16xi1>
      %reduce_sum3A_1080 = tpu.scan <sum>, %select_n3A_1070 masked %reduce_sum3A_1079 : vector<16xi32>, vector<16xi1> -> vector<16xi32>
      %reduce_sum3A_1081 = vector.extract %reduce_sum3A_1080[15] : i32 from vector<16xi32>
      %add3A_1082 = arith.addi %scan3A_990, %reduce_sum3A_1081 : i32
      %broadcast_in_dim3A_1083 = arith.constant 5 : i32
      %broadcast_in_dim3A_1084 = vector.broadcast %broadcast_in_dim3A_1083 : i32 to vector<16xi32>
      %eq3A_1085 = arith.cmpi eq, %get3A_996, %broadcast_in_dim3A_1084 : vector<16xi32>
      %sub3A_1086 = arith.subi %broadcast_in_dim3A_36, %broadcast_in_dim3A_36 : vector<16xi32>
      %select_n3A_1087 = arith.select %eq3A_1085, %broadcast_in_dim3A_36, %sub3A_1086 : vector<16xi1>, vector<16xi32>
      %broadcast_in_dim3A_1088 = arith.constant true
      %broadcast_in_dim3A_1089 = vector.broadcast %broadcast_in_dim3A_1088 : i1 to vector<16xi1>
      %masked_cumsum3A_1090 = tpu.scan <sum>, %select_n3A_1087 masked %broadcast_in_dim3A_1089 : vector<16xi32>, vector<16xi1> -> vector<16xi32>
      %broadcast_in_dim3A_1091 = vector.broadcast %scan3A_991 : i32 to vector<16xi32>
      %add3A_1092 = arith.addi %broadcast_in_dim3A_1091, %masked_cumsum3A_1090 : vector<16xi32>
      %sub3A_1093 = arith.subi %add3A_1092, %broadcast_in_dim3A_36 : vector<16xi32>
      %select_n3A_1094 = arith.select %eq3A_1085, %sub3A_1093, %select_n3A_1077 : vector<16xi1>, vector<16xi32>
      %reduce_sum3A_1095 = arith.constant true
      %reduce_sum3A_1096 = vector.broadcast %reduce_sum3A_1095 : i1 to vector<16xi1>
      %reduce_sum3A_1097 = tpu.scan <sum>, %select_n3A_1087 masked %reduce_sum3A_1096 : vector<16xi32>, vector<16xi1> -> vector<16xi32>
      %reduce_sum3A_1098 = vector.extract %reduce_sum3A_1097[15] : i32 from vector<16xi32>
      %add3A_1099 = arith.addi %scan3A_991, %reduce_sum3A_1098 : i32
      %broadcast_in_dim3A_1100 = arith.constant 6 : i32
      %broadcast_in_dim3A_1101 = vector.broadcast %broadcast_in_dim3A_1100 : i32 to vector<16xi32>
      %eq3A_1102 = arith.cmpi eq, %get3A_996, %broadcast_in_dim3A_1101 : vector<16xi32>
      %sub3A_1103 = arith.subi %broadcast_in_dim3A_36, %broadcast_in_dim3A_36 : vector<16xi32>
      %select_n3A_1104 = arith.select %eq3A_1102, %broadcast_in_dim3A_36, %sub3A_1103 : vector<16xi1>, vector<16xi32>
      %broadcast_in_dim3A_1105 = arith.constant true
      %broadcast_in_dim3A_1106 = vector.broadcast %broadcast_in_dim3A_1105 : i1 to vector<16xi1>
      %masked_cumsum3A_1107 = tpu.scan <sum>, %select_n3A_1104 masked %broadcast_in_dim3A_1106 : vector<16xi32>, vector<16xi1> -> vector<16xi32>
      %broadcast_in_dim3A_1108 = vector.broadcast %scan3A_992 : i32 to vector<16xi32>
      %add3A_1109 = arith.addi %broadcast_in_dim3A_1108, %masked_cumsum3A_1107 : vector<16xi32>
      %sub3A_1110 = arith.subi %add3A_1109, %broadcast_in_dim3A_36 : vector<16xi32>
      %select_n3A_1111 = arith.select %eq3A_1102, %sub3A_1110, %select_n3A_1094 : vector<16xi1>, vector<16xi32>
      %reduce_sum3A_1112 = arith.constant true
      %reduce_sum3A_1113 = vector.broadcast %reduce_sum3A_1112 : i1 to vector<16xi1>
      %reduce_sum3A_1114 = tpu.scan <sum>, %select_n3A_1104 masked %reduce_sum3A_1113 : vector<16xi32>, vector<16xi1> -> vector<16xi32>
      %reduce_sum3A_1115 = vector.extract %reduce_sum3A_1114[15] : i32 from vector<16xi32>
      %add3A_1116 = arith.addi %scan3A_992, %reduce_sum3A_1115 : i32
      %broadcast_in_dim3A_1117 = arith.constant 7 : i32
      %broadcast_in_dim3A_1118 = vector.broadcast %broadcast_in_dim3A_1117 : i32 to vector<16xi32>
      %eq3A_1119 = arith.cmpi eq, %get3A_996, %broadcast_in_dim3A_1118 : vector<16xi32>
      %sub3A_1120 = arith.subi %broadcast_in_dim3A_36, %broadcast_in_dim3A_36 : vector<16xi32>
      %select_n3A_1121 = arith.select %eq3A_1119, %broadcast_in_dim3A_36, %sub3A_1120 : vector<16xi1>, vector<16xi32>
      %broadcast_in_dim3A_1122 = arith.constant true
      %broadcast_in_dim3A_1123 = vector.broadcast %broadcast_in_dim3A_1122 : i1 to vector<16xi1>
      %masked_cumsum3A_1124 = tpu.scan <sum>, %select_n3A_1121 masked %broadcast_in_dim3A_1123 : vector<16xi32>, vector<16xi1> -> vector<16xi32>
      %broadcast_in_dim3A_1125 = vector.broadcast %scan3A_993 : i32 to vector<16xi32>
      %add3A_1126 = arith.addi %broadcast_in_dim3A_1125, %masked_cumsum3A_1124 : vector<16xi32>
      %sub3A_1127 = arith.subi %add3A_1126, %broadcast_in_dim3A_36 : vector<16xi32>
      %select_n3A_1128 = arith.select %eq3A_1119, %sub3A_1127, %select_n3A_1111 : vector<16xi1>, vector<16xi32>
      %reduce_sum3A_1129 = arith.constant true
      %reduce_sum3A_1130 = vector.broadcast %reduce_sum3A_1129 : i1 to vector<16xi1>
      %reduce_sum3A_1131 = tpu.scan <sum>, %select_n3A_1121 masked %reduce_sum3A_1130 : vector<16xi32>, vector<16xi1> -> vector<16xi32>
      %reduce_sum3A_1132 = vector.extract %reduce_sum3A_1131[15] : i32 from vector<16xi32>
      %add3A_1133 = arith.addi %scan3A_993, %reduce_sum3A_1132 : i32
      %swap3A_1134 = arith.index_cast %scan3A_985 : i32 to index
      %swap3A_1135 = arith.constant 0 : index
      %swap3A_1136 = tpu.vector_load %arg9[%swap3A_1134, %swap3A_1135] {strides = array<i32>} : memref<256x16xi32, #tpu.memory_space<vmem>>, vector<16xi32>,
      tpu.vector_store %arg9[%swap3A_1134, %swap3A_1135], %select_n3A_1128 {strides = array<i32>} : memref<256x16xi32, #tpu.memory_space<vmem>>, vector<16xi32>,
      scf.yield %add3A_1014, %add3A_1031, %add3A_1048, %add3A_1065, %add3A_1082, %add3A_1099, %add3A_1116, %add3A_1133 : i32, i32, i32, i32, i32, i32, i32, i32
    }
    %scan3A_49 = arith.constant 256 : i32
    %iota3A = tpu.iota {dimensions = array<i32: 0>} : vector<16xi32>
    %broadcast_in_dim3A_50 = arith.constant 0 : i32
    %broadcast_in_dim3A_51 = vector.broadcast %broadcast_in_dim3A_50 : i32 to vector<16xi32>
    %broadcast_in_dim3A_52 = arith.constant 0 : i32
    %broadcast_in_dim3A_53 = vector.broadcast %broadcast_in_dim3A_52 : i32 to vector<16xi32>
    %eq3A = arith.cmpi eq, %iota3A, %broadcast_in_dim3A_53 : vector<16xi32>
    %broadcast_in_dim3A_54 = vector.broadcast %scan3A_48#0 : i32 to vector<16xi32>
    %select_n3A = arith.select %eq3A, %broadcast_in_dim3A_54, %broadcast_in_dim3A_51 : vector<16xi1>, vector<16xi32>
    %broadcast_in_dim3A_55 = arith.constant 1 : i32
    %broadcast_in_dim3A_56 = vector.broadcast %broadcast_in_dim3A_55 : i32 to vector<16xi32>
    %eq3A_57 = arith.cmpi eq, %iota3A, %broadcast_in_dim3A_56 : vector<16xi32>
    %broadcast_in_dim3A_58 = vector.broadcast %scan3A_48#1 : i32 to vector<16xi32>
    %select_n3A_59 = arith.select %eq3A_57, %broadcast_in_dim3A_58, %select_n3A : vector<16xi1>, vector<16xi32>
    %broadcast_in_dim3A_60 = arith.constant 2 : i32
    %broadcast_in_dim3A_61 = vector.broadcast %broadcast_in_dim3A_60 : i32 to vector<16xi32>
    %eq3A_62 = arith.cmpi eq, %iota3A, %broadcast_in_dim3A_61 : vector<16xi32>
    %broadcast_in_dim3A_63 = vector.broadcast %scan3A_48#2 : i32 to vector<16xi32>
    %select_n3A_64 = arith.select %eq3A_62, %broadcast_in_dim3A_63, %select_n3A_59 : vector<16xi1>, vector<16xi32>
    %broadcast_in_dim3A_65 = arith.constant 3 : i32
    %broadcast_in_dim3A_66 = vector.broadcast %broadcast_in_dim3A_65 : i32 to vector<16xi32>
    %eq3A_67 = arith.cmpi eq, %iota3A, %broadcast_in_dim3A_66 : vector<16xi32>
    %broadcast_in_dim3A_68 = vector.broadcast %scan3A_48#3 : i32 to vector<16xi32>
    %select_n3A_69 = arith.select %eq3A_67, %broadcast_in_dim3A_68, %select_n3A_64 : vector<16xi1>, vector<16xi32>
    %broadcast_in_dim3A_70 = arith.constant 4 : i32
    %broadcast_in_dim3A_71 = vector.broadcast %broadcast_in_dim3A_70 : i32 to vector<16xi32>
    %eq3A_72 = arith.cmpi eq, %iota3A, %broadcast_in_dim3A_71 : vector<16xi32>
    %broadcast_in_dim3A_73 = vector.broadcast %scan3A_48#4 : i32 to vector<16xi32>
    %select_n3A_74 = arith.select %eq3A_72, %broadcast_in_dim3A_73, %select_n3A_69 : vector<16xi1>, vector<16xi32>
    %broadcast_in_dim3A_75 = arith.constant 5 : i32
    %broadcast_in_dim3A_76 = vector.broadcast %broadcast_in_dim3A_75 : i32 to vector<16xi32>
    %eq3A_77 = arith.cmpi eq, %iota3A, %broadcast_in_dim3A_76 : vector<16xi32>
    %broadcast_in_dim3A_78 = vector.broadcast %scan3A_48#5 : i32 to vector<16xi32>
    %select_n3A_79 = arith.select %eq3A_77, %broadcast_in_dim3A_78, %select_n3A_74 : vector<16xi1>, vector<16xi32>
    %broadcast_in_dim3A_80 = arith.constant 6 : i32
    %broadcast_in_dim3A_81 = vector.broadcast %broadcast_in_dim3A_80 : i32 to vector<16xi32>
    %eq3A_82 = arith.cmpi eq, %iota3A, %broadcast_in_dim3A_81 : vector<16xi32>
    %broadcast_in_dim3A_83 = vector.broadcast %scan3A_48#6 : i32 to vector<16xi32>
    %select_n3A_84 = arith.select %eq3A_82, %broadcast_in_dim3A_83, %select_n3A_79 : vector<16xi1>, vector<16xi32>
    %broadcast_in_dim3A_85 = arith.constant 7 : i32
    %broadcast_in_dim3A_86 = vector.broadcast %broadcast_in_dim3A_85 : i32 to vector<16xi32>
    %eq3A_87 = arith.cmpi eq, %iota3A, %broadcast_in_dim3A_86 : vector<16xi32>
    %broadcast_in_dim3A_88 = vector.broadcast %scan3A_48#7 : i32 to vector<16xi32>
    %select_n3A_89 = arith.select %eq3A_87, %broadcast_in_dim3A_88, %select_n3A_84 : vector<16xi1>, vector<16xi32>
    %add3A_90 = arith.constant 127 : i32
    %add3A_91 = vector.broadcast %add3A_90 : i32 to vector<16xi32>
    %add3A_92 = arith.addi %select_n3A_89, %add3A_91 : vector<16xi32>
    %jit3A = arith.constant 128 : i32
    %div3A = vector.broadcast %jit3A : i32 to vector<16xi32>
    %div3A_93 = arith.divsi %add3A_92, %div3A : vector<16xi32>
    %sign3A = arith.constant 0 : i32
    %sign3A_94 = vector.broadcast %sign3A : i32 to vector<16xi32>
    %sign3A_95 = arith.cmpi sgt, %add3A_92, %sign3A_94 : vector<16xi32>
    %sign3A_96 = arith.extui %sign3A_95 : vector<16xi1> to vector<16xi32>
    %sign3A_97 = arith.constant 0 : i32
    %sign3A_98 = vector.broadcast %sign3A_97 : i32 to vector<16xi32>
    %sign3A_99 = arith.cmpi slt, %add3A_92, %sign3A_98 : vector<16xi32>
    %sign3A_100 = arith.extui %sign3A_99 : vector<16xi1> to vector<16xi32>
    %sign3A_101 = arith.subi %sign3A_96, %sign3A_100 : vector<16xi32>
    %sign3A_102 = arith.constant 0 : i32
    %sign3A_103 = arith.cmpi sgt, %jit3A, %sign3A_102 : i32
    %sign3A_104 = arith.extui %sign3A_103 : i1 to i32
    %sign3A_105 = arith.constant 0 : i32
    %sign3A_106 = arith.cmpi slt, %jit3A, %sign3A_105 : i32
    %sign3A_107 = arith.extui %sign3A_106 : i1 to i32
    %sign3A_108 = arith.subi %sign3A_104, %sign3A_107 : i32
    %ne3A = vector.broadcast %sign3A_108 : i32 to vector<16xi32>
    %ne3A_109 = arith.cmpi ne, %sign3A_101, %ne3A : vector<16xi32>
    %rem3A = vector.broadcast %jit3A : i32 to vector<16xi32>
    %rem3A_110 = arith.remsi %add3A_92, %rem3A : vector<16xi32>
    %ne3A_111 = arith.constant 0 : i32
    %ne3A_112 = vector.broadcast %ne3A_111 : i32 to vector<16xi32>
    %ne3A_113 = arith.cmpi ne, %rem3A_110, %ne3A_112 : vector<16xi32>
    %and3A = arith.andi %ne3A_109, %ne3A_113 : vector<16xi1>
    %sub3A = arith.constant 1 : i32
    %sub3A_114 = vector.broadcast %sub3A : i32 to vector<16xi32>
    %sub3A_115 = arith.subi %div3A_93, %sub3A_114 : vector<16xi32>
    %select_n3A_116 = arith.select %and3A, %sub3A_115, %div3A_93 : vector<16xi1>, vector<16xi32>
    %mul3A_117 = arith.constant 128 : i32
    %mul3A_118 = vector.broadcast %mul3A_117 : i32 to vector<16xi32>
    %mul3A_119 = arith.muli %select_n3A_116, %mul3A_118 : vector<16xi32>
    %broadcast_in_dim3A_120 = arith.constant true
    %broadcast_in_dim3A_121 = vector.broadcast %broadcast_in_dim3A_120 : i1 to vector<16xi1>
    %masked_cumsum3A = tpu.scan <sum>, %mul3A_119 masked %broadcast_in_dim3A_121 : vector<16xi32>, vector<16xi1> -> vector<16xi32>
    %sub3A_122 = arith.subi %masked_cumsum3A, %mul3A_119 : vector<16xi32>
    %swap3A = arith.constant 0 : index
    %swap3A_123 = tpu.vector_load %arg13[%swap3A] {strides = array<i32>} : memref<16xi32, #tpu.memory_space<vmem>>, vector<16xi32>,
    tpu.vector_store %arg13[%swap3A], %sub3A_122 {strides = array<i32>} : memref<16xi32, #tpu.memory_space<vmem>>, vector<16xi32>,
    %eq3A_124 = arith.constant 0 : i32
    %eq3A_125 = arith.cmpi eq, %add3A, %eq3A_124 : i32
    %convert_element_type3A = arith.extui %eq3A_125 : i1 to i32
    %cond3A = arith.constant 0 : i32
    %cond3A_126 = arith.cmpi ne, %convert_element_type3A, %cond3A : i32
    scf.if %cond3A_126 {
      %jit3A_985 = arith.constant 128 : i32
      %div3A_986 = vector.broadcast %jit3A_985 : i32 to vector<16xi32>
      %div3A_987 = arith.divsi %masked_cumsum3A, %div3A_986 : vector<16xi32>
      %sign3A_988 = arith.constant 0 : i32
      %sign3A_989 = vector.broadcast %sign3A_988 : i32 to vector<16xi32>
      %sign3A_990 = arith.cmpi sgt, %masked_cumsum3A, %sign3A_989 : vector<16xi32>
      %sign3A_991 = arith.extui %sign3A_990 : vector<16xi1> to vector<16xi32>
      %sign3A_992 = arith.constant 0 : i32
      %sign3A_993 = vector.broadcast %sign3A_992 : i32 to vector<16xi32>
      %sign3A_994 = arith.cmpi slt, %masked_cumsum3A, %sign3A_993 : vector<16xi32>
      %sign3A_995 = arith.extui %sign3A_994 : vector<16xi1> to vector<16xi32>
      %sign3A_996 = arith.subi %sign3A_991, %sign3A_995 : vector<16xi32>
      %sign3A_997 = arith.constant 0 : i32
      %sign3A_998 = arith.cmpi sgt, %jit3A_985, %sign3A_997 : i32
      %sign3A_999 = arith.extui %sign3A_998 : i1 to i32
      %sign3A_1000 = arith.constant 0 : i32
      %sign3A_1001 = arith.cmpi slt, %jit3A_985, %sign3A_1000 : i32
      %sign3A_1002 = arith.extui %sign3A_1001 : i1 to i32
      %sign3A_1003 = arith.subi %sign3A_999, %sign3A_1002 : i32
      %ne3A_1004 = vector.broadcast %sign3A_1003 : i32 to vector<16xi32>
      %ne3A_1005 = arith.cmpi ne, %sign3A_996, %ne3A_1004 : vector<16xi32>
      %rem3A_1006 = vector.broadcast %jit3A_985 : i32 to vector<16xi32>
      %rem3A_1007 = arith.remsi %masked_cumsum3A, %rem3A_1006 : vector<16xi32>
      %ne3A_1008 = arith.constant 0 : i32
      %ne3A_1009 = vector.broadcast %ne3A_1008 : i32 to vector<16xi32>
      %ne3A_1010 = arith.cmpi ne, %rem3A_1007, %ne3A_1009 : vector<16xi32>
      %and3A_1011 = arith.andi %ne3A_1005, %ne3A_1010 : vector<16xi1>
      %sub3A_1012 = arith.constant 1 : i32
      %sub3A_1013 = vector.broadcast %sub3A_1012 : i32 to vector<16xi32>
      %sub3A_1014 = arith.subi %div3A_987, %sub3A_1013 : vector<16xi32>
      %select_n3A_1015 = arith.select %and3A_1011, %sub3A_1014, %div3A_987 : vector<16xi1>, vector<16xi32>
      %swap3A_1016 = arith.constant 0 : i32
      %swap3A_1017 = arith.index_cast %swap3A_1016 : i32 to index
      %swap3A_1018 = arith.constant 0 : index
      %swap3A_1019 = tpu.vector_load %arg11[%swap3A_1017, %swap3A_1018] {strides = array<i32>} : memref<8x16xi32, #tpu.memory_space<vmem>>, vector<16xi32>,
      tpu.vector_store %arg11[%swap3A_1017, %swap3A_1018], %select_n3A_1015 {strides = array<i32>} : memref<8x16xi32, #tpu.memory_space<vmem>>, vector<16xi32>,
      %run_scoped3A = arith.constant 0 : i32
      "tpu.region"() ({
        %run_scoped3A_1020 = tpu.sem_alloc : memref<!tpu.dma_semaphore, #tpu.memory_space<semaphore_mem>>
        %dma_start3A_1021 = arith.constant 0 : i32
        %dma_start3A_1022 = tpu.memref_slice %arg11[%run_scoped3A, %dma_start3A_1021] : memref<8x16xi32, #tpu.memory_space<vmem>> -> memref<1x16xi32, #tpu.memory_space<vmem>>
        %dma_start3A_1023 = tpu.memref_squeeze %dma_start3A_1022 : memref<1x16xi32, #tpu.memory_space<vmem>> -> memref<16xi32, #tpu.memory_space<vmem>>
        %dma_start3A_1024 = arith.constant 0 : i32
        %dma_start3A_1025 = tpu.memref_slice %arg11[%run_scoped3A, %dma_start3A_1024] : memref<8x16xi32, #tpu.memory_space<vmem>> -> memref<1x16xi32, #tpu.memory_space<vmem>>
        %dma_start3A_1026 = tpu.memref_squeeze %dma_start3A_1025 : memref<1x16xi32, #tpu.memory_space<vmem>> -> memref<16xi32, #tpu.memory_space<vmem>>
        tpu.enqueue_dma source(%dma_start3A_1026 : memref<16xi32, #tpu.memory_space<vmem>>) target(%arg7 : memref<16xi32, #tpu.memory_space<hbm>>) target_semaphore(%run_scoped3A_1020 : memref<!tpu.dma_semaphore, #tpu.memory_space<semaphore_mem>>)
        %dma_wait3A_1027 = arith.constant 0 : i32
        %dma_wait3A_1028 = tpu.memref_slice %arg11[%run_scoped3A, %dma_wait3A_1027] : memref<8x16xi32, #tpu.memory_space<vmem>> -> memref<1x16xi32, #tpu.memory_space<vmem>>
        %dma_wait3A_1029 = tpu.memref_squeeze %dma_wait3A_1028 : memref<1x16xi32, #tpu.memory_space<vmem>> -> memref<16xi32, #tpu.memory_space<vmem>>
        %dma_wait3A_1030 = arith.constant 0 : i32
        %dma_wait3A_1031 = tpu.memref_slice %arg11[%run_scoped3A, %dma_wait3A_1030] : memref<8x16xi32, #tpu.memory_space<vmem>> -> memref<1x16xi32, #tpu.memory_space<vmem>>
        %dma_wait3A_1032 = tpu.memref_squeeze %dma_wait3A_1031 : memref<1x16xi32, #tpu.memory_space<vmem>> -> memref<16xi32, #tpu.memory_space<vmem>>
        tpu.wait_dma2 semaphore(%run_scoped3A_1020 : memref<!tpu.dma_semaphore, #tpu.memory_space<semaphore_mem>>) src(%dma_wait3A_1032 : memref<16xi32, #tpu.memory_space<vmem>>) dst(%arg7 : memref<16xi32, #tpu.memory_space<hbm>>)
        tpu.yield
      }) : () -> ()
    } else {
    }
    %mul3A_127 = arith.constant 8 : i32
    %mul3A_128 = arith.muli %add3A, %mul3A_127 : i32
    %add3A_129 = arith.constant 0 : i32
    %add3A_130 = arith.addi %mul3A_128, %add3A_129 : i32
    %get3A = arith.index_cast %add3A_130 : i32 to index
    %get3A_131 = arith.constant 0 : index
    %get3A_132 = tpu.vector_load %arg8[%get3A, %get3A_131] {strides = array<i32>} : memref<256x16xi32, #tpu.memory_space<vmem>>, vector<16xi32>,
    %get3A_133 = arith.index_cast %add3A_130 : i32 to index
    %get3A_134 = arith.constant 0 : index
    %get3A_135 = tpu.vector_load %arg9[%get3A_133, %get3A_134] {strides = array<i32>} : memref<256x16xi32, #tpu.memory_space<vmem>>, vector<16xi32>,
    %gather3A = tpu.vector_load_idx %arg13[%get3A_132] : memref<16xi32, #tpu.memory_space<vmem>>[vector<16xi32>], vector<16xi32>,
    %add3A_136 = arith.addi %gather3A, %get3A_135 : vector<16xi32>
    %swap3A_137 = arith.constant 0 : i32
    %swap3A_138 = arith.index_cast %swap3A_137 : i32 to index
    %swap3A_139 = arith.constant 0 : index
    %swap3A_140 = tpu.vector_load %arg11[%swap3A_138, %swap3A_139] {strides = array<i32>} : memref<8x16xi32, #tpu.memory_space<vmem>>, vector<16xi32>,
    tpu.vector_store %arg11[%swap3A_138, %swap3A_139], %add3A_136 {strides = array<i32>} : memref<8x16xi32, #tpu.memory_space<vmem>>, vector<16xi32>,
    %mul3A_141 = arith.constant 8 : i32
    %mul3A_142 = arith.muli %add3A, %mul3A_141 : i32
    %add3A_143 = arith.constant 1 : i32
    %add3A_144 = arith.addi %mul3A_142, %add3A_143 : i32
    %get3A_145 = arith.index_cast %add3A_144 : i32 to index
    %get3A_146 = arith.constant 0 : index
    %get3A_147 = tpu.vector_load %arg8[%get3A_145, %get3A_146] {strides = array<i32>} : memref<256x16xi32, #tpu.memory_space<vmem>>, vector<16xi32>,
    %get3A_148 = arith.index_cast %add3A_144 : i32 to index
    %get3A_149 = arith.constant 0 : index
    %get3A_150 = tpu.vector_load %arg9[%get3A_148, %get3A_149] {strides = array<i32>} : memref<256x16xi32, #tpu.memory_space<vmem>>, vector<16xi32>,
    %gather3A_151 = tpu.vector_load_idx %arg13[%get3A_147] : memref<16xi32, #tpu.memory_space<vmem>>[vector<16xi32>], vector<16xi32>,
    %add3A_152 = arith.addi %gather3A_151, %get3A_150 : vector<16xi32>
    %swap3A_153 = arith.constant 1 : i32
    %swap3A_154 = arith.index_cast %swap3A_153 : i32 to index
    %swap3A_155 = arith.constant 0 : index
    %swap3A_156 = tpu.vector_load %arg11[%swap3A_154, %swap3A_155] {strides = array<i32>} : memref<8x16xi32, #tpu.memory_space<vmem>>, vector<16xi32>,
    tpu.vector_store %arg11[%swap3A_154, %swap3A_155], %add3A_152 {strides = array<i32>} : memref<8x16xi32, #tpu.memory_space<vmem>>, vector<16xi32>,
    %mul3A_157 = arith.constant 8 : i32
    %mul3A_158 = arith.muli %add3A, %mul3A_157 : i32
    %add3A_159 = arith.constant 2 : i32
    %add3A_160 = arith.addi %mul3A_158, %add3A_159 : i32
    %get3A_161 = arith.index_cast %add3A_160 : i32 to index
    %get3A_162 = arith.constant 0 : index
    %get3A_163 = tpu.vector_load %arg8[%get3A_161, %get3A_162] {strides = array<i32>} : memref<256x16xi32, #tpu.memory_space<vmem>>, vector<16xi32>,
    %get3A_164 = arith.index_cast %add3A_160 : i32 to index
    %get3A_165 = arith.constant 0 : index
    %get3A_166 = tpu.vector_load %arg9[%get3A_164, %get3A_165] {strides = array<i32>} : memref<256x16xi32, #tpu.memory_space<vmem>>, vector<16xi32>,
    %gather3A_167 = tpu.vector_load_idx %arg13[%get3A_163] : memref<16xi32, #tpu.memory_space<vmem>>[vector<16xi32>], vector<16xi32>,
    %add3A_168 = arith.addi %gather3A_167, %get3A_166 : vector<16xi32>
    %swap3A_169 = arith.constant 2 : i32
    %swap3A_170 = arith.index_cast %swap3A_169 : i32 to index
    %swap3A_171 = arith.constant 0 : index
    %swap3A_172 = tpu.vector_load %arg11[%swap3A_170, %swap3A_171] {strides = array<i32>} : memref<8x16xi32, #tpu.memory_space<vmem>>, vector<16xi32>,
    tpu.vector_store %arg11[%swap3A_170, %swap3A_171], %add3A_168 {strides = array<i32>} : memref<8x16xi32, #tpu.memory_space<vmem>>, vector<16xi32>,
    %mul3A_173 = arith.constant 8 : i32
    %mul3A_174 = arith.muli %add3A, %mul3A_173 : i32
    %add3A_175 = arith.constant 3 : i32
    %add3A_176 = arith.addi %mul3A_174, %add3A_175 : i32
    %get3A_177 = arith.index_cast %add3A_176 : i32 to index
    %get3A_178 = arith.constant 0 : index
    %get3A_179 = tpu.vector_load %arg8[%get3A_177, %get3A_178] {strides = array<i32>} : memref<256x16xi32, #tpu.memory_space<vmem>>, vector<16xi32>,
    %get3A_180 = arith.index_cast %add3A_176 : i32 to index
    %get3A_181 = arith.constant 0 : index
    %get3A_182 = tpu.vector_load %arg9[%get3A_180, %get3A_181] {strides = array<i32>} : memref<256x16xi32, #tpu.memory_space<vmem>>, vector<16xi32>,
    %gather3A_183 = tpu.vector_load_idx %arg13[%get3A_179] : memref<16xi32, #tpu.memory_space<vmem>>[vector<16xi32>], vector<16xi32>,
    %add3A_184 = arith.addi %gather3A_183, %get3A_182 : vector<16xi32>
    %swap3A_185 = arith.constant 3 : i32
    %swap3A_186 = arith.index_cast %swap3A_185 : i32 to index
    %swap3A_187 = arith.constant 0 : index
    %swap3A_188 = tpu.vector_load %arg11[%swap3A_186, %swap3A_187] {strides = array<i32>} : memref<8x16xi32, #tpu.memory_space<vmem>>, vector<16xi32>,
    tpu.vector_store %arg11[%swap3A_186, %swap3A_187], %add3A_184 {strides = array<i32>} : memref<8x16xi32, #tpu.memory_space<vmem>>, vector<16xi32>,
    %mul3A_189 = arith.constant 8 : i32
    %mul3A_190 = arith.muli %add3A, %mul3A_189 : i32
    %add3A_191 = arith.constant 4 : i32
    %add3A_192 = arith.addi %mul3A_190, %add3A_191 : i32
    %get3A_193 = arith.index_cast %add3A_192 : i32 to index
    %get3A_194 = arith.constant 0 : index
    %get3A_195 = tpu.vector_load %arg8[%get3A_193, %get3A_194] {strides = array<i32>} : memref<256x16xi32, #tpu.memory_space<vmem>>, vector<16xi32>,
    %get3A_196 = arith.index_cast %add3A_192 : i32 to index
    %get3A_197 = arith.constant 0 : index
    %get3A_198 = tpu.vector_load %arg9[%get3A_196, %get3A_197] {strides = array<i32>} : memref<256x16xi32, #tpu.memory_space<vmem>>, vector<16xi32>,
    %gather3A_199 = tpu.vector_load_idx %arg13[%get3A_195] : memref<16xi32, #tpu.memory_space<vmem>>[vector<16xi32>], vector<16xi32>,
    %add3A_200 = arith.addi %gather3A_199, %get3A_198 : vector<16xi32>
    %swap3A_201 = arith.constant 4 : i32
    %swap3A_202 = arith.index_cast %swap3A_201 : i32 to index
    %swap3A_203 = arith.constant 0 : index
    %swap3A_204 = tpu.vector_load %arg11[%swap3A_202, %swap3A_203] {strides = array<i32>} : memref<8x16xi32, #tpu.memory_space<vmem>>, vector<16xi32>,
    tpu.vector_store %arg11[%swap3A_202, %swap3A_203], %add3A_200 {strides = array<i32>} : memref<8x16xi32, #tpu.memory_space<vmem>>, vector<16xi32>,
    %mul3A_205 = arith.constant 8 : i32
    %mul3A_206 = arith.muli %add3A, %mul3A_205 : i32
    %add3A_207 = arith.constant 5 : i32
    %add3A_208 = arith.addi %mul3A_206, %add3A_207 : i32
    %get3A_209 = arith.index_cast %add3A_208 : i32 to index
    %get3A_210 = arith.constant 0 : index
    %get3A_211 = tpu.vector_load %arg8[%get3A_209, %get3A_210] {strides = array<i32>} : memref<256x16xi32, #tpu.memory_space<vmem>>, vector<16xi32>,
    %get3A_212 = arith.index_cast %add3A_208 : i32 to index
    %get3A_213 = arith.constant 0 : index
    %get3A_214 = tpu.vector_load %arg9[%get3A_212, %get3A_213] {strides = array<i32>} : memref<256x16xi32, #tpu.memory_space<vmem>>, vector<16xi32>,
    %gather3A_215 = tpu.vector_load_idx %arg13[%get3A_211] : memref<16xi32, #tpu.memory_space<vmem>>[vector<16xi32>], vector<16xi32>,
    %add3A_216 = arith.addi %gather3A_215, %get3A_214 : vector<16xi32>
    %swap3A_217 = arith.constant 5 : i32
    %swap3A_218 = arith.index_cast %swap3A_217 : i32 to index
    %swap3A_219 = arith.constant 0 : index
    %swap3A_220 = tpu.vector_load %arg11[%swap3A_218, %swap3A_219] {strides = array<i32>} : memref<8x16xi32, #tpu.memory_space<vmem>>, vector<16xi32>,
    tpu.vector_store %arg11[%swap3A_218, %swap3A_219], %add3A_216 {strides = array<i32>} : memref<8x16xi32, #tpu.memory_space<vmem>>, vector<16xi32>,
    %mul3A_221 = arith.constant 8 : i32
    %mul3A_222 = arith.muli %add3A, %mul3A_221 : i32
    %add3A_223 = arith.constant 6 : i32
    %add3A_224 = arith.addi %mul3A_222, %add3A_223 : i32
    %get3A_225 = arith.index_cast %add3A_224 : i32 to index
    %get3A_226 = arith.constant 0 : index
    %get3A_227 = tpu.vector_load %arg8[%get3A_225, %get3A_226] {strides = array<i32>} : memref<256x16xi32, #tpu.memory_space<vmem>>, vector<16xi32>,
    %get3A_228 = arith.index_cast %add3A_224 : i32 to index
    %get3A_229 = arith.constant 0 : index
    %get3A_230 = tpu.vector_load %arg9[%get3A_228, %get3A_229] {strides = array<i32>} : memref<256x16xi32, #tpu.memory_space<vmem>>, vector<16xi32>,
    %gather3A_231 = tpu.vector_load_idx %arg13[%get3A_227] : memref<16xi32, #tpu.memory_space<vmem>>[vector<16xi32>], vector<16xi32>,
    %add3A_232 = arith.addi %gather3A_231, %get3A_230 : vector<16xi32>
    %swap3A_233 = arith.constant 6 : i32
    %swap3A_234 = arith.index_cast %swap3A_233 : i32 to index
    %swap3A_235 = arith.constant 0 : index
    %swap3A_236 = tpu.vector_load %arg11[%swap3A_234, %swap3A_235] {strides = array<i32>} : memref<8x16xi32, #tpu.memory_space<vmem>>, vector<16xi32>,
    tpu.vector_store %arg11[%swap3A_234, %swap3A_235], %add3A_232 {strides = array<i32>} : memref<8x16xi32, #tpu.memory_space<vmem>>, vector<16xi32>,
    %mul3A_237 = arith.constant 8 : i32
    %mul3A_238 = arith.muli %add3A, %mul3A_237 : i32
    %add3A_239 = arith.constant 7 : i32
    %add3A_240 = arith.addi %mul3A_238, %add3A_239 : i32
    %get3A_241 = arith.index_cast %add3A_240 : i32 to index
    %get3A_242 = arith.constant 0 : index
    %get3A_243 = tpu.vector_load %arg8[%get3A_241, %get3A_242] {strides = array<i32>} : memref<256x16xi32, #tpu.memory_space<vmem>>, vector<16xi32>,
    %get3A_244 = arith.index_cast %add3A_240 : i32 to index
    %get3A_245 = arith.constant 0 : index
    %get3A_246 = tpu.vector_load %arg9[%get3A_244, %get3A_245] {strides = array<i32>} : memref<256x16xi32, #tpu.memory_space<vmem>>, vector<16xi32>,
    %gather3A_247 = tpu.vector_load_idx %arg13[%get3A_243] : memref<16xi32, #tpu.memory_space<vmem>>[vector<16xi32>], vector<16xi32>,
    %add3A_248 = arith.addi %gather3A_247, %get3A_246 : vector<16xi32>
    %swap3A_249 = arith.constant 7 : i32
    %swap3A_250 = arith.index_cast %swap3A_249 : i32 to index
    %swap3A_251 = arith.constant 0 : index
    %swap3A_252 = tpu.vector_load %arg11[%swap3A_250, %swap3A_251] {strides = array<i32>} : memref<8x16xi32, #tpu.memory_space<vmem>>, vector<16xi32>,
    tpu.vector_store %arg11[%swap3A_250, %swap3A_251], %add3A_248 {strides = array<i32>} : memref<8x16xi32, #tpu.memory_space<vmem>>, vector<16xi32>,
    %broadcast_in_dim3A_253 = arith.constant 0 : i32
    %broadcast_in_dim3A_254 = vector.broadcast %broadcast_in_dim3A_253 : i32 to vector<16xi32>
    %jit3A_255 = arith.constant 8 : i32
    %div3A_256 = vector.broadcast %jit3A_255 : i32 to vector<16xi32>
    %div3A_257 = arith.divsi %iota3A, %div3A_256 : vector<16xi32>
    %sign3A_258 = arith.constant 0 : i32
    %sign3A_259 = vector.broadcast %sign3A_258 : i32 to vector<16xi32>
    %sign3A_260 = arith.cmpi sgt, %iota3A, %sign3A_259 : vector<16xi32>
    %sign3A_261 = arith.extui %sign3A_260 : vector<16xi1> to vector<16xi32>
    %sign3A_262 = arith.constant 0 : i32
    %sign3A_263 = vector.broadcast %sign3A_262 : i32 to vector<16xi32>
    %sign3A_264 = arith.cmpi slt, %iota3A, %sign3A_263 : vector<16xi32>
    %sign3A_265 = arith.extui %sign3A_264 : vector<16xi1> to vector<16xi32>
    %sign3A_266 = arith.subi %sign3A_261, %sign3A_265 : vector<16xi32>
    %sign3A_267 = arith.constant 0 : i32
    %sign3A_268 = arith.cmpi sgt, %jit3A_255, %sign3A_267 : i32
    %sign3A_269 = arith.extui %sign3A_268 : i1 to i32
    %sign3A_270 = arith.constant 0 : i32
    %sign3A_271 = arith.cmpi slt, %jit3A_255, %sign3A_270 : i32
    %sign3A_272 = arith.extui %sign3A_271 : i1 to i32
    %sign3A_273 = arith.subi %sign3A_269, %sign3A_272 : i32
    %ne3A_274 = vector.broadcast %sign3A_273 : i32 to vector<16xi32>
    %ne3A_275 = arith.cmpi ne, %sign3A_266, %ne3A_274 : vector<16xi32>
    %rem3A_276 = vector.broadcast %jit3A_255 : i32 to vector<16xi32>
    %rem3A_277 = arith.remsi %iota3A, %rem3A_276 : vector<16xi32>
    %ne3A_278 = arith.constant 0 : i32
    %ne3A_279 = vector.broadcast %ne3A_278 : i32 to vector<16xi32>
    %ne3A_280 = arith.cmpi ne, %rem3A_277, %ne3A_279 : vector<16xi32>
    %and3A_281 = arith.andi %ne3A_275, %ne3A_280 : vector<16xi1>
    %sub3A_282 = arith.constant 1 : i32
    %sub3A_283 = vector.broadcast %sub3A_282 : i32 to vector<16xi32>
    %sub3A_284 = arith.subi %div3A_257, %sub3A_283 : vector<16xi32>
    %select_n3A_285 = arith.select %and3A_281, %sub3A_284, %div3A_257 : vector<16xi1>, vector<16xi32>
    %add3A_286 = arith.addi %broadcast_in_dim3A_254, %select_n3A_285 : vector<16xi32>
    %mul3A_287 = arith.constant 2 : i32
    %mul3A_288 = vector.broadcast %mul3A_287 : i32 to vector<16xi32>
    %mul3A_289 = arith.muli %mul3A_288, %iota3A : vector<16xi32>
    %broadcast_in_dim3A_290 = arith.constant 16 : i32
    %broadcast_in_dim3A_291 = vector.broadcast %broadcast_in_dim3A_290 : i32 to vector<16xi32>
    %eq3A_292 = arith.constant 0 : i32
    %eq3A_293 = vector.broadcast %eq3A_292 : i32 to vector<16xi32>
    %eq3A_294 = arith.cmpi eq, %broadcast_in_dim3A_291, %eq3A_293 : vector<16xi32>
    %broadcast_in_dim3A_295 = arith.constant 1 : i32
    %broadcast_in_dim3A_296 = vector.broadcast %broadcast_in_dim3A_295 : i32 to vector<16xi32>
    %select_n3A_297 = arith.select %eq3A_294, %broadcast_in_dim3A_296, %broadcast_in_dim3A_291 : vector<16xi1>, vector<16xi32>
    %rem3A_298 = arith.remsi %mul3A_289, %select_n3A_297 : vector<16xi32>
    %ne3A_299 = arith.constant 0 : i32
    %ne3A_300 = vector.broadcast %ne3A_299 : i32 to vector<16xi32>
    %ne3A_301 = arith.cmpi ne, %rem3A_298, %ne3A_300 : vector<16xi32>
    %lt3A = arith.constant 0 : i32
    %lt3A_302 = vector.broadcast %lt3A : i32 to vector<16xi32>
    %lt3A_303 = arith.cmpi slt, %rem3A_298, %lt3A_302 : vector<16xi32>
    %lt3A_304 = arith.constant 0 : i32
    %lt3A_305 = vector.broadcast %lt3A_304 : i32 to vector<16xi32>
    %lt3A_306 = arith.cmpi slt, %select_n3A_297, %lt3A_305 : vector<16xi32>
    %ne3A_307 = arith.xori %lt3A_303, %lt3A_306 : vector<16xi1>
    %and3A_308 = arith.andi %ne3A_307, %ne3A_301 : vector<16xi1>
    %add3A_309 = arith.addi %rem3A_298, %select_n3A_297 : vector<16xi32>
    %select_n3A_310 = arith.select %and3A_308, %add3A_309, %rem3A_298 : vector<16xi1>, vector<16xi32>
    %gather3A_311 = tpu.vector_load_idx %arg11[%add3A_286, %select_n3A_310] : memref<8x16xi32, #tpu.memory_space<vmem>>[vector<16xi32>, vector<16xi32>], vector<16xi32>,
    %swap3A_312 = arith.constant 0 : i32
    %swap3A_313 = arith.index_cast %swap3A_312 : i32 to index
    %swap3A_314 = arith.constant 0 : index
    %swap3A_315 = tpu.vector_load %arg12[%swap3A_313, %swap3A_314] {strides = array<i32>} : memref<8x16xi32, #tpu.memory_space<vmem>>, vector<16xi32>,
    tpu.vector_store %arg12[%swap3A_313, %swap3A_314], %gather3A_311 {strides = array<i32>} : memref<8x16xi32, #tpu.memory_space<vmem>>, vector<16xi32>,
    %mul3A_316 = arith.constant 2 : i32
    %mul3A_317 = vector.broadcast %mul3A_316 : i32 to vector<16xi32>
    %mul3A_318 = arith.muli %mul3A_317, %iota3A : vector<16xi32>
    %add3A_319 = arith.addi %mul3A_318, %broadcast_in_dim3A_36 : vector<16xi32>
    %broadcast_in_dim3A_320 = arith.constant 16 : i32
    %broadcast_in_dim3A_321 = vector.broadcast %broadcast_in_dim3A_320 : i32 to vector<16xi32>
    %eq3A_322 = arith.constant 0 : i32
    %eq3A_323 = vector.broadcast %eq3A_322 : i32 to vector<16xi32>
    %eq3A_324 = arith.cmpi eq, %broadcast_in_dim3A_321, %eq3A_323 : vector<16xi32>
    %broadcast_in_dim3A_325 = arith.constant 1 : i32
    %broadcast_in_dim3A_326 = vector.broadcast %broadcast_in_dim3A_325 : i32 to vector<16xi32>
    %select_n3A_327 = arith.select %eq3A_324, %broadcast_in_dim3A_326, %broadcast_in_dim3A_321 : vector<16xi1>, vector<16xi32>
    %rem3A_328 = arith.remsi %add3A_319, %select_n3A_327 : vector<16xi32>
    %ne3A_329 = arith.constant 0 : i32
    %ne3A_330 = vector.broadcast %ne3A_329 : i32 to vector<16xi32>
    %ne3A_331 = arith.cmpi ne, %rem3A_328, %ne3A_330 : vector<16xi32>
    %lt3A_332 = arith.constant 0 : i32
    %lt3A_333 = vector.broadcast %lt3A_332 : i32 to vector<16xi32>
    %lt3A_334 = arith.cmpi slt, %rem3A_328, %lt3A_333 : vector<16xi32>
    %lt3A_335 = arith.constant 0 : i32
    %lt3A_336 = vector.broadcast %lt3A_335 : i32 to vector<16xi32>
    %lt3A_337 = arith.cmpi slt, %select_n3A_327, %lt3A_336 : vector<16xi32>
    %ne3A_338 = arith.xori %lt3A_334, %lt3A_337 : vector<16xi1>
    %and3A_339 = arith.andi %ne3A_338, %ne3A_331 : vector<16xi1>
    %add3A_340 = arith.addi %rem3A_328, %select_n3A_327 : vector<16xi32>
    %select_n3A_341 = arith.select %and3A_339, %add3A_340, %rem3A_328 : vector<16xi1>, vector<16xi32>
    %gather3A_342 = tpu.vector_load_idx %arg11[%add3A_286, %select_n3A_341] : memref<8x16xi32, #tpu.memory_space<vmem>>[vector<16xi32>, vector<16xi32>], vector<16xi32>,
    %swap3A_343 = arith.constant 4 : i32
    %swap3A_344 = arith.index_cast %swap3A_343 : i32 to index
    %swap3A_345 = arith.constant 0 : index
    %swap3A_346 = tpu.vector_load %arg12[%swap3A_344, %swap3A_345] {strides = array<i32>} : memref<8x16xi32, #tpu.memory_space<vmem>>, vector<16xi32>,
    tpu.vector_store %arg12[%swap3A_344, %swap3A_345], %gather3A_342 {strides = array<i32>} : memref<8x16xi32, #tpu.memory_space<vmem>>, vector<16xi32>,
    %broadcast_in_dim3A_347 = arith.constant 2 : i32
    %broadcast_in_dim3A_348 = vector.broadcast %broadcast_in_dim3A_347 : i32 to vector<16xi32>
    %jit3A_349 = arith.constant 8 : i32
    %div3A_350 = vector.broadcast %jit3A_349 : i32 to vector<16xi32>
    %div3A_351 = arith.divsi %iota3A, %div3A_350 : vector<16xi32>
    %sign3A_352 = arith.constant 0 : i32
    %sign3A_353 = vector.broadcast %sign3A_352 : i32 to vector<16xi32>
    %sign3A_354 = arith.cmpi sgt, %iota3A, %sign3A_353 : vector<16xi32>
    %sign3A_355 = arith.extui %sign3A_354 : vector<16xi1> to vector<16xi32>
    %sign3A_356 = arith.constant 0 : i32
    %sign3A_357 = vector.broadcast %sign3A_356 : i32 to vector<16xi32>
    %sign3A_358 = arith.cmpi slt, %iota3A, %sign3A_357 : vector<16xi32>
    %sign3A_359 = arith.extui %sign3A_358 : vector<16xi1> to vector<16xi32>
    %sign3A_360 = arith.subi %sign3A_355, %sign3A_359 : vector<16xi32>
    %sign3A_361 = arith.constant 0 : i32
    %sign3A_362 = arith.cmpi sgt, %jit3A_349, %sign3A_361 : i32
    %sign3A_363 = arith.extui %sign3A_362 : i1 to i32
    %sign3A_364 = arith.constant 0 : i32
    %sign3A_365 = arith.cmpi slt, %jit3A_349, %sign3A_364 : i32
    %sign3A_366 = arith.extui %sign3A_365 : i1 to i32
    %sign3A_367 = arith.subi %sign3A_363, %sign3A_366 : i32
    %ne3A_368 = vector.broadcast %sign3A_367 : i32 to vector<16xi32>
    %ne3A_369 = arith.cmpi ne, %sign3A_360, %ne3A_368 : vector<16xi32>
    %rem3A_370 = vector.broadcast %jit3A_349 : i32 to vector<16xi32>
    %rem3A_371 = arith.remsi %iota3A, %rem3A_370 : vector<16xi32>
    %ne3A_372 = arith.constant 0 : i32
    %ne3A_373 = vector.broadcast %ne3A_372 : i32 to vector<16xi32>
    %ne3A_374 = arith.cmpi ne, %rem3A_371, %ne3A_373 : vector<16xi32>
    %and3A_375 = arith.andi %ne3A_369, %ne3A_374 : vector<16xi1>
    %sub3A_376 = arith.constant 1 : i32
    %sub3A_377 = vector.broadcast %sub3A_376 : i32 to vector<16xi32>
    %sub3A_378 = arith.subi %div3A_351, %sub3A_377 : vector<16xi32>
    %select_n3A_379 = arith.select %and3A_375, %sub3A_378, %div3A_351 : vector<16xi1>, vector<16xi32>
    %add3A_380 = arith.addi %broadcast_in_dim3A_348, %select_n3A_379 : vector<16xi32>
    %mul3A_381 = arith.constant 2 : i32
    %mul3A_382 = vector.broadcast %mul3A_381 : i32 to vector<16xi32>
    %mul3A_383 = arith.muli %mul3A_382, %iota3A : vector<16xi32>
    %broadcast_in_dim3A_384 = arith.constant 16 : i32
    %broadcast_in_dim3A_385 = vector.broadcast %broadcast_in_dim3A_384 : i32 to vector<16xi32>
    %eq3A_386 = arith.constant 0 : i32
    %eq3A_387 = vector.broadcast %eq3A_386 : i32 to vector<16xi32>
    %eq3A_388 = arith.cmpi eq, %broadcast_in_dim3A_385, %eq3A_387 : vector<16xi32>
    %broadcast_in_dim3A_389 = arith.constant 1 : i32
    %broadcast_in_dim3A_390 = vector.broadcast %broadcast_in_dim3A_389 : i32 to vector<16xi32>
    %select_n3A_391 = arith.select %eq3A_388, %broadcast_in_dim3A_390, %broadcast_in_dim3A_385 : vector<16xi1>, vector<16xi32>
    %rem3A_392 = arith.remsi %mul3A_383, %select_n3A_391 : vector<16xi32>
    %ne3A_393 = arith.constant 0 : i32
    %ne3A_394 = vector.broadcast %ne3A_393 : i32 to vector<16xi32>
    %ne3A_395 = arith.cmpi ne, %rem3A_392, %ne3A_394 : vector<16xi32>
    %lt3A_396 = arith.constant 0 : i32
    %lt3A_397 = vector.broadcast %lt3A_396 : i32 to vector<16xi32>
    %lt3A_398 = arith.cmpi slt, %rem3A_392, %lt3A_397 : vector<16xi32>
    %lt3A_399 = arith.constant 0 : i32
    %lt3A_400 = vector.broadcast %lt3A_399 : i32 to vector<16xi32>
    %lt3A_401 = arith.cmpi slt, %select_n3A_391, %lt3A_400 : vector<16xi32>
    %ne3A_402 = arith.xori %lt3A_398, %lt3A_401 : vector<16xi1>
    %and3A_403 = arith.andi %ne3A_402, %ne3A_395 : vector<16xi1>
    %add3A_404 = arith.addi %rem3A_392, %select_n3A_391 : vector<16xi32>
    %select_n3A_405 = arith.select %and3A_403, %add3A_404, %rem3A_392 : vector<16xi1>, vector<16xi32>
    %gather3A_406 = tpu.vector_load_idx %arg11[%add3A_380, %select_n3A_405] : memref<8x16xi32, #tpu.memory_space<vmem>>[vector<16xi32>, vector<16xi32>], vector<16xi32>,
    %swap3A_407 = arith.constant 1 : i32
    %swap3A_408 = arith.index_cast %swap3A_407 : i32 to index
    %swap3A_409 = arith.constant 0 : index
    %swap3A_410 = tpu.vector_load %arg12[%swap3A_408, %swap3A_409] {strides = array<i32>} : memref<8x16xi32, #tpu.memory_space<vmem>>, vector<16xi32>,
    tpu.vector_store %arg12[%swap3A_408, %swap3A_409], %gather3A_406 {strides = array<i32>} : memref<8x16xi32, #tpu.memory_space<vmem>>, vector<16xi32>,
    %mul3A_411 = arith.constant 2 : i32
    %mul3A_412 = vector.broadcast %mul3A_411 : i32 to vector<16xi32>
    %mul3A_413 = arith.muli %mul3A_412, %iota3A : vector<16xi32>
    %add3A_414 = arith.addi %mul3A_413, %broadcast_in_dim3A_36 : vector<16xi32>
    %broadcast_in_dim3A_415 = arith.constant 16 : i32
    %broadcast_in_dim3A_416 = vector.broadcast %broadcast_in_dim3A_415 : i32 to vector<16xi32>
    %eq3A_417 = arith.constant 0 : i32
    %eq3A_418 = vector.broadcast %eq3A_417 : i32 to vector<16xi32>
    %eq3A_419 = arith.cmpi eq, %broadcast_in_dim3A_416, %eq3A_418 : vector<16xi32>
    %broadcast_in_dim3A_420 = arith.constant 1 : i32
    %broadcast_in_dim3A_421 = vector.broadcast %broadcast_in_dim3A_420 : i32 to vector<16xi32>
    %select_n3A_422 = arith.select %eq3A_419, %broadcast_in_dim3A_421, %broadcast_in_dim3A_416 : vector<16xi1>, vector<16xi32>
    %rem3A_423 = arith.remsi %add3A_414, %select_n3A_422 : vector<16xi32>
    %ne3A_424 = arith.constant 0 : i32
    %ne3A_425 = vector.broadcast %ne3A_424 : i32 to vector<16xi32>
    %ne3A_426 = arith.cmpi ne, %rem3A_423, %ne3A_425 : vector<16xi32>
    %lt3A_427 = arith.constant 0 : i32
    %lt3A_428 = vector.broadcast %lt3A_427 : i32 to vector<16xi32>
    %lt3A_429 = arith.cmpi slt, %rem3A_423, %lt3A_428 : vector<16xi32>
    %lt3A_430 = arith.constant 0 : i32
    %lt3A_431 = vector.broadcast %lt3A_430 : i32 to vector<16xi32>
    %lt3A_432 = arith.cmpi slt, %select_n3A_422, %lt3A_431 : vector<16xi32>
    %ne3A_433 = arith.xori %lt3A_429, %lt3A_432 : vector<16xi1>
    %and3A_434 = arith.andi %ne3A_433, %ne3A_426 : vector<16xi1>
    %add3A_435 = arith.addi %rem3A_423, %select_n3A_422 : vector<16xi32>
    %select_n3A_436 = arith.select %and3A_434, %add3A_435, %rem3A_423 : vector<16xi1>, vector<16xi32>
    %gather3A_437 = tpu.vector_load_idx %arg11[%add3A_380, %select_n3A_436] : memref<8x16xi32, #tpu.memory_space<vmem>>[vector<16xi32>, vector<16xi32>], vector<16xi32>,
    %swap3A_438 = arith.constant 5 : i32
    %swap3A_439 = arith.index_cast %swap3A_438 : i32 to index
    %swap3A_440 = arith.constant 0 : index
    %swap3A_441 = tpu.vector_load %arg12[%swap3A_439, %swap3A_440] {strides = array<i32>} : memref<8x16xi32, #tpu.memory_space<vmem>>, vector<16xi32>,
    tpu.vector_store %arg12[%swap3A_439, %swap3A_440], %gather3A_437 {strides = array<i32>} : memref<8x16xi32, #tpu.memory_space<vmem>>, vector<16xi32>,
    %broadcast_in_dim3A_442 = arith.constant 4 : i32
    %broadcast_in_dim3A_443 = vector.broadcast %broadcast_in_dim3A_442 : i32 to vector<16xi32>
    %jit3A_444 = arith.constant 8 : i32
    %div3A_445 = vector.broadcast %jit3A_444 : i32 to vector<16xi32>
    %div3A_446 = arith.divsi %iota3A, %div3A_445 : vector<16xi32>
    %sign3A_447 = arith.constant 0 : i32
    %sign3A_448 = vector.broadcast %sign3A_447 : i32 to vector<16xi32>
    %sign3A_449 = arith.cmpi sgt, %iota3A, %sign3A_448 : vector<16xi32>
    %sign3A_450 = arith.extui %sign3A_449 : vector<16xi1> to vector<16xi32>
    %sign3A_451 = arith.constant 0 : i32
    %sign3A_452 = vector.broadcast %sign3A_451 : i32 to vector<16xi32>
    %sign3A_453 = arith.cmpi slt, %iota3A, %sign3A_452 : vector<16xi32>
    %sign3A_454 = arith.extui %sign3A_453 : vector<16xi1> to vector<16xi32>
    %sign3A_455 = arith.subi %sign3A_450, %sign3A_454 : vector<16xi32>
    %sign3A_456 = arith.constant 0 : i32
    %sign3A_457 = arith.cmpi sgt, %jit3A_444, %sign3A_456 : i32
    %sign3A_458 = arith.extui %sign3A_457 : i1 to i32
    %sign3A_459 = arith.constant 0 : i32
    %sign3A_460 = arith.cmpi slt, %jit3A_444, %sign3A_459 : i32
    %sign3A_461 = arith.extui %sign3A_460 : i1 to i32
    %sign3A_462 = arith.subi %sign3A_458, %sign3A_461 : i32
    %ne3A_463 = vector.broadcast %sign3A_462 : i32 to vector<16xi32>
    %ne3A_464 = arith.cmpi ne, %sign3A_455, %ne3A_463 : vector<16xi32>
    %rem3A_465 = vector.broadcast %jit3A_444 : i32 to vector<16xi32>
    %rem3A_466 = arith.remsi %iota3A, %rem3A_465 : vector<16xi32>
    %ne3A_467 = arith.constant 0 : i32
    %ne3A_468 = vector.broadcast %ne3A_467 : i32 to vector<16xi32>
    %ne3A_469 = arith.cmpi ne, %rem3A_466, %ne3A_468 : vector<16xi32>
    %and3A_470 = arith.andi %ne3A_464, %ne3A_469 : vector<16xi1>
    %sub3A_471 = arith.constant 1 : i32
    %sub3A_472 = vector.broadcast %sub3A_471 : i32 to vector<16xi32>
    %sub3A_473 = arith.subi %div3A_446, %sub3A_472 : vector<16xi32>
    %select_n3A_474 = arith.select %and3A_470, %sub3A_473, %div3A_446 : vector<16xi1>, vector<16xi32>
    %add3A_475 = arith.addi %broadcast_in_dim3A_443, %select_n3A_474 : vector<16xi32>
    %mul3A_476 = arith.constant 2 : i32
    %mul3A_477 = vector.broadcast %mul3A_476 : i32 to vector<16xi32>
    %mul3A_478 = arith.muli %mul3A_477, %iota3A : vector<16xi32>
    %broadcast_in_dim3A_479 = arith.constant 16 : i32
    %broadcast_in_dim3A_480 = vector.broadcast %broadcast_in_dim3A_479 : i32 to vector<16xi32>
    %eq3A_481 = arith.constant 0 : i32
    %eq3A_482 = vector.broadcast %eq3A_481 : i32 to vector<16xi32>
    %eq3A_483 = arith.cmpi eq, %broadcast_in_dim3A_480, %eq3A_482 : vector<16xi32>
    %broadcast_in_dim3A_484 = arith.constant 1 : i32
    %broadcast_in_dim3A_485 = vector.broadcast %broadcast_in_dim3A_484 : i32 to vector<16xi32>
    %select_n3A_486 = arith.select %eq3A_483, %broadcast_in_dim3A_485, %broadcast_in_dim3A_480 : vector<16xi1>, vector<16xi32>
    %rem3A_487 = arith.remsi %mul3A_478, %select_n3A_486 : vector<16xi32>
    %ne3A_488 = arith.constant 0 : i32
    %ne3A_489 = vector.broadcast %ne3A_488 : i32 to vector<16xi32>
    %ne3A_490 = arith.cmpi ne, %rem3A_487, %ne3A_489 : vector<16xi32>
    %lt3A_491 = arith.constant 0 : i32
    %lt3A_492 = vector.broadcast %lt3A_491 : i32 to vector<16xi32>
    %lt3A_493 = arith.cmpi slt, %rem3A_487, %lt3A_492 : vector<16xi32>
    %lt3A_494 = arith.constant 0 : i32
    %lt3A_495 = vector.broadcast %lt3A_494 : i32 to vector<16xi32>
    %lt3A_496 = arith.cmpi slt, %select_n3A_486, %lt3A_495 : vector<16xi32>
    %ne3A_497 = arith.xori %lt3A_493, %lt3A_496 : vector<16xi1>
    %and3A_498 = arith.andi %ne3A_497, %ne3A_490 : vector<16xi1>
    %add3A_499 = arith.addi %rem3A_487, %select_n3A_486 : vector<16xi32>
    %select_n3A_500 = arith.select %and3A_498, %add3A_499, %rem3A_487 : vector<16xi1>, vector<16xi32>
    %gather3A_501 = tpu.vector_load_idx %arg11[%add3A_475, %select_n3A_500] : memref<8x16xi32, #tpu.memory_space<vmem>>[vector<16xi32>, vector<16xi32>], vector<16xi32>,
    %swap3A_502 = arith.constant 2 : i32
    %swap3A_503 = arith.index_cast %swap3A_502 : i32 to index
    %swap3A_504 = arith.constant 0 : index
    %swap3A_505 = tpu.vector_load %arg12[%swap3A_503, %swap3A_504] {strides = array<i32>} : memref<8x16xi32, #tpu.memory_space<vmem>>, vector<16xi32>,
    tpu.vector_store %arg12[%swap3A_503, %swap3A_504], %gather3A_501 {strides = array<i32>} : memref<8x16xi32, #tpu.memory_space<vmem>>, vector<16xi32>,
    %mul3A_506 = arith.constant 2 : i32
    %mul3A_507 = vector.broadcast %mul3A_506 : i32 to vector<16xi32>
    %mul3A_508 = arith.muli %mul3A_507, %iota3A : vector<16xi32>
    %add3A_509 = arith.addi %mul3A_508, %broadcast_in_dim3A_36 : vector<16xi32>
    %broadcast_in_dim3A_510 = arith.constant 16 : i32
    %broadcast_in_dim3A_511 = vector.broadcast %broadcast_in_dim3A_510 : i32 to vector<16xi32>
    %eq3A_512 = arith.constant 0 : i32
    %eq3A_513 = vector.broadcast %eq3A_512 : i32 to vector<16xi32>
    %eq3A_514 = arith.cmpi eq, %broadcast_in_dim3A_511, %eq3A_513 : vector<16xi32>
    %broadcast_in_dim3A_515 = arith.constant 1 : i32
    %broadcast_in_dim3A_516 = vector.broadcast %broadcast_in_dim3A_515 : i32 to vector<16xi32>
    %select_n3A_517 = arith.select %eq3A_514, %broadcast_in_dim3A_516, %broadcast_in_dim3A_511 : vector<16xi1>, vector<16xi32>
    %rem3A_518 = arith.remsi %add3A_509, %select_n3A_517 : vector<16xi32>
    %ne3A_519 = arith.constant 0 : i32
    %ne3A_520 = vector.broadcast %ne3A_519 : i32 to vector<16xi32>
    %ne3A_521 = arith.cmpi ne, %rem3A_518, %ne3A_520 : vector<16xi32>
    %lt3A_522 = arith.constant 0 : i32
    %lt3A_523 = vector.broadcast %lt3A_522 : i32 to vector<16xi32>
    %lt3A_524 = arith.cmpi slt, %rem3A_518, %lt3A_523 : vector<16xi32>
    %lt3A_525 = arith.constant 0 : i32
    %lt3A_526 = vector.broadcast %lt3A_525 : i32 to vector<16xi32>
    %lt3A_527 = arith.cmpi slt, %select_n3A_517, %lt3A_526 : vector<16xi32>
    %ne3A_528 = arith.xori %lt3A_524, %lt3A_527 : vector<16xi1>
    %and3A_529 = arith.andi %ne3A_528, %ne3A_521 : vector<16xi1>
    %add3A_530 = arith.addi %rem3A_518, %select_n3A_517 : vector<16xi32>
    %select_n3A_531 = arith.select %and3A_529, %add3A_530, %rem3A_518 : vector<16xi1>, vector<16xi32>
    %gather3A_532 = tpu.vector_load_idx %arg11[%add3A_475, %select_n3A_531] : memref<8x16xi32, #tpu.memory_space<vmem>>[vector<16xi32>, vector<16xi32>], vector<16xi32>,
    %swap3A_533 = arith.constant 6 : i32
    %swap3A_534 = arith.index_cast %swap3A_533 : i32 to index
    %swap3A_535 = arith.constant 0 : index
    %swap3A_536 = tpu.vector_load %arg12[%swap3A_534, %swap3A_535] {strides = array<i32>} : memref<8x16xi32, #tpu.memory_space<vmem>>, vector<16xi32>,
    tpu.vector_store %arg12[%swap3A_534, %swap3A_535], %gather3A_532 {strides = array<i32>} : memref<8x16xi32, #tpu.memory_space<vmem>>, vector<16xi32>,
    %broadcast_in_dim3A_537 = arith.constant 6 : i32
    %broadcast_in_dim3A_538 = vector.broadcast %broadcast_in_dim3A_537 : i32 to vector<16xi32>
    %jit3A_539 = arith.constant 8 : i32
    %div3A_540 = vector.broadcast %jit3A_539 : i32 to vector<16xi32>
    %div3A_541 = arith.divsi %iota3A, %div3A_540 : vector<16xi32>
    %sign3A_542 = arith.constant 0 : i32
    %sign3A_543 = vector.broadcast %sign3A_542 : i32 to vector<16xi32>
    %sign3A_544 = arith.cmpi sgt, %iota3A, %sign3A_543 : vector<16xi32>
    %sign3A_545 = arith.extui %sign3A_544 : vector<16xi1> to vector<16xi32>
    %sign3A_546 = arith.constant 0 : i32
    %sign3A_547 = vector.broadcast %sign3A_546 : i32 to vector<16xi32>
    %sign3A_548 = arith.cmpi slt, %iota3A, %sign3A_547 : vector<16xi32>
    %sign3A_549 = arith.extui %sign3A_548 : vector<16xi1> to vector<16xi32>
    %sign3A_550 = arith.subi %sign3A_545, %sign3A_549 : vector<16xi32>
    %sign3A_551 = arith.constant 0 : i32
    %sign3A_552 = arith.cmpi sgt, %jit3A_539, %sign3A_551 : i32
    %sign3A_553 = arith.extui %sign3A_552 : i1 to i32
    %sign3A_554 = arith.constant 0 : i32
    %sign3A_555 = arith.cmpi slt, %jit3A_539, %sign3A_554 : i32
    %sign3A_556 = arith.extui %sign3A_555 : i1 to i32
    %sign3A_557 = arith.subi %sign3A_553, %sign3A_556 : i32
    %ne3A_558 = vector.broadcast %sign3A_557 : i32 to vector<16xi32>
    %ne3A_559 = arith.cmpi ne, %sign3A_550, %ne3A_558 : vector<16xi32>
    %rem3A_560 = vector.broadcast %jit3A_539 : i32 to vector<16xi32>
    %rem3A_561 = arith.remsi %iota3A, %rem3A_560 : vector<16xi32>
    %ne3A_562 = arith.constant 0 : i32
    %ne3A_563 = vector.broadcast %ne3A_562 : i32 to vector<16xi32>
    %ne3A_564 = arith.cmpi ne, %rem3A_561, %ne3A_563 : vector<16xi32>
    %and3A_565 = arith.andi %ne3A_559, %ne3A_564 : vector<16xi1>
    %sub3A_566 = arith.constant 1 : i32
    %sub3A_567 = vector.broadcast %sub3A_566 : i32 to vector<16xi32>
    %sub3A_568 = arith.subi %div3A_541, %sub3A_567 : vector<16xi32>
    %select_n3A_569 = arith.select %and3A_565, %sub3A_568, %div3A_541 : vector<16xi1>, vector<16xi32>
    %add3A_570 = arith.addi %broadcast_in_dim3A_538, %select_n3A_569 : vector<16xi32>
    %mul3A_571 = arith.constant 2 : i32
    %mul3A_572 = vector.broadcast %mul3A_571 : i32 to vector<16xi32>
    %mul3A_573 = arith.muli %mul3A_572, %iota3A : vector<16xi32>
    %broadcast_in_dim3A_574 = arith.constant 16 : i32
    %broadcast_in_dim3A_575 = vector.broadcast %broadcast_in_dim3A_574 : i32 to vector<16xi32>
    %eq3A_576 = arith.constant 0 : i32
    %eq3A_577 = vector.broadcast %eq3A_576 : i32 to vector<16xi32>
    %eq3A_578 = arith.cmpi eq, %broadcast_in_dim3A_575, %eq3A_577 : vector<16xi32>
    %broadcast_in_dim3A_579 = arith.constant 1 : i32
    %broadcast_in_dim3A_580 = vector.broadcast %broadcast_in_dim3A_579 : i32 to vector<16xi32>
    %select_n3A_581 = arith.select %eq3A_578, %broadcast_in_dim3A_580, %broadcast_in_dim3A_575 : vector<16xi1>, vector<16xi32>
    %rem3A_582 = arith.remsi %mul3A_573, %select_n3A_581 : vector<16xi32>
    %ne3A_583 = arith.constant 0 : i32
    %ne3A_584 = vector.broadcast %ne3A_583 : i32 to vector<16xi32>
    %ne3A_585 = arith.cmpi ne, %rem3A_582, %ne3A_584 : vector<16xi32>
    %lt3A_586 = arith.constant 0 : i32
    %lt3A_587 = vector.broadcast %lt3A_586 : i32 to vector<16xi32>
    %lt3A_588 = arith.cmpi slt, %rem3A_582, %lt3A_587 : vector<16xi32>
    %lt3A_589 = arith.constant 0 : i32
    %lt3A_590 = vector.broadcast %lt3A_589 : i32 to vector<16xi32>
    %lt3A_591 = arith.cmpi slt, %select_n3A_581, %lt3A_590 : vector<16xi32>
    %ne3A_592 = arith.xori %lt3A_588, %lt3A_591 : vector<16xi1>
    %and3A_593 = arith.andi %ne3A_592, %ne3A_585 : vector<16xi1>
    %add3A_594 = arith.addi %rem3A_582, %select_n3A_581 : vector<16xi32>
    %select_n3A_595 = arith.select %and3A_593, %add3A_594, %rem3A_582 : vector<16xi1>, vector<16xi32>
    %gather3A_596 = tpu.vector_load_idx %arg11[%add3A_570, %select_n3A_595] : memref<8x16xi32, #tpu.memory_space<vmem>>[vector<16xi32>, vector<16xi32>], vector<16xi32>,
    %swap3A_597 = arith.constant 3 : i32
    %swap3A_598 = arith.index_cast %swap3A_597 : i32 to index
    %swap3A_599 = arith.constant 0 : index
    %swap3A_600 = tpu.vector_load %arg12[%swap3A_598, %swap3A_599] {strides = array<i32>} : memref<8x16xi32, #tpu.memory_space<vmem>>, vector<16xi32>,
    tpu.vector_store %arg12[%swap3A_598, %swap3A_599], %gather3A_596 {strides = array<i32>} : memref<8x16xi32, #tpu.memory_space<vmem>>, vector<16xi32>,
    %mul3A_601 = arith.constant 2 : i32
    %mul3A_602 = vector.broadcast %mul3A_601 : i32 to vector<16xi32>
    %mul3A_603 = arith.muli %mul3A_602, %iota3A : vector<16xi32>
    %add3A_604 = arith.addi %mul3A_603, %broadcast_in_dim3A_36 : vector<16xi32>
    %broadcast_in_dim3A_605 = arith.constant 16 : i32
    %broadcast_in_dim3A_606 = vector.broadcast %broadcast_in_dim3A_605 : i32 to vector<16xi32>
    %eq3A_607 = arith.constant 0 : i32
    %eq3A_608 = vector.broadcast %eq3A_607 : i32 to vector<16xi32>
    %eq3A_609 = arith.cmpi eq, %broadcast_in_dim3A_606, %eq3A_608 : vector<16xi32>
    %broadcast_in_dim3A_610 = arith.constant 1 : i32
    %broadcast_in_dim3A_611 = vector.broadcast %broadcast_in_dim3A_610 : i32 to vector<16xi32>
    %select_n3A_612 = arith.select %eq3A_609, %broadcast_in_dim3A_611, %broadcast_in_dim3A_606 : vector<16xi1>, vector<16xi32>
    %rem3A_613 = arith.remsi %add3A_604, %select_n3A_612 : vector<16xi32>
    %ne3A_614 = arith.constant 0 : i32
    %ne3A_615 = vector.broadcast %ne3A_614 : i32 to vector<16xi32>
    %ne3A_616 = arith.cmpi ne, %rem3A_613, %ne3A_615 : vector<16xi32>
    %lt3A_617 = arith.constant 0 : i32
    %lt3A_618 = vector.broadcast %lt3A_617 : i32 to vector<16xi32>
    %lt3A_619 = arith.cmpi slt, %rem3A_613, %lt3A_618 : vector<16xi32>
    %lt3A_620 = arith.constant 0 : i32
    %lt3A_621 = vector.broadcast %lt3A_620 : i32 to vector<16xi32>
    %lt3A_622 = arith.cmpi slt, %select_n3A_612, %lt3A_621 : vector<16xi32>
    %ne3A_623 = arith.xori %lt3A_619, %lt3A_622 : vector<16xi1>
    %and3A_624 = arith.andi %ne3A_623, %ne3A_616 : vector<16xi1>
    %add3A_625 = arith.addi %rem3A_613, %select_n3A_612 : vector<16xi32>
    %select_n3A_626 = arith.select %and3A_624, %add3A_625, %rem3A_613 : vector<16xi1>, vector<16xi32>
    %gather3A_627 = tpu.vector_load_idx %arg11[%add3A_570, %select_n3A_626] : memref<8x16xi32, #tpu.memory_space<vmem>>[vector<16xi32>, vector<16xi32>], vector<16xi32>,
    %swap3A_628 = arith.constant 7 : i32
    %swap3A_629 = arith.index_cast %swap3A_628 : i32 to index
    %swap3A_630 = arith.constant 0 : index
    %swap3A_631 = tpu.vector_load %arg12[%swap3A_629, %swap3A_630] {strides = array<i32>} : memref<8x16xi32, #tpu.memory_space<vmem>>, vector<16xi32>,
    tpu.vector_store %arg12[%swap3A_629, %swap3A_630], %gather3A_627 {strides = array<i32>} : memref<8x16xi32, #tpu.memory_space<vmem>>, vector<16xi32>,
    %mul3A_632 = arith.constant 4 : i32
    %mul3A_633 = arith.muli %mul3A_632, %add3A : i32
    "tpu.region"() ({
      %run_scoped3A = tpu.sem_alloc : memref<!tpu.dma_semaphore, #tpu.memory_space<semaphore_mem>>
      %dma_start3A_985 = arith.constant 0 : i32
      %dma_start3A_986 = arith.constant 0 : i32
      %dma_start3A_987 = tpu.memref_slice %arg12[%dma_start3A_985, %dma_start3A_986] : memref<8x16xi32, #tpu.memory_space<vmem>> -> memref<4x16xi32, #tpu.memory_space<vmem>>
      %dma_start3A_988 = arith.constant 0 : i32
      %dma_start3A_989 = tpu.memref_slice %arg6[%mul3A_633, %dma_start3A_988] : memref<256x16xi32, #tpu.memory_space<hbm>> -> memref<4x16xi32, #tpu.memory_space<hbm>>
      %dma_start3A_990 = arith.constant 0 : i32
      %dma_start3A_991 = tpu.memref_slice %arg6[%mul3A_633, %dma_start3A_990] : memref<256x16xi32, #tpu.memory_space<hbm>> -> memref<4x16xi32, #tpu.memory_space<hbm>>
      %dma_start3A_992 = arith.constant 0 : i32
      %dma_start3A_993 = arith.constant 0 : i32
      %dma_start3A_994 = tpu.memref_slice %arg12[%dma_start3A_992, %dma_start3A_993] : memref<8x16xi32, #tpu.memory_space<vmem>> -> memref<4x16xi32, #tpu.memory_space<vmem>>
      tpu.enqueue_dma source(%dma_start3A_994 : memref<4x16xi32, #tpu.memory_space<vmem>>) target(%dma_start3A_991 : memref<4x16xi32, #tpu.memory_space<hbm>>) target_semaphore(%run_scoped3A : memref<!tpu.dma_semaphore, #tpu.memory_space<semaphore_mem>>)
      %dma_wait3A_995 = arith.constant 0 : i32
      %dma_wait3A_996 = arith.constant 0 : i32
      %dma_wait3A_997 = tpu.memref_slice %arg12[%dma_wait3A_995, %dma_wait3A_996] : memref<8x16xi32, #tpu.memory_space<vmem>> -> memref<4x16xi32, #tpu.memory_space<vmem>>
      %dma_wait3A_998 = arith.constant 0 : i32
      %dma_wait3A_999 = tpu.memref_slice %arg6[%mul3A_633, %dma_wait3A_998] : memref<256x16xi32, #tpu.memory_space<hbm>> -> memref<4x16xi32, #tpu.memory_space<hbm>>
      %dma_wait3A_1000 = arith.constant 0 : i32
      %dma_wait3A_1001 = tpu.memref_slice %arg6[%mul3A_633, %dma_wait3A_1000] : memref<256x16xi32, #tpu.memory_space<hbm>> -> memref<4x16xi32, #tpu.memory_space<hbm>>
      %dma_wait3A_1002 = arith.constant 0 : i32
      %dma_wait3A_1003 = arith.constant 0 : i32
      %dma_wait3A_1004 = tpu.memref_slice %arg12[%dma_wait3A_1002, %dma_wait3A_1003] : memref<8x16xi32, #tpu.memory_space<vmem>> -> memref<4x16xi32, #tpu.memory_space<vmem>>
      tpu.wait_dma2 semaphore(%run_scoped3A : memref<!tpu.dma_semaphore, #tpu.memory_space<semaphore_mem>>) src(%dma_wait3A_1004 : memref<4x16xi32, #tpu.memory_space<vmem>>) dst(%dma_wait3A_1001 : memref<4x16xi32, #tpu.memory_space<hbm>>)
      tpu.yield
    }) : () -> ()
    %mul3A_634 = arith.constant 4 : i32
    %mul3A_635 = arith.muli %mul3A_634, %add3A : i32
    %add3A_636 = arith.constant 128 : i32
    %add3A_637 = arith.addi %add3A_636, %mul3A_635 : i32
    "tpu.region"() ({
      %run_scoped3A = tpu.sem_alloc : memref<!tpu.dma_semaphore, #tpu.memory_space<semaphore_mem>>
      %dma_start3A_985 = arith.constant 4 : i32
      %dma_start3A_986 = arith.constant 0 : i32
      %dma_start3A_987 = tpu.memref_slice %arg12[%dma_start3A_985, %dma_start3A_986] : memref<8x16xi32, #tpu.memory_space<vmem>> -> memref<4x16xi32, #tpu.memory_space<vmem>>
      %dma_start3A_988 = arith.constant 0 : i32
      %dma_start3A_989 = tpu.memref_slice %arg6[%add3A_637, %dma_start3A_988] : memref<256x16xi32, #tpu.memory_space<hbm>> -> memref<4x16xi32, #tpu.memory_space<hbm>>
      %dma_start3A_990 = arith.constant 0 : i32
      %dma_start3A_991 = tpu.memref_slice %arg6[%add3A_637, %dma_start3A_990] : memref<256x16xi32, #tpu.memory_space<hbm>> -> memref<4x16xi32, #tpu.memory_space<hbm>>
      %dma_start3A_992 = arith.constant 4 : i32
      %dma_start3A_993 = arith.constant 0 : i32
      %dma_start3A_994 = tpu.memref_slice %arg12[%dma_start3A_992, %dma_start3A_993] : memref<8x16xi32, #tpu.memory_space<vmem>> -> memref<4x16xi32, #tpu.memory_space<vmem>>
      tpu.enqueue_dma source(%dma_start3A_994 : memref<4x16xi32, #tpu.memory_space<vmem>>) target(%dma_start3A_991 : memref<4x16xi32, #tpu.memory_space<hbm>>) target_semaphore(%run_scoped3A : memref<!tpu.dma_semaphore, #tpu.memory_space<semaphore_mem>>)
      %dma_wait3A_995 = arith.constant 4 : i32
      %dma_wait3A_996 = arith.constant 0 : i32
      %dma_wait3A_997 = tpu.memref_slice %arg12[%dma_wait3A_995, %dma_wait3A_996] : memref<8x16xi32, #tpu.memory_space<vmem>> -> memref<4x16xi32, #tpu.memory_space<vmem>>
      %dma_wait3A_998 = arith.constant 0 : i32
      %dma_wait3A_999 = tpu.memref_slice %arg6[%add3A_637, %dma_wait3A_998] : memref<256x16xi32, #tpu.memory_space<hbm>> -> memref<4x16xi32, #tpu.memory_space<hbm>>
      %dma_wait3A_1000 = arith.constant 0 : i32
      %dma_wait3A_1001 = tpu.memref_slice %arg6[%add3A_637, %dma_wait3A_1000] : memref<256x16xi32, #tpu.memory_space<hbm>> -> memref<4x16xi32, #tpu.memory_space<hbm>>
      %dma_wait3A_1002 = arith.constant 4 : i32
      %dma_wait3A_1003 = arith.constant 0 : i32
      %dma_wait3A_1004 = tpu.memref_slice %arg12[%dma_wait3A_1002, %dma_wait3A_1003] : memref<8x16xi32, #tpu.memory_space<vmem>> -> memref<4x16xi32, #tpu.memory_space<vmem>>
      tpu.wait_dma2 semaphore(%run_scoped3A : memref<!tpu.dma_semaphore, #tpu.memory_space<semaphore_mem>>) src(%dma_wait3A_1004 : memref<4x16xi32, #tpu.memory_space<vmem>>) dst(%dma_wait3A_1001 : memref<4x16xi32, #tpu.memory_space<hbm>>)
      tpu.yield
    }) : () -> ()
    %dma_wait3A = arith.constant 0 : i32
    %dma_wait3A_638 = arith.constant 0 : i32
    %dma_wait3A_639 = arith.constant 0 : i32
    %dma_wait3A_640 = arith.constant 0 : i32
    %dma_wait3A_641 = tpu.memref_slice %arg14[%dma_wait3A_638, %dma_wait3A_639, %dma_wait3A_640] : memref<3x16x1024xf32, #tpu.memory_space<vmem>> -> memref<1x16x1024xf32, #tpu.memory_space<vmem>>
    %dma_wait3A_642 = tpu.memref_squeeze %dma_wait3A_641 : memref<1x16x1024xf32, #tpu.memory_space<vmem>> -> memref<16x1024xf32, #tpu.memory_space<vmem>>
    %dma_wait3A_643 = arith.constant 0 : i32
    %dma_wait3A_644 = tpu.memref_slice %arg10[%dma_wait3A, %dma_wait3A_643] : memref<8x16xi32, #tpu.memory_space<vmem>> -> memref<1x16xi32, #tpu.memory_space<vmem>>
    %dma_wait3A_645 = tpu.memref_squeeze %dma_wait3A_644 : memref<1x16xi32, #tpu.memory_space<vmem>> -> memref<16xi32, #tpu.memory_space<vmem>>
    %dma_wait3A_646 = arith.constant 0 : i32
    %dma_wait3A_647 = arith.constant 0 : i32
    %dma_wait3A_648 = tpu.memref_slice %arg4[%dma_wait3A_646, %dma_wait3A_647] : memref<2048x1024xf32, #tpu.memory_space<hbm>> -> memref<2048x1024xf32, #tpu.memory_space<hbm>>
    tpu.wait_indirect_dma semaphore(%arg15 : memref<!tpu.dma_semaphore, #tpu.memory_space<semaphore_mem>>) src(%dma_wait3A_648 : memref<2048x1024xf32, #tpu.memory_space<hbm>>) dst(%dma_wait3A_642 : memref<16x1024xf32, #tpu.memory_space<vmem>>)
    %dma_start3A_649 = arith.constant 0 : i32
    %dma_start3A_650 = arith.constant 0 : i32
    %dma_start3A_651 = arith.constant 0 : i32
    %dma_start3A_652 = arith.constant 0 : i32
    %dma_start3A_653 = tpu.memref_slice %arg14[%dma_start3A_649, %dma_start3A_651, %dma_start3A_652] : memref<3x16x1024xf32, #tpu.memory_space<vmem>> -> memref<1x16x1024xf32, #tpu.memory_space<vmem>>
    %dma_start3A_654 = tpu.memref_squeeze %dma_start3A_653 : memref<1x16x1024xf32, #tpu.memory_space<vmem>> -> memref<16x1024xf32, #tpu.memory_space<vmem>>
    %dma_start3A_655 = arith.constant 0 : i32
    %dma_start3A_656 = tpu.memref_slice %arg11[%dma_start3A_650, %dma_start3A_655] : memref<8x16xi32, #tpu.memory_space<vmem>> -> memref<1x16xi32, #tpu.memory_space<vmem>>
    %dma_start3A_657 = tpu.memref_squeeze %dma_start3A_656 : memref<1x16xi32, #tpu.memory_space<vmem>> -> memref<16xi32, #tpu.memory_space<vmem>>
    %dma_start3A_658 = arith.constant 0 : i32
    %dma_start3A_659 = arith.constant 0 : i32
    %dma_start3A_660 = tpu.memref_slice %arg5[%dma_start3A_658, %dma_start3A_659] : memref<5120x1024xf32, #tpu.memory_space<hbm>> -> memref<5120x1024xf32, #tpu.memory_space<hbm>>
    tpu.enqueue_indirect_dma source(%dma_start3A_654 : memref<16x1024xf32, #tpu.memory_space<vmem>>) target(%dma_start3A_660 : memref<5120x1024xf32, #tpu.memory_space<hbm>>) offsets(%dma_start3A_657 : memref<16xi32, #tpu.memory_space<vmem>>) semaphore(%arg16 : memref<!tpu.dma_semaphore, #tpu.memory_space<semaphore_mem>>)
    %dma_wait3A_661 = arith.constant 0 : i32
    %dma_wait3A_662 = arith.constant 0 : i32
    %dma_wait3A_663 = arith.constant 0 : i32
    %dma_wait3A_664 = arith.constant 0 : i32
    %dma_wait3A_665 = tpu.memref_slice %arg14[%dma_wait3A_661, %dma_wait3A_663, %dma_wait3A_664] : memref<3x16x1024xf32, #tpu.memory_space<vmem>> -> memref<1x16x1024xf32, #tpu.memory_space<vmem>>
    %dma_wait3A_666 = tpu.memref_squeeze %dma_wait3A_665 : memref<1x16x1024xf32, #tpu.memory_space<vmem>> -> memref<16x1024xf32, #tpu.memory_space<vmem>>
    %dma_wait3A_667 = arith.constant 0 : i32
    %dma_wait3A_668 = tpu.memref_slice %arg11[%dma_wait3A_662, %dma_wait3A_667] : memref<8x16xi32, #tpu.memory_space<vmem>> -> memref<1x16xi32, #tpu.memory_space<vmem>>
    %dma_wait3A_669 = tpu.memref_squeeze %dma_wait3A_668 : memref<1x16xi32, #tpu.memory_space<vmem>> -> memref<16xi32, #tpu.memory_space<vmem>>
    %dma_wait3A_670 = arith.constant 0 : i32
    %dma_wait3A_671 = arith.constant 0 : i32
    %dma_wait3A_672 = tpu.memref_slice %arg5[%dma_wait3A_670, %dma_wait3A_671] : memref<5120x1024xf32, #tpu.memory_space<hbm>> -> memref<5120x1024xf32, #tpu.memory_space<hbm>>
    tpu.wait_indirect_dma semaphore(%arg16 : memref<!tpu.dma_semaphore, #tpu.memory_space<semaphore_mem>>) src(%dma_wait3A_666 : memref<16x1024xf32, #tpu.memory_space<vmem>>) dst(%dma_wait3A_672 : memref<5120x1024xf32, #tpu.memory_space<hbm>>)
    %dma_start3A_673 = arith.constant 3 : i32
    %dma_start3A_674 = arith.constant 0 : i32
    %dma_start3A_675 = arith.constant 0 : i32
    %dma_start3A_676 = arith.constant 0 : i32
    %dma_start3A_677 = tpu.memref_slice %arg14[%dma_start3A_674, %dma_start3A_675, %dma_start3A_676] : memref<3x16x1024xf32, #tpu.memory_space<vmem>> -> memref<1x16x1024xf32, #tpu.memory_space<vmem>>
    %dma_start3A_678 = tpu.memref_squeeze %dma_start3A_677 : memref<1x16x1024xf32, #tpu.memory_space<vmem>> -> memref<16x1024xf32, #tpu.memory_space<vmem>>
    %dma_start3A_679 = arith.constant 0 : i32
    %dma_start3A_680 = tpu.memref_slice %arg10[%dma_start3A_673, %dma_start3A_679] : memref<8x16xi32, #tpu.memory_space<vmem>> -> memref<1x16xi32, #tpu.memory_space<vmem>>
    %dma_start3A_681 = tpu.memref_squeeze %dma_start3A_680 : memref<1x16xi32, #tpu.memory_space<vmem>> -> memref<16xi32, #tpu.memory_space<vmem>>
    %dma_start3A_682 = arith.constant 0 : i32
    %dma_start3A_683 = arith.constant 0 : i32
    %dma_start3A_684 = tpu.memref_slice %arg4[%dma_start3A_682, %dma_start3A_683] : memref<2048x1024xf32, #tpu.memory_space<hbm>> -> memref<2048x1024xf32, #tpu.memory_space<hbm>>
    tpu.enqueue_indirect_dma source(%dma_start3A_684 : memref<2048x1024xf32, #tpu.memory_space<hbm>>) target(%dma_start3A_678 : memref<16x1024xf32, #tpu.memory_space<vmem>>) offsets(%dma_start3A_681 : memref<16xi32, #tpu.memory_space<vmem>>) semaphore(%arg15 : memref<!tpu.dma_semaphore, #tpu.memory_space<semaphore_mem>>)
    %dma_wait3A_685 = arith.constant 1 : i32
    %dma_wait3A_686 = arith.constant 1 : i32
    %dma_wait3A_687 = arith.constant 0 : i32
    %dma_wait3A_688 = arith.constant 0 : i32
    %dma_wait3A_689 = tpu.memref_slice %arg14[%dma_wait3A_686, %dma_wait3A_687, %dma_wait3A_688] : memref<3x16x1024xf32, #tpu.memory_space<vmem>> -> memref<1x16x1024xf32, #tpu.memory_space<vmem>>
    %dma_wait3A_690 = tpu.memref_squeeze %dma_wait3A_689 : memref<1x16x1024xf32, #tpu.memory_space<vmem>> -> memref<16x1024xf32, #tpu.memory_space<vmem>>
    %dma_wait3A_691 = arith.constant 0 : i32
    %dma_wait3A_692 = tpu.memref_slice %arg10[%dma_wait3A_685, %dma_wait3A_691] : memref<8x16xi32, #tpu.memory_space<vmem>> -> memref<1x16xi32, #tpu.memory_space<vmem>>
    %dma_wait3A_693 = tpu.memref_squeeze %dma_wait3A_692 : memref<1x16xi32, #tpu.memory_space<vmem>> -> memref<16xi32, #tpu.memory_space<vmem>>
    %dma_wait3A_694 = arith.constant 0 : i32
    %dma_wait3A_695 = arith.constant 0 : i32
    %dma_wait3A_696 = tpu.memref_slice %arg4[%dma_wait3A_694, %dma_wait3A_695] : memref<2048x1024xf32, #tpu.memory_space<hbm>> -> memref<2048x1024xf32, #tpu.memory_space<hbm>>
    tpu.wait_indirect_dma semaphore(%arg15 : memref<!tpu.dma_semaphore, #tpu.memory_space<semaphore_mem>>) src(%dma_wait3A_696 : memref<2048x1024xf32, #tpu.memory_space<hbm>>) dst(%dma_wait3A_690 : memref<16x1024xf32, #tpu.memory_space<vmem>>)
    %dma_start3A_697 = arith.constant 1 : i32
    %dma_start3A_698 = arith.constant 1 : i32
    %dma_start3A_699 = arith.constant 0 : i32
    %dma_start3A_700 = arith.constant 0 : i32
    %dma_start3A_701 = tpu.memref_slice %arg14[%dma_start3A_697, %dma_start3A_699, %dma_start3A_700] : memref<3x16x1024xf32, #tpu.memory_space<vmem>> -> memref<1x16x1024xf32, #tpu.memory_space<vmem>>
    %dma_start3A_702 = tpu.memref_squeeze %dma_start3A_701 : memref<1x16x1024xf32, #tpu.memory_space<vmem>> -> memref<16x1024xf32, #tpu.memory_space<vmem>>
    %dma_start3A_703 = arith.constant 0 : i32
    %dma_start3A_704 = tpu.memref_slice %arg11[%dma_start3A_698, %dma_start3A_703] : memref<8x16xi32, #tpu.memory_space<vmem>> -> memref<1x16xi32, #tpu.memory_space<vmem>>
    %dma_start3A_705 = tpu.memref_squeeze %dma_start3A_704 : memref<1x16xi32, #tpu.memory_space<vmem>> -> memref<16xi32, #tpu.memory_space<vmem>>
    %dma_start3A_706 = arith.constant 0 : i32
    %dma_start3A_707 = arith.constant 0 : i32
    %dma_start3A_708 = tpu.memref_slice %arg5[%dma_start3A_706, %dma_start3A_707] : memref<5120x1024xf32, #tpu.memory_space<hbm>> -> memref<5120x1024xf32, #tpu.memory_space<hbm>>
    tpu.enqueue_indirect_dma source(%dma_start3A_702 : memref<16x1024xf32, #tpu.memory_space<vmem>>) target(%dma_start3A_708 : memref<5120x1024xf32, #tpu.memory_space<hbm>>) offsets(%dma_start3A_705 : memref<16xi32, #tpu.memory_space<vmem>>) semaphore(%arg16 : memref<!tpu.dma_semaphore, #tpu.memory_space<semaphore_mem>>)
    %dma_wait3A_709 = arith.constant 1 : i32
    %dma_wait3A_710 = arith.constant 1 : i32
    %dma_wait3A_711 = arith.constant 0 : i32
    %dma_wait3A_712 = arith.constant 0 : i32
    %dma_wait3A_713 = tpu.memref_slice %arg14[%dma_wait3A_709, %dma_wait3A_711, %dma_wait3A_712] : memref<3x16x1024xf32, #tpu.memory_space<vmem>> -> memref<1x16x1024xf32, #tpu.memory_space<vmem>>
    %dma_wait3A_714 = tpu.memref_squeeze %dma_wait3A_713 : memref<1x16x1024xf32, #tpu.memory_space<vmem>> -> memref<16x1024xf32, #tpu.memory_space<vmem>>
    %dma_wait3A_715 = arith.constant 0 : i32
    %dma_wait3A_716 = tpu.memref_slice %arg11[%dma_wait3A_710, %dma_wait3A_715] : memref<8x16xi32, #tpu.memory_space<vmem>> -> memref<1x16xi32, #tpu.memory_space<vmem>>
    %dma_wait3A_717 = tpu.memref_squeeze %dma_wait3A_716 : memref<1x16xi32, #tpu.memory_space<vmem>> -> memref<16xi32, #tpu.memory_space<vmem>>
    %dma_wait3A_718 = arith.constant 0 : i32
    %dma_wait3A_719 = arith.constant 0 : i32
    %dma_wait3A_720 = tpu.memref_slice %arg5[%dma_wait3A_718, %dma_wait3A_719] : memref<5120x1024xf32, #tpu.memory_space<hbm>> -> memref<5120x1024xf32, #tpu.memory_space<hbm>>
    tpu.wait_indirect_dma semaphore(%arg16 : memref<!tpu.dma_semaphore, #tpu.memory_space<semaphore_mem>>) src(%dma_wait3A_714 : memref<16x1024xf32, #tpu.memory_space<vmem>>) dst(%dma_wait3A_720 : memref<5120x1024xf32, #tpu.memory_space<hbm>>)
    %dma_start3A_721 = arith.constant 4 : i32
    %dma_start3A_722 = arith.constant 1 : i32
    %dma_start3A_723 = arith.constant 0 : i32
    %dma_start3A_724 = arith.constant 0 : i32
    %dma_start3A_725 = tpu.memref_slice %arg14[%dma_start3A_722, %dma_start3A_723, %dma_start3A_724] : memref<3x16x1024xf32, #tpu.memory_space<vmem>> -> memref<1x16x1024xf32, #tpu.memory_space<vmem>>
    %dma_start3A_726 = tpu.memref_squeeze %dma_start3A_725 : memref<1x16x1024xf32, #tpu.memory_space<vmem>> -> memref<16x1024xf32, #tpu.memory_space<vmem>>
    %dma_start3A_727 = arith.constant 0 : i32
    %dma_start3A_728 = tpu.memref_slice %arg10[%dma_start3A_721, %dma_start3A_727] : memref<8x16xi32, #tpu.memory_space<vmem>> -> memref<1x16xi32, #tpu.memory_space<vmem>>
    %dma_start3A_729 = tpu.memref_squeeze %dma_start3A_728 : memref<1x16xi32, #tpu.memory_space<vmem>> -> memref<16xi32, #tpu.memory_space<vmem>>
    %dma_start3A_730 = arith.constant 0 : i32
    %dma_start3A_731 = arith.constant 0 : i32
    %dma_start3A_732 = tpu.memref_slice %arg4[%dma_start3A_730, %dma_start3A_731] : memref<2048x1024xf32, #tpu.memory_space<hbm>> -> memref<2048x1024xf32, #tpu.memory_space<hbm>>
    tpu.enqueue_indirect_dma source(%dma_start3A_732 : memref<2048x1024xf32, #tpu.memory_space<hbm>>) target(%dma_start3A_726 : memref<16x1024xf32, #tpu.memory_space<vmem>>) offsets(%dma_start3A_729 : memref<16xi32, #tpu.memory_space<vmem>>) semaphore(%arg15 : memref<!tpu.dma_semaphore, #tpu.memory_space<semaphore_mem>>)
    %dma_wait3A_733 = arith.constant 2 : i32
    %dma_wait3A_734 = arith.constant 2 : i32
    %dma_wait3A_735 = arith.constant 0 : i32
    %dma_wait3A_736 = arith.constant 0 : i32
    %dma_wait3A_737 = tpu.memref_slice %arg14[%dma_wait3A_734, %dma_wait3A_735, %dma_wait3A_736] : memref<3x16x1024xf32, #tpu.memory_space<vmem>> -> memref<1x16x1024xf32, #tpu.memory_space<vmem>>
    %dma_wait3A_738 = tpu.memref_squeeze %dma_wait3A_737 : memref<1x16x1024xf32, #tpu.memory_space<vmem>> -> memref<16x1024xf32, #tpu.memory_space<vmem>>
    %dma_wait3A_739 = arith.constant 0 : i32
    %dma_wait3A_740 = tpu.memref_slice %arg10[%dma_wait3A_733, %dma_wait3A_739] : memref<8x16xi32, #tpu.memory_space<vmem>> -> memref<1x16xi32, #tpu.memory_space<vmem>>
    %dma_wait3A_741 = tpu.memref_squeeze %dma_wait3A_740 : memref<1x16xi32, #tpu.memory_space<vmem>> -> memref<16xi32, #tpu.memory_space<vmem>>
    %dma_wait3A_742 = arith.constant 0 : i32
    %dma_wait3A_743 = arith.constant 0 : i32
    %dma_wait3A_744 = tpu.memref_slice %arg4[%dma_wait3A_742, %dma_wait3A_743] : memref<2048x1024xf32, #tpu.memory_space<hbm>> -> memref<2048x1024xf32, #tpu.memory_space<hbm>>
    tpu.wait_indirect_dma semaphore(%arg15 : memref<!tpu.dma_semaphore, #tpu.memory_space<semaphore_mem>>) src(%dma_wait3A_744 : memref<2048x1024xf32, #tpu.memory_space<hbm>>) dst(%dma_wait3A_738 : memref<16x1024xf32, #tpu.memory_space<vmem>>)
    %dma_start3A_745 = arith.constant 2 : i32
    %dma_start3A_746 = arith.constant 2 : i32
    %dma_start3A_747 = arith.constant 0 : i32
    %dma_start3A_748 = arith.constant 0 : i32
    %dma_start3A_749 = tpu.memref_slice %arg14[%dma_start3A_745, %dma_start3A_747, %dma_start3A_748] : memref<3x16x1024xf32, #tpu.memory_space<vmem>> -> memref<1x16x1024xf32, #tpu.memory_space<vmem>>
    %dma_start3A_750 = tpu.memref_squeeze %dma_start3A_749 : memref<1x16x1024xf32, #tpu.memory_space<vmem>> -> memref<16x1024xf32, #tpu.memory_space<vmem>>
    %dma_start3A_751 = arith.constant 0 : i32
    %dma_start3A_752 = tpu.memref_slice %arg11[%dma_start3A_746, %dma_start3A_751] : memref<8x16xi32, #tpu.memory_space<vmem>> -> memref<1x16xi32, #tpu.memory_space<vmem>>
    %dma_start3A_753 = tpu.memref_squeeze %dma_start3A_752 : memref<1x16xi32, #tpu.memory_space<vmem>> -> memref<16xi32, #tpu.memory_space<vmem>>
    %dma_start3A_754 = arith.constant 0 : i32
    %dma_start3A_755 = arith.constant 0 : i32
    %dma_start3A_756 = tpu.memref_slice %arg5[%dma_start3A_754, %dma_start3A_755] : memref<5120x1024xf32, #tpu.memory_space<hbm>> -> memref<5120x1024xf32, #tpu.memory_space<hbm>>
    tpu.enqueue_indirect_dma source(%dma_start3A_750 : memref<16x1024xf32, #tpu.memory_space<vmem>>) target(%dma_start3A_756 : memref<5120x1024xf32, #tpu.memory_space<hbm>>) offsets(%dma_start3A_753 : memref<16xi32, #tpu.memory_space<vmem>>) semaphore(%arg16 : memref<!tpu.dma_semaphore, #tpu.memory_space<semaphore_mem>>)
    %dma_wait3A_757 = arith.constant 2 : i32
    %dma_wait3A_758 = arith.constant 2 : i32
    %dma_wait3A_759 = arith.constant 0 : i32
    %dma_wait3A_760 = arith.constant 0 : i32
    %dma_wait3A_761 = tpu.memref_slice %arg14[%dma_wait3A_757, %dma_wait3A_759, %dma_wait3A_760] : memref<3x16x1024xf32, #tpu.memory_space<vmem>> -> memref<1x16x1024xf32, #tpu.memory_space<vmem>>
    %dma_wait3A_762 = tpu.memref_squeeze %dma_wait3A_761 : memref<1x16x1024xf32, #tpu.memory_space<vmem>> -> memref<16x1024xf32, #tpu.memory_space<vmem>>
    %dma_wait3A_763 = arith.constant 0 : i32
    %dma_wait3A_764 = tpu.memref_slice %arg11[%dma_wait3A_758, %dma_wait3A_763] : memref<8x16xi32, #tpu.memory_space<vmem>> -> memref<1x16xi32, #tpu.memory_space<vmem>>
    %dma_wait3A_765 = tpu.memref_squeeze %dma_wait3A_764 : memref<1x16xi32, #tpu.memory_space<vmem>> -> memref<16xi32, #tpu.memory_space<vmem>>
    %dma_wait3A_766 = arith.constant 0 : i32
    %dma_wait3A_767 = arith.constant 0 : i32
    %dma_wait3A_768 = tpu.memref_slice %arg5[%dma_wait3A_766, %dma_wait3A_767] : memref<5120x1024xf32, #tpu.memory_space<hbm>> -> memref<5120x1024xf32, #tpu.memory_space<hbm>>
    tpu.wait_indirect_dma semaphore(%arg16 : memref<!tpu.dma_semaphore, #tpu.memory_space<semaphore_mem>>) src(%dma_wait3A_762 : memref<16x1024xf32, #tpu.memory_space<vmem>>) dst(%dma_wait3A_768 : memref<5120x1024xf32, #tpu.memory_space<hbm>>)
    %dma_start3A_769 = arith.constant 5 : i32
    %dma_start3A_770 = arith.constant 2 : i32
    %dma_start3A_771 = arith.constant 0 : i32
    %dma_start3A_772 = arith.constant 0 : i32
    %dma_start3A_773 = tpu.memref_slice %arg14[%dma_start3A_770, %dma_start3A_771, %dma_start3A_772] : memref<3x16x1024xf32, #tpu.memory_space<vmem>> -> memref<1x16x1024xf32, #tpu.memory_space<vmem>>
    %dma_start3A_774 = tpu.memref_squeeze %dma_start3A_773 : memref<1x16x1024xf32, #tpu.memory_space<vmem>> -> memref<16x1024xf32, #tpu.memory_space<vmem>>
    %dma_start3A_775 = arith.constant 0 : i32
    %dma_start3A_776 = tpu.memref_slice %arg10[%dma_start3A_769, %dma_start3A_775] : memref<8x16xi32, #tpu.memory_space<vmem>> -> memref<1x16xi32, #tpu.memory_space<vmem>>
    %dma_start3A_777 = tpu.memref_squeeze %dma_start3A_776 : memref<1x16xi32, #tpu.memory_space<vmem>> -> memref<16xi32, #tpu.memory_space<vmem>>
    %dma_start3A_778 = arith.constant 0 : i32
    %dma_start3A_779 = arith.constant 0 : i32
    %dma_start3A_780 = tpu.memref_slice %arg4[%dma_start3A_778, %dma_start3A_779] : memref<2048x1024xf32, #tpu.memory_space<hbm>> -> memref<2048x1024xf32, #tpu.memory_space<hbm>>
    tpu.enqueue_indirect_dma source(%dma_start3A_780 : memref<2048x1024xf32, #tpu.memory_space<hbm>>) target(%dma_start3A_774 : memref<16x1024xf32, #tpu.memory_space<vmem>>) offsets(%dma_start3A_777 : memref<16xi32, #tpu.memory_space<vmem>>) semaphore(%arg15 : memref<!tpu.dma_semaphore, #tpu.memory_space<semaphore_mem>>)
    %dma_wait3A_781 = arith.constant 3 : i32
    %dma_wait3A_782 = arith.constant 0 : i32
    %dma_wait3A_783 = arith.constant 0 : i32
    %dma_wait3A_784 = arith.constant 0 : i32
    %dma_wait3A_785 = tpu.memref_slice %arg14[%dma_wait3A_782, %dma_wait3A_783, %dma_wait3A_784] : memref<3x16x1024xf32, #tpu.memory_space<vmem>> -> memref<1x16x1024xf32, #tpu.memory_space<vmem>>
    %dma_wait3A_786 = tpu.memref_squeeze %dma_wait3A_785 : memref<1x16x1024xf32, #tpu.memory_space<vmem>> -> memref<16x1024xf32, #tpu.memory_space<vmem>>
    %dma_wait3A_787 = arith.constant 0 : i32
    %dma_wait3A_788 = tpu.memref_slice %arg10[%dma_wait3A_781, %dma_wait3A_787] : memref<8x16xi32, #tpu.memory_space<vmem>> -> memref<1x16xi32, #tpu.memory_space<vmem>>
    %dma_wait3A_789 = tpu.memref_squeeze %dma_wait3A_788 : memref<1x16xi32, #tpu.memory_space<vmem>> -> memref<16xi32, #tpu.memory_space<vmem>>
    %dma_wait3A_790 = arith.constant 0 : i32
    %dma_wait3A_791 = arith.constant 0 : i32
    %dma_wait3A_792 = tpu.memref_slice %arg4[%dma_wait3A_790, %dma_wait3A_791] : memref<2048x1024xf32, #tpu.memory_space<hbm>> -> memref<2048x1024xf32, #tpu.memory_space<hbm>>
    tpu.wait_indirect_dma semaphore(%arg15 : memref<!tpu.dma_semaphore, #tpu.memory_space<semaphore_mem>>) src(%dma_wait3A_792 : memref<2048x1024xf32, #tpu.memory_space<hbm>>) dst(%dma_wait3A_786 : memref<16x1024xf32, #tpu.memory_space<vmem>>)
    %dma_start3A_793 = arith.constant 0 : i32
    %dma_start3A_794 = arith.constant 3 : i32
    %dma_start3A_795 = arith.constant 0 : i32
    %dma_start3A_796 = arith.constant 0 : i32
    %dma_start3A_797 = tpu.memref_slice %arg14[%dma_start3A_793, %dma_start3A_795, %dma_start3A_796] : memref<3x16x1024xf32, #tpu.memory_space<vmem>> -> memref<1x16x1024xf32, #tpu.memory_space<vmem>>
    %dma_start3A_798 = tpu.memref_squeeze %dma_start3A_797 : memref<1x16x1024xf32, #tpu.memory_space<vmem>> -> memref<16x1024xf32, #tpu.memory_space<vmem>>
    %dma_start3A_799 = arith.constant 0 : i32
    %dma_start3A_800 = tpu.memref_slice %arg11[%dma_start3A_794, %dma_start3A_799] : memref<8x16xi32, #tpu.memory_space<vmem>> -> memref<1x16xi32, #tpu.memory_space<vmem>>
    %dma_start3A_801 = tpu.memref_squeeze %dma_start3A_800 : memref<1x16xi32, #tpu.memory_space<vmem>> -> memref<16xi32, #tpu.memory_space<vmem>>
    %dma_start3A_802 = arith.constant 0 : i32
    %dma_start3A_803 = arith.constant 0 : i32
    %dma_start3A_804 = tpu.memref_slice %arg5[%dma_start3A_802, %dma_start3A_803] : memref<5120x1024xf32, #tpu.memory_space<hbm>> -> memref<5120x1024xf32, #tpu.memory_space<hbm>>
    tpu.enqueue_indirect_dma source(%dma_start3A_798 : memref<16x1024xf32, #tpu.memory_space<vmem>>) target(%dma_start3A_804 : memref<5120x1024xf32, #tpu.memory_space<hbm>>) offsets(%dma_start3A_801 : memref<16xi32, #tpu.memory_space<vmem>>) semaphore(%arg16 : memref<!tpu.dma_semaphore, #tpu.memory_space<semaphore_mem>>)
    %dma_wait3A_805 = arith.constant 0 : i32
    %dma_wait3A_806 = arith.constant 3 : i32
    %dma_wait3A_807 = arith.constant 0 : i32
    %dma_wait3A_808 = arith.constant 0 : i32
    %dma_wait3A_809 = tpu.memref_slice %arg14[%dma_wait3A_805, %dma_wait3A_807, %dma_wait3A_808] : memref<3x16x1024xf32, #tpu.memory_space<vmem>> -> memref<1x16x1024xf32, #tpu.memory_space<vmem>>
    %dma_wait3A_810 = tpu.memref_squeeze %dma_wait3A_809 : memref<1x16x1024xf32, #tpu.memory_space<vmem>> -> memref<16x1024xf32, #tpu.memory_space<vmem>>
    %dma_wait3A_811 = arith.constant 0 : i32
    %dma_wait3A_812 = tpu.memref_slice %arg11[%dma_wait3A_806, %dma_wait3A_811] : memref<8x16xi32, #tpu.memory_space<vmem>> -> memref<1x16xi32, #tpu.memory_space<vmem>>
    %dma_wait3A_813 = tpu.memref_squeeze %dma_wait3A_812 : memref<1x16xi32, #tpu.memory_space<vmem>> -> memref<16xi32, #tpu.memory_space<vmem>>
    %dma_wait3A_814 = arith.constant 0 : i32
    %dma_wait3A_815 = arith.constant 0 : i32
    %dma_wait3A_816 = tpu.memref_slice %arg5[%dma_wait3A_814, %dma_wait3A_815] : memref<5120x1024xf32, #tpu.memory_space<hbm>> -> memref<5120x1024xf32, #tpu.memory_space<hbm>>
    tpu.wait_indirect_dma semaphore(%arg16 : memref<!tpu.dma_semaphore, #tpu.memory_space<semaphore_mem>>) src(%dma_wait3A_810 : memref<16x1024xf32, #tpu.memory_space<vmem>>) dst(%dma_wait3A_816 : memref<5120x1024xf32, #tpu.memory_space<hbm>>)
    %dma_start3A_817 = arith.constant 6 : i32
    %dma_start3A_818 = arith.constant 0 : i32
    %dma_start3A_819 = arith.constant 0 : i32
    %dma_start3A_820 = arith.constant 0 : i32
    %dma_start3A_821 = tpu.memref_slice %arg14[%dma_start3A_818, %dma_start3A_819, %dma_start3A_820] : memref<3x16x1024xf32, #tpu.memory_space<vmem>> -> memref<1x16x1024xf32, #tpu.memory_space<vmem>>
    %dma_start3A_822 = tpu.memref_squeeze %dma_start3A_821 : memref<1x16x1024xf32, #tpu.memory_space<vmem>> -> memref<16x1024xf32, #tpu.memory_space<vmem>>
    %dma_start3A_823 = arith.constant 0 : i32
    %dma_start3A_824 = tpu.memref_slice %arg10[%dma_start3A_817, %dma_start3A_823] : memref<8x16xi32, #tpu.memory_space<vmem>> -> memref<1x16xi32, #tpu.memory_space<vmem>>
    %dma_start3A_825 = tpu.memref_squeeze %dma_start3A_824 : memref<1x16xi32, #tpu.memory_space<vmem>> -> memref<16xi32, #tpu.memory_space<vmem>>
    %dma_start3A_826 = arith.constant 0 : i32
    %dma_start3A_827 = arith.constant 0 : i32
    %dma_start3A_828 = tpu.memref_slice %arg4[%dma_start3A_826, %dma_start3A_827] : memref<2048x1024xf32, #tpu.memory_space<hbm>> -> memref<2048x1024xf32, #tpu.memory_space<hbm>>
    tpu.enqueue_indirect_dma source(%dma_start3A_828 : memref<2048x1024xf32, #tpu.memory_space<hbm>>) target(%dma_start3A_822 : memref<16x1024xf32, #tpu.memory_space<vmem>>) offsets(%dma_start3A_825 : memref<16xi32, #tpu.memory_space<vmem>>) semaphore(%arg15 : memref<!tpu.dma_semaphore, #tpu.memory_space<semaphore_mem>>)
    %dma_wait3A_829 = arith.constant 4 : i32
    %dma_wait3A_830 = arith.constant 1 : i32
    %dma_wait3A_831 = arith.constant 0 : i32
    %dma_wait3A_832 = arith.constant 0 : i32
    %dma_wait3A_833 = tpu.memref_slice %arg14[%dma_wait3A_830, %dma_wait3A_831, %dma_wait3A_832] : memref<3x16x1024xf32, #tpu.memory_space<vmem>> -> memref<1x16x1024xf32, #tpu.memory_space<vmem>>
    %dma_wait3A_834 = tpu.memref_squeeze %dma_wait3A_833 : memref<1x16x1024xf32, #tpu.memory_space<vmem>> -> memref<16x1024xf32, #tpu.memory_space<vmem>>
    %dma_wait3A_835 = arith.constant 0 : i32
    %dma_wait3A_836 = tpu.memref_slice %arg10[%dma_wait3A_829, %dma_wait3A_835] : memref<8x16xi32, #tpu.memory_space<vmem>> -> memref<1x16xi32, #tpu.memory_space<vmem>>
    %dma_wait3A_837 = tpu.memref_squeeze %dma_wait3A_836 : memref<1x16xi32, #tpu.memory_space<vmem>> -> memref<16xi32, #tpu.memory_space<vmem>>
    %dma_wait3A_838 = arith.constant 0 : i32
    %dma_wait3A_839 = arith.constant 0 : i32
    %dma_wait3A_840 = tpu.memref_slice %arg4[%dma_wait3A_838, %dma_wait3A_839] : memref<2048x1024xf32, #tpu.memory_space<hbm>> -> memref<2048x1024xf32, #tpu.memory_space<hbm>>
    tpu.wait_indirect_dma semaphore(%arg15 : memref<!tpu.dma_semaphore, #tpu.memory_space<semaphore_mem>>) src(%dma_wait3A_840 : memref<2048x1024xf32, #tpu.memory_space<hbm>>) dst(%dma_wait3A_834 : memref<16x1024xf32, #tpu.memory_space<vmem>>)
    %dma_start3A_841 = arith.constant 1 : i32
    %dma_start3A_842 = arith.constant 4 : i32
    %dma_start3A_843 = arith.constant 0 : i32
    %dma_start3A_844 = arith.constant 0 : i32
    %dma_start3A_845 = tpu.memref_slice %arg14[%dma_start3A_841, %dma_start3A_843, %dma_start3A_844] : memref<3x16x1024xf32, #tpu.memory_space<vmem>> -> memref<1x16x1024xf32, #tpu.memory_space<vmem>>
    %dma_start3A_846 = tpu.memref_squeeze %dma_start3A_845 : memref<1x16x1024xf32, #tpu.memory_space<vmem>> -> memref<16x1024xf32, #tpu.memory_space<vmem>>
    %dma_start3A_847 = arith.constant 0 : i32
    %dma_start3A_848 = tpu.memref_slice %arg11[%dma_start3A_842, %dma_start3A_847] : memref<8x16xi32, #tpu.memory_space<vmem>> -> memref<1x16xi32, #tpu.memory_space<vmem>>
    %dma_start3A_849 = tpu.memref_squeeze %dma_start3A_848 : memref<1x16xi32, #tpu.memory_space<vmem>> -> memref<16xi32, #tpu.memory_space<vmem>>
    %dma_start3A_850 = arith.constant 0 : i32
    %dma_start3A_851 = arith.constant 0 : i32
    %dma_start3A_852 = tpu.memref_slice %arg5[%dma_start3A_850, %dma_start3A_851] : memref<5120x1024xf32, #tpu.memory_space<hbm>> -> memref<5120x1024xf32, #tpu.memory_space<hbm>>
    tpu.enqueue_indirect_dma source(%dma_start3A_846 : memref<16x1024xf32, #tpu.memory_space<vmem>>) target(%dma_start3A_852 : memref<5120x1024xf32, #tpu.memory_space<hbm>>) offsets(%dma_start3A_849 : memref<16xi32, #tpu.memory_space<vmem>>) semaphore(%arg16 : memref<!tpu.dma_semaphore, #tpu.memory_space<semaphore_mem>>)
    %dma_wait3A_853 = arith.constant 1 : i32
    %dma_wait3A_854 = arith.constant 4 : i32
    %dma_wait3A_855 = arith.constant 0 : i32
    %dma_wait3A_856 = arith.constant 0 : i32
    %dma_wait3A_857 = tpu.memref_slice %arg14[%dma_wait3A_853, %dma_wait3A_855, %dma_wait3A_856] : memref<3x16x1024xf32, #tpu.memory_space<vmem>> -> memref<1x16x1024xf32, #tpu.memory_space<vmem>>
    %dma_wait3A_858 = tpu.memref_squeeze %dma_wait3A_857 : memref<1x16x1024xf32, #tpu.memory_space<vmem>> -> memref<16x1024xf32, #tpu.memory_space<vmem>>
    %dma_wait3A_859 = arith.constant 0 : i32
    %dma_wait3A_860 = tpu.memref_slice %arg11[%dma_wait3A_854, %dma_wait3A_859] : memref<8x16xi32, #tpu.memory_space<vmem>> -> memref<1x16xi32, #tpu.memory_space<vmem>>
    %dma_wait3A_861 = tpu.memref_squeeze %dma_wait3A_860 : memref<1x16xi32, #tpu.memory_space<vmem>> -> memref<16xi32, #tpu.memory_space<vmem>>
    %dma_wait3A_862 = arith.constant 0 : i32
    %dma_wait3A_863 = arith.constant 0 : i32
    %dma_wait3A_864 = tpu.memref_slice %arg5[%dma_wait3A_862, %dma_wait3A_863] : memref<5120x1024xf32, #tpu.memory_space<hbm>> -> memref<5120x1024xf32, #tpu.memory_space<hbm>>
    tpu.wait_indirect_dma semaphore(%arg16 : memref<!tpu.dma_semaphore, #tpu.memory_space<semaphore_mem>>) src(%dma_wait3A_858 : memref<16x1024xf32, #tpu.memory_space<vmem>>) dst(%dma_wait3A_864 : memref<5120x1024xf32, #tpu.memory_space<hbm>>)
    %dma_start3A_865 = arith.constant 7 : i32
    %dma_start3A_866 = arith.constant 1 : i32
    %dma_start3A_867 = arith.constant 0 : i32
    %dma_start3A_868 = arith.constant 0 : i32
    %dma_start3A_869 = tpu.memref_slice %arg14[%dma_start3A_866, %dma_start3A_867, %dma_start3A_868] : memref<3x16x1024xf32, #tpu.memory_space<vmem>> -> memref<1x16x1024xf32, #tpu.memory_space<vmem>>
    %dma_start3A_870 = tpu.memref_squeeze %dma_start3A_869 : memref<1x16x1024xf32, #tpu.memory_space<vmem>> -> memref<16x1024xf32, #tpu.memory_space<vmem>>
    %dma_start3A_871 = arith.constant 0 : i32
    %dma_start3A_872 = tpu.memref_slice %arg10[%dma_start3A_865, %dma_start3A_871] : memref<8x16xi32, #tpu.memory_space<vmem>> -> memref<1x16xi32, #tpu.memory_space<vmem>>
    %dma_start3A_873 = tpu.memref_squeeze %dma_start3A_872 : memref<1x16xi32, #tpu.memory_space<vmem>> -> memref<16xi32, #tpu.memory_space<vmem>>
    %dma_start3A_874 = arith.constant 0 : i32
    %dma_start3A_875 = arith.constant 0 : i32
    %dma_start3A_876 = tpu.memref_slice %arg4[%dma_start3A_874, %dma_start3A_875] : memref<2048x1024xf32, #tpu.memory_space<hbm>> -> memref<2048x1024xf32, #tpu.memory_space<hbm>>
    tpu.enqueue_indirect_dma source(%dma_start3A_876 : memref<2048x1024xf32, #tpu.memory_space<hbm>>) target(%dma_start3A_870 : memref<16x1024xf32, #tpu.memory_space<vmem>>) offsets(%dma_start3A_873 : memref<16xi32, #tpu.memory_space<vmem>>) semaphore(%arg15 : memref<!tpu.dma_semaphore, #tpu.memory_space<semaphore_mem>>)
    %dma_wait3A_877 = arith.constant 5 : i32
    %dma_wait3A_878 = arith.constant 2 : i32
    %dma_wait3A_879 = arith.constant 0 : i32
    %dma_wait3A_880 = arith.constant 0 : i32
    %dma_wait3A_881 = tpu.memref_slice %arg14[%dma_wait3A_878, %dma_wait3A_879, %dma_wait3A_880] : memref<3x16x1024xf32, #tpu.memory_space<vmem>> -> memref<1x16x1024xf32, #tpu.memory_space<vmem>>
    %dma_wait3A_882 = tpu.memref_squeeze %dma_wait3A_881 : memref<1x16x1024xf32, #tpu.memory_space<vmem>> -> memref<16x1024xf32, #tpu.memory_space<vmem>>
    %dma_wait3A_883 = arith.constant 0 : i32
    %dma_wait3A_884 = tpu.memref_slice %arg10[%dma_wait3A_877, %dma_wait3A_883] : memref<8x16xi32, #tpu.memory_space<vmem>> -> memref<1x16xi32, #tpu.memory_space<vmem>>
    %dma_wait3A_885 = tpu.memref_squeeze %dma_wait3A_884 : memref<1x16xi32, #tpu.memory_space<vmem>> -> memref<16xi32, #tpu.memory_space<vmem>>
    %dma_wait3A_886 = arith.constant 0 : i32
    %dma_wait3A_887 = arith.constant 0 : i32
    %dma_wait3A_888 = tpu.memref_slice %arg4[%dma_wait3A_886, %dma_wait3A_887] : memref<2048x1024xf32, #tpu.memory_space<hbm>> -> memref<2048x1024xf32, #tpu.memory_space<hbm>>
    tpu.wait_indirect_dma semaphore(%arg15 : memref<!tpu.dma_semaphore, #tpu.memory_space<semaphore_mem>>) src(%dma_wait3A_888 : memref<2048x1024xf32, #tpu.memory_space<hbm>>) dst(%dma_wait3A_882 : memref<16x1024xf32, #tpu.memory_space<vmem>>)
    %dma_start3A_889 = arith.constant 2 : i32
    %dma_start3A_890 = arith.constant 5 : i32
    %dma_start3A_891 = arith.constant 0 : i32
    %dma_start3A_892 = arith.constant 0 : i32
    %dma_start3A_893 = tpu.memref_slice %arg14[%dma_start3A_889, %dma_start3A_891, %dma_start3A_892] : memref<3x16x1024xf32, #tpu.memory_space<vmem>> -> memref<1x16x1024xf32, #tpu.memory_space<vmem>>
    %dma_start3A_894 = tpu.memref_squeeze %dma_start3A_893 : memref<1x16x1024xf32, #tpu.memory_space<vmem>> -> memref<16x1024xf32, #tpu.memory_space<vmem>>
    %dma_start3A_895 = arith.constant 0 : i32
    %dma_start3A_896 = tpu.memref_slice %arg11[%dma_start3A_890, %dma_start3A_895] : memref<8x16xi32, #tpu.memory_space<vmem>> -> memref<1x16xi32, #tpu.memory_space<vmem>>
    %dma_start3A_897 = tpu.memref_squeeze %dma_start3A_896 : memref<1x16xi32, #tpu.memory_space<vmem>> -> memref<16xi32, #tpu.memory_space<vmem>>
    %dma_start3A_898 = arith.constant 0 : i32
    %dma_start3A_899 = arith.constant 0 : i32
    %dma_start3A_900 = tpu.memref_slice %arg5[%dma_start3A_898, %dma_start3A_899] : memref<5120x1024xf32, #tpu.memory_space<hbm>> -> memref<5120x1024xf32, #tpu.memory_space<hbm>>
    tpu.enqueue_indirect_dma source(%dma_start3A_894 : memref<16x1024xf32, #tpu.memory_space<vmem>>) target(%dma_start3A_900 : memref<5120x1024xf32, #tpu.memory_space<hbm>>) offsets(%dma_start3A_897 : memref<16xi32, #tpu.memory_space<vmem>>) semaphore(%arg16 : memref<!tpu.dma_semaphore, #tpu.memory_space<semaphore_mem>>)
    %dma_wait3A_901 = arith.constant 6 : i32
    %dma_wait3A_902 = arith.constant 0 : i32
    %dma_wait3A_903 = arith.constant 0 : i32
    %dma_wait3A_904 = arith.constant 0 : i32
    %dma_wait3A_905 = tpu.memref_slice %arg14[%dma_wait3A_902, %dma_wait3A_903, %dma_wait3A_904] : memref<3x16x1024xf32, #tpu.memory_space<vmem>> -> memref<1x16x1024xf32, #tpu.memory_space<vmem>>
    %dma_wait3A_906 = tpu.memref_squeeze %dma_wait3A_905 : memref<1x16x1024xf32, #tpu.memory_space<vmem>> -> memref<16x1024xf32, #tpu.memory_space<vmem>>
    %dma_wait3A_907 = arith.constant 0 : i32
    %dma_wait3A_908 = tpu.memref_slice %arg10[%dma_wait3A_901, %dma_wait3A_907] : memref<8x16xi32, #tpu.memory_space<vmem>> -> memref<1x16xi32, #tpu.memory_space<vmem>>
    %dma_wait3A_909 = tpu.memref_squeeze %dma_wait3A_908 : memref<1x16xi32, #tpu.memory_space<vmem>> -> memref<16xi32, #tpu.memory_space<vmem>>
    %dma_wait3A_910 = arith.constant 0 : i32
    %dma_wait3A_911 = arith.constant 0 : i32
    %dma_wait3A_912 = tpu.memref_slice %arg4[%dma_wait3A_910, %dma_wait3A_911] : memref<2048x1024xf32, #tpu.memory_space<hbm>> -> memref<2048x1024xf32, #tpu.memory_space<hbm>>
    tpu.wait_indirect_dma semaphore(%arg15 : memref<!tpu.dma_semaphore, #tpu.memory_space<semaphore_mem>>) src(%dma_wait3A_912 : memref<2048x1024xf32, #tpu.memory_space<hbm>>) dst(%dma_wait3A_906 : memref<16x1024xf32, #tpu.memory_space<vmem>>)
    %dma_start3A_913 = arith.constant 0 : i32
    %dma_start3A_914 = arith.constant 6 : i32
    %dma_start3A_915 = arith.constant 0 : i32
    %dma_start3A_916 = arith.constant 0 : i32
    %dma_start3A_917 = tpu.memref_slice %arg14[%dma_start3A_913, %dma_start3A_915, %dma_start3A_916] : memref<3x16x1024xf32, #tpu.memory_space<vmem>> -> memref<1x16x1024xf32, #tpu.memory_space<vmem>>
    %dma_start3A_918 = tpu.memref_squeeze %dma_start3A_917 : memref<1x16x1024xf32, #tpu.memory_space<vmem>> -> memref<16x1024xf32, #tpu.memory_space<vmem>>
    %dma_start3A_919 = arith.constant 0 : i32
    %dma_start3A_920 = tpu.memref_slice %arg11[%dma_start3A_914, %dma_start3A_919] : memref<8x16xi32, #tpu.memory_space<vmem>> -> memref<1x16xi32, #tpu.memory_space<vmem>>
    %dma_start3A_921 = tpu.memref_squeeze %dma_start3A_920 : memref<1x16xi32, #tpu.memory_space<vmem>> -> memref<16xi32, #tpu.memory_space<vmem>>
    %dma_start3A_922 = arith.constant 0 : i32
    %dma_start3A_923 = arith.constant 0 : i32
    %dma_start3A_924 = tpu.memref_slice %arg5[%dma_start3A_922, %dma_start3A_923] : memref<5120x1024xf32, #tpu.memory_space<hbm>> -> memref<5120x1024xf32, #tpu.memory_space<hbm>>
    tpu.enqueue_indirect_dma source(%dma_start3A_918 : memref<16x1024xf32, #tpu.memory_space<vmem>>) target(%dma_start3A_924 : memref<5120x1024xf32, #tpu.memory_space<hbm>>) offsets(%dma_start3A_921 : memref<16xi32, #tpu.memory_space<vmem>>) semaphore(%arg16 : memref<!tpu.dma_semaphore, #tpu.memory_space<semaphore_mem>>)
    %dma_wait3A_925 = arith.constant 7 : i32
    %dma_wait3A_926 = arith.constant 1 : i32
    %dma_wait3A_927 = arith.constant 0 : i32
    %dma_wait3A_928 = arith.constant 0 : i32
    %dma_wait3A_929 = tpu.memref_slice %arg14[%dma_wait3A_926, %dma_wait3A_927, %dma_wait3A_928] : memref<3x16x1024xf32, #tpu.memory_space<vmem>> -> memref<1x16x1024xf32, #tpu.memory_space<vmem>>
    %dma_wait3A_930 = tpu.memref_squeeze %dma_wait3A_929 : memref<1x16x1024xf32, #tpu.memory_space<vmem>> -> memref<16x1024xf32, #tpu.memory_space<vmem>>
    %dma_wait3A_931 = arith.constant 0 : i32
    %dma_wait3A_932 = tpu.memref_slice %arg10[%dma_wait3A_925, %dma_wait3A_931] : memref<8x16xi32, #tpu.memory_space<vmem>> -> memref<1x16xi32, #tpu.memory_space<vmem>>
    %dma_wait3A_933 = tpu.memref_squeeze %dma_wait3A_932 : memref<1x16xi32, #tpu.memory_space<vmem>> -> memref<16xi32, #tpu.memory_space<vmem>>
    %dma_wait3A_934 = arith.constant 0 : i32
    %dma_wait3A_935 = arith.constant 0 : i32
    %dma_wait3A_936 = tpu.memref_slice %arg4[%dma_wait3A_934, %dma_wait3A_935] : memref<2048x1024xf32, #tpu.memory_space<hbm>> -> memref<2048x1024xf32, #tpu.memory_space<hbm>>
    tpu.wait_indirect_dma semaphore(%arg15 : memref<!tpu.dma_semaphore, #tpu.memory_space<semaphore_mem>>) src(%dma_wait3A_936 : memref<2048x1024xf32, #tpu.memory_space<hbm>>) dst(%dma_wait3A_930 : memref<16x1024xf32, #tpu.memory_space<vmem>>)
    %dma_start3A_937 = arith.constant 1 : i32
    %dma_start3A_938 = arith.constant 7 : i32
    %dma_start3A_939 = arith.constant 0 : i32
    %dma_start3A_940 = arith.constant 0 : i32
    %dma_start3A_941 = tpu.memref_slice %arg14[%dma_start3A_937, %dma_start3A_939, %dma_start3A_940] : memref<3x16x1024xf32, #tpu.memory_space<vmem>> -> memref<1x16x1024xf32, #tpu.memory_space<vmem>>
    %dma_start3A_942 = tpu.memref_squeeze %dma_start3A_941 : memref<1x16x1024xf32, #tpu.memory_space<vmem>> -> memref<16x1024xf32, #tpu.memory_space<vmem>>
    %dma_start3A_943 = arith.constant 0 : i32
    %dma_start3A_944 = tpu.memref_slice %arg11[%dma_start3A_938, %dma_start3A_943] : memref<8x16xi32, #tpu.memory_space<vmem>> -> memref<1x16xi32, #tpu.memory_space<vmem>>
    %dma_start3A_945 = tpu.memref_squeeze %dma_start3A_944 : memref<1x16xi32, #tpu.memory_space<vmem>> -> memref<16xi32, #tpu.memory_space<vmem>>
    %dma_start3A_946 = arith.constant 0 : i32
    %dma_start3A_947 = arith.constant 0 : i32
    %dma_start3A_948 = tpu.memref_slice %arg5[%dma_start3A_946, %dma_start3A_947] : memref<5120x1024xf32, #tpu.memory_space<hbm>> -> memref<5120x1024xf32, #tpu.memory_space<hbm>>
    tpu.enqueue_indirect_dma source(%dma_start3A_942 : memref<16x1024xf32, #tpu.memory_space<vmem>>) target(%dma_start3A_948 : memref<5120x1024xf32, #tpu.memory_space<hbm>>) offsets(%dma_start3A_945 : memref<16xi32, #tpu.memory_space<vmem>>) semaphore(%arg16 : memref<!tpu.dma_semaphore, #tpu.memory_space<semaphore_mem>>)
    %dma_wait3A_949 = arith.constant 2 : i32
    %dma_wait3A_950 = arith.constant 5 : i32
    %dma_wait3A_951 = arith.constant 0 : i32
    %dma_wait3A_952 = arith.constant 0 : i32
    %dma_wait3A_953 = tpu.memref_slice %arg14[%dma_wait3A_949, %dma_wait3A_951, %dma_wait3A_952] : memref<3x16x1024xf32, #tpu.memory_space<vmem>> -> memref<1x16x1024xf32, #tpu.memory_space<vmem>>
    %dma_wait3A_954 = tpu.memref_squeeze %dma_wait3A_953 : memref<1x16x1024xf32, #tpu.memory_space<vmem>> -> memref<16x1024xf32, #tpu.memory_space<vmem>>
    %dma_wait3A_955 = arith.constant 0 : i32
    %dma_wait3A_956 = tpu.memref_slice %arg11[%dma_wait3A_950, %dma_wait3A_955] : memref<8x16xi32, #tpu.memory_space<vmem>> -> memref<1x16xi32, #tpu.memory_space<vmem>>
    %dma_wait3A_957 = tpu.memref_squeeze %dma_wait3A_956 : memref<1x16xi32, #tpu.memory_space<vmem>> -> memref<16xi32, #tpu.memory_space<vmem>>
    %dma_wait3A_958 = arith.constant 0 : i32
    %dma_wait3A_959 = arith.constant 0 : i32
    %dma_wait3A_960 = tpu.memref_slice %arg5[%dma_wait3A_958, %dma_wait3A_959] : memref<5120x1024xf32, #tpu.memory_space<hbm>> -> memref<5120x1024xf32, #tpu.memory_space<hbm>>
    tpu.wait_indirect_dma semaphore(%arg16 : memref<!tpu.dma_semaphore, #tpu.memory_space<semaphore_mem>>) src(%dma_wait3A_954 : memref<16x1024xf32, #tpu.memory_space<vmem>>) dst(%dma_wait3A_960 : memref<5120x1024xf32, #tpu.memory_space<hbm>>)
    %dma_wait3A_961 = arith.constant 0 : i32
    %dma_wait3A_962 = arith.constant 6 : i32
    %dma_wait3A_963 = arith.constant 0 : i32
    %dma_wait3A_964 = arith.constant 0 : i32
    %dma_wait3A_965 = tpu.memref_slice %arg14[%dma_wait3A_961, %dma_wait3A_963, %dma_wait3A_964] : memref<3x16x1024xf32, #tpu.memory_space<vmem>> -> memref<1x16x1024xf32, #tpu.memory_space<vmem>>
    %dma_wait3A_966 = tpu.memref_squeeze %dma_wait3A_965 : memref<1x16x1024xf32, #tpu.memory_space<vmem>> -> memref<16x1024xf32, #tpu.memory_space<vmem>>
    %dma_wait3A_967 = arith.constant 0 : i32
    %dma_wait3A_968 = tpu.memref_slice %arg11[%dma_wait3A_962, %dma_wait3A_967] : memref<8x16xi32, #tpu.memory_space<vmem>> -> memref<1x16xi32, #tpu.memory_space<vmem>>
    %dma_wait3A_969 = tpu.memref_squeeze %dma_wait3A_968 : memref<1x16xi32, #tpu.memory_space<vmem>> -> memref<16xi32, #tpu.memory_space<vmem>>
    %dma_wait3A_970 = arith.constant 0 : i32
    %dma_wait3A_971 = arith.constant 0 : i32
    %dma_wait3A_972 = tpu.memref_slice %arg5[%dma_wait3A_970, %dma_wait3A_971] : memref<5120x1024xf32, #tpu.memory_space<hbm>> -> memref<5120x1024xf32, #tpu.memory_space<hbm>>
    tpu.wait_indirect_dma semaphore(%arg16 : memref<!tpu.dma_semaphore, #tpu.memory_space<semaphore_mem>>) src(%dma_wait3A_966 : memref<16x1024xf32, #tpu.memory_space<vmem>>) dst(%dma_wait3A_972 : memref<5120x1024xf32, #tpu.memory_space<hbm>>)
    %dma_wait3A_973 = arith.constant 1 : i32
    %dma_wait3A_974 = arith.constant 7 : i32
    %dma_wait3A_975 = arith.constant 0 : i32
    %dma_wait3A_976 = arith.constant 0 : i32
    %dma_wait3A_977 = tpu.memref_slice %arg14[%dma_wait3A_973, %dma_wait3A_975, %dma_wait3A_976] : memref<3x16x1024xf32, #tpu.memory_space<vmem>> -> memref<1x16x1024xf32, #tpu.memory_space<vmem>>
    %dma_wait3A_978 = tpu.memref_squeeze %dma_wait3A_977 : memref<1x16x1024xf32, #tpu.memory_space<vmem>> -> memref<16x1024xf32, #tpu.memory_space<vmem>>
    %dma_wait3A_979 = arith.constant 0 : i32
    %dma_wait3A_980 = tpu.memref_slice %arg11[%dma_wait3A_974, %dma_wait3A_979] : memref<8x16xi32, #tpu.memory_space<vmem>> -> memref<1x16xi32, #tpu.memory_space<vmem>>
    %dma_wait3A_981 = tpu.memref_squeeze %dma_wait3A_980 : memref<1x16xi32, #tpu.memory_space<vmem>> -> memref<16xi32, #tpu.memory_space<vmem>>
    %dma_wait3A_982 = arith.constant 0 : i32
    %dma_wait3A_983 = arith.constant 0 : i32
    %dma_wait3A_984 = tpu.memref_slice %arg5[%dma_wait3A_982, %dma_wait3A_983] : memref<5120x1024xf32, #tpu.memory_space<hbm>> -> memref<5120x1024xf32, #tpu.memory_space<hbm>>
    tpu.wait_indirect_dma semaphore(%arg16 : memref<!tpu.dma_semaphore, #tpu.memory_space<semaphore_mem>>) src(%dma_wait3A_978 : memref<16x1024xf32, #tpu.memory_space<vmem>>) dst(%dma_wait3A_984 : memref<5120x1024xf32, #tpu.memory_space<hbm>>)
    return
  }
}

module attributes {stable_mosaic.version = 14 : i64} {
  func.func @_gating_body(%arg0: i32, %arg1: memref<2048x1024xf32, #tpu.memory_space<vmem>>, %arg2: memref<1024x8xf32, #tpu.memory_space<vmem>>, %arg3: memref<1x8xf32, #tpu.memory_space<vmem>>, %arg4: memref<2048x2xi32, #tpu.memory_space<vmem>>, %arg5: memref<2048x2xf32, #tpu.memory_space<vmem>>) attributes {dimension_semantics = [#tpu.dimension_semantics<arbitrary>], iteration_bounds = array<i64: 1>, scalar_prefetch = 0 : i64, scratch_operands = 0 : i64, tpu.core_type = #tpu.core_type<tc>, window_params = [{pipeline_mode = #tpu.pipeline_mode<synchronous>, transform_indices = @transform_0, window_bounds = array<i64: 2048, 1024>}, {pipeline_mode = #tpu.pipeline_mode<synchronous>, transform_indices = @transform_1, window_bounds = array<i64: 1024, 8>}, {pipeline_mode = #tpu.pipeline_mode<synchronous>, transform_indices = @transform_2, window_bounds = array<i64: 1, 8>}, {pipeline_mode = #tpu.pipeline_mode<synchronous>, transform_indices = @transform_3, window_bounds = array<i64: 2048, 2>}, {pipeline_mode = #tpu.pipeline_mode<synchronous>, transform_indices = @transform_4, window_bounds = array<i64: 2048, 2>}]} {
    %get3A = arith.constant 0 : index
    %get3A_0 = arith.constant 0 : index
    %get3A_1 = vector.load %arg1[%get3A, %get3A_0] : memref<2048x1024xf32, #tpu.memory_space<vmem>>, vector<2048x1024xf32>
    %get3A_2 = arith.constant 0 : index
    %get3A_3 = arith.constant 0 : index
    %get3A_4 = vector.load %arg2[%get3A_2, %get3A_3] : memref<1024x8xf32, #tpu.memory_space<vmem>>, vector<1024x8xf32>
    %dot_general3A = arith.constant dense<0.000000e+00> : vector<2048x8xf32>
    %dot_general3A_5 = tpu.matmul %get3A_1, %get3A_4, %dot_general3A {dimension_numbers = #tpu.dot_dimension_numbers<[1], [0], [0], [1], [0, 0, 1, 1], [], []>, transpose_lhs_hint = false} : vector<2048x1024xf32>, vector<1024x8xf32>, vector<2048x8xf32> -> vector<2048x8xf32>
    %get3A_6 = arith.constant 0 : index
    %get3A_7 = arith.constant 0 : index
    %get3A_8 = vector.load %arg3[%get3A_6, %get3A_7] : memref<1x8xf32, #tpu.memory_space<vmem>>, vector<1x8xf32>
    %add3A = vector.broadcast %get3A_8 : vector<1x8xf32> to vector<2048x8xf32>
    %add3A_9 = arith.addf %dot_general3A_5, %add3A : vector<2048x8xf32>
    %iota3A = tpu.iota {dimensions = array<i32: 1>} : vector<2048x8xi32>
    %reduce_max3A = arith.constant dense<0xFF800000> : vector<2048xf32>
    %reduce_max3A_10 = vector.multi_reduction <maximumf>, %add3A_9, %reduce_max3A [1] : vector<2048x8xf32> to vector<2048xf32>
    %broadcast_in_dim3A = vector.shape_cast %reduce_max3A_10 : vector<2048xf32> to vector<2048x1xf32>
    %eq3A = vector.broadcast %broadcast_in_dim3A : vector<2048x1xf32> to vector<2048x8xf32>
    %eq3A_11 = arith.cmpf oeq, %add3A_9, %eq3A : vector<2048x8xf32>
    %jit3A = arith.constant 8 : i32
    %broadcast_in_dim3A_12 = vector.broadcast %jit3A : i32 to vector<2048x8xi32>
    %select_n3A = arith.select %eq3A_11, %iota3A, %broadcast_in_dim3A_12 : vector<2048x8xi1>, vector<2048x8xi32>
    %reduce_min3A = arith.constant dense<2147483647> : vector<2048xi32>
    %reduce_min3A_13 = vector.multi_reduction <minsi>, %select_n3A, %reduce_min3A [1] : vector<2048x8xi32> to vector<2048xi32>
    %broadcast_in_dim3A_14 = vector.shape_cast %reduce_min3A_13 : vector<2048xi32> to vector<2048x1xi32>
    %eq3A_15 = vector.broadcast %broadcast_in_dim3A_14 : vector<2048x1xi32> to vector<2048x8xi32>
    %eq3A_16 = arith.cmpi eq, %iota3A, %eq3A_15 : vector<2048x8xi32>
    %jit3A_17 = arith.constant 0xFF800000 : f32
    %broadcast_in_dim3A_18 = vector.broadcast %jit3A_17 : f32 to vector<2048x8xf32>
    %select_n3A_19 = arith.select %eq3A_16, %broadcast_in_dim3A_18, %add3A_9 : vector<2048x8xi1>, vector<2048x8xf32>
    %reduce_max3A_20 = arith.constant dense<0xFF800000> : vector<2048xf32>
    %reduce_max3A_21 = vector.multi_reduction <maximumf>, %select_n3A_19, %reduce_max3A_20 [1] : vector<2048x8xf32> to vector<2048xf32>
    %broadcast_in_dim3A_22 = vector.shape_cast %reduce_max3A_21 : vector<2048xf32> to vector<2048x1xf32>
    %eq3A_23 = vector.broadcast %broadcast_in_dim3A_22 : vector<2048x1xf32> to vector<2048x8xf32>
    %eq3A_24 = arith.cmpf oeq, %select_n3A_19, %eq3A_23 : vector<2048x8xf32>
    %jit3A_25 = arith.constant 8 : i32
    %broadcast_in_dim3A_26 = vector.broadcast %jit3A_25 : i32 to vector<2048x8xi32>
    %select_n3A_27 = arith.select %eq3A_24, %iota3A, %broadcast_in_dim3A_26 : vector<2048x8xi1>, vector<2048x8xi32>
    %reduce_min3A_28 = arith.constant dense<2147483647> : vector<2048xi32>
    %reduce_min3A_29 = vector.multi_reduction <minsi>, %select_n3A_27, %reduce_min3A_28 [1] : vector<2048x8xi32> to vector<2048xi32>
    %broadcast_in_dim3A_30 = vector.shape_cast %reduce_min3A_29 : vector<2048xi32> to vector<2048x1xi32>
    %sub3A = arith.subf %broadcast_in_dim3A_22, %broadcast_in_dim3A : vector<2048x1xf32>
    %exp3A = math.exp %sub3A : vector<2048x1xf32>
    %add3A_31 = arith.constant 1.000000e+00 : f32
    %add3A_32 = vector.broadcast %add3A_31 : f32 to vector<2048x1xf32>
    %add3A_33 = arith.addf %add3A_32, %exp3A : vector<2048x1xf32>
    %concatenate3A = tpu.concatenate %broadcast_in_dim3A_14, %broadcast_in_dim3A_30 in 1 : vector<2048x1xi32>, vector<2048x1xi32> -> vector<2048x2xi32>
    %swap3A = arith.constant 0 : index
    %swap3A_34 = arith.constant 0 : index
    %swap3A_35 = vector.load %arg4[%swap3A, %swap3A_34] : memref<2048x2xi32, #tpu.memory_space<vmem>>, vector<2048x2xi32>
    tpu.vector_store %arg4[%swap3A, %swap3A_34], %concatenate3A {strides = array<i32>} : memref<2048x2xi32, #tpu.memory_space<vmem>>, vector<2048x2xi32>,
    %div3A = arith.constant 1.000000e+00 : f32
    %div3A_36 = vector.broadcast %div3A : f32 to vector<2048x1xf32>
    %div3A_37 = arith.divf %div3A_36, %add3A_33 : vector<2048x1xf32>
    %div3A_38 = arith.divf %exp3A, %add3A_33 : vector<2048x1xf32>
    %concatenate3A_39 = tpu.concatenate %div3A_37, %div3A_38 in 1 : vector<2048x1xf32>, vector<2048x1xf32> -> vector<2048x2xf32>
    %swap3A_40 = arith.constant 0 : index
    %swap3A_41 = arith.constant 0 : index
    %swap3A_42 = vector.load %arg5[%swap3A_40, %swap3A_41] : memref<2048x2xf32, #tpu.memory_space<vmem>>, vector<2048x2xf32>
    tpu.vector_store %arg5[%swap3A_40, %swap3A_41], %concatenate3A_39 {strides = array<i32>} : memref<2048x2xf32, #tpu.memory_space<vmem>>, vector<2048x2xf32>,
    return
  }
  func.func @transform_0(%arg0: i32) -> (i32, i32) {
    %c0_i32 = arith.constant 0 : i32
    %c0_i32_0 = arith.constant 0 : i32
    %c0_i32_1 = arith.constant 0 : i32
    return %c0_i32, %c0_i32_0 : i32, i32
  }
  func.func @transform_1(%arg0: i32) -> (i32, i32) {
    %c0_i32 = arith.constant 0 : i32
    %c0_i32_0 = arith.constant 0 : i32
    %c0_i32_1 = arith.constant 0 : i32
    return %c0_i32, %c0_i32_0 : i32, i32
  }
  func.func @transform_2(%arg0: i32) -> (i32, i32) {
    %c0_i32 = arith.constant 0 : i32
    %c0_i32_0 = arith.constant 0 : i32
    %c0_i32_1 = arith.constant 0 : i32
    return %c0_i32, %c0_i32_0 : i32, i32
  }
  func.func @transform_3(%arg0: i32) -> (i32, i32) {
    %c0_i32 = arith.constant 0 : i32
    %c0_i32_0 = arith.constant 0 : i32
    %c0_i32_1 = arith.constant 0 : i32
    return %c0_i32, %c0_i32_0 : i32, i32
  }
  func.func @transform_4(%arg0: i32) -> (i32, i32) {
    %c0_i32 = arith.constant 0 : i32
    %c0_i32_0 = arith.constant 0 : i32
    %c0_i32_1 = arith.constant 0 : i32
    return %c0_i32, %c0_i32_0 : i32, i32
  }
}

module attributes {stable_mosaic.version = 14 : i64} {
  func.func @_ffn_body(%arg0: i32, %arg1: memref<16xi32, #tpu.memory_space<smem>>, %arg2: memref<128x1024xf32, #tpu.memory_space<vmem>>, %arg3: memref<1x1024x2048xf32, #tpu.memory_space<vmem>>, %arg4: memref<1x1x2048xf32, #tpu.memory_space<vmem>>, %arg5: memref<1x2048x1024xf32, #tpu.memory_space<vmem>>, %arg6: memref<1x1x1024xf32, #tpu.memory_space<vmem>>, %arg7: memref<128x1024xf32, #tpu.memory_space<vmem>>) attributes {dimension_semantics = [#tpu.dimension_semantics<arbitrary>], iteration_bounds = array<i64: 40>, scalar_prefetch = 1 : i64, scratch_operands = 0 : i64, tpu.core_type = #tpu.core_type<tc>, window_params = [{transform_indices = @transform_0, window_bounds = array<i64: 128, 1024>}, {transform_indices = @transform_1, window_bounds = array<i64: 1, 1024, 2048>}, {transform_indices = @transform_2, window_bounds = array<i64: 1, 1, 2048>}, {transform_indices = @transform_3, window_bounds = array<i64: 1, 2048, 1024>}, {transform_indices = @transform_4, window_bounds = array<i64: 1, 1, 1024>}, {transform_indices = @transform_5, window_bounds = array<i64: 128, 1024>}]} {
    %get3A = arith.constant 8 : index
    %get3A_0 = memref.load %arg1[%get3A] : memref<16xi32, #tpu.memory_space<smem>>
    %lt3A = arith.cmpi slt, %arg0, %get3A_0 : i32
    %convert_element_type3A = arith.extui %lt3A : i1 to i32
    %cond3A = arith.constant 0 : i32
    %cond3A_1 = arith.cmpi ne, %convert_element_type3A, %cond3A : i32
    scf.if %cond3A_1 {
      %get3A_2 = arith.constant 0 : index
      %get3A_3 = arith.constant 0 : index
      %get3A_4 = vector.load %arg2[%get3A_2, %get3A_3] : memref<128x1024xf32, #tpu.memory_space<vmem>>, vector<128x1024xf32>
      %get3A_5 = arith.constant 0 : index
      %get3A_6 = arith.constant 0 : index
      %get3A_7 = arith.constant 0 : index
      %get3A_8 = vector.load %arg3[%get3A_5, %get3A_6, %get3A_7] : memref<1x1024x2048xf32, #tpu.memory_space<vmem>>, vector<1x1024x2048xf32>
      %get3A_9 = vector.shape_cast %get3A_8 : vector<1x1024x2048xf32> to vector<1024x2048xf32>
      %dot_general3A = arith.constant dense<0.000000e+00> : vector<128x2048xf32>
      %dot_general3A_10 = tpu.matmul %get3A_4, %get3A_9, %dot_general3A {dimension_numbers = #tpu.dot_dimension_numbers<[1], [0], [0], [1], [0, 0, 1, 1], [], []>, transpose_lhs_hint = false} : vector<128x1024xf32>, vector<1024x2048xf32>, vector<128x2048xf32> -> vector<128x2048xf32>
      %get3A_11 = arith.constant 0 : index
      %get3A_12 = arith.constant 0 : index
      %get3A_13 = arith.constant 0 : index
      %get3A_14 = vector.load %arg4[%get3A_11, %get3A_12, %get3A_13] : memref<1x1x2048xf32, #tpu.memory_space<vmem>>, vector<1x1x2048xf32>
      %get3A_15 = vector.shape_cast %get3A_14 : vector<1x1x2048xf32> to vector<1x2048xf32>
      %add3A = vector.broadcast %get3A_15 : vector<1x2048xf32> to vector<128x2048xf32>
      %add3A_16 = arith.addf %dot_general3A_10, %add3A : vector<128x2048xf32>
      %max3A = arith.constant 0.000000e+00 : f32
      %max3A_17 = vector.broadcast %max3A : f32 to vector<128x2048xf32>
      %max3A_18 = arith.maximumf %add3A_16, %max3A_17 : vector<128x2048xf32>
      %get3A_19 = arith.constant 0 : index
      %get3A_20 = arith.constant 0 : index
      %get3A_21 = arith.constant 0 : index
      %get3A_22 = vector.load %arg5[%get3A_19, %get3A_20, %get3A_21] : memref<1x2048x1024xf32, #tpu.memory_space<vmem>>, vector<1x2048x1024xf32>
      %get3A_23 = vector.shape_cast %get3A_22 : vector<1x2048x1024xf32> to vector<2048x1024xf32>
      %dot_general3A_24 = arith.constant dense<0.000000e+00> : vector<128x1024xf32>
      %dot_general3A_25 = tpu.matmul %max3A_18, %get3A_23, %dot_general3A_24 {dimension_numbers = #tpu.dot_dimension_numbers<[1], [0], [0], [1], [0, 0, 1, 1], [], []>, transpose_lhs_hint = false} : vector<128x2048xf32>, vector<2048x1024xf32>, vector<128x1024xf32> -> vector<128x1024xf32>
      %get3A_26 = arith.constant 0 : index
      %get3A_27 = arith.constant 0 : index
      %get3A_28 = arith.constant 0 : index
      %get3A_29 = vector.load %arg6[%get3A_26, %get3A_27, %get3A_28] : memref<1x1x1024xf32, #tpu.memory_space<vmem>>, vector<1x1x1024xf32>
      %get3A_30 = vector.shape_cast %get3A_29 : vector<1x1x1024xf32> to vector<1x1024xf32>
      %add3A_31 = vector.broadcast %get3A_30 : vector<1x1024xf32> to vector<128x1024xf32>
      %add3A_32 = arith.addf %dot_general3A_25, %add3A_31 : vector<128x1024xf32>
      %swap3A = arith.constant 0 : index
      %swap3A_33 = arith.constant 0 : index
      %swap3A_34 = vector.load %arg7[%swap3A, %swap3A_33] : memref<128x1024xf32, #tpu.memory_space<vmem>>, vector<128x1024xf32>
      tpu.vector_store %arg7[%swap3A, %swap3A_33], %add3A_32 {strides = array<i32>} : memref<128x1024xf32, #tpu.memory_space<vmem>>, vector<128x1024xf32>,
    } else {
    }
    return
  }
  func.func @transform_0(%arg0: i32, %arg1: memref<16xi32, #tpu.memory_space<smem>>) -> (i32, i32) {
    %c0_i32 = arith.constant 0 : i32
    %c0_i32_0 = arith.constant 0 : i32
    return %arg0, %c0_i32 : i32, i32
  }
  func.func @transform_1(%arg0: i32, %arg1: memref<16xi32, #tpu.memory_space<smem>>) -> (i32, i32, i32) {
    %get3A = arith.constant 0 : index
    %get3A_0 = memref.load %arg1[%get3A] : memref<16xi32, #tpu.memory_space<smem>>
    %ge3A = arith.cmpi sge, %arg0, %get3A_0 : i32
    %convert_element_type3A = arith.extui %ge3A : i1 to i32
    %add3A = arith.constant 0 : i32
    %add3A_1 = arith.addi %add3A, %convert_element_type3A : i32
    %get3A_2 = arith.constant 1 : index
    %get3A_3 = memref.load %arg1[%get3A_2] : memref<16xi32, #tpu.memory_space<smem>>
    %ge3A_4 = arith.cmpi sge, %arg0, %get3A_3 : i32
    %convert_element_type3A_5 = arith.extui %ge3A_4 : i1 to i32
    %add3A_6 = arith.addi %add3A_1, %convert_element_type3A_5 : i32
    %get3A_7 = arith.constant 2 : index
    %get3A_8 = memref.load %arg1[%get3A_7] : memref<16xi32, #tpu.memory_space<smem>>
    %ge3A_9 = arith.cmpi sge, %arg0, %get3A_8 : i32
    %convert_element_type3A_10 = arith.extui %ge3A_9 : i1 to i32
    %add3A_11 = arith.addi %add3A_6, %convert_element_type3A_10 : i32
    %get3A_12 = arith.constant 3 : index
    %get3A_13 = memref.load %arg1[%get3A_12] : memref<16xi32, #tpu.memory_space<smem>>
    %ge3A_14 = arith.cmpi sge, %arg0, %get3A_13 : i32
    %convert_element_type3A_15 = arith.extui %ge3A_14 : i1 to i32
    %add3A_16 = arith.addi %add3A_11, %convert_element_type3A_15 : i32
    %get3A_17 = arith.constant 4 : index
    %get3A_18 = memref.load %arg1[%get3A_17] : memref<16xi32, #tpu.memory_space<smem>>
    %ge3A_19 = arith.cmpi sge, %arg0, %get3A_18 : i32
    %convert_element_type3A_20 = arith.extui %ge3A_19 : i1 to i32
    %add3A_21 = arith.addi %add3A_16, %convert_element_type3A_20 : i32
    %get3A_22 = arith.constant 5 : index
    %get3A_23 = memref.load %arg1[%get3A_22] : memref<16xi32, #tpu.memory_space<smem>>
    %ge3A_24 = arith.cmpi sge, %arg0, %get3A_23 : i32
    %convert_element_type3A_25 = arith.extui %ge3A_24 : i1 to i32
    %add3A_26 = arith.addi %add3A_21, %convert_element_type3A_25 : i32
    %get3A_27 = arith.constant 6 : index
    %get3A_28 = memref.load %arg1[%get3A_27] : memref<16xi32, #tpu.memory_space<smem>>
    %ge3A_29 = arith.cmpi sge, %arg0, %get3A_28 : i32
    %convert_element_type3A_30 = arith.extui %ge3A_29 : i1 to i32
    %add3A_31 = arith.addi %add3A_26, %convert_element_type3A_30 : i32
    %get3A_32 = arith.constant 7 : index
    %get3A_33 = memref.load %arg1[%get3A_32] : memref<16xi32, #tpu.memory_space<smem>>
    %ge3A_34 = arith.cmpi sge, %arg0, %get3A_33 : i32
    %convert_element_type3A_35 = arith.extui %ge3A_34 : i1 to i32
    %add3A_36 = arith.addi %add3A_31, %convert_element_type3A_35 : i32
    %min3A = arith.constant 7 : i32
    %min3A_37 = arith.minsi %add3A_36, %min3A : i32
    %c0_i32 = arith.constant 0 : i32
    %c0_i32_38 = arith.constant 0 : i32
    %c0_i32_39 = arith.constant 0 : i32
    return %min3A_37, %c0_i32, %c0_i32_38 : i32, i32, i32
  }
  func.func @transform_2(%arg0: i32, %arg1: memref<16xi32, #tpu.memory_space<smem>>) -> (i32, i32, i32) {
    %get3A = arith.constant 0 : index
    %get3A_0 = memref.load %arg1[%get3A] : memref<16xi32, #tpu.memory_space<smem>>
    %ge3A = arith.cmpi sge, %arg0, %get3A_0 : i32
    %convert_element_type3A = arith.extui %ge3A : i1 to i32
    %add3A = arith.constant 0 : i32
    %add3A_1 = arith.addi %add3A, %convert_element_type3A : i32
    %get3A_2 = arith.constant 1 : index
    %get3A_3 = memref.load %arg1[%get3A_2] : memref<16xi32, #tpu.memory_space<smem>>
    %ge3A_4 = arith.cmpi sge, %arg0, %get3A_3 : i32
    %convert_element_type3A_5 = arith.extui %ge3A_4 : i1 to i32
    %add3A_6 = arith.addi %add3A_1, %convert_element_type3A_5 : i32
    %get3A_7 = arith.constant 2 : index
    %get3A_8 = memref.load %arg1[%get3A_7] : memref<16xi32, #tpu.memory_space<smem>>
    %ge3A_9 = arith.cmpi sge, %arg0, %get3A_8 : i32
    %convert_element_type3A_10 = arith.extui %ge3A_9 : i1 to i32
    %add3A_11 = arith.addi %add3A_6, %convert_element_type3A_10 : i32
    %get3A_12 = arith.constant 3 : index
    %get3A_13 = memref.load %arg1[%get3A_12] : memref<16xi32, #tpu.memory_space<smem>>
    %ge3A_14 = arith.cmpi sge, %arg0, %get3A_13 : i32
    %convert_element_type3A_15 = arith.extui %ge3A_14 : i1 to i32
    %add3A_16 = arith.addi %add3A_11, %convert_element_type3A_15 : i32
    %get3A_17 = arith.constant 4 : index
    %get3A_18 = memref.load %arg1[%get3A_17] : memref<16xi32, #tpu.memory_space<smem>>
    %ge3A_19 = arith.cmpi sge, %arg0, %get3A_18 : i32
    %convert_element_type3A_20 = arith.extui %ge3A_19 : i1 to i32
    %add3A_21 = arith.addi %add3A_16, %convert_element_type3A_20 : i32
    %get3A_22 = arith.constant 5 : index
    %get3A_23 = memref.load %arg1[%get3A_22] : memref<16xi32, #tpu.memory_space<smem>>
    %ge3A_24 = arith.cmpi sge, %arg0, %get3A_23 : i32
    %convert_element_type3A_25 = arith.extui %ge3A_24 : i1 to i32
    %add3A_26 = arith.addi %add3A_21, %convert_element_type3A_25 : i32
    %get3A_27 = arith.constant 6 : index
    %get3A_28 = memref.load %arg1[%get3A_27] : memref<16xi32, #tpu.memory_space<smem>>
    %ge3A_29 = arith.cmpi sge, %arg0, %get3A_28 : i32
    %convert_element_type3A_30 = arith.extui %ge3A_29 : i1 to i32
    %add3A_31 = arith.addi %add3A_26, %convert_element_type3A_30 : i32
    %get3A_32 = arith.constant 7 : index
    %get3A_33 = memref.load %arg1[%get3A_32] : memref<16xi32, #tpu.memory_space<smem>>
    %ge3A_34 = arith.cmpi sge, %arg0, %get3A_33 : i32
    %convert_element_type3A_35 = arith.extui %ge3A_34 : i1 to i32
    %add3A_36 = arith.addi %add3A_31, %convert_element_type3A_35 : i32
    %min3A = arith.constant 7 : i32
    %min3A_37 = arith.minsi %add3A_36, %min3A : i32
    %c0_i32 = arith.constant 0 : i32
    %c0_i32_38 = arith.constant 0 : i32
    %c0_i32_39 = arith.constant 0 : i32
    return %min3A_37, %c0_i32, %c0_i32_38 : i32, i32, i32
  }
  func.func @transform_3(%arg0: i32, %arg1: memref<16xi32, #tpu.memory_space<smem>>) -> (i32, i32, i32) {
    %get3A = arith.constant 0 : index
    %get3A_0 = memref.load %arg1[%get3A] : memref<16xi32, #tpu.memory_space<smem>>
    %ge3A = arith.cmpi sge, %arg0, %get3A_0 : i32
    %convert_element_type3A = arith.extui %ge3A : i1 to i32
    %add3A = arith.constant 0 : i32
    %add3A_1 = arith.addi %add3A, %convert_element_type3A : i32
    %get3A_2 = arith.constant 1 : index
    %get3A_3 = memref.load %arg1[%get3A_2] : memref<16xi32, #tpu.memory_space<smem>>
    %ge3A_4 = arith.cmpi sge, %arg0, %get3A_3 : i32
    %convert_element_type3A_5 = arith.extui %ge3A_4 : i1 to i32
    %add3A_6 = arith.addi %add3A_1, %convert_element_type3A_5 : i32
    %get3A_7 = arith.constant 2 : index
    %get3A_8 = memref.load %arg1[%get3A_7] : memref<16xi32, #tpu.memory_space<smem>>
    %ge3A_9 = arith.cmpi sge, %arg0, %get3A_8 : i32
    %convert_element_type3A_10 = arith.extui %ge3A_9 : i1 to i32
    %add3A_11 = arith.addi %add3A_6, %convert_element_type3A_10 : i32
    %get3A_12 = arith.constant 3 : index
    %get3A_13 = memref.load %arg1[%get3A_12] : memref<16xi32, #tpu.memory_space<smem>>
    %ge3A_14 = arith.cmpi sge, %arg0, %get3A_13 : i32
    %convert_element_type3A_15 = arith.extui %ge3A_14 : i1 to i32
    %add3A_16 = arith.addi %add3A_11, %convert_element_type3A_15 : i32
    %get3A_17 = arith.constant 4 : index
    %get3A_18 = memref.load %arg1[%get3A_17] : memref<16xi32, #tpu.memory_space<smem>>
    %ge3A_19 = arith.cmpi sge, %arg0, %get3A_18 : i32
    %convert_element_type3A_20 = arith.extui %ge3A_19 : i1 to i32
    %add3A_21 = arith.addi %add3A_16, %convert_element_type3A_20 : i32
    %get3A_22 = arith.constant 5 : index
    %get3A_23 = memref.load %arg1[%get3A_22] : memref<16xi32, #tpu.memory_space<smem>>
    %ge3A_24 = arith.cmpi sge, %arg0, %get3A_23 : i32
    %convert_element_type3A_25 = arith.extui %ge3A_24 : i1 to i32
    %add3A_26 = arith.addi %add3A_21, %convert_element_type3A_25 : i32
    %get3A_27 = arith.constant 6 : index
    %get3A_28 = memref.load %arg1[%get3A_27] : memref<16xi32, #tpu.memory_space<smem>>
    %ge3A_29 = arith.cmpi sge, %arg0, %get3A_28 : i32
    %convert_element_type3A_30 = arith.extui %ge3A_29 : i1 to i32
    %add3A_31 = arith.addi %add3A_26, %convert_element_type3A_30 : i32
    %get3A_32 = arith.constant 7 : index
    %get3A_33 = memref.load %arg1[%get3A_32] : memref<16xi32, #tpu.memory_space<smem>>
    %ge3A_34 = arith.cmpi sge, %arg0, %get3A_33 : i32
    %convert_element_type3A_35 = arith.extui %ge3A_34 : i1 to i32
    %add3A_36 = arith.addi %add3A_31, %convert_element_type3A_35 : i32
    %min3A = arith.constant 7 : i32
    %min3A_37 = arith.minsi %add3A_36, %min3A : i32
    %c0_i32 = arith.constant 0 : i32
    %c0_i32_38 = arith.constant 0 : i32
    %c0_i32_39 = arith.constant 0 : i32
    return %min3A_37, %c0_i32, %c0_i32_38 : i32, i32, i32
  }
  func.func @transform_4(%arg0: i32, %arg1: memref<16xi32, #tpu.memory_space<smem>>) -> (i32, i32, i32) {
    %get3A = arith.constant 0 : index
    %get3A_0 = memref.load %arg1[%get3A] : memref<16xi32, #tpu.memory_space<smem>>
    %ge3A = arith.cmpi sge, %arg0, %get3A_0 : i32
    %convert_element_type3A = arith.extui %ge3A : i1 to i32
    %add3A = arith.constant 0 : i32
    %add3A_1 = arith.addi %add3A, %convert_element_type3A : i32
    %get3A_2 = arith.constant 1 : index
    %get3A_3 = memref.load %arg1[%get3A_2] : memref<16xi32, #tpu.memory_space<smem>>
    %ge3A_4 = arith.cmpi sge, %arg0, %get3A_3 : i32
    %convert_element_type3A_5 = arith.extui %ge3A_4 : i1 to i32
    %add3A_6 = arith.addi %add3A_1, %convert_element_type3A_5 : i32
    %get3A_7 = arith.constant 2 : index
    %get3A_8 = memref.load %arg1[%get3A_7] : memref<16xi32, #tpu.memory_space<smem>>
    %ge3A_9 = arith.cmpi sge, %arg0, %get3A_8 : i32
    %convert_element_type3A_10 = arith.extui %ge3A_9 : i1 to i32
    %add3A_11 = arith.addi %add3A_6, %convert_element_type3A_10 : i32
    %get3A_12 = arith.constant 3 : index
    %get3A_13 = memref.load %arg1[%get3A_12] : memref<16xi32, #tpu.memory_space<smem>>
    %ge3A_14 = arith.cmpi sge, %arg0, %get3A_13 : i32
    %convert_element_type3A_15 = arith.extui %ge3A_14 : i1 to i32
    %add3A_16 = arith.addi %add3A_11, %convert_element_type3A_15 : i32
    %get3A_17 = arith.constant 4 : index
    %get3A_18 = memref.load %arg1[%get3A_17] : memref<16xi32, #tpu.memory_space<smem>>
    %ge3A_19 = arith.cmpi sge, %arg0, %get3A_18 : i32
    %convert_element_type3A_20 = arith.extui %ge3A_19 : i1 to i32
    %add3A_21 = arith.addi %add3A_16, %convert_element_type3A_20 : i32
    %get3A_22 = arith.constant 5 : index
    %get3A_23 = memref.load %arg1[%get3A_22] : memref<16xi32, #tpu.memory_space<smem>>
    %ge3A_24 = arith.cmpi sge, %arg0, %get3A_23 : i32
    %convert_element_type3A_25 = arith.extui %ge3A_24 : i1 to i32
    %add3A_26 = arith.addi %add3A_21, %convert_element_type3A_25 : i32
    %get3A_27 = arith.constant 6 : index
    %get3A_28 = memref.load %arg1[%get3A_27] : memref<16xi32, #tpu.memory_space<smem>>
    %ge3A_29 = arith.cmpi sge, %arg0, %get3A_28 : i32
    %convert_element_type3A_30 = arith.extui %ge3A_29 : i1 to i32
    %add3A_31 = arith.addi %add3A_26, %convert_element_type3A_30 : i32
    %get3A_32 = arith.constant 7 : index
    %get3A_33 = memref.load %arg1[%get3A_32] : memref<16xi32, #tpu.memory_space<smem>>
    %ge3A_34 = arith.cmpi sge, %arg0, %get3A_33 : i32
    %convert_element_type3A_35 = arith.extui %ge3A_34 : i1 to i32
    %add3A_36 = arith.addi %add3A_31, %convert_element_type3A_35 : i32
    %min3A = arith.constant 7 : i32
    %min3A_37 = arith.minsi %add3A_36, %min3A : i32
    %c0_i32 = arith.constant 0 : i32
    %c0_i32_38 = arith.constant 0 : i32
    %c0_i32_39 = arith.constant 0 : i32
    return %min3A_37, %c0_i32, %c0_i32_38 : i32, i32, i32
  }
  func.func @transform_5(%arg0: i32, %arg1: memref<16xi32, #tpu.memory_space<smem>>) -> (i32, i32) {
    %c0_i32 = arith.constant 0 : i32
    %c0_i32_0 = arith.constant 0 : i32
    return %arg0, %c0_i32 : i32, i32
  }
}

module attributes {stable_mosaic.version = 14 : i64} {
  func.func @_combine_body(%arg0: i32, %arg1: memref<512x1024xf32, #tpu.memory_space<vmem>>, %arg2: memref<512x1024xf32, #tpu.memory_space<vmem>>, %arg3: memref<512x2xf32, #tpu.memory_space<vmem>>, %arg4: memref<512x1024xf32, #tpu.memory_space<vmem>>) attributes {dimension_semantics = [#tpu.dimension_semantics<arbitrary>], iteration_bounds = array<i64: 4>, scalar_prefetch = 0 : i64, scratch_operands = 0 : i64, tpu.core_type = #tpu.core_type<tc>, window_params = [{transform_indices = @transform_0, window_bounds = array<i64: 512, 1024>}, {transform_indices = @transform_1, window_bounds = array<i64: 512, 1024>}, {transform_indices = @transform_2, window_bounds = array<i64: 512, 2>}, {transform_indices = @transform_3, window_bounds = array<i64: 512, 1024>}]} {
    %get3A = arith.constant 0 : index
    %get3A_0 = arith.constant 0 : index
    %get3A_1 = vector.load %arg3[%get3A, %get3A_0] : memref<512x2xf32, #tpu.memory_space<vmem>>, vector<512x2xf32>
    %slice3A = vector.extract_strided_slice %get3A_1 {offsets = [0, 0], sizes = [512, 1], strides = [1, 1]} : vector<512x2xf32> to vector<512x1xf32>
    %get3A_2 = arith.constant 0 : index
    %get3A_3 = arith.constant 0 : index
    %get3A_4 = vector.load %arg1[%get3A_2, %get3A_3] : memref<512x1024xf32, #tpu.memory_space<vmem>>, vector<512x1024xf32>
    %mul3A = vector.broadcast %slice3A : vector<512x1xf32> to vector<512x1024xf32>
    %mul3A_5 = arith.mulf %mul3A, %get3A_4 : vector<512x1024xf32>
    %slice3A_6 = vector.extract_strided_slice %get3A_1 {offsets = [0, 1], sizes = [512, 1], strides = [1, 1]} : vector<512x2xf32> to vector<512x1xf32>
    %get3A_7 = arith.constant 0 : index
    %get3A_8 = arith.constant 0 : index
    %get3A_9 = vector.load %arg2[%get3A_7, %get3A_8] : memref<512x1024xf32, #tpu.memory_space<vmem>>, vector<512x1024xf32>
    %mul3A_10 = vector.broadcast %slice3A_6 : vector<512x1xf32> to vector<512x1024xf32>
    %mul3A_11 = arith.mulf %mul3A_10, %get3A_9 : vector<512x1024xf32>
    %add3A = arith.addf %mul3A_5, %mul3A_11 : vector<512x1024xf32>
    %swap3A = arith.constant 0 : index
    %swap3A_12 = arith.constant 0 : index
    %swap3A_13 = vector.load %arg4[%swap3A, %swap3A_12] : memref<512x1024xf32, #tpu.memory_space<vmem>>, vector<512x1024xf32>
    tpu.vector_store %arg4[%swap3A, %swap3A_12], %add3A {strides = array<i32>} : memref<512x1024xf32, #tpu.memory_space<vmem>>, vector<512x1024xf32>,
    return
  }
  func.func @transform_0(%arg0: i32) -> (i32, i32) {
    %c0_i32 = arith.constant 0 : i32
    %c0_i32_0 = arith.constant 0 : i32
    return %arg0, %c0_i32 : i32, i32
  }
  func.func @transform_1(%arg0: i32) -> (i32, i32) {
    %add3A = arith.constant 4 : i32
    %add3A_0 = arith.addi %arg0, %add3A : i32
    %c0_i32 = arith.constant 0 : i32
    %c0_i32_1 = arith.constant 0 : i32
    return %add3A_0, %c0_i32 : i32, i32
  }
  func.func @transform_2(%arg0: i32) -> (i32, i32) {
    %c0_i32 = arith.constant 0 : i32
    %c0_i32_0 = arith.constant 0 : i32
    return %arg0, %c0_i32 : i32, i32
  }
  func.func @transform_3(%arg0: i32) -> (i32, i32) {
    %c0_i32 = arith.constant 0 : i32
    %c0_i32_0 = arith.constant 0 : i32
    return %arg0, %c0_i32 : i32, i32
  }
}

</mosaic_0001>

<sc_bundles>
// kernel: kernel.10.cloned.1.call-start
scs
__scs_entry_jumppad:
0x0: {  	(pc) =	sbr.rel $0x88, $3  }
0x1: {  	(tag) =	ssettag $0x0;
	lr =	simm.s32 $0x1  }
0x2: {  	[smem:$0x3F99] =	sst lr;
	_ =	strace $0xD0000000  }
0x3: {  	_ = 	snop  }
0x4: {  	_ = 	snop  }
0x5: {  	_ = 	snop  }
0x6: {  	_ = 	snop  }
0x7: {  	_ = 	snop  }
__scs_overlays_trampoline_lowered:
0x8: {  	[smem:$0x3FA8] =	sst s0  }
0x9: {  	[smem:$0x3FA9] =	sst s1  }
0xa: {  	[smem:$0x3FAA] =	sst s2  }
0xb: {  	[smem:$0x3FAB] =	sst s3  }
0xc: {  	[smem:$0x3FAC] =	sst s4  }
0xd: {  	[smem:$0x3FAD] =	sst s5  }
0xe: {  	[smem:$0x3FAE] =	sst s6  }
0xf: {  	[smem:$0x3FAF] =	sst s7  }
0x10: {  	[smem:$0x3FB0] =	sst s8  }
0x11: {  	[smem:$0x3FB1] =	sst s9;
	s0 =	simm.s32 @!p0 $0x0  }
0x12: {  	s1 =	sld [smem:$0x3F97];
	s0 =	simm.s32 @p0 $0x1  }
0x13: {  	[smem:$0x3FB2] =	sst s0;
	s0 =	simm.s32 @!p1 $0x0  }
0x14: {  	s2 =	sld [smem:$0x3F96];
	s0 =	simm.s32 @p1 $0x1  }
0x15: {  	[smem:$0x3FB3] =	sst s0;
	s0 =	simm.s32 @!p2 $0x0  }
0x16: {  	s3 =	sld [smem:$0x3FDB];
	s0 =	simm.s32 @p2 $0x1  }
0x17: {  	s4 =	simm.s32 $0x1BF5;
	[smem:$0x3FB5] =	sst s0  }
0x18: {  	s0 =	sld [smem:$0x3F98];
	_ =	swait.ge [sflag:s4], $0x0  }
0x19: {  	s7 =	sld [smem:$0x3F99]  }
0x1a: {  	s8 =	sadd.s32 $0xFFFFE003, lr  }
0x1b: {  	s9 =	sadd.s32 $0xFFFFFEF7, lr;
	s5 =	simm.s32 $0xFFFFFFFF;
	p2 =	slt.u32 s8, $0xFFFFF086  }
0x1c: {  	p1 =	slt.u32 s9, $0xF7A;
	s5 =	simm.s32 @!p2 $0x0  }
0x1d: {  	s5 =	simm.s32 @p1 $0x1;
	p0 =	seq.s32 s7, s2  }
0x1e: {  	s7 =	smul.u32 @!p0 $0xF7A, s2;
	p2 =	seq.s32 @!p0 s5, $0x0  }
0x1f: {  	s9 =	smul.u32 $0xF7A, s1;
	s8 =	simm.s32 @!p0 $0x1BF5;
	p2 =	por !p2, p0  }
0x20: {  	[sflag:s8] =	ssyncset.s32 @!p0 $0xFFFFF086;
	s6 =	sadd.s32 @!p0 s3, s7;
	s7 =	simm.s32 @!p0 $0x108  }
0x21: {  	s3 =	sadd.s32 s3, s9;
	s6 =	sadd.s32 @!p0 $0x88, s6;
	s7 =	simm.s32 @p2 $0x1082  }
0x22: {  	[simem:s7], [sflag:s8] =	dma.local @!p0 [hbm:s6], $0xF7A  }
0x23: {  	s9 =	sor.u32 $0xD0000000, s2;
	s6 =	simm.s32 $0x108;
	_ =	swait.ge @!p0 [sflag:s8], $0x0  }
0x24: {  	s3 =	sadd.s32 $0x88, s3;
	s6 =	simm.s32 @!p1 $0x1082;
	[sflag:s4] =	ssyncset.s32 $0xFFFFF086  }
0x25: {  	[simem:s6], [sflag:s4] =	dma.local [hbm:s3], $0xF7A  }
0x26: {  	[smem:$0x3F99] =	sst s1;
	(tag) =	ssettag s2;
	_ =	strace s9  }
0x27: {  	s1 =	sld [smem:$0x3FA9]  }
0x28: {  	s2 =	sld [smem:$0x3FAA]  }
0x29: {  	s4 =	sld [smem:$0x3FAC]  }
0x2a: {  	p0 =	seq.s32 s5, $0x0;
	s5 =	sld [smem:$0x3FAD]  }
0x2b: {  	s6 =	sld [smem:$0x3FAE]  }
0x2c: {  	s7 =	sld [smem:$0x3FAF]  }
0x2d: {  	s3 =	simm.s32 $0x108;
	s8 =	sld [smem:$0x3FB0]  }
0x2e: {  	s3 =	simm.s32 @!p0 $0x1082;
	s9 =	sld [smem:$0x3FB1]  }
0x2f: {  	lr =	sadd.s32 s0, s3;
	s0 =	sld [smem:$0x3FA8]  }
0x30: {  	s3 =	sld [smem:$0x3FAB]  }
0x31: {  	[smem:$0x3FB4] =	sst s10  }
0x32: {  	s10 =	sld [smem:$0x3FB2];
	_ =	sdelay $0x3  }
0x33: {  	p0 =	seq.s32 s10, $0x1;
	s10 =	sld [smem:$0x3FB4];
	_ =	sdelay $0x3  }
0x34: {  	[smem:$0x3FB4] =	sst s10  }
0x35: {  	s10 =	sld [smem:$0x3FB3];
	_ =	sdelay $0x3  }
0x36: {  	p1 =	seq.s32 s10, $0x1;
	s10 =	sld [smem:$0x3FB4];
	_ =	sdelay $0x3  }
0x37: {  	[smem:$0x3FB4] =	sst s10  }
0x38: {  	s10 =	sld [smem:$0x3FB5]  }
0x39: {  	_ = 	snop;
	(pc) =	sbr.ind lr, $3  }
0x3a: {  	_ = 	snop  }
0x3b: {  	_ = 	snop  }
0x3c: {  	p2 =	seq.s32 s10, $0x1;
	s10 =	sld [smem:$0x3FB4]  }
0x3d: {  	_ =	shalt  }
0x3e: {  	_ =	shalt  }
0x3f: {  	_ =	shalt  }
0x40: {  	_ =	shalt  }
0x41: {  	_ =	shalt  }
0x42: {  	_ =	shalt  }
0x43: {  	_ =	shalt  }
0x44: {  	_ =	shalt  }
0x45: {  	_ =	shalt  }
0x46: {  	_ =	shalt  }
0x47: {  	_ =	shalt  }
0x48: {  	_ =	shalt  }
0x49: {  	_ =	shalt  }
0x4a: {  	_ =	shalt  }
0x4b: {  	_ =	shalt  }
0x4c: {  	_ =	shalt  }
0x4d: {  	_ =	shalt  }
0x4e: {  	_ =	shalt  }
0x4f: {  	_ =	shalt  }
0x50: {  	_ =	shalt  }
0x51: {  	_ =	shalt  }
0x52: {  	_ =	shalt  }
0x53: {  	_ =	shalt  }
0x54: {  	_ =	shalt  }
0x55: {  	_ =	shalt  }
0x56: {  	_ =	shalt  }
0x57: {  	_ =	shalt  }
0x58: {  	_ =	shalt  }
0x59: {  	_ =	shalt  }
0x5a: {  	_ =	shalt  }
0x5b: {  	_ =	shalt  }
0x5c: {  	_ =	shalt  }
0x5d: {  	_ =	shalt  }
0x5e: {  	_ =	shalt  }
0x5f: {  	_ =	shalt  }
0x60: {  	_ =	shalt  }
0x61: {  	_ =	shalt  }
0x62: {  	_ =	shalt  }
0x63: {  	_ =	shalt  }
0x64: {  	_ =	shalt  }
0x65: {  	_ =	shalt  }
0x66: {  	_ =	shalt  }
0x67: {  	_ =	shalt  }
0x68: {  	_ =	shalt  }
0x69: {  	_ =	shalt  }
0x6a: {  	_ =	shalt  }
0x6b: {  	_ =	shalt  }
0x6c: {  	_ =	shalt  }
0x6d: {  	_ =	shalt  }
0x6e: {  	_ =	shalt  }
0x6f: {  	_ =	shalt  }
0x70: {  	_ =	shalt  }
0x71: {  	_ =	shalt  }
0x72: {  	_ =	shalt  }
0x73: {  	_ =	shalt  }
0x74: {  	_ =	shalt  }
0x75: {  	_ =	shalt  }
0x76: {  	_ =	shalt  }
0x77: {  	_ =	shalt  }
0x78: {  	_ =	shalt  }
0x79: {  	_ =	shalt  }
0x7a: {  	_ =	shalt  }
0x7b: {  	_ =	shalt  }
0x7c: {  	_ =	shalt  }
0x7d: {  	_ =	shalt  }
0x7e: {  	_ =	shalt  }
0x7f: {  	_ =	shalt  }
0x80: {  	_ =	shalt  }
0x81: {  	_ =	shalt  }
0x82: {  	_ =	shalt  }
0x83: {  	_ =	shalt  }
0x84: {  	_ =	shalt  }
0x85: {  	_ =	shalt  }
0x86: {  	_ =	shalt  }
0x87: {  	_ =	shalt  }
.Lfunc_end0:
.L_simem_size_0:
called_computation.1_lowered:
.L_overlay_start_0:
0x88: {  	s2 =	sld [smem:$0x3FD9]  }
0x89: {  	s3 =	sld [smem:$0x3FFE];
	_ =	sdelay $0x1  }
0x8a: {  	s1 =	srdreg.scid  }
0x8b: {  	s0 =	sand.u32 $0x1, s1  }
0x8c: {  	s16 =	sshll.u32 s0, $0xA;
	s2 =	sadd.s32 s3, s2  }
0x8d: {  	s2 =	sadd.s32 s2, s16  }
0x8e: {  	[smem:$0x3FC0] =	sst s2  }
0x8f: {  	_ = 	snop  }
0x90: {  	(tm) =	ssettm $0x1  }
0x91: {  	s17 =	sld [smem:$0x3FFB];
	_ =	sdelay $0x3  }
0x92: {  	_ =	strace s17  }
0x93: {  	s2 =	sld [smem:$0x3FFC];
	_ =	sdelay $0x3  }
0x94: {  	_ =	strace s2  }
0x95: {  	s2 =	sld [smem:$0x3FFD];
	_ =	sdelay $0x3  }
0x96: {  	_ =	strace s2  }
0x97: {  	_ =	strace $0x8FFFFFFF  }
0x98: {  	s18 =	sld [smem:$0x3FDB];
	_ =	sdelay $0x1  }
0x99: {  	s19 =	simm.s32 $_scs_section_size  }
0x9a: {  	s4 =	simm.s32 $_size__tile_overlayer_lowered;
	s5 =	simm.s32 $_tile_overlayer_lowered  }
0x9b: {  	s22 =	simm.s32 $0x1BFF;
	s21 =	sshll.u32 s5, $0x1;
	s2 =	sadd.s32 s19, s18  }
0x9c: {  	s6 =	simm.s32 $0x0;
	s20 =	sshll.u32 s4, $0x1;
	s4 =	sadd.s32 s21, s2  }
0x9d: {  	[timem:s6], [sflag:s22] =	dma.local [hbm:s4], s20  }
0x9e: {  	_ =	swait.ge [sflag:s22], s20  }
0x9f: {  	s3 =	ssub.s32 $0x0, s20;
	[sflag:s22] =	ssyncset.done $0x0  }
0xa0: {  	[sflag:s22] =	ssyncadd.s32 s3;
	_ =	sdelay $0x1  }
0xa1: {  	s23 =	simm.s32 $0x1B8B  }
0xa2: {  	_ =	swait.ge [sflag:s23], $0x1  }
0xa3: {  	[sflag:s23] =	ssyncset.done $0x0  }
0xa4: {  	s25 =	simm.s32 $0x1B8E;
	s24 =	sld [smem:$0x3FFE];
	[sflag:s23] =	ssyncadd.s32 $0xFFFFFFFF  }
0xa5: {  	s26 =	simm.s32 $execute0_lowered;
	[smem:$0x3FD2] =	sst s25  }
0xa6: {  	s4 =	sshll.u32 s26, $0x1;
	_ =	strace $0x80000049;
	[dreg:$0x1] =	wrdreg $0xFFFFFFFF  }
0xa7: {  	s28 =	simm.s32 $_size_execute0_lowered;
	s2 =	sadd.s32 s2, s4;
	[dreg:$0x0] =	wrdreg $0x0  }
0xa8: {  	s4 =	sshll.u32 s28, $0x1;
	[dreg:$0x2] =	wrdreg s2  }
0xa9: {  	[dreg:$0x3] =	wrdreg s4  }
0xaa: {  	[dreg:$0x4] =	wrdreg $0xC0  }
0xab: {  	_ =	task [dreg:s6], $0x5FFFF  }
0xac: {  	[dreg:$0x1] =	wrdreg $0xFFFFFFFF  }
0xad: {  	[dreg:$0x0] =	wrdreg $0x60  }
0xae: {  	[dreg:$0x2] =	wrdreg s24  }
0xaf: {  	[dreg:$0x3] =	wrdreg $0x9  }
0xb0: {  	_ =	task.clear_ibuf [dreg:s6], $0x4FFFF;
	_ =	strace $0x90000049  }
0xb1: {  	s29 =	simm.s32 $0x9;
	_ =	strace $0x8000004B  }
0xb2: {  	_ =	swait.ge [sflag:s29], $0x1  }
0xb3: {  	[sflag:s29] =	ssyncadd.s32 $0xFFFFFFFF  }
0xb4: {  	_ =	strace $0x9000004B  }
0xb5: {  	_ =	sfence  }
0xb6: {  	s30 =	sld [smem:$0x0];
	_ =	sdelay $0x2  }
0xb7: {  	s31 =	sshll.u32 s1, $0xD;
	s1 =	sshrl.u32 s1, $0x2  }
0xb8: {  	s3 =	sand.u32 $0x4000, s31;
	s1 =	sadd.s32 s1, s30  }
0xb9: {  	s0 =	sor.u32 s3, s0;
	s1 =	sshll.u32 s1, $0x11  }
0xba: {  	s0 =	sor.u32 s1, s0  }
0xbb: {  	s0 =	sadd.s32 $0x8F2B, s0  }
0xbc: {  	[sflag:s0] =	ssyncadd.remote.s32 $0x1  }
0xbd: {  	_ =	sfence.sel $0xFFFF  }
0xbe: {  	[dreg:$0x0] =	wrdreg $0xFFFFFFFF;
	(pc) =	sbr.abs _section_cstart, $3  }
0xbf: {  	[dreg:$0x1] =	wrdreg $0xFFFFFFFF  }
0xc0: {  	_ =	task.clear_ibuf [dreg:s6], $0x2FFFF;
	_ =	strace $0x9FFFFFFF  }
0xc1: {  	(tm) =	ssettm $0x7FFFFFFF  }
tec
execute0_lowered:
.L_overlay_start_1:
0x0: {  	(tag) =	ssettag $0x1  }
0x1: {  	s0 =	rddreg [dreg:$0x0];
	s3 =	srdreg.scid  }
0x2: {  	s1 =	stileid.u32;
	s2 =	simm.s32 $0x0;
	s13 =	simm.s32 $0x3  }
0x3: {  	s14 =	simm.s32 $0x400;
	s15 =	simm.s32 $0xC00;
	s16 =	simm.s32 $0x1400  }
0x4: {  	s17 =	simm.s32 $0x1C00;
	s18 =	simm.s32 $0x2400;
	s19 =	simm.s32 $0x2C00  }
0x5: {  	s20 =	simm.s32 $0x3400;
	s21 =	simm.s32 $0x3C00;
	s22 =	simm.s32 $0x1  }
0x6: {  	s28 =	simm.s32 $0x6400;
	s29 =	simm.s32 $0x6C00;
	s30 =	simm.s32 $0x7400  }
0x7: {  	s31 =	simm.s32 $0x7C00;
	s4 =	sand.u32 $0x1, s3;
	s23 =	sshll.u32 s1, $0x1  }
0x8: {  	[smem:$0x7FF] =	sst s2;
	s3 =	sadd.s32 $0xADA00, s0;
	s5 =	sor.u32 s4, s23  }
0x9: {  	_ =	strace $0x8000004A;
	s4 =	ssub.s32 $0x2, s4;
	s23 =	simm.s32 $0x4400  }
0xa: {  	s6 =	sshll.u32 s5, $0x7;
	s5 =	sshll.u32 s5, $0xE;
	s24 =	sshrl.u32 s4, $0x1  }
0xb: {  	s6 =	sadd.s32 s6, s0;
	s11 =	sadd.s32 s5, s0;
	s12 =	ssub.s32 s4, s24  }
0xc: {  	s4 =	sadd.s32 $0xADB00, s0;
	s5 =	sadd.s32 $0xADC00, s0;
	s24 =	simm.s32 $0x4C00  }
0xd: {  	s6 =	sadd.s32 $0xABE00, s6;
	s25 =	sadd.s32 $0xAC00, s11;
	s26 =	sadd.s32 $0xB400, s11  }
0xe: {  	s7 =	sadd.s32 $0xBC00, s11;
	s8 =	sadd.s32 $0xCC00, s11;
	[dreg:$0x2] =	wrdreg s6  }
0xf: {  	s9 =	sadd.s32 $0xD400, s11;
	s10 =	sadd.s32 $0xDC00, s11;
	[dreg:$0x3] =	wrdreg s25  }
0x10: {  	v2 =	vlaneseq.u32;
	s12 =	smax.u32 s12, $0x1;
	[dreg:$0x4] =	wrdreg s26;
	s6 =	sadd.s32 $0xADD00, s0  }
0x11: {  	vm0 =	vmmov $0xffff;
	v1 =	vshrl.u32 v2, $0x3;
	[dreg:$0x5] =	wrdreg s7;
	s7 =	sadd.s32 $0xC400, s11;
	s11 =	sadd.s32 $0xE400, s11  }
0x12: {  	v0 =	vand.u32 $0x7, v2;
	v2 =	vor.u32 $0x8, v2;
	v1 =	vmul.u32 $0x8, v1;
	s25 =	simm.s32 $0x5400;
	s26 =	simm.s32 $0x5C00;
	s0 =	simm.s32 $0x2  }
.LBB2_1:
0x13: {  	s1 =	rddreg [dreg:$0x2]  }
0x14: {  	[tilespmem:s2], [sflag:$0x3] =	stream.linear.gather [hbm4b:s1+s2], $0x400, $0x38;
	[tilespmem:$0x8400] =	vst v63  }
0x15: {  	_ =	swait.ge [sflag:s13], $0x400  }
0x16: {  	[sflag:s13] =	ssyncset.done $0x0  }
0x17: {  	[sflag:s13] =	ssyncadd.s32 $0xFFFFFC00  }
0x18: {  	v3 =	vld [tilespmem:$0x0];
	_ =	sdelay $0x4  }
0x19: {  	v4 =	vshll.u32 v3, $0x3  }
0x1a: {  	v3 =	vand.u32 $0x7, v3;
	v4 =	vand.u32 $0xFFFFFFC0, v4  }
0x1b: {  	v3 =	vor.u32 v3, v4  }
0x1c: {  	v4 =	vperm.xlane v3, v0;
	_ =	sdelay $0x1  }
0x1d: {  	v4 =	vadd.s32 v1, v4;
	_ =	sdelay $0x4  }
0x1e: {  	[tilespmem:s14], [sflag:$0x1] =	stream.indirect_vreg.gather [hbm4b:s3+s2], $0x80, v4, vm0, $0xb8;
	[tilespmem:$0x8400] =	vst v63  }
0x1f: {  	v3 =	vperm.xlane v3, v2  }
0x20: {  	[tilespmem:s15], [sflag:$0x1] =	stream.indirect_vreg.gather [hbm4b:s4+s2], $0x80, v4, vm0, $0xb8;
	[tilespmem:$0x8400] =	vst v63  }
0x21: {  	v3 =	vadd.s32 v1, v3  }
0x22: {  	[tilespmem:s16], [sflag:$0x1] =	stream.indirect_vreg.gather [hbm4b:s5+s2], $0x80, v4, vm0, $0xb8;
	[tilespmem:$0x8400] =	vst v63  }
0x23: {  	_ = 	snop  }
0x24: {  	[tilespmem:s17], [sflag:$0x1] =	stream.indirect_vreg.gather [hbm4b:s6+s2], $0x80, v4, vm0, $0xb8;
	[tilespmem:$0x8400] =	vst v63  }
0x25: {  	_ = 	snop  }
0x26: {  	[tilespmem:s18], [sflag:$0x1] =	stream.indirect_vreg.gather [hbm4b:s3+s2], $0x80, v3, vm0, $0xb8;
	[tilespmem:$0x8400] =	vst v63  }
0x27: {  	_ = 	snop  }
0x28: {  	[tilespmem:s19], [sflag:$0x1] =	stream.indirect_vreg.gather [hbm4b:s4+s2], $0x80, v3, vm0, $0xb8;
	[tilespmem:$0x8400] =	vst v63  }
0x29: {  	_ = 	snop  }
0x2a: {  	[tilespmem:s20], [sflag:$0x1] =	stream.indirect_vreg.gather [hbm4b:s5+s2], $0x80, v3, vm0, $0xb8;
	[tilespmem:$0x8400] =	vst v63  }
0x2b: {  	_ = 	snop  }
0x2c: {  	[tilespmem:s21], [sflag:$0x1] =	stream.indirect_vreg.gather [hbm4b:s6+s2], $0x80, v3, vm0, $0xb8;
	[tilespmem:$0x8400] =	vst v63  }
0x2d: {  	_ =	swait.ge [sflag:s22], $0x4000  }
0x2e: {  	[sflag:s22] =	ssyncset.done $0x0  }
0x2f: {  	s1 =	rddreg [dreg:$0x3];
	[sflag:s22] =	ssyncadd.s32 $0xFFFFC000  }
0x30: {  	[hbm4b:s1+s2] =	stream.linear.scatter [tilespmem:s14], [sflag:$0x2], $0x4000, $0x38;
	[tilespmem:$0x8400] =	vst v63  }
0x31: {  	v3 =	vld [tilespmem:$0x80];
	_ =	sdelay $0x4  }
0x32: {  	v57 =	vshll.u32 v3, $0x3  }
0x33: {  	v3 =	vand.u32 $0x7, v3;
	v4 =	vand.u32 $0xFFFFFFC0, v57  }
0x34: {  	v3 =	vor.u32 v3, v4  }
0x35: {  	v4 =	vperm.xlane v3, v0;
	_ =	sdelay $0x1  }
0x36: {  	v4 =	vadd.s32 v1, v4;
	_ =	sdelay $0x4  }
0x37: {  	[tilespmem:s23], [sflag:$0x1] =	stream.indirect_vreg.gather [hbm4b:s3+s2], $0x80, v4, vm0, $0xb8;
	[tilespmem:$0x8400] =	vst v63  }
0x38: {  	v3 =	vperm.xlane v3, v2  }
0x39: {  	[tilespmem:s24], [sflag:$0x1] =	stream.indirect_vreg.gather [hbm4b:s4+s2], $0x80, v4, vm0, $0xb8;
	[tilespmem:$0x8400] =	vst v63  }
0x3a: {  	v3 =	vadd.s32 v1, v3  }
0x3b: {  	[tilespmem:s25], [sflag:$0x1] =	stream.indirect_vreg.gather [hbm4b:s5+s2], $0x80, v4, vm0, $0xb8;
	[tilespmem:$0x8400] =	vst v63  }
0x3c: {  	_ = 	snop  }
0x3d: {  	[tilespmem:s26], [sflag:$0x1] =	stream.indirect_vreg.gather [hbm4b:s6+s2], $0x80, v4, vm0, $0xb8;
	[tilespmem:$0x8400] =	vst v63  }
0x3e: {  	_ = 	snop  }
0x3f: {  	[tilespmem:s28], [sflag:$0x1] =	stream.indirect_vreg.gather [hbm4b:s3+s2], $0x80, v3, vm0, $0xb8;
	[tilespmem:$0x8400] =	vst v63  }
0x40: {  	_ = 	snop  }
0x41: {  	[tilespmem:s29], [sflag:$0x1] =	stream.indirect_vreg.gather [hbm4b:s4+s2], $0x80, v3, vm0, $0xb8;
	[tilespmem:$0x8400] =	vst v63  }
0x42: {  	_ = 	snop  }
0x43: {  	[tilespmem:s30], [sflag:$0x1] =	stream.indirect_vreg.gather [hbm4b:s5+s2], $0x80, v3, vm0, $0xb8;
	[tilespmem:$0x8400] =	vst v63  }
0x44: {  	_ = 	snop  }
0x45: {  	[tilespmem:s31], [sflag:$0x1] =	stream.indirect_vreg.gather [hbm4b:s6+s2], $0x80, v3, vm0, $0xb8;
	[tilespmem:$0x8400] =	vst v63  }
0x46: {  	_ =	swait.ge [sflag:s22], $0x4000  }
0x47: {  	[sflag:s22] =	ssyncset.done $0x0  }
0x48: {  	s1 =	rddreg [dreg:$0x4];
	[sflag:s22] =	ssyncadd.s32 $0xFFFFC000  }
0x49: {  	[hbm4b:s1+s2] =	stream.linear.scatter [tilespmem:s23], [sflag:$0x2], $0x4000, $0x38;
	[tilespmem:$0x8400] =	vst v63  }
0x4a: {  	_ =	swait.ge [sflag:s0], $0x4000  }
0x4b: {  	[sflag:s0] =	ssyncset.done $0x0  }
0x4c: {  	[sflag:s0] =	ssyncadd.s32 $0xFFFFC000  }
0x4d: {  	v3 =	vld [tilespmem:$0x100];
	_ =	sdelay $0x4  }
0x4e: {  	v58 =	vshll.u32 v3, $0x3  }
0x4f: {  	v3 =	vand.u32 $0x7, v3;
	v4 =	vand.u32 $0xFFFFFFC0, v58  }
0x50: {  	v3 =	vor.u32 v3, v4  }
0x51: {  	v4 =	vperm.xlane v3, v0;
	_ =	sdelay $0x1  }
0x52: {  	v4 =	vadd.s32 v1, v4;
	_ =	sdelay $0x4  }
0x53: {  	[tilespmem:s14], [sflag:$0x1] =	stream.indirect_vreg.gather [hbm4b:s3+s2], $0x80, v4, vm0, $0xb8;
	[tilespmem:$0x8400] =	vst v63  }
0x54: {  	v3 =	vperm.xlane v3, v2  }
0x55: {  	[tilespmem:s15], [sflag:$0x1] =	stream.indirect_vreg.gather [hbm4b:s4+s2], $0x80, v4, vm0, $0xb8;
	[tilespmem:$0x8400] =	vst v63  }
0x56: {  	v3 =	vadd.s32 v1, v3  }
0x57: {  	[tilespmem:s16], [sflag:$0x1] =	stream.indirect_vreg.gather [hbm4b:s5+s2], $0x80, v4, vm0, $0xb8;
	[tilespmem:$0x8400] =	vst v63  }
0x58: {  	_ = 	snop  }
0x59: {  	[tilespmem:s17], [sflag:$0x1] =	stream.indirect_vreg.gather [hbm4b:s6+s2], $0x80, v4, vm0, $0xb8;
	[tilespmem:$0x8400] =	vst v63  }
0x5a: {  	_ = 	snop  }
0x5b: {  	[tilespmem:s18], [sflag:$0x1] =	stream.indirect_vreg.gather [hbm4b:s3+s2], $0x80, v3, vm0, $0xb8;
	[tilespmem:$0x8400] =	vst v63  }
0x5c: {  	_ = 	snop  }
0x5d: {  	[tilespmem:s19], [sflag:$0x1] =	stream.indirect_vreg.gather [hbm4b:s4+s2], $0x80, v3, vm0, $0xb8;
	[tilespmem:$0x8400] =	vst v63  }
0x5e: {  	_ = 	snop  }
0x5f: {  	[tilespmem:s20], [sflag:$0x1] =	stream.indirect_vreg.gather [hbm4b:s5+s2], $0x80, v3, vm0, $0xb8;
	[tilespmem:$0x8400] =	vst v63  }
0x60: {  	_ = 	snop  }
0x61: {  	[tilespmem:s21], [sflag:$0x1] =	stream.indirect_vreg.gather [hbm4b:s6+s2], $0x80, v3, vm0, $0xb8;
	[tilespmem:$0x8400] =	vst v63  }
0x62: {  	_ =	swait.ge [sflag:s22], $0x4000  }
0x63: {  	[sflag:s22] =	ssyncset.done $0x0  }
0x64: {  	s1 =	rddreg [dreg:$0x5];
	[sflag:s22] =	ssyncadd.s32 $0xFFFFC000  }
0x65: {  	[hbm4b:s1+s2] =	stream.linear.scatter [tilespmem:s14], [sflag:$0x2], $0x4000, $0x38;
	[tilespmem:$0x8400] =	vst v63  }
0x66: {  	_ =	swait.ge [sflag:s0], $0x4000  }
0x67: {  	[sflag:s0] =	ssyncset.done $0x0  }
0x68: {  	[sflag:s0] =	ssyncadd.s32 $0xFFFFC000  }
0x69: {  	v3 =	vld [tilespmem:$0x180];
	_ =	sdelay $0x4  }
0x6a: {  	v59 =	vshll.u32 v3, $0x3  }
0x6b: {  	v3 =	vand.u32 $0x7, v3;
	v4 =	vand.u32 $0xFFFFFFC0, v59  }
0x6c: {  	v3 =	vor.u32 v3, v4  }
0x6d: {  	v4 =	vperm.xlane v3, v0;
	_ =	sdelay $0x1  }
0x6e: {  	v4 =	vadd.s32 v1, v4;
	_ =	sdelay $0x4  }
0x6f: {  	[tilespmem:s23], [sflag:$0x1] =	stream.indirect_vreg.gather [hbm4b:s3+s2], $0x80, v4, vm0, $0xb8;
	[tilespmem:$0x8400] =	vst v63  }
0x70: {  	v3 =	vperm.xlane v3, v2  }
0x71: {  	[tilespmem:s24], [sflag:$0x1] =	stream.indirect_vreg.gather [hbm4b:s4+s2], $0x80, v4, vm0, $0xb8;
	[tilespmem:$0x8400] =	vst v63  }
0x72: {  	v3 =	vadd.s32 v1, v3  }
0x73: {  	[tilespmem:s25], [sflag:$0x1] =	stream.indirect_vreg.gather [hbm4b:s5+s2], $0x80, v4, vm0, $0xb8;
	[tilespmem:$0x8400] =	vst v63  }
0x74: {  	_ = 	snop  }
0x75: {  	[tilespmem:s26], [sflag:$0x1] =	stream.indirect_vreg.gather [hbm4b:s6+s2], $0x80, v4, vm0, $0xb8;
	[tilespmem:$0x8400] =	vst v63  }
0x76: {  	_ = 	snop  }
0x77: {  	[tilespmem:s28], [sflag:$0x1] =	stream.indirect_vreg.gather [hbm4b:s3+s2], $0x80, v3, vm0, $0xb8;
	[tilespmem:$0x8400] =	vst v63  }
0x78: {  	_ = 	snop  }
0x79: {  	[tilespmem:s29], [sflag:$0x1] =	stream.indirect_vreg.gather [hbm4b:s4+s2], $0x80, v3, vm0, $0xb8;
	[tilespmem:$0x8400] =	vst v63  }
0x7a: {  	_ = 	snop  }
0x7b: {  	[tilespmem:s30], [sflag:$0x1] =	stream.indirect_vreg.gather [hbm4b:s5+s2], $0x80, v3, vm0, $0xb8;
	[tilespmem:$0x8400] =	vst v63  }
0x7c: {  	_ = 	snop  }
0x7d: {  	[tilespmem:s31], [sflag:$0x1] =	stream.indirect_vreg.gather [hbm4b:s6+s2], $0x80, v3, vm0, $0xb8;
	[tilespmem:$0x8400] =	vst v63  }
0x7e: {  	_ =	swait.ge [sflag:s22], $0x4000  }
0x7f: {  	[sflag:s22] =	ssyncset.done $0x0  }
0x80: {  	[sflag:s22] =	ssyncadd.s32 $0xFFFFC000  }
0x81: {  	[hbm4b:s7+s2] =	stream.linear.scatter [tilespmem:s23], [sflag:$0x2], $0x4000, $0x38;
	[tilespmem:$0x8400] =	vst v63  }
0x82: {  	_ =	swait.ge [sflag:s0], $0x4000  }
0x83: {  	[sflag:s0] =	ssyncset.done $0x0  }
0x84: {  	[sflag:s0] =	ssyncadd.s32 $0xFFFFC000  }
0x85: {  	v3 =	vld [tilespmem:$0x200];
	_ =	sdelay $0x4  }
0x86: {  	v60 =	vshll.u32 v3, $0x3  }
0x87: {  	v3 =	vand.u32 $0x7, v3;
	v4 =	vand.u32 $0xFFFFFFC0, v60  }
0x88: {  	v3 =	vor.u32 v3, v4  }
0x89: {  	v4 =	vperm.xlane v3, v0;
	_ =	sdelay $0x1  }
0x8a: {  	v4 =	vadd.s32 v1, v4;
	_ =	sdelay $0x4  }
0x8b: {  	[tilespmem:s14], [sflag:$0x1] =	stream.indirect_vreg.gather [hbm4b:s3+s2], $0x80, v4, vm0, $0xb8;
	[tilespmem:$0x8400] =	vst v63  }
0x8c: {  	v3 =	vperm.xlane v3, v2  }
0x8d: {  	[tilespmem:s15], [sflag:$0x1] =	stream.indirect_vreg.gather [hbm4b:s4+s2], $0x80, v4, vm0, $0xb8;
	[tilespmem:$0x8400] =	vst v63  }
0x8e: {  	v3 =	vadd.s32 v1, v3  }
0x8f: {  	[tilespmem:s16], [sflag:$0x1] =	stream.indirect_vreg.gather [hbm4b:s5+s2], $0x80, v4, vm0, $0xb8;
	[tilespmem:$0x8400] =	vst v63  }
0x90: {  	_ = 	snop  }
0x91: {  	[tilespmem:s17], [sflag:$0x1] =	stream.indirect_vreg.gather [hbm4b:s6+s2], $0x80, v4, vm0, $0xb8;
	[tilespmem:$0x8400] =	vst v63  }
0x92: {  	_ = 	snop  }
0x93: {  	[tilespmem:s18], [sflag:$0x1] =	stream.indirect_vreg.gather [hbm4b:s3+s2], $0x80, v3, vm0, $0xb8;
	[tilespmem:$0x8400] =	vst v63  }
0x94: {  	_ = 	snop  }
0x95: {  	[tilespmem:s19], [sflag:$0x1] =	stream.indirect_vreg.gather [hbm4b:s4+s2], $0x80, v3, vm0, $0xb8;
	[tilespmem:$0x8400] =	vst v63  }
0x96: {  	_ = 	snop  }
0x97: {  	[tilespmem:s20], [sflag:$0x1] =	stream.indirect_vreg.gather [hbm4b:s5+s2], $0x80, v3, vm0, $0xb8;
	[tilespmem:$0x8400] =	vst v63  }
0x98: {  	_ = 	snop  }
0x99: {  	[tilespmem:s21], [sflag:$0x1] =	stream.indirect_vreg.gather [hbm4b:s6+s2], $0x80, v3, vm0, $0xb8;
	[tilespmem:$0x8400] =	vst v63  }
0x9a: {  	_ =	swait.ge [sflag:s22], $0x4000  }
0x9b: {  	[sflag:s22] =	ssyncset.done $0x0  }
0x9c: {  	[sflag:s22] =	ssyncadd.s32 $0xFFFFC000  }
0x9d: {  	[hbm4b:s8+s2] =	stream.linear.scatter [tilespmem:s14], [sflag:$0x2], $0x4000, $0x38;
	[tilespmem:$0x8400] =	vst v63  }
0x9e: {  	_ =	swait.ge [sflag:s0], $0x4000  }
0x9f: {  	[sflag:s0] =	ssyncset.done $0x0  }
0xa0: {  	[sflag:s0] =	ssyncadd.s32 $0xFFFFC000  }
0xa1: {  	v3 =	vld [tilespmem:$0x280];
	_ =	sdelay $0x4  }
0xa2: {  	v61 =	vshll.u32 v3, $0x3  }
0xa3: {  	v3 =	vand.u32 $0x7, v3;
	v4 =	vand.u32 $0xFFFFFFC0, v61  }
0xa4: {  	v3 =	vor.u32 v3, v4  }
0xa5: {  	v4 =	vperm.xlane v3, v0;
	_ =	sdelay $0x1  }
0xa6: {  	v4 =	vadd.s32 v1, v4;
	_ =	sdelay $0x4  }
0xa7: {  	[tilespmem:s23], [sflag:$0x1] =	stream.indirect_vreg.gather [hbm4b:s3+s2], $0x80, v4, vm0, $0xb8;
	[tilespmem:$0x8400] =	vst v63  }
0xa8: {  	v3 =	vperm.xlane v3, v2  }
0xa9: {  	[tilespmem:s24], [sflag:$0x1] =	stream.indirect_vreg.gather [hbm4b:s4+s2], $0x80, v4, vm0, $0xb8;
	[tilespmem:$0x8400] =	vst v63  }
0xaa: {  	v3 =	vadd.s32 v1, v3  }
0xab: {  	[tilespmem:s25], [sflag:$0x1] =	stream.indirect_vreg.gather [hbm4b:s5+s2], $0x80, v4, vm0, $0xb8;
	[tilespmem:$0x8400] =	vst v63  }
0xac: {  	_ = 	snop  }
0xad: {  	[tilespmem:s26], [sflag:$0x1] =	stream.indirect_vreg.gather [hbm4b:s6+s2], $0x80, v4, vm0, $0xb8;
	[tilespmem:$0x8400] =	vst v63  }
0xae: {  	_ = 	snop  }
0xaf: {  	[tilespmem:s28], [sflag:$0x1] =	stream.indirect_vreg.gather [hbm4b:s3+s2], $0x80, v3, vm0, $0xb8;
	[tilespmem:$0x8400] =	vst v63  }
0xb0: {  	_ = 	snop  }
0xb1: {  	[tilespmem:s29], [sflag:$0x1] =	stream.indirect_vreg.gather [hbm4b:s4+s2], $0x80, v3, vm0, $0xb8;
	[tilespmem:$0x8400] =	vst v63  }
0xb2: {  	_ = 	snop  }
0xb3: {  	[tilespmem:s30], [sflag:$0x1] =	stream.indirect_vreg.gather [hbm4b:s5+s2], $0x80, v3, vm0, $0xb8;
	[tilespmem:$0x8400] =	vst v63  }
0xb4: {  	_ = 	snop  }
0xb5: {  	[tilespmem:s31], [sflag:$0x1] =	stream.indirect_vreg.gather [hbm4b:s6+s2], $0x80, v3, vm0, $0xb8;
	[tilespmem:$0x8400] =	vst v63  }
0xb6: {  	_ =	swait.ge [sflag:s22], $0x4000  }
0xb7: {  	[sflag:s22] =	ssyncset.done $0x0  }
0xb8: {  	[sflag:s22] =	ssyncadd.s32 $0xFFFFC000  }
0xb9: {  	[hbm4b:s9+s2] =	stream.linear.scatter [tilespmem:s23], [sflag:$0x2], $0x4000, $0x38;
	[tilespmem:$0x8400] =	vst v63  }
0xba: {  	_ =	swait.ge [sflag:s0], $0x4000  }
0xbb: {  	[sflag:s0] =	ssyncset.done $0x0  }
0xbc: {  	[sflag:s0] =	ssyncadd.s32 $0xFFFFC000  }
0xbd: {  	v3 =	vld [tilespmem:$0x300];
	_ =	sdelay $0x4  }
0xbe: {  	v62 =	vshll.u32 v3, $0x3  }
0xbf: {  	v3 =	vand.u32 $0x7, v3;
	v4 =	vand.u32 $0xFFFFFFC0, v62  }
0xc0: {  	v3 =	vor.u32 v3, v4  }
0xc1: {  	v4 =	vperm.xlane v3, v0;
	_ =	sdelay $0x1  }
0xc2: {  	v4 =	vadd.s32 v1, v4;
	_ =	sdelay $0x4  }
0xc3: {  	[tilespmem:s14], [sflag:$0x1] =	stream.indirect_vreg.gather [hbm4b:s3+s2], $0x80, v4, vm0, $0xb8;
	[tilespmem:$0x8400] =	vst v63  }
0xc4: {  	v3 =	vperm.xlane v3, v2  }
0xc5: {  	[tilespmem:s15], [sflag:$0x1] =	stream.indirect_vreg.gather [hbm4b:s4+s2], $0x80, v4, vm0, $0xb8;
	[tilespmem:$0x8400] =	vst v63  }
0xc6: {  	v3 =	vadd.s32 v1, v3  }
0xc7: {  	[tilespmem:s16], [sflag:$0x1] =	stream.indirect_vreg.gather [hbm4b:s5+s2], $0x80, v4, vm0, $0xb8;
	[tilespmem:$0x8400] =	vst v63  }
0xc8: {  	_ = 	snop  }
0xc9: {  	[tilespmem:s17], [sflag:$0x1] =	stream.indirect_vreg.gather [hbm4b:s6+s2], $0x80, v4, vm0, $0xb8;
	[tilespmem:$0x8400] =	vst v63  }
0xca: {  	_ = 	snop  }
0xcb: {  	[tilespmem:s18], [sflag:$0x1] =	stream.indirect_vreg.gather [hbm4b:s3+s2], $0x80, v3, vm0, $0xb8;
	[tilespmem:$0x8400] =	vst v63  }
0xcc: {  	_ = 	snop  }
0xcd: {  	[tilespmem:s19], [sflag:$0x1] =	stream.indirect_vreg.gather [hbm4b:s4+s2], $0x80, v3, vm0, $0xb8;
	[tilespmem:$0x8400] =	vst v63  }
0xce: {  	_ = 	snop  }
0xcf: {  	[tilespmem:s20], [sflag:$0x1] =	stream.indirect_vreg.gather [hbm4b:s5+s2], $0x80, v3, vm0, $0xb8;
	[tilespmem:$0x8400] =	vst v63  }
0xd0: {  	_ = 	snop  }
0xd1: {  	[tilespmem:s21], [sflag:$0x1] =	stream.indirect_vreg.gather [hbm4b:s6+s2], $0x80, v3, vm0, $0xb8;
	[tilespmem:$0x8400] =	vst v63  }
0xd2: {  	_ =	swait.ge [sflag:s22], $0x4000  }
0xd3: {  	[sflag:s22] =	ssyncset.done $0x0  }
0xd4: {  	[sflag:s22] =	ssyncadd.s32 $0xFFFFC000  }
0xd5: {  	[hbm4b:s10+s2] =	stream.linear.scatter [tilespmem:s14], [sflag:$0x2], $0x4000, $0x38;
	[tilespmem:$0x8400] =	vst v63  }
0xd6: {  	_ =	swait.ge [sflag:s0], $0x4000  }
0xd7: {  	[sflag:s0] =	ssyncset.done $0x0  }
0xd8: {  	[sflag:s0] =	ssyncadd.s32 $0xFFFFC000  }
0xd9: {  	v3 =	vld [tilespmem:$0x380];
	_ =	sdelay $0x4  }
0xda: {  	v63 =	vshll.u32 v3, $0x3  }
0xdb: {  	v3 =	vand.u32 $0x7, v3;
	v4 =	vand.u32 $0xFFFFFFC0, v63  }
0xdc: {  	v3 =	vor.u32 v3, v4  }
0xdd: {  	v4 =	vperm.xlane v3, v0;
	_ =	sdelay $0x1  }
0xde: {  	v4 =	vadd.s32 v1, v4;
	_ =	sdelay $0x4  }
0xdf: {  	[tilespmem:s23], [sflag:$0x1] =	stream.indirect_vreg.gather [hbm4b:s3+s2], $0x80, v4, vm0, $0xb8;
	[tilespmem:$0x8400] =	vst v63  }
0xe0: {  	v3 =	vperm.xlane v3, v2  }
0xe1: {  	[tilespmem:s24], [sflag:$0x1] =	stream.indirect_vreg.gather [hbm4b:s4+s2], $0x80, v4, vm0, $0xb8;
	[tilespmem:$0x8400] =	vst v63  }
0xe2: {  	v3 =	vadd.s32 v1, v3  }
0xe3: {  	[tilespmem:s25], [sflag:$0x1] =	stream.indirect_vreg.gather [hbm4b:s5+s2], $0x80, v4, vm0, $0xb8;
	[tilespmem:$0x8400] =	vst v63  }
0xe4: {  	_ = 	snop  }
0xe5: {  	[tilespmem:s26], [sflag:$0x1] =	stream.indirect_vreg.gather [hbm4b:s6+s2], $0x80, v4, vm0, $0xb8;
	[tilespmem:$0x8400] =	vst v63  }
0xe6: {  	_ = 	snop  }
0xe7: {  	[tilespmem:s28], [sflag:$0x1] =	stream.indirect_vreg.gather [hbm4b:s3+s2], $0x80, v3, vm0, $0xb8;
	[tilespmem:$0x8400] =	vst v63  }
0xe8: {  	_ = 	snop  }
0xe9: {  	[tilespmem:s29], [sflag:$0x1] =	stream.indirect_vreg.gather [hbm4b:s4+s2], $0x80, v3, vm0, $0xb8;
	[tilespmem:$0x8400] =	vst v63  }
0xea: {  	_ = 	snop  }
0xeb: {  	[tilespmem:s30], [sflag:$0x1] =	stream.indirect_vreg.gather [hbm4b:s5+s2], $0x80, v3, vm0, $0xb8;
	[tilespmem:$0x8400] =	vst v63  }
0xec: {  	_ = 	snop  }
0xed: {  	[tilespmem:s31], [sflag:$0x1] =	stream.indirect_vreg.gather [hbm4b:s6+s2], $0x80, v3, vm0, $0xb8;
	[tilespmem:$0x8400] =	vst v63  }
0xee: {  	_ =	swait.ge [sflag:s22], $0x4000  }
0xef: {  	[sflag:s22] =	ssyncset.done $0x0  }
0xf0: {  	[sflag:s22] =	ssyncadd.s32 $0xFFFFC000  }
0xf1: {  	[hbm4b:s11+s2] =	stream.linear.scatter [tilespmem:s23], [sflag:$0x2], $0x4000, $0x38;
	[tilespmem:$0x8400] =	vst v63  }
0xf2: {  	p0 =	sne.s32 s12, $0x1;
	_ =	swait.ge [sflag:s0], $0x4000  }
.Ltmp0:
0xf3: {  	[sflag:s0] =	ssyncset.done $0x0;
	(pc) =	sbr.rel @p0 .LBB2_1-.Ltmp0, $4  }
0xf4: {  	[sflag:s0] =	ssyncadd.s32 $0xFFFFC000  }
0xf5: {  	_ =	swait.ge [sflag:s0], $0x4000  }
0xf6: {  	[sflag:s0] =	ssyncset.done $0x0  }
0xf7: {  	s12 =	sadd.s32 $0xFFFFFFFF, s12;
	[sflag:s0] =	ssyncadd.s32 $0xFFFFC000  }
0xf8: {  	_ =	sfence.sel $0x180000  }
0xf9: {  	[bflag:$0x0] =	sbarrier.arrive $0xFFFF  }
0xfa: {  	_ =	strace $0x9000004A  }
0xfb: {  	s0 =	stileid.u32;
	[bflag:$0x2] =	sbarrier.arrive $0xFFFF  }
0xfc: {  	p0 =	sne.s32 s0, $0x0;
	s0 =	rddreg [dreg:$0x1]  }
0xfd: {  	s0 =	sadd.s32 @!p0 $0x100000, s0  }
0xfe: {  	[sflag:s0] =	ssyncadd.tile.s32 @!p0 $0x1;
	_ =	shalt  }
.Lfunc_end2:
_tile_overlayer_lowered:
.L_overlay_start_2:
0xff: {  	(tag) =	ssettag $0x2  }
0x100: {  	s0 =	rddreg [dreg:$0x0];
	s2 =	stileid.u32  }
0x101: {  	s1 =	rddreg [dreg:$0x1];
	p0 =	sne.s32 s2, $0x0  }
0x102: {  	s3 =	rddreg [dreg:$0x2];
	[bflag:$0x3] =	sbarrier.arrive $0xFFFF;
	s2 =	simm.s32 @!p0 $0x1C03  }
0x103: {  	[timem:s3], [sflag:s2] =	dma.local @!p0 [hbm:s0], s1  }
0x104: {  	s0 =	simm.s32 @!p0 $0x3  }
0x105: {  	_ =	swait.ge @!p0 [sflag:s0], s1  }
0x106: {  	s1 =	ssub.s32 @!p0 $0x0, s1;
	[sflag:s0] =	ssyncset.done @!p0 $0x0  }
0x107: {  	[sflag:s0] =	ssyncadd.s32 @!p0 s1  }
0x108: {  	[bflag:$0x3] =	sbarrier.arrive $0xFFFF  }
0x109: {  	_ =	shalt  }

// kernel: kernel.7.cloned.1.call-start
scs
__scs_entry_jumppad:
0x0: {  	(pc) =	sbr.rel $0x88, $3  }
0x1: {  	(tag) =	ssettag $0x0;
	lr =	simm.s32 $0x1  }
0x2: {  	[smem:$0x3F99] =	sst lr;
	_ =	strace $0xD0000000  }
0x3: {  	_ = 	snop  }
0x4: {  	_ = 	snop  }
0x5: {  	_ = 	snop  }
0x6: {  	_ = 	snop  }
0x7: {  	_ = 	snop  }
__scs_overlays_trampoline_lowered:
0x8: {  	[smem:$0x3FA8] =	sst s0  }
0x9: {  	[smem:$0x3FA9] =	sst s1  }
0xa: {  	[smem:$0x3FAA] =	sst s2  }
0xb: {  	[smem:$0x3FAB] =	sst s3  }
0xc: {  	[smem:$0x3FAC] =	sst s4  }
0xd: {  	[smem:$0x3FAD] =	sst s5  }
0xe: {  	[smem:$0x3FAE] =	sst s6  }
0xf: {  	[smem:$0x3FAF] =	sst s7  }
0x10: {  	[smem:$0x3FB0] =	sst s8  }
0x11: {  	[smem:$0x3FB1] =	sst s9;
	s0 =	simm.s32 @!p0 $0x0  }
0x12: {  	s1 =	sld [smem:$0x3F97];
	s0 =	simm.s32 @p0 $0x1  }
0x13: {  	[smem:$0x3FB2] =	sst s0;
	s0 =	simm.s32 @!p1 $0x0  }
0x14: {  	s2 =	sld [smem:$0x3F96];
	s0 =	simm.s32 @p1 $0x1  }
0x15: {  	[smem:$0x3FB3] =	sst s0;
	s0 =	simm.s32 @!p2 $0x0  }
0x16: {  	s3 =	sld [smem:$0x3FDB];
	s0 =	simm.s32 @p2 $0x1  }
0x17: {  	s4 =	simm.s32 $0x1BF5;
	[smem:$0x3FB5] =	sst s0  }
0x18: {  	s0 =	sld [smem:$0x3F98];
	_ =	swait.ge [sflag:s4], $0x0  }
0x19: {  	s7 =	sld [smem:$0x3F99]  }
0x1a: {  	s8 =	sadd.s32 $0xFFFFE003, lr  }
0x1b: {  	s9 =	sadd.s32 $0xFFFFFEF7, lr;
	s5 =	simm.s32 $0xFFFFFFFF;
	p2 =	slt.u32 s8, $0xFFFFF086  }
0x1c: {  	p1 =	slt.u32 s9, $0xF7A;
	s5 =	simm.s32 @!p2 $0x0  }
0x1d: {  	s5 =	simm.s32 @p1 $0x1;
	p0 =	seq.s32 s7, s2  }
0x1e: {  	s7 =	smul.u32 @!p0 $0xF7A, s2;
	p2 =	seq.s32 @!p0 s5, $0x0  }
0x1f: {  	s9 =	smul.u32 $0xF7A, s1;
	s8 =	simm.s32 @!p0 $0x1BF5;
	p2 =	por !p2, p0  }
0x20: {  	[sflag:s8] =	ssyncset.s32 @!p0 $0xFFFFF086;
	s6 =	sadd.s32 @!p0 s3, s7;
	s7 =	simm.s32 @!p0 $0x108  }
0x21: {  	s3 =	sadd.s32 s3, s9;
	s6 =	sadd.s32 @!p0 $0x88, s6;
	s7 =	simm.s32 @p2 $0x1082  }
0x22: {  	[simem:s7], [sflag:s8] =	dma.local @!p0 [hbm:s6], $0xF7A  }
0x23: {  	s9 =	sor.u32 $0xD0000000, s2;
	s6 =	simm.s32 $0x108;
	_ =	swait.ge @!p0 [sflag:s8], $0x0  }
0x24: {  	s3 =	sadd.s32 $0x88, s3;
	s6 =	simm.s32 @!p1 $0x1082;
	[sflag:s4] =	ssyncset.s32 $0xFFFFF086  }
0x25: {  	[simem:s6], [sflag:s4] =	dma.local [hbm:s3], $0xF7A  }
0x26: {  	[smem:$0x3F99] =	sst s1;
	(tag) =	ssettag s2;
	_ =	strace s9  }
0x27: {  	s1 =	sld [smem:$0x3FA9]  }
0x28: {  	s2 =	sld [smem:$0x3FAA]  }
0x29: {  	s4 =	sld [smem:$0x3FAC]  }
0x2a: {  	p0 =	seq.s32 s5, $0x0;
	s5 =	sld [smem:$0x3FAD]  }
0x2b: {  	s6 =	sld [smem:$0x3FAE]  }
0x2c: {  	s7 =	sld [smem:$0x3FAF]  }
0x2d: {  	s3 =	simm.s32 $0x108;
	s8 =	sld [smem:$0x3FB0]  }
0x2e: {  	s3 =	simm.s32 @!p0 $0x1082;
	s9 =	sld [smem:$0x3FB1]  }
0x2f: {  	lr =	sadd.s32 s0, s3;
	s0 =	sld [smem:$0x3FA8]  }
0x30: {  	s3 =	sld [smem:$0x3FAB]  }
0x31: {  	[smem:$0x3FB4] =	sst s10  }
0x32: {  	s10 =	sld [smem:$0x3FB2];
	_ =	sdelay $0x3  }
0x33: {  	p0 =	seq.s32 s10, $0x1;
	s10 =	sld [smem:$0x3FB4];
	_ =	sdelay $0x3  }
0x34: {  	[smem:$0x3FB4] =	sst s10  }
0x35: {  	s10 =	sld [smem:$0x3FB3];
	_ =	sdelay $0x3  }
0x36: {  	p1 =	seq.s32 s10, $0x1;
	s10 =	sld [smem:$0x3FB4];
	_ =	sdelay $0x3  }
0x37: {  	[smem:$0x3FB4] =	sst s10  }
0x38: {  	s10 =	sld [smem:$0x3FB5]  }
0x39: {  	_ = 	snop;
	(pc) =	sbr.ind lr, $3  }
0x3a: {  	_ = 	snop  }
0x3b: {  	_ = 	snop  }
0x3c: {  	p2 =	seq.s32 s10, $0x1;
	s10 =	sld [smem:$0x3FB4]  }
0x3d: {  	_ =	shalt  }
0x3e: {  	_ =	shalt  }
0x3f: {  	_ =	shalt  }
0x40: {  	_ =	shalt  }
0x41: {  	_ =	shalt  }
0x42: {  	_ =	shalt  }
0x43: {  	_ =	shalt  }
0x44: {  	_ =	shalt  }
0x45: {  	_ =	shalt  }
0x46: {  	_ =	shalt  }
0x47: {  	_ =	shalt  }
0x48: {  	_ =	shalt  }
0x49: {  	_ =	shalt  }
0x4a: {  	_ =	shalt  }
0x4b: {  	_ =	shalt  }
0x4c: {  	_ =	shalt  }
0x4d: {  	_ =	shalt  }
0x4e: {  	_ =	shalt  }
0x4f: {  	_ =	shalt  }
0x50: {  	_ =	shalt  }
0x51: {  	_ =	shalt  }
0x52: {  	_ =	shalt  }
0x53: {  	_ =	shalt  }
0x54: {  	_ =	shalt  }
0x55: {  	_ =	shalt  }
0x56: {  	_ =	shalt  }
0x57: {  	_ =	shalt  }
0x58: {  	_ =	shalt  }
0x59: {  	_ =	shalt  }
0x5a: {  	_ =	shalt  }
0x5b: {  	_ =	shalt  }
0x5c: {  	_ =	shalt  }
0x5d: {  	_ =	shalt  }
0x5e: {  	_ =	shalt  }
0x5f: {  	_ =	shalt  }
0x60: {  	_ =	shalt  }
0x61: {  	_ =	shalt  }
0x62: {  	_ =	shalt  }
0x63: {  	_ =	shalt  }
0x64: {  	_ =	shalt  }
0x65: {  	_ =	shalt  }
0x66: {  	_ =	shalt  }
0x67: {  	_ =	shalt  }
0x68: {  	_ =	shalt  }
0x69: {  	_ =	shalt  }
0x6a: {  	_ =	shalt  }
0x6b: {  	_ =	shalt  }
0x6c: {  	_ =	shalt  }
0x6d: {  	_ =	shalt  }
0x6e: {  	_ =	shalt  }
0x6f: {  	_ =	shalt  }
0x70: {  	_ =	shalt  }
0x71: {  	_ =	shalt  }
0x72: {  	_ =	shalt  }
0x73: {  	_ =	shalt  }
0x74: {  	_ =	shalt  }
0x75: {  	_ =	shalt  }
0x76: {  	_ =	shalt  }
0x77: {  	_ =	shalt  }
0x78: {  	_ =	shalt  }
0x79: {  	_ =	shalt  }
0x7a: {  	_ =	shalt  }
0x7b: {  	_ =	shalt  }
0x7c: {  	_ =	shalt  }
0x7d: {  	_ =	shalt  }
0x7e: {  	_ =	shalt  }
0x7f: {  	_ =	shalt  }
0x80: {  	_ =	shalt  }
0x81: {  	_ =	shalt  }
0x82: {  	_ =	shalt  }
0x83: {  	_ =	shalt  }
0x84: {  	_ =	shalt  }
0x85: {  	_ =	shalt  }
0x86: {  	_ =	shalt  }
0x87: {  	_ =	shalt  }
.Lfunc_end0:
.L_simem_size_0:
called_computation_lowered:
.L_overlay_start_0:
0x88: {  	s2 =	sld [smem:$0x3FD9]  }
0x89: {  	s3 =	sld [smem:$0x3FFE];
	_ =	sdelay $0x1  }
0x8a: {  	s1 =	srdreg.scid  }
0x8b: {  	s0 =	sand.u32 $0x1, s1  }
0x8c: {  	s17 =	sshll.u32 s0, $0xA;
	s2 =	sadd.s32 s3, s2  }
0x8d: {  	s2 =	sadd.s32 s2, s17  }
0x8e: {  	[smem:$0x3FC0] =	sst s2  }
0x8f: {  	_ = 	snop  }
0x90: {  	s2 =	sld [smem:$0x3FD0];
	(tm) =	ssettm $0x1  }
0x91: {  	s18 =	sld [smem:$0x3FFB];
	_ =	sdelay $0x3  }
0x92: {  	_ =	strace s18  }
0x93: {  	s3 =	sld [smem:$0x3FFC];
	_ =	sdelay $0x3  }
0x94: {  	_ =	strace s3  }
0x95: {  	s3 =	sld [smem:$0x3FFD];
	_ =	sdelay $0x3  }
0x96: {  	_ =	strace s3  }
0x97: {  	_ =	strace $0x8FFFFFFF  }
0x98: {  	s19 =	sld [smem:$0x3FDB];
	_ =	sdelay $0x1  }
0x99: {  	s4 =	simm.s32 $_scs_section_size  }
0x9a: {  	s5 =	simm.s32 $_size__tile_overlayer_lowered;
	s6 =	simm.s32 $_tile_overlayer_lowered  }
0x9b: {  	s22 =	simm.s32 $0x1BFF;
	s21 =	sshll.u32 s6, $0x1;
	s3 =	sadd.s32 s4, s19  }
0x9c: {  	s7 =	simm.s32 $0x0;
	s20 =	sshll.u32 s5, $0x1;
	s5 =	sadd.s32 s21, s3  }
0x9d: {  	[timem:s7], [sflag:s22] =	dma.local [hbm:s5], s20  }
0x9e: {  	_ =	swait.ge [sflag:s22], s20  }
0x9f: {  	s4 =	ssub.s32 $0x0, s20;
	[sflag:s22] =	ssyncset.done $0x0  }
0xa0: {  	[sflag:s22] =	ssyncadd.s32 s4;
	_ =	sdelay $0x1  }
0xa1: {  	s23 =	simm.s32 $0x1B8B  }
0xa2: {  	_ =	swait.ge [sflag:s23], $0x1  }
0xa3: {  	[sflag:s23] =	ssyncset.done $0x0  }
0xa4: {  	s25 =	simm.s32 $0x1B8E;
	s24 =	sld [smem:$0x3FFE];
	[sflag:s23] =	ssyncadd.s32 $0xFFFFFFFF  }
0xa5: {  	s26 =	simm.s32 $execute0_lowered;
	[smem:$0x3FD2] =	sst s25  }
0xa6: {  	s5 =	sshll.u32 s26, $0x1;
	_ =	strace $0x80000046;
	[dreg:$0x1] =	wrdreg $0xFFFFFFFF  }
0xa7: {  	s28 =	simm.s32 $_size_execute0_lowered;
	s3 =	sadd.s32 s3, s5;
	[dreg:$0x0] =	wrdreg $0x0  }
0xa8: {  	s5 =	sshll.u32 s28, $0x1;
	[dreg:$0x2] =	wrdreg s3  }
0xa9: {  	[dreg:$0x3] =	wrdreg s5  }
0xaa: {  	[dreg:$0x4] =	wrdreg $0xC0  }
0xab: {  	_ =	task [dreg:s7], $0x5FFFF  }
0xac: {  	[dreg:$0x1] =	wrdreg $0xFFFFFFFF  }
0xad: {  	[dreg:$0x0] =	wrdreg $0x60  }
0xae: {  	[dreg:$0x2] =	wrdreg s24  }
0xaf: {  	[dreg:$0x3] =	wrdreg s2  }
0xb0: {  	[dreg:$0x4] =	wrdreg $0x9  }
0xb1: {  	_ =	task.clear_ibuf [dreg:s7], $0x5FFFF;
	_ =	strace $0x90000046  }
0xb2: {  	s29 =	simm.s32 $0x9;
	_ =	strace $0x80000048  }
0xb3: {  	_ =	swait.ge [sflag:s29], $0x1  }
0xb4: {  	[sflag:s29] =	ssyncadd.s32 $0xFFFFFFFF  }
0xb5: {  	_ =	strace $0x90000048  }
0xb6: {  	_ =	sfence  }
0xb7: {  	s30 =	sld [smem:$0x0];
	_ =	sdelay $0x2  }
0xb8: {  	s31 =	sshll.u32 s1, $0xD;
	s1 =	sshrl.u32 s1, $0x2  }
0xb9: {  	s3 =	sand.u32 $0x4000, s31;
	s1 =	sadd.s32 s1, s30  }
0xba: {  	s0 =	sor.u32 s3, s0;
	s1 =	sshll.u32 s1, $0x11  }
0xbb: {  	s0 =	sor.u32 s1, s0  }
0xbc: {  	s0 =	sadd.s32 $0x8F2B, s0  }
0xbd: {  	[sflag:s0] =	ssyncadd.remote.s32 $0x1  }
0xbe: {  	_ =	sfence.sel $0xFFFF  }
0xbf: {  	[dreg:$0x0] =	wrdreg $0xFFFFFFFF;
	(pc) =	sbr.abs _section_cstart, $3  }
0xc0: {  	[dreg:$0x1] =	wrdreg $0xFFFFFFFF  }
0xc1: {  	_ =	task.clear_ibuf [dreg:s7], $0x2FFFF;
	_ =	strace $0x9FFFFFFF  }
0xc2: {  	(tm) =	ssettm $0x7FFFFFFF  }
0xc3: {  	_ =	shalt  }
tec
execute0_lowered:
.L_overlay_start_1:
0x0: {  	(tag) =	ssettag $0x1  }
0x1: {  	v2 =	vlaneseq.u32;
	vm0 =	vmmov $0xffff;
	v3 =	vimm.s32 $0x0  }
0x2: {  	vm5 =	vcmask $0x300;
	vm6 =	vcmask $0x704;
	vm7 =	vcmask $0xB08  }
0x3: {  	vm8 =	vcmask $0xF0C;
	vm12 =	vcmask $0x1310;
	vm13 =	vcmask $0x1714  }
0x4: {  	v4 =	vimm.s32 $0x86848280;
	v5 =	vimm.s32 $0xECA86420;
	v6 =	vimm.s32 $0x8E8C8A88  }
0x5: {  	vm1 =	vcmask $0x1F10;
	v7 =	vimm.s32 $0xFDB97531;
	v8 =	vimm.s32 $0x87858381  }
0x6: {  	v9 =	vimm.s32 $0x8F8D8B89;
	v10 =	vimm.s32 $0x18E;
	vm14 =	vcmask $0x1B18  }
0x7: {  	vm15 =	vcmask $0x1F1C;
	vm2 =	vcmask $0x2724;
	vm9 =	vcmask $0x2B28  }
0x8: {  	vm3 =	vcmask $0x2F2C;
	vm4 =	vcmask $0x3330;
	vm10 =	vcmask $0x3734  }
0x9: {  	vm11 =	vcmask $0x3B38;
	v11 =	vimm.s32 $0x38F;
	v0 =	vand.u32 $0x7, v2  }
0xa: {  	v1 =	vshrl.u32 v2, $0x3;
	v2 =	vor.u32 $0x8, v2;
	v4 =	vunpack.c.0.s8.s32 v4  }
0xb: {  	v5 =	vunpack.c.l.s4.s8 v5;
	v6 =	vunpack.c.0.s8.s32 v6;
	v7 =	vunpack.c.l.s4.s8 v7  }
0xc: {  	v8 =	vunpack.c.0.s8.s32 v8;
	v9 =	vunpack.c.0.s8.s32 v9;
	v11 =	vsel vm5, $0x301, v11  }
0xd: {  	v10 =	vsel vm5, $0x100, v10;
	v1 =	vmul.u32 $0x8, v1;
	v11 =	vsel vm6, $0x303, v11  }
0xe: {  	v5 =	vunpack.c.0.s8.s32 v5;
	v7 =	vunpack.c.0.s8.s32 v7;
	v4 =	vsel vm1, v6, v4  }
0xf: {  	v6 =	vsel vm6, $0x102, v10;
	v8 =	vsel vm1, v9, v8;
	vm1 =	vcmask $0x2320  }
0x10: {  	v9 =	vimm.s32 $0x28F;
	v10 =	vimm.s32 $0x38E;
	v11 =	vsel vm7, $0x305, v11  }
0x11: {  	v6 =	vsel vm7, $0x104, v6;
	v9 =	vsel vm5, $0x201, v9;
	v10 =	vsel vm5, $0x300, v10  }
0x12: {  	v11 =	vsel vm8, $0x307, v11;
	v5 =	vand.u32 $0xF, v5;
	v7 =	vand.u32 $0xF, v7  }
0x13: {  	v6 =	vsel vm8, $0x106, v6;
	v9 =	vsel vm6, $0x203, v9;
	v10 =	vsel vm6, $0x302, v10  }
0x14: {  	v11 =	vsel vm12, $0x309, v11;
	v4 =	vcombine.low v5, v4;
	v5 =	vcombine.low v7, v8  }
0x15: {  	s0 =	rddreg [dreg:$0x0];
	v6 =	vsel vm12, $0x108, v6;
	v7 =	vimm.s32 $0x18F;
	v8 =	vimm.s32 $0x28E  }
0x16: {  	s1 =	rddreg [dreg:$0x1];
	s3 =	simm.s32 $0x0;
	s2 =	srdreg.scid;
	v9 =	vsel vm7, $0x205, v9;
	v10 =	vsel vm7, $0x304, v10;
	v11 =	vsel vm13, $0x30B, v11  }
0x17: {  	s6 =	stileid.u32;
	s12 =	simm.s32 $0x11C80;
	s28 =	simm.s32 $0x16C80;
	v6 =	vsel vm13, $0x10A, v6;
	v7 =	vsel vm5, $0x101, v7;
	v8 =	vsel vm5, $0x200, v8  }
0x18: {  	s29 =	simm.s32 $0x17480;
	s30 =	simm.s32 $0x17C80;
	s31 =	simm.s32 $0x18480;
	v9 =	vsel vm8, $0x207, v9;
	v10 =	vsel vm8, $0x306, v10;
	v11 =	vsel vm14, $0x30D, v11  }
0x19: {  	[smem:$0x7FF] =	sst s3;
	s2 =	sand.u32 $0x1, s2;
	s4 =	sshll.u32 s6, $0x1;
	v4 =	vand.u32 $0xFF, v4;
	v5 =	vand.u32 $0xFF, v5;
	v6 =	vsel vm14, $0x10C, v6  }
0x1a: {  	s5 =	sadd.s32 $0xAC00, s0;
	s6 =	sshll.u32 s6, $0x7;
	s14 =	sadd.s32 $0xBC00, s0;
	v7 =	vsel vm6, $0x103, v7;
	v8 =	vsel vm6, $0x202, v8;
	v9 =	vsel vm12, $0x209, v9  }
0x1b: {  	s9 =	sadd.s32 $0xABC00, s0;
	_ =	strace $0x80000047;
	[dreg:$0x3] =	wrdreg s5;
	v10 =	vsel vm12, $0x308, v10;
	v11 =	vsel vm15, $0x30F, v11;
	v6 =	vsel vm15, $0x10E, v6  }
0x1c: {  	s24 =	sadd.s32 $0xBD00, s0;
	s25 =	sadd.s32 $0xBE00, s0;
	[dreg:$0x11] =	wrdreg s14;
	v7 =	vsel vm7, $0x105, v7;
	v8 =	vsel vm7, $0x204, v8;
	v9 =	vsel vm13, $0x20B, v9  }
0x1d: {  	s4 =	sor.u32 s2, s4;
	s7 =	sshll.u32 s2, $0x6;
	[dreg:$0x4] =	wrdreg s9;
	v10 =	vsel vm13, $0x30A, v10;
	v11 =	vsel vm1, $0x381, v11;
	v6 =	vsel vm1, $0x180, v6  }
0x1e: {  	s2 =	ssub.s32 $0x2, s2;
	s5 =	sadd.s32 $0x100, s1;
	[dreg:$0x12] =	wrdreg s24;
	v7 =	vsel vm8, $0x107, v7;
	v8 =	vsel vm8, $0x206, v8;
	v9 =	vsel vm14, $0x20D, v9  }
0x1f: {  	s9 =	sadd.s32 $0x300, s1;
	[dreg:$0x13] =	wrdreg s25;
	s14 =	simm.s32 $0x12C80;
	v10 =	vsel vm14, $0x30C, v10;
	v11 =	vsel vm2, $0x383, v11;
	v6 =	vsel vm2, $0x182, v6  }
0x20: {  	s24 =	simm.s32 $0x15480;
	s25 =	simm.s32 $0x15C80;
	s13 =	sshll.u32 s4, $0x7;
	v7 =	vsel vm12, $0x109, v7;
	v8 =	vsel vm12, $0x208, v8;
	v9 =	vsel vm15, $0x20F, v9  }
0x21: {  	s6 =	sor.u32 s7, s6;
	s15 =	sshrl.u32 s2, $0x1;
	s17 =	sshll.u32 s4, $0xA;
	v10 =	vsel vm15, $0x30E, v10;
	v11 =	vsel vm9, $0x385, v11;
	v7 =	vsel vm13, $0x10B, v7  }
0x22: {  	p0 =	sne.s32 s4, $0x0;
	s10 =	sor.u32 $0x80, s17;
	[dreg:$0x6] =	wrdreg s17;
	v8 =	vsel vm13, $0x20A, v8;
	v6 =	vsel vm9, $0x184, v6;
	v9 =	vsel vm1, $0x281, v9  }
0x23: {  	s4 =	simm.s32 $0x0;
	s18 =	sor.u32 $0x100, s17;
	[dreg:$0x7] =	wrdreg s10;
	v10 =	vsel vm1, $0x380, v10;
	v11 =	vsel vm3, $0x387, v11;
	v7 =	vsel vm14, $0x10D, v7  }
0x24: {  	s8 =	sadd.s32 s13, s0;
	s19 =	sor.u32 $0x180, s17;
	[dreg:$0x8] =	wrdreg s18;
	v8 =	vsel vm14, $0x20C, v8;
	v6 =	vsel vm3, $0x186, v6;
	v9 =	vsel vm2, $0x283, v9  }
0x25: {  	s6 =	sadd.s32 s6, s0;
	s20 =	sor.u32 $0x200, s17;
	[dreg:$0x9] =	wrdreg s19;
	v10 =	vsel vm2, $0x382, v10;
	v11 =	vsel vm4, $0x389, v11;
	v7 =	vsel vm15, $0x10F, v7  }
0x26: {  	s2 =	ssub.s32 s2, s15;
	s21 =	sor.u32 $0x280, s17;
	[dreg:$0xa] =	wrdreg s20;
	v8 =	vsel vm15, $0x20E, v8;
	v6 =	vsel vm4, $0x188, v6;
	v9 =	vsel vm9, $0x285, v9  }
0x27: {  	s22 =	sor.u32 $0x300, s17;
	s7 =	sor.u32 $0x380, s17;
	[dreg:$0xb] =	wrdreg s21;
	v10 =	vsel vm9, $0x384, v10;
	v11 =	vsel vm10, $0x38B, v11;
	v7 =	vsel vm1, $0x181, v7  }
0x28: {  	s0 =	sadd.s32 $0xBF00, s0;
	s13 =	simm.s32 $0x12480;
	[dreg:$0xc] =	wrdreg s22;
	v8 =	vsel vm1, $0x280, v8;
	v6 =	vsel vm10, $0x18A, v6;
	v9 =	vsel vm3, $0x287, v9  }
0x29: {  	s15 =	simm.s32 $0x13480;
	s16 =	sadd.s32 $0x1C00, s8;
	[dreg:$0xd] =	wrdreg s7;
	v10 =	vsel vm3, $0x386, v10;
	v11 =	vsel vm11, $0x38D, v11;
	v7 =	vsel vm2, $0x183, v7  }
0x2a: {  	s8 =	sadd.s32 $0x200, s1;
	s23 =	sadd.s32 $0xABE00, s6;
	[dreg:$0x14] =	wrdreg s0;
	v8 =	vsel vm2, $0x282, v8;
	v6 =	vsel vm11, $0x18C, v6;
	v9 =	vsel vm4, $0x289, v9  }
0x2b: {  	s6 =	sadd.s32 $0xAC600, s6;
	s26 =	smax.u32 s2, $0x1;
	[dreg:$0x5] =	wrdreg s16;
	v10 =	vsel vm4, $0x388, v10;
	v7 =	vsel vm9, $0x185, v7;
	v8 =	vsel vm9, $0x284, v8  }
0x2c: {  	s2 =	simm.s32 $0x3;
	s7 =	simm.s32 $0x11480;
	[dreg:$0xe] =	wrdreg s23;
	v9 =	vsel vm10, $0x28B, v9;
	v7 =	vsel vm3, $0x187, v7;
	v8 =	vsel vm3, $0x286, v8  }
0x2d: {  	s19 =	simm.s32 $0x14480;
	s20 =	simm.s32 $0x14C80;
	[dreg:$0xf] =	wrdreg s6;
	v10 =	vsel vm10, $0x38A, v10;
	v7 =	vsel vm4, $0x189, v7;
	v8 =	vsel vm4, $0x288, v8  }
0x2e: {  	s21 =	simm.s32 $0x1B480;
	s18 =	simm.s32 $0x1BC80;
	[dreg:$0x10] =	wrdreg s26;
	v9 =	vsel vm11, $0x28D, v9;
	v7 =	vsel vm10, $0x18B, v7;
	v8 =	vsel vm10, $0x28A, v8  }
0x2f: {  	s6 =	simm.s32 $0x10C80;
	s16 =	simm.s32 $0x13C80;
	s26 =	simm.s32 $0x16480;
	v10 =	vsel vm11, $0x38C, v10;
	v7 =	vsel vm11, $0x18D, v7;
	v8 =	vsel vm11, $0x28C, v8  }
.LBB2_1:
0x30: {  	[dreg:$0x15] =	wrdreg s4  }
0x31: {  	s0 =	rddreg [dreg:$0x3]  }
0x32: {  	[tilespmem:s3], [sflag:$0x3] =	stream.linear.gather [hbm4b:s0+s3], $0x8000, $0x38;
	[tilespmem:$0x1CC80] =	vst v63  }
0x33: {  	_ =	swait.ge [sflag:s2], $0x8000  }
0x34: {  	[sflag:s2] =	ssyncset.done $0x0  }
0x35: {  	s4 =	simm.s32 $0x10000;
	s0 =	rddreg [dreg:$0x5];
	[sflag:s2] =	ssyncadd.s32 $0xFFFF8000  }
0x36: {  	[tilespmem:s4], [sflag:$0x3] =	stream.linear.gather [hbm4b:s0+s3], $0x400, $0x38;
	[tilespmem:$0x1CC80] =	vst v63  }
0x37: {  	_ =	swait.ge [sflag:s2], $0x400  }
0x38: {  	[sflag:s2] =	ssyncset.done $0x0  }
0x39: {  	[sflag:s2] =	ssyncadd.s32 $0xFFFFFC00  }
0x3a: {  	v12 =	vld [tilespmem:$0x10000];
	_ =	sdelay $0x4  }
0x3b: {  	v13 =	vshll.u32 v12, $0x3  }
0x3c: {  	v12 =	vand.u32 $0x7, v12;
	v13 =	vand.u32 $0xFFFFFFC0, v13  }
0x3d: {  	v12 =	vor.u32 v12, v13  }
0x3e: {  	v13 =	vperm.xlane v12, v0;
	_ =	sdelay $0x1  }
0x3f: {  	v13 =	vadd.s32 v1, v13;
	_ =	sdelay $0x4  }
0x40: {  	[tilespmem:s6], [sflag:$0x1] =	stream.indirect_vreg.gather [hbm4b:s1+s3], $0x80, v13, vm0, $0xb8;
	[tilespmem:$0x1CC80] =	vst v63  }
0x41: {  	v12 =	vperm.xlane v12, v2  }
0x42: {  	[tilespmem:s7], [sflag:$0x1] =	stream.indirect_vreg.gather [hbm4b:s5+s3], $0x80, v13, vm0, $0xb8;
	[tilespmem:$0x1CC80] =	vst v63  }
0x43: {  	v12 =	vadd.s32 v1, v12  }
0x44: {  	[tilespmem:s12], [sflag:$0x1] =	stream.indirect_vreg.gather [hbm4b:s8+s3], $0x80, v13, vm0, $0xb8;
	[tilespmem:$0x1CC80] =	vst v63  }
0x45: {  	_ = 	snop  }
0x46: {  	[tilespmem:s13], [sflag:$0x1] =	stream.indirect_vreg.gather [hbm4b:s9+s3], $0x80, v13, vm0, $0xb8;
	[tilespmem:$0x1CC80] =	vst v63  }
0x47: {  	_ = 	snop  }
0x48: {  	[tilespmem:s14], [sflag:$0x1] =	stream.indirect_vreg.gather [hbm4b:s1+s3], $0x80, v12, vm0, $0xb8;
	[tilespmem:$0x1CC80] =	vst v63  }
0x49: {  	_ = 	snop  }
0x4a: {  	[tilespmem:s15], [sflag:$0x1] =	stream.indirect_vreg.gather [hbm4b:s5+s3], $0x80, v12, vm0, $0xb8;
	[tilespmem:$0x1CC80] =	vst v63  }
0x4b: {  	_ = 	snop  }
0x4c: {  	[tilespmem:s16], [sflag:$0x1] =	stream.indirect_vreg.gather [hbm4b:s8+s3], $0x80, v12, vm0, $0xb8;
	[tilespmem:$0x1CC80] =	vst v63  }
0x4d: {  	_ = 	snop  }
0x4e: {  	[tilespmem:s19], [sflag:$0x1] =	stream.indirect_vreg.gather [hbm4b:s9+s3], $0x80, v12, vm0, $0xb8;
	[tilespmem:$0x1CC80] =	vst v63  }
0x4f: {  	v12 =	vld [tilespmem:$0x10080];
	_ =	sdelay $0x4  }
0x50: {  	v13 =	vshll.u32 v12, $0x3  }
0x51: {  	v12 =	vand.u32 $0x7, v12;
	v13 =	vand.u32 $0xFFFFFFC0, v13  }
0x52: {  	v12 =	vor.u32 v12, v13  }
0x53: {  	v13 =	vperm.xlane v12, v0;
	_ =	sdelay $0x1  }
0x54: {  	v13 =	vadd.s32 v1, v13;
	_ =	sdelay $0x4  }
0x55: {  	[tilespmem:s20], [sflag:$0x1] =	stream.indirect_vreg.gather [hbm4b:s1+s3], $0x80, v13, vm0, $0xb8;
	[tilespmem:$0x1CC80] =	vst v63  }
0x56: {  	v12 =	vperm.xlane v12, v2  }
0x57: {  	[tilespmem:s24], [sflag:$0x1] =	stream.indirect_vreg.gather [hbm4b:s5+s3], $0x80, v13, vm0, $0xb8;
	[tilespmem:$0x1CC80] =	vst v63  }
0x58: {  	v12 =	vadd.s32 v1, v12  }
0x59: {  	[tilespmem:s25], [sflag:$0x1] =	stream.indirect_vreg.gather [hbm4b:s8+s3], $0x80, v13, vm0, $0xb8;
	[tilespmem:$0x1CC80] =	vst v63  }
0x5a: {  	_ = 	snop  }
0x5b: {  	[tilespmem:s26], [sflag:$0x1] =	stream.indirect_vreg.gather [hbm4b:s9+s3], $0x80, v13, vm0, $0xb8;
	[tilespmem:$0x1CC80] =	vst v63  }
0x5c: {  	_ = 	snop  }
0x5d: {  	[tilespmem:s28], [sflag:$0x1] =	stream.indirect_vreg.gather [hbm4b:s1+s3], $0x80, v12, vm0, $0xb8;
	[tilespmem:$0x1CC80] =	vst v63  }
0x5e: {  	_ = 	snop  }
0x5f: {  	[tilespmem:s29], [sflag:$0x1] =	stream.indirect_vreg.gather [hbm4b:s5+s3], $0x80, v12, vm0, $0xb8;
	[tilespmem:$0x1CC80] =	vst v63  }
0x60: {  	_ = 	snop  }
0x61: {  	[tilespmem:s30], [sflag:$0x1] =	stream.indirect_vreg.gather [hbm4b:s8+s3], $0x80, v12, vm0, $0xb8;
	[tilespmem:$0x1CC80] =	vst v63  }
0x62: {  	_ = 	snop  }
0x63: {  	[tilespmem:s31], [sflag:$0x1] =	stream.indirect_vreg.gather [hbm4b:s9+s3], $0x80, v12, vm0, $0xb8;
	[tilespmem:$0x1CC80] =	vst v63  }
0x64: {  	v12 =	vld [tilespmem:$0x10100];
	_ =	sdelay $0x4  }
0x65: {  	v13 =	vshll.u32 v12, $0x3  }
0x66: {  	v12 =	vand.u32 $0x7, v12;
	v13 =	vand.u32 $0xFFFFFFC0, v13  }
0x67: {  	v12 =	vor.u32 v12, v13  }
0x68: {  	v13 =	vperm.xlane v12, v0;
	_ =	sdelay $0x1  }
0x69: {  	v13 =	vadd.s32 v1, v13;
	_ =	sdelay $0x3  }
0x6a: {  	s10 =	simm.s32 $0x18C80  }
0x6b: {  	[tilespmem:s10], [sflag:$0x1] =	stream.indirect_vreg.gather [hbm4b:s1+s3], $0x80, v13, vm0, $0xb8;
	[tilespmem:$0x1CC80] =	vst v63  }
0x6c: {  	s16 =	simm.s32 $0x19480;
	v12 =	vperm.xlane v12, v2  }
0x6d: {  	[tilespmem:s16], [sflag:$0x1] =	stream.indirect_vreg.gather [hbm4b:s5+s3], $0x80, v13, vm0, $0xb8;
	[tilespmem:$0x1CC80] =	vst v63  }
0x6e: {  	s23 =	simm.s32 $0x19C80;
	v12 =	vadd.s32 v1, v12  }
0x6f: {  	[tilespmem:s23], [sflag:$0x1] =	stream.indirect_vreg.gather [hbm4b:s8+s3], $0x80, v13, vm0, $0xb8;
	[tilespmem:$0x1CC80] =	vst v63  }
0x70: {  	s17 =	simm.s32 $0x1A480  }
0x71: {  	[tilespmem:s17], [sflag:$0x1] =	stream.indirect_vreg.gather [hbm4b:s9+s3], $0x80, v13, vm0, $0xb8;
	[tilespmem:$0x1CC80] =	vst v63  }
0x72: {  	s11 =	simm.s32 $0x1AC80  }
0x73: {  	[tilespmem:s11], [sflag:$0x1] =	stream.indirect_vreg.gather [hbm4b:s1+s3], $0x80, v12, vm0, $0xb8;
	[tilespmem:$0x1CC80] =	vst v63  }
0x74: {  	_ = 	snop  }
0x75: {  	[tilespmem:s21], [sflag:$0x1] =	stream.indirect_vreg.gather [hbm4b:s5+s3], $0x80, v12, vm0, $0xb8;
	[tilespmem:$0x1CC80] =	vst v63  }
0x76: {  	_ = 	snop  }
0x77: {  	[tilespmem:s18], [sflag:$0x1] =	stream.indirect_vreg.gather [hbm4b:s8+s3], $0x80, v12, vm0, $0xb8;
	[tilespmem:$0x1CC80] =	vst v63  }
0x78: {  	s22 =	simm.s32 $0x1C480;
	s28 =	simm.s32 $0x0  }
0x79: {  	[tilespmem:s22], [sflag:$0x1] =	stream.indirect_vreg.gather [hbm4b:s9+s3], $0x80, v12, vm0, $0xb8;
	[tilespmem:$0x1CC80] =	vst v63  }
0x7a: {  	v12 =	vld [tilespmem:s28+$0x0];
	_ =	sdelay $0x4  }
0x7b: {  	vm1 =	veq.s32 v12, $0x7  }
0x7c: {  	vm6 =	veq.s32 v12, $0x0;
	v13 =	vsel vm1, $0x1, v3  }
0x7d: {  	vm3 =	veq.s32 v12, $0x1;
	v14 =	vsel vm6, $0x1, v3;
	(xrf0) =	vadd.scan.msk.s32 $0xffff, v13  }
0x7e: {  	vm4 =	veq.s32 v12, $0x2;
	v13 =	vsel vm3, $0x1, v3;
	(xrf0) =	vadd.scan.msk.s32 $0xffff, v14  }
0x7f: {  	vm2 =	veq.s32 v12, $0x3;
	v14 =	vsel vm4, $0x1, v3;
	(xrf0) =	vadd.scan.msk.s32 $0xffff, v13  }
0x80: {  	vm5 =	veq.s32 v12, $0x4;
	v13 =	vsel vm2, $0x1, v3;
	(xrf0) =	vadd.scan.msk.s32 $0xffff, v14  }
0x81: {  	(xrf0) =	vadd.scan.msk.s32 $0xffff, v13;
	v13 =	vsel vm5, $0x1, v3;
	_ =	sdelay $0x2  }
0x82: {  	v15 =	vmov s3;
	(xrf0) =	vadd.scan.msk.s32 $0xffff, v13;
	v13, _, _ =	vpop (xrf0)  }
0x83: {  	v14, _, _ =	vpop (xrf0);
	(v2sf) =	vpush v13, $0xF  }
0x84: {  	vm7 =	veq.s32 v12, $0x5;
	(v2sf) =	vpush v14, $0xF;
	v17, _, _ =	vpop (xrf0)  }
0x85: {  	vm9 =	veq.s32 v12, $0x6;
	v12 =	vadd.s32 $0xFFFFFFFF, v15;
	(v2sf) =	vpush v17, $0xF;
	v15, _, _ =	vpop (xrf0)  }
0x86: {  	(v2sf) =	vpush v15, $0xF;
	v18, _, _ =	vpop (xrf0)  }
0x87: {  	v16 =	vsel vm7, $0x1, v3;
	v12 =	vbroadcast v12, $0x0;
	(v2sf) =	vpush v18, $0xF  }
0x88: {  	(xrf0) =	vadd.scan.msk.s32 $0xffff, v16;
	v16 =	vsel vm9, $0x1, v3  }
0x89: {  	v14 =	vadd.s32 v14, v12;
	(xrf0) =	vadd.scan.msk.s32 $0xffff, v16  }
0x8a: {  	v14 =	vnsel vm6, $0x0, v14;
	v17 =	vadd.s32 v17, v12  }
0x8b: {  	s29 =	simm.s32 $0x80;
	v14 =	vsel vm3, v17, v14;
	v15 =	vadd.s32 v15, v12  }
0x8c: {  	v16, _, _ =	vpop (xrf0);
	v14 =	vsel vm4, v15, v14;
	v15 =	vadd.s32 v18, v12;
	v18 =	vld [tilespmem:s29+$0x0]  }
0x8d: {  	(v2sf) =	vpush v16, $0xF  }
0x8e: {  	v14 =	vsel vm2, v15, v14;
	v15 =	vadd.s32 v16, v12;
	v17, _, _ =	vpop (xrf0)  }
0x8f: {  	v14 =	vsel vm5, v15, v14;
	(v2sf) =	vpush v17, $0xF;
	v16, _, _ =	vpop (xrf0);
	v15 =	vadd.s32 v17, v12  }
0x90: {  	(v2sf) =	vpush v16, $0xF;
	v14 =	vsel vm7, v15, v14;
	v15 =	vadd.s32 v16, v12  }
0x91: {  	v12 =	vadd.s32 v13, v12;
	v13 =	vsel vm9, v15, v14;
	vm9 =	veq.s32 v18, $0x7  }
0x92: {  	vm3 =	veq.s32 v18, $0x0;
	v16 =	vsel vm9, $0x1, v3;
	s18 =	spop (v2sf)  }
0x93: {  	vm2 =	veq.s32 v18, $0x1;
	v14 =	vsel vm3, $0x1, v3;
	(xrf0) =	vadd.scan.msk.s32 $0xffff, v16;
	s19 =	spop (v2sf)  }
0x94: {  	vm10 =	vmmov vm1;
	vm1 =	veq.s32 v18, $0x2;
	v15 =	vsel vm2, $0x1, v3;
	(xrf0) =	vadd.scan.msk.s32 $0xffff, v14;
	s31 =	sadd.s32 $0x0, s19;
	s20 =	spop (v2sf)  }
0x95: {  	vm14 =	veq.s32 v18, $0x3;
	v16 =	vsel vm1, $0x1, v3;
	(xrf0) =	vadd.scan.msk.s32 $0xffff, v15;
	v15 =	vmov s31;
	s0 =	sadd.s32 $0x0, s20;
	s21 =	spop (v2sf)  }
0x96: {  	v17 =	vsel vm14, $0x1, v3;
	(xrf0) =	vadd.scan.msk.s32 $0xffff, v16;
	v15 =	vadd.s32 $0xFFFFFFFF, v15;
	v16 =	vmov s0;
	s22 =	spop (v2sf)  }
0x97: {  	(xrf0) =	vadd.scan.msk.s32 $0xffff, v17;
	v17 =	vbroadcast v15, $0x0;
	v15 =	vadd.s32 $0xFFFFFFFF, v16;
	s26 =	sadd.s32 $0x0, s22  }
0x98: {  	vm12 =	veq.s32 v18, $0x4;
	vm13 =	veq.s32 v18, $0x5;
	v21 =	vmov s26  }
0x99: {  	vm11 =	veq.s32 v18, $0x6;
	v19 =	vsel vm12, $0x1, v3;
	v18 =	vsel vm13, $0x1, v3;
	s30 =	sadd.s32 $0x0, s18  }
0x9a: {  	v20 =	vsel vm11, $0x1, v3;
	v14 =	vmov s30;
	(xrf0) =	vadd.scan.msk.s32 $0xffff, v19;
	s2 =	sadd.s32 $0x0, s21;
	v19 =	vbroadcast v15, $0x0;
	v15, _, _ =	vpop (xrf0)  }
0x9b: {  	(xrf0) =	vadd.scan.msk.s32 $0xffff, v18;
	v16 =	vmov s2;
	v18 =	vadd.s32 $0xFFFFFFFF, v21;
	v21, _, _ =	vpop (xrf0);
	(v2sf) =	vpush v15, $0xF  }
0x9c: {  	s23 =	spop (v2sf);
	v16 =	vadd.s32 $0xFFFFFFFF, v16;
	(xrf0) =	vadd.scan.msk.s32 $0xffff, v20;
	v17 =	vadd.s32 v21, v17;
	(v2sf) =	vpush v21, $0xF;
	v21, _, _ =	vpop (xrf0)  }
0x9d: {  	v14 =	vadd.s32 $0xFFFFFFFF, v14;
	s4 =	sadd.s32 $0x0, s23;
	v16 =	vbroadcast v16, $0x0;
	v19 =	vadd.s32 v21, v19  }
0x9e: {  	v20 =	vmov s4;
	s24 =	spop (v2sf);
	v17 =	vnsel vm3, $0x0, v17;
	(v2sf) =	vpush v21, $0xF;
	v21, _, _ =	vpop (xrf0)  }
0x9f: {  	v23 =	vbroadcast v18, $0x0;
	s6 =	sadd.s32 $0x0, s24;
	v18 =	vadd.s32 $0xFFFFFFFF, v20;
	s25 =	spop (v2sf);
	(v2sf) =	vpush v21, $0xF;
	v24, _, _ =	vpop (xrf0)  }
0xa0: {  	v25 =	vmov s6;
	s7 =	sadd.s32 $0x0, s25;
	v22 =	vsel vm2, v19, v17;
	(v2sf) =	vpush v24, $0xF;
	v19, _, _ =	vpop (xrf0)  }
0xa1: {  	v20 =	vbroadcast v18, $0x0;
	v18 =	vmov s7;
	(v2sf) =	vpush v19, $0xF;
	v17, _, _ =	vpop (xrf0)  }
0xa2: {  	s10 =	smov.u32 s5;
	s17 =	smov.u32 s8;
	v26 =	vadd.s32 v21, v16;
	v21 =	vadd.s32 $0xFFFFFFFF, v25;
	(v2sf) =	vpush v17, $0xF;
	v16, _, _ =	vpop (xrf0)  }
0xa3: {  	s11 =	smov.u32 s9;
	s19 =	simm.s32 $0x100;
	s20 =	simm.s32 $0x600;
	v22 =	vsel vm1, v26, v22;
	v23 =	vadd.s32 v24, v23;
	(v2sf) =	vpush v16, $0xF  }
.LBB2_2:
0xa4: {  	p1 =	sne.s32 s20, $0x1FE00;
	v24 =	vld [tilespmem:s19+$0x0];
	v22 =	vsel vm14, v23, v22;
	v21 =	vbroadcast v21, $0x0;
	v18 =	vadd.s32 $0xFFFFFFFF, v18  }
0xa5: {  	v19 =	vadd.s32 v19, v20;
	v14 =	vbroadcast v14, $0x0;
	v18 =	vbroadcast v18, $0x0  }
0xa6: {  	v13 =	vsel vm10, v12, v13;
	v19 =	vsel vm12, v19, v22;
	v17 =	vadd.s32 v17, v21  }
0xa7: {  	v12 =	vadd.s32 v15, v14;
	v17 =	vsel vm13, v17, v19;
	v16 =	vadd.s32 v16, v18;
	[tilespmem:s28+$0x8000] =	vst v13;
	s28 =	smov.u32 s29;
	s29 =	smov.u32 s19  }
0xa8: {  	vm10 =	vmmov vm9;
	v13 =	vsel vm11, v16, v17  }
0xa9: {  	vm3 =	veq.s32 v24, $0x0;
	vm2 =	veq.s32 v24, $0x1;
	vm9 =	veq.s32 v24, $0x7  }
0xaa: {  	v14 =	vsel vm3, $0x1, v3;
	v15 =	vsel vm2, $0x1, v3;
	v16 =	vsel vm9, $0x1, v3  }
0xab: {  	vm1 =	veq.s32 v24, $0x2;
	vm14 =	veq.s32 v24, $0x3;
	vm12 =	veq.s32 v24, $0x4;
	(xrf0) =	vadd.scan.msk.s32 $0xffff, v16;
	s19 =	spop (v2sf)  }
0xac: {  	v17 =	vsel vm14, $0x1, v3;
	v18 =	vsel vm12, $0x1, v3;
	v16 =	vsel vm1, $0x1, v3;
	(xrf0) =	vadd.scan.msk.s32 $0xffff, v14;
	s30 =	sadd.s32 s30, s19;
	s19 =	spop (v2sf)  }
0xad: {  	vm13 =	veq.s32 v24, $0x5;
	vm11 =	veq.s32 v24, $0x6;
	v14 =	vmov s30;
	(xrf0) =	vadd.scan.msk.s32 $0xffff, v15;
	s31 =	sadd.s32 s31, s19;
	s19 =	spop (v2sf)  }
0xae: {  	v19 =	vsel vm13, $0x1, v3;
	v20 =	vsel vm11, $0x1, v3;
	v15 =	vmov s31;
	(xrf0) =	vadd.scan.msk.s32 $0xffff, v16;
	s0 =	sadd.s32 s0, s19;
	s19 =	spop (v2sf)  }
0xaf: {  	v14 =	vadd.s32 $0xFFFFFFFF, v14;
	v21 =	vadd.s32 $0xFFFFFFFF, v15;
	v16 =	vmov s0;
	(xrf0) =	vadd.scan.msk.s32 $0xffff, v17;
	s2 =	sadd.s32 s2, s19;
	s19 =	spop (v2sf)  }
0xb0: {  	v17 =	vbroadcast v21, $0x0;
	v22 =	vadd.s32 $0xFFFFFFFF, v16;
	v16 =	vmov s2;
	(xrf0) =	vadd.scan.msk.s32 $0xffff, v18;
	s26 =	sadd.s32 s26, s19;
	s19 =	spop (v2sf)  }
0xb1: {  	v18 =	vbroadcast v22, $0x0;
	v16 =	vadd.s32 $0xFFFFFFFF, v16;
	v22 =	vmov s26;
	(xrf0) =	vadd.scan.msk.s32 $0xffff, v19;
	v15, _, _ =	vpop (xrf0);
	s4 =	sadd.s32 s4, s19;
	s19 =	spop (v2sf)  }
0xb2: {  	v16 =	vbroadcast v16, $0x0;
	v19 =	vadd.s32 $0xFFFFFFFF, v22;
	v21, _, _ =	vpop (xrf0);
	(xrf0) =	vadd.scan.msk.s32 $0xffff, v20;
	(v2sf) =	vpush v15, $0xF;
	s6 =	sadd.s32 s6, s19;
	s19 =	spop (v2sf)  }
0xb3: {  	v20 =	vmov s4;
	v17 =	vadd.s32 v21, v17;
	(v2sf) =	vpush v21, $0xF;
	v21, _, _ =	vpop (xrf0);
	s7 =	sadd.s32 s7, s19  }
0xb4: {  	v17 =	vnsel vm3, $0x0, v17;
	v18 =	vadd.s32 v21, v18;
	(v2sf) =	vpush v21, $0xF;
	v21, _, _ =	vpop (xrf0)  }
.Ltmp0:
0xb5: {  	v23 =	vbroadcast v19, $0x0;
	v20 =	vadd.s32 $0xFFFFFFFF, v20;
	(v2sf) =	vpush v21, $0xF;
	v24, _, _ =	vpop (xrf0);
	(pc) =	sbr.rel @p1 .LBB2_2-.Ltmp0, $4  }
0xb6: {  	v22 =	vsel vm2, v18, v17;
	v18 =	vmov s6;
	(v2sf) =	vpush v24, $0xF;
	v19, _, _ =	vpop (xrf0)  }
0xb7: {  	v20 =	vbroadcast v20, $0x0;
	v25 =	vadd.s32 v21, v16;
	(v2sf) =	vpush v19, $0xF;
	v17, _, _ =	vpop (xrf0)  }
0xb8: {  	v21 =	vadd.s32 $0xFFFFFFFF, v18;
	v18 =	vmov s7;
	(v2sf) =	vpush v17, $0xF;
	v16, _, _ =	vpop (xrf0)  }
0xb9: {  	s19 =	sshra.s32 s20, $0x2;
	s20 =	sadd.s32 $0x200, s20;
	v22 =	vsel vm1, v25, v22;
	v23 =	vadd.s32 v24, v23;
	(v2sf) =	vpush v16, $0xF  }
0xba: {  	v24 =	vld [tilespmem:s19+$0x0];
	_ =	sdelay $0x4  }
0xbb: {  	vm15 =	veq.s32 v24, $0x7  }
0xbc: {  	vm7 =	veq.s32 v24, $0x0;
	v25 =	vsel vm15, $0x1, v3  }
0xbd: {  	v26 =	vsel vm7, $0x1, v3;
	(xrf0) =	vadd.scan.msk.s32 $0xffff, v25  }
0xbe: {  	vm6 =	veq.s32 v24, $0x1;
	(xrf0) =	vadd.scan.msk.s32 $0xffff, v26  }
0xbf: {  	vm5 =	veq.s32 v24, $0x2;
	v37 =	vsel vm6, $0x1, v3  }
0xc0: {  	vm4 =	veq.s32 v24, $0x3;
	v38 =	vsel vm5, $0x1, v3;
	(xrf0) =	vadd.scan.msk.s32 $0xffff, v37  }
0xc1: {  	vm3 =	veq.s32 v24, $0x4;
	v39 =	vsel vm4, $0x1, v3;
	(xrf0) =	vadd.scan.msk.s32 $0xffff, v38  }
0xc2: {  	vm2 =	veq.s32 v24, $0x5;
	v40 =	vsel vm3, $0x1, v3;
	(xrf0) =	vadd.scan.msk.s32 $0xffff, v39  }
0xc3: {  	vm1 =	veq.s32 v24, $0x6;
	v41 =	vsel vm2, $0x1, v3;
	(xrf0) =	vadd.scan.msk.s32 $0xffff, v40;
	v25, _, _ =	vpop (xrf0)  }
0xc4: {  	v42 =	vsel vm1, $0x1, v3;
	(xrf0) =	vadd.scan.msk.s32 $0xffff, v41;
	v43, _, _ =	vpop (xrf0);
	(v2sf) =	vpush v25, $0xF  }
0xc5: {  	(xrf0) =	vadd.scan.msk.s32 $0xffff, v42;
	(v2sf) =	vpush v43, $0xF  }
0xc6: {  	v44, _, _ =	vpop (xrf0)  }
0xc7: {  	(v2sf) =	vpush v44, $0xF;
	v27, _, _ =	vpop (xrf0)  }
0xc8: {  	(v2sf) =	vpush v27, $0xF;
	v28, _, _ =	vpop (xrf0)  }
0xc9: {  	(v2sf) =	vpush v28, $0xF;
	v29, _, _ =	vpop (xrf0)  }
0xca: {  	(v2sf) =	vpush v29, $0xF;
	v30, _, _ =	vpop (xrf0)  }
0xcb: {  	s20 =	spop (v2sf);
	(v2sf) =	vpush v30, $0xF;
	v31, _, _ =	vpop (xrf0)  }
0xcc: {  	s24 =	spop (v2sf);
	(v2sf) =	vpush v31, $0xF  }
0xcd: {  	s12 =	spop (v2sf)  }
0xce: {  	s13 =	spop (v2sf)  }
0xcf: {  	s14 =	spop (v2sf)  }
0xd0: {  	s15 =	spop (v2sf)  }
0xd1: {  	vm8 =	vcmask $0x300;
	v21 =	vbroadcast v21, $0x0;
	v18 =	vadd.s32 $0xFFFFFFFF, v18;
	s16 =	spop (v2sf)  }
0xd2: {  	v22 =	vsel vm14, v23, v22;
	v19 =	vadd.s32 v19, v20;
	v18 =	vbroadcast v18, $0x0;
	s25 =	spop (v2sf)  }
0xd3: {  	vm14 =	vcmask $0x1F1C;
	v19 =	vsel vm12, v19, v22;
	v17 =	vadd.s32 v17, v21;
	s1 =	spop (v2sf)  }
0xd4: {  	v14 =	vbroadcast v14, $0x0;
	v17 =	vsel vm13, v17, v19;
	v16 =	vadd.s32 v16, v18;
	s24 =	sadd.s32 s31, s24;
	s0 =	sadd.s32 s0, s12;
	s31 =	spop (v2sf)  }
0xd5: {  	v61 =	vsel vm11, v16, v17;
	v33 =	vmov s24;
	s2 =	sadd.s32 s2, s13;
	v34 =	vmov s0;
	s31 =	sadd.s32 s24, s31  }
0xd6: {  	v33 =	vadd.s32 $0xFFFFFFFF, v33;
	v35 =	vmov s2;
	s8 =	spop (v2sf);
	v32 =	vmov s31  }
0xd7: {  	v33 =	vbroadcast v33, $0x0;
	s12 =	sadd.s32 s0, s8;
	s9 =	spop (v2sf);
	v32 =	vnsel vm8, $0x0, v32;
	vm8 =	vcmask $0x704  }
0xd8: {  	s14 =	sadd.s32 s26, s14;
	v45 =	vadd.s32 $0xFFFFFFFF, v34;
	s13 =	sadd.s32 s2, s9;
	s18 =	spop (v2sf);
	v32 =	vsel vm8, s12, v32;
	vm8 =	vcmask $0xB08  }
0xd9: {  	s21 =	sadd.s32 s4, s15;
	v36 =	vmov s14;
	s22 =	sadd.s32 s14, s18;
	s23 =	spop (v2sf);
	v32 =	vsel vm8, s13, v32;
	vm8 =	vcmask $0xF0C  }
0xda: {  	v47 =	vbroadcast v45, $0x0;
	s6 =	sadd.s32 s6, s16;
	s4 =	sadd.s32 s21, s23;
	s24 =	spop (v2sf);
	v32 =	vsel vm8, s22, v32;
	vm8 =	vcmask $0x1310  }
0xdb: {  	v49 =	vadd.s32 $0xFFFFFFFF, v35;
	s26 =	sadd.s32 s7, s25;
	s2 =	sadd.s32 s6, s24;
	s5 =	spop (v2sf);
	v32 =	vsel vm8, s4, v32;
	vm8 =	vcmask $0x1714  }
0xdc: {  	v38 =	vmov s6;
	s6 =	sadd.s32 s30, s20;
	s0 =	sadd.s32 s26, s5;
	v32 =	vsel vm8, s2, v32;
	vm8 =	vcmask $0x1B18  }
0xdd: {  	v50 =	vbroadcast v49, $0x0;
	v24 =	vadd.s32 v43, v33;
	v32 =	vsel vm8, s0, v32;
	s0 =	sadd.s32 s6, s1  }
0xde: {  	v46 =	vnsel vm7, $0x0, v24;
	v24 =	vadd.s32 v44, v47;
	v32 =	vsel vm14, s0, v32  }
0xdf: {  	v37 =	vmov s21;
	v51 =	vsel vm6, v24, v46;
	v53 =	vadd.s32 $0x7F, v32  }
0xe0: {  	v52 =	vadd.s32 v27, v50;
	v55 =	vand.u32 $0x7F, v53;
	v56 =	vshra.s32 v53, $0x1F  }
0xe1: {  	vm14 =	vlt.s32 v53, $0x1;
	vm13 =	vne.s32 v55, $0x0;
	v21 =	vshrl.u32 v56, $0x19  }
0xe2: {  	v54 =	vsel vm5, v52, v51;
	vm5 =	vmand vm14, vm13;
	v21 =	vadd.s32 v21, v53  }
0xe3: {  	v57 =	vadd.s32 $0xFFFFFFFF, v36;
	v58 =	vsel vm5, $0xFFFFFFFF, v3;
	v21 =	vshrl.u32 v21, $0x7  }
0xe4: {  	v22 =	vbroadcast v57, $0x0;
	v60 =	vadd.s32 $0xFFFFFFFF, v37;
	v59 =	vadd.s32 v58, v21  }
0xe5: {  	v39 =	vmov s26;
	v63 =	vadd.s32 $0xFFFFFFFF, v38;
	v18 =	vshll.u32 v59, $0x7  }
0xe6: {  	v17 =	vbroadcast v63, $0x0;
	v23 =	vadd.s32 $0xFFFFFFFF, v39;
	v21 =	vbroadcast v60, $0x0;
	(xrf0) =	vadd.scan.msk.s32 $0xffff, v18  }
0xe7: {  	v22 =	vadd.s32 v28, v22;
	v19 =	vbroadcast v23, $0x0;
	v48 =	vmov s6  }
0xe8: {  	v62 =	vsel vm4, v22, v54;
	v24 =	vadd.s32 $0xFFFFFFFF, v48;
	v22 =	vadd.s32 v29, v21  }
0xe9: {  	v14 =	vadd.s32 v15, v14;
	v15 =	vbroadcast v24, $0x0;
	v16 =	vsel vm3, v22, v62  }
0xea: {  	v12 =	vsel vm10, v12, v13;
	v17 =	vadd.s32 v30, v17;
	v27 =	vadd.s32 v31, v19  }
0xeb: {  	v15 =	vadd.s32 v25, v15;
	vm3 =	vmmov vm9;
	v26 =	vsel vm2, v17, v16  }
0xec: {  	v13 =	vsel vm3, v14, v61;
	v14 =	vsel vm1, v27, v26;
	vm1 =	vmmov vm15;
	v16, _, _ =	vpop (xrf0)  }
0xed: {  	v14 =	vsel vm1, v15, v14;
	v15 =	vshra.s32 @!p0 v16, $0x1F;
	v17 =	vand.u32 @!p0 $0x7F, v16  }
0xee: {  	[tilespmem:s28+$0x8000] =	vst v12;
	vm1 =	vlt.s32 @!p0 v16, $0x1;
	v12 =	vshrl.u32 @!p0 v15, $0x19;
	vm2 =	vne.s32 @!p0 v17, $0x0  }
0xef: {  	[tilespmem:s29+$0x8000] =	vst v13;
	v13 =	vimm.s32 @!p0 $0x0;
	vm1 =	vmand @!p0 vm1, vm2;
	v12 =	vadd.s32 @!p0 v12, v16  }
0xf0: {  	[tilespmem:s19+$0x8000] =	vst v14;
	v28 =	vsub.s32 v16, v18;
	v13 =	vsel @!p0 vm1, $0xFFFFFFFF, v13;
	v12 =	vshra.s32 @!p0 v12, $0x7  }
0xf1: {  	[tilespmem:$0x10C00] =	vst v28;
	v12 =	vadd.s32 @!p0 v13, v12  }
0xf2: {  	s2 =	rddreg [dreg:$0x4];
	s1 =	simm.s32 @!p0 $0x10400;
	s0 =	simm.s32 @!p0 $0x0;
	[tilespmem:$0x10400] =	vst @!p0 v12  }
0xf3: {  	[hbm4b:s2+s0] =	stream.linear.scatter @!p0 [tilespmem:s1], [sflag:$0x3], $0x80, $0x38;
	[tilespmem:$0x1CC80] =	vst v63  }
0xf4: {  	s0 =	simm.s32 @!p0 $0x3  }
0xf5: {  	_ =	swait.ge @!p0 [sflag:s0], $0x80  }
0xf6: {  	[sflag:s0] =	ssyncset.done @!p0 $0x0  }
0xf7: {  	s7 =	rddreg [dreg:$0x6];
	[sflag:s0] =	ssyncadd.s32 @!p0 $0xFFFFFF80  }
0xf8: {  	v29 =	vld [tilespmem:s7+$0x0];
	_ =	sdelay $0x6  }
0xf9: {  	s8 =	simm.s32 $0x10C00;
	v30 =	vld [tilespmem:s7+$0x8000]  }
0xfa: {  	v12 =	vld.idx.msk [tilespmem:v29+s8+$0x0], $0xffff;
	_ =	sdelay $0x4  }
0xfb: {  	v12 =	vadd.s32 v30, v12  }
0xfc: {  	s9 =	rddreg [dreg:$0x7];
	[tilespmem:$0x10400] =	vst v12  }
0xfd: {  	v12 =	vld [tilespmem:s9+$0x0];
	_ =	sdelay $0x6  }
0xfe: {  	v31 =	vld [tilespmem:s9+$0x8000]  }
0xff: {  	v12 =	vld.idx.msk [tilespmem:v12+s8+$0x0], $0xffff;
	_ =	sdelay $0x4  }
0x100: {  	v12 =	vadd.s32 v31, v12  }
0x101: {  	s12 =	rddreg [dreg:$0x8];
	[tilespmem:$0x10480] =	vst v12  }
0x102: {  	v12 =	vld [tilespmem:s12+$0x0];
	_ =	sdelay $0x6  }
0x103: {  	v32 =	vld [tilespmem:s12+$0x8000]  }
0x104: {  	v12 =	vld.idx.msk [tilespmem:v12+s8+$0x0], $0xffff;
	_ =	sdelay $0x4  }
0x105: {  	v12 =	vadd.s32 v32, v12  }
0x106: {  	s13 =	rddreg [dreg:$0x9];
	[tilespmem:$0x10500] =	vst v12  }
0x107: {  	v12 =	vld [tilespmem:s13+$0x0];
	_ =	sdelay $0x6  }
0x108: {  	v33 =	vld [tilespmem:s13+$0x8000]  }
0x109: {  	v12 =	vld.idx.msk [tilespmem:v12+s8+$0x0], $0xffff;
	_ =	sdelay $0x4  }
0x10a: {  	v12 =	vadd.s32 v33, v12  }
0x10b: {  	s14 =	rddreg [dreg:$0xa];
	[tilespmem:$0x10580] =	vst v12  }
0x10c: {  	v12 =	vld [tilespmem:s14+$0x0];
	_ =	sdelay $0x6  }
0x10d: {  	v34 =	vld [tilespmem:s14+$0x8000]  }
0x10e: {  	v12 =	vld.idx.msk [tilespmem:v12+s8+$0x0], $0xffff;
	_ =	sdelay $0x4  }
0x10f: {  	v12 =	vadd.s32 v34, v12  }
0x110: {  	s15 =	rddreg [dreg:$0xb];
	[tilespmem:$0x10600] =	vst v12  }
0x111: {  	v12 =	vld [tilespmem:s15+$0x0];
	_ =	sdelay $0x6  }
0x112: {  	v35 =	vld [tilespmem:s15+$0x8000]  }
0x113: {  	v12 =	vld.idx.msk [tilespmem:v12+s8+$0x0], $0xffff;
	_ =	sdelay $0x4  }
0x114: {  	v12 =	vadd.s32 v35, v12  }
0x115: {  	s16 =	rddreg [dreg:$0xc];
	[tilespmem:$0x10680] =	vst v12  }
0x116: {  	v12 =	vld [tilespmem:s16+$0x0];
	_ =	sdelay $0x6  }
0x117: {  	v36 =	vld [tilespmem:s16+$0x8000]  }
0x118: {  	v12 =	vld.idx.msk [tilespmem:v12+s8+$0x0], $0xffff;
	_ =	sdelay $0x4  }
0x119: {  	v12 =	vadd.s32 v36, v12  }
0x11a: {  	s18 =	rddreg [dreg:$0xd];
	[tilespmem:$0x10700] =	vst v12  }
0x11b: {  	v12 =	vld [tilespmem:s18+$0x0];
	_ =	sdelay $0x6  }
0x11c: {  	v37 =	vld [tilespmem:s18+$0x8000]  }
0x11d: {  	v12 =	vld.idx.msk [tilespmem:v12+s8+$0x0], $0xffff;
	_ =	sdelay $0x4  }
0x11e: {  	v12 =	vadd.s32 v37, v12  }
0x11f: {  	s19 =	simm.s32 $0x10400;
	[tilespmem:$0x10780] =	vst v12  }
0x120: {  	v12 =	vld.idx.msk [tilespmem:v4+s19+$0x0], $0xffff;
	_ =	sdelay $0x4  }
0x121: {  	[tilespmem:$0x10800] =	vst v12  }
0x122: {  	v12 =	vld.idx.msk [tilespmem:v5+s19+$0x0], $0xffff;
	_ =	sdelay $0x4  }
0x123: {  	[tilespmem:$0x10A00] =	vst v12  }
0x124: {  	v12 =	vld.idx.msk [tilespmem:v6+s19+$0x0], $0xffff;
	_ =	sdelay $0x4  }
0x125: {  	[tilespmem:$0x10880] =	vst v12  }
0x126: {  	v12 =	vld.idx.msk [tilespmem:v7+s19+$0x0], $0xffff;
	_ =	sdelay $0x4  }
0x127: {  	[tilespmem:$0x10A80] =	vst v12  }
0x128: {  	v12 =	vld.idx.msk [tilespmem:v8+s19+$0x0], $0xffff;
	_ =	sdelay $0x4  }
0x129: {  	[tilespmem:$0x10900] =	vst v12  }
0x12a: {  	v12 =	vld.idx.msk [tilespmem:v9+s19+$0x0], $0xffff;
	_ =	sdelay $0x4  }
0x12b: {  	[tilespmem:$0x10B00] =	vst v12  }
0x12c: {  	v12 =	vld.idx.msk [tilespmem:v10+s19+$0x0], $0xffff;
	_ =	sdelay $0x4  }
0x12d: {  	[tilespmem:$0x10980] =	vst v12  }
0x12e: {  	v12 =	vld.idx.msk [tilespmem:v11+s19+$0x0], $0xffff;
	_ =	sdelay $0x4  }
0x12f: {  	s21 =	simm.s32 $0x10800;
	s2 =	simm.s32 $0x3;
	s20 =	rddreg [dreg:$0xe];
	[tilespmem:$0x10B80] =	vst v12  }
0x130: {  	[hbm4b:s20+s3] =	stream.linear.scatter [tilespmem:s21], [sflag:$0x3], $0x200, $0x38;
	[tilespmem:$0x1CC80] =	vst v63  }
0x131: {  	_ =	swait.ge [sflag:s2], $0x200  }
0x132: {  	[sflag:s2] =	ssyncset.done $0x0  }
0x133: {  	s23 =	simm.s32 $0x10A00;
	s22 =	rddreg [dreg:$0xf];
	[sflag:s2] =	ssyncadd.s32 $0xFFFFFE00  }
0x134: {  	[hbm4b:s22+s3] =	stream.linear.scatter [tilespmem:s23], [sflag:$0x3], $0x200, $0x38;
	[tilespmem:$0x1CC80] =	vst v63  }
0x135: {  	_ =	swait.ge [sflag:s2], $0x200  }
0x136: {  	[sflag:s2] =	ssyncset.done $0x0  }
0x137: {  	s5 =	simm.s32 $0x1;
	[sflag:s2] =	ssyncadd.s32 $0xFFFFFE00  }
0x138: {  	_ =	swait.ge [sflag:s5], $0x4000  }
0x139: {  	[sflag:s5] =	ssyncset.done $0x0  }
0x13a: {  	[sflag:s5] =	ssyncadd.s32 $0xFFFFC000  }
0x13b: {  	v38 =	vld [tilespmem:$0x10400];
	_ =	sdelay $0x4  }
0x13c: {  	v39 =	vshll.u32 v38, $0x3  }
0x13d: {  	v12 =	vand.u32 $0x7, v38;
	v13 =	vand.u32 $0xFFFFFFC0, v39  }
0x13e: {  	v12 =	vor.u32 v12, v13  }
0x13f: {  	v13 =	vperm.xlane v12, v0;
	_ =	sdelay $0x1  }
0x140: {  	v13 =	vadd.s32 v1, v13;
	_ =	sdelay $0x3  }
0x141: {  	s24 =	simm.s32 $0x10C80;
	s8 =	rddreg [dreg:$0x11]  }
0x142: {  	[hbm4b:s8+s3] =	stream.indirect_vreg.scatter [tilespmem:s24], [sflag:$0x2], $0x80, v13, vm0, $0xb8;
	[tilespmem:$0x1CC80] =	vst v63  }
0x143: {  	s26 =	simm.s32 $0x11480;
	s22 =	rddreg [dreg:$0x12];
	v12 =	vperm.xlane v12, v2  }
0x144: {  	[hbm4b:s22+s3] =	stream.indirect_vreg.scatter [tilespmem:s26], [sflag:$0x2], $0x80, v13, vm0, $0xb8;
	[tilespmem:$0x1CC80] =	vst v63  }
0x145: {  	s12 =	simm.s32 $0x11C80;
	s23 =	rddreg [dreg:$0x13];
	v12 =	vadd.s32 v1, v12  }
0x146: {  	[hbm4b:s23+s3] =	stream.indirect_vreg.scatter [tilespmem:s12], [sflag:$0x2], $0x80, v13, vm0, $0xb8;
	[tilespmem:$0x1CC80] =	vst v63  }
0x147: {  	s13 =	simm.s32 $0x12480;
	s6 =	rddreg [dreg:$0x14]  }
0x148: {  	[hbm4b:s6+s3] =	stream.indirect_vreg.scatter [tilespmem:s13], [sflag:$0x2], $0x80, v13, vm0, $0xb8;
	[tilespmem:$0x1CC80] =	vst v63  }
0x149: {  	s14 =	simm.s32 $0x12C80  }
0x14a: {  	[hbm4b:s8+s3] =	stream.indirect_vreg.scatter [tilespmem:s14], [sflag:$0x2], $0x80, v12, vm0, $0xb8;
	[tilespmem:$0x1CC80] =	vst v63  }
0x14b: {  	s15 =	simm.s32 $0x13480  }
0x14c: {  	[hbm4b:s22+s3] =	stream.indirect_vreg.scatter [tilespmem:s15], [sflag:$0x2], $0x80, v12, vm0, $0xb8;
	[tilespmem:$0x1CC80] =	vst v63  }
0x14d: {  	s16 =	simm.s32 $0x13C80  }
0x14e: {  	[hbm4b:s23+s3] =	stream.indirect_vreg.scatter [tilespmem:s16], [sflag:$0x2], $0x80, v12, vm0, $0xb8;
	[tilespmem:$0x1CC80] =	vst v63  }
0x14f: {  	s9 =	simm.s32 $0x2;
	s19 =	simm.s32 $0x14480  }
0x150: {  	[hbm4b:s6+s3] =	stream.indirect_vreg.scatter [tilespmem:s19], [sflag:$0x2], $0x80, v12, vm0, $0xb8;
	[tilespmem:$0x1CC80] =	vst v63  }
0x151: {  	_ =	swait.ge [sflag:s9], $0x4000  }
0x152: {  	[sflag:s9] =	ssyncset.done $0x0  }
0x153: {  	[sflag:s9] =	ssyncadd.s32 $0xFFFFC000  }
0x154: {  	v40 =	vld [tilespmem:$0x10180];
	_ =	sdelay $0x4  }
0x155: {  	v41 =	vshll.u32 v40, $0x3  }
0x156: {  	v12 =	vand.u32 $0x7, v40;
	v13 =	vand.u32 $0xFFFFFFC0, v41  }
0x157: {  	v12 =	vor.u32 v12, v13  }
0x158: {  	v13 =	vperm.xlane v12, v0;
	_ =	sdelay $0x1  }
0x159: {  	v13 =	vadd.s32 v1, v13;
	_ =	sdelay $0x3  }
0x15a: {  	s25 =	simm.s32 $0x10C80;
	s1 =	rddreg [dreg:$0x1]  }
0x15b: {  	[tilespmem:s25], [sflag:$0x1] =	stream.indirect_vreg.gather [hbm4b:s1+s3], $0x80, v13, vm0, $0xb8;
	[tilespmem:$0x1CC80] =	vst v63  }
0x15c: {  	v12 =	vperm.xlane v12, v2  }
0x15d: {  	[tilespmem:s26], [sflag:$0x1] =	stream.indirect_vreg.gather [hbm4b:s10+s3], $0x80, v13, vm0, $0xb8;
	[tilespmem:$0x1CC80] =	vst v63  }
0x15e: {  	v12 =	vadd.s32 v1, v12  }
0x15f: {  	[tilespmem:s12], [sflag:$0x1] =	stream.indirect_vreg.gather [hbm4b:s17+s3], $0x80, v13, vm0, $0xb8;
	[tilespmem:$0x1CC80] =	vst v63  }
0x160: {  	_ = 	snop  }
0x161: {  	[tilespmem:s13], [sflag:$0x1] =	stream.indirect_vreg.gather [hbm4b:s11+s3], $0x80, v13, vm0, $0xb8;
	[tilespmem:$0x1CC80] =	vst v63  }
0x162: {  	_ = 	snop  }
0x163: {  	[tilespmem:s14], [sflag:$0x1] =	stream.indirect_vreg.gather [hbm4b:s1+s3], $0x80, v12, vm0, $0xb8;
	[tilespmem:$0x1CC80] =	vst v63  }
0x164: {  	_ = 	snop  }
0x165: {  	[tilespmem:s15], [sflag:$0x1] =	stream.indirect_vreg.gather [hbm4b:s10+s3], $0x80, v12, vm0, $0xb8;
	[tilespmem:$0x1CC80] =	vst v63  }
0x166: {  	_ = 	snop  }
0x167: {  	[tilespmem:s16], [sflag:$0x1] =	stream.indirect_vreg.gather [hbm4b:s17+s3], $0x80, v12, vm0, $0xb8;
	[tilespmem:$0x1CC80] =	vst v63  }
0x168: {  	_ = 	snop  }
0x169: {  	[tilespmem:s19], [sflag:$0x1] =	stream.indirect_vreg.gather [hbm4b:s11+s3], $0x80, v12, vm0, $0xb8;
	[tilespmem:$0x1CC80] =	vst v63  }
0x16a: {  	_ =	swait.ge [sflag:s5], $0x4000  }
0x16b: {  	[sflag:s5] =	ssyncset.done $0x0  }
0x16c: {  	[sflag:s5] =	ssyncadd.s32 $0xFFFFC000  }
0x16d: {  	v42 =	vld [tilespmem:$0x10480];
	_ =	sdelay $0x4  }
0x16e: {  	v43 =	vshll.u32 v42, $0x3  }
0x16f: {  	v12 =	vand.u32 $0x7, v42;
	v13 =	vand.u32 $0xFFFFFFC0, v43  }
0x170: {  	v12 =	vor.u32 v12, v13  }
0x171: {  	v13 =	vperm.xlane v12, v0;
	_ =	sdelay $0x1  }
0x172: {  	v13 =	vadd.s32 v1, v13;
	_ =	sdelay $0x3  }
0x173: {  	s20 =	simm.s32 $0x14C80  }
0x174: {  	[hbm4b:s8+s3] =	stream.indirect_vreg.scatter [tilespmem:s20], [sflag:$0x2], $0x80, v13, vm0, $0xb8;
	[tilespmem:$0x1CC80] =	vst v63  }
0x175: {  	s24 =	simm.s32 $0x15480;
	v12 =	vperm.xlane v12, v2  }
0x176: {  	[hbm4b:s22+s3] =	stream.indirect_vreg.scatter [tilespmem:s24], [sflag:$0x2], $0x80, v13, vm0, $0xb8;
	[tilespmem:$0x1CC80] =	vst v63  }
0x177: {  	s25 =	simm.s32 $0x15C80;
	v12 =	vadd.s32 v1, v12  }
0x178: {  	[hbm4b:s23+s3] =	stream.indirect_vreg.scatter [tilespmem:s25], [sflag:$0x2], $0x80, v13, vm0, $0xb8;
	[tilespmem:$0x1CC80] =	vst v63  }
0x179: {  	s26 =	simm.s32 $0x16480  }
0x17a: {  	[hbm4b:s6+s3] =	stream.indirect_vreg.scatter [tilespmem:s26], [sflag:$0x2], $0x80, v13, vm0, $0xb8;
	[tilespmem:$0x1CC80] =	vst v63  }
0x17b: {  	s28 =	simm.s32 $0x16C80  }
0x17c: {  	[hbm4b:s8+s3] =	stream.indirect_vreg.scatter [tilespmem:s28], [sflag:$0x2], $0x80, v12, vm0, $0xb8;
	[tilespmem:$0x1CC80] =	vst v63  }
0x17d: {  	s29 =	simm.s32 $0x17480  }
0x17e: {  	[hbm4b:s22+s3] =	stream.indirect_vreg.scatter [tilespmem:s29], [sflag:$0x2], $0x80, v12, vm0, $0xb8;
	[tilespmem:$0x1CC80] =	vst v63  }
0x17f: {  	s30 =	simm.s32 $0x17C80  }
0x180: {  	[hbm4b:s23+s3] =	stream.indirect_vreg.scatter [tilespmem:s30], [sflag:$0x2], $0x80, v12, vm0, $0xb8;
	[tilespmem:$0x1CC80] =	vst v63  }
0x181: {  	s31 =	simm.s32 $0x18480  }
0x182: {  	[hbm4b:s6+s3] =	stream.indirect_vreg.scatter [tilespmem:s31], [sflag:$0x2], $0x80, v12, vm0, $0xb8;
	[tilespmem:$0x1CC80] =	vst v63  }
0x183: {  	_ =	swait.ge [sflag:s9], $0x4000  }
0x184: {  	[sflag:s9] =	ssyncset.done $0x0  }
0x185: {  	[sflag:s9] =	ssyncadd.s32 $0xFFFFC000  }
0x186: {  	v44 =	vld [tilespmem:$0x10200];
	_ =	sdelay $0x4  }
0x187: {  	v45 =	vshll.u32 v44, $0x3  }
0x188: {  	v12 =	vand.u32 $0x7, v44;
	v13 =	vand.u32 $0xFFFFFFC0, v45  }
0x189: {  	v12 =	vor.u32 v12, v13  }
0x18a: {  	v13 =	vperm.xlane v12, v0;
	_ =	sdelay $0x1  }
0x18b: {  	v13 =	vadd.s32 v1, v13;
	_ =	sdelay $0x4  }
0x18c: {  	[tilespmem:s20], [sflag:$0x1] =	stream.indirect_vreg.gather [hbm4b:s1+s3], $0x80, v13, vm0, $0xb8;
	[tilespmem:$0x1CC80] =	vst v63  }
0x18d: {  	v12 =	vperm.xlane v12, v2  }
0x18e: {  	[tilespmem:s24], [sflag:$0x1] =	stream.indirect_vreg.gather [hbm4b:s10+s3], $0x80, v13, vm0, $0xb8;
	[tilespmem:$0x1CC80] =	vst v63  }
0x18f: {  	v12 =	vadd.s32 v1, v12  }
0x190: {  	[tilespmem:s25], [sflag:$0x1] =	stream.indirect_vreg.gather [hbm4b:s17+s3], $0x80, v13, vm0, $0xb8;
	[tilespmem:$0x1CC80] =	vst v63  }
0x191: {  	_ = 	snop  }
0x192: {  	[tilespmem:s26], [sflag:$0x1] =	stream.indirect_vreg.gather [hbm4b:s11+s3], $0x80, v13, vm0, $0xb8;
	[tilespmem:$0x1CC80] =	vst v63  }
0x193: {  	_ = 	snop  }
0x194: {  	[tilespmem:s28], [sflag:$0x1] =	stream.indirect_vreg.gather [hbm4b:s1+s3], $0x80, v12, vm0, $0xb8;
	[tilespmem:$0x1CC80] =	vst v63  }
0x195: {  	_ = 	snop  }
0x196: {  	[tilespmem:s29], [sflag:$0x1] =	stream.indirect_vreg.gather [hbm4b:s10+s3], $0x80, v12, vm0, $0xb8;
	[tilespmem:$0x1CC80] =	vst v63  }
0x197: {  	_ = 	snop  }
0x198: {  	[tilespmem:s30], [sflag:$0x1] =	stream.indirect_vreg.gather [hbm4b:s17+s3], $0x80, v12, vm0, $0xb8;
	[tilespmem:$0x1CC80] =	vst v63  }
0x199: {  	_ = 	snop  }
0x19a: {  	[tilespmem:s31], [sflag:$0x1] =	stream.indirect_vreg.gather [hbm4b:s11+s3], $0x80, v12, vm0, $0xb8;
	[tilespmem:$0x1CC80] =	vst v63  }
0x19b: {  	_ =	swait.ge [sflag:s5], $0x4000  }
0x19c: {  	[sflag:s5] =	ssyncset.done $0x0  }
0x19d: {  	[sflag:s5] =	ssyncadd.s32 $0xFFFFC000  }
0x19e: {  	v46 =	vld [tilespmem:$0x10500];
	_ =	sdelay $0x4  }
0x19f: {  	v47 =	vshll.u32 v46, $0x3  }
0x1a0: {  	v12 =	vand.u32 $0x7, v46;
	v13 =	vand.u32 $0xFFFFFFC0, v47  }
0x1a1: {  	v12 =	vor.u32 v12, v13  }
0x1a2: {  	v13 =	vperm.xlane v12, v0;
	_ =	sdelay $0x1  }
0x1a3: {  	v13 =	vadd.s32 v1, v13;
	_ =	sdelay $0x3  }
0x1a4: {  	s7 =	simm.s32 $0x18C80  }
0x1a5: {  	[hbm4b:s8+s3] =	stream.indirect_vreg.scatter [tilespmem:s7], [sflag:$0x2], $0x80, v13, vm0, $0xb8;
	[tilespmem:$0x1CC80] =	vst v63  }
0x1a6: {  	s18 =	simm.s32 $0x19480;
	v12 =	vperm.xlane v12, v2  }
0x1a7: {  	[hbm4b:s22+s3] =	stream.indirect_vreg.scatter [tilespmem:s18], [sflag:$0x2], $0x80, v13, vm0, $0xb8;
	[tilespmem:$0x1CC80] =	vst v63  }
0x1a8: {  	s21 =	simm.s32 $0x19C80;
	v12 =	vadd.s32 v1, v12  }
0x1a9: {  	[hbm4b:s23+s3] =	stream.indirect_vreg.scatter [tilespmem:s21], [sflag:$0x2], $0x80, v13, vm0, $0xb8;
	[tilespmem:$0x1CC80] =	vst v63  }
0x1aa: {  	s4 =	simm.s32 $0x1A480  }
0x1ab: {  	[hbm4b:s6+s3] =	stream.indirect_vreg.scatter [tilespmem:s4], [sflag:$0x2], $0x80, v13, vm0, $0xb8;
	[tilespmem:$0x1CC80] =	vst v63  }
0x1ac: {  	s21 =	simm.s32 $0x1AC80  }
0x1ad: {  	[hbm4b:s8+s3] =	stream.indirect_vreg.scatter [tilespmem:s21], [sflag:$0x2], $0x80, v12, vm0, $0xb8;
	[tilespmem:$0x1CC80] =	vst v63  }
0x1ae: {  	s18 =	simm.s32 $0x1B480  }
0x1af: {  	[hbm4b:s22+s3] =	stream.indirect_vreg.scatter [tilespmem:s18], [sflag:$0x2], $0x80, v12, vm0, $0xb8;
	[tilespmem:$0x1CC80] =	vst v63  }
0x1b0: {  	s18 =	simm.s32 $0x1BC80  }
0x1b1: {  	[hbm4b:s23+s3] =	stream.indirect_vreg.scatter [tilespmem:s18], [sflag:$0x2], $0x80, v12, vm0, $0xb8;
	[tilespmem:$0x1CC80] =	vst v63  }
0x1b2: {  	s0 =	simm.s32 $0x1C480  }
0x1b3: {  	[hbm4b:s6+s3] =	stream.indirect_vreg.scatter [tilespmem:s0], [sflag:$0x2], $0x80, v12, vm0, $0xb8;
	[tilespmem:$0x1CC80] =	vst v63  }
0x1b4: {  	_ =	swait.ge [sflag:s9], $0x4000  }
0x1b5: {  	[sflag:s9] =	ssyncset.done $0x0  }
0x1b6: {  	[sflag:s9] =	ssyncadd.s32 $0xFFFFC000  }
0x1b7: {  	v48 =	vld [tilespmem:$0x10280];
	_ =	sdelay $0x4  }
0x1b8: {  	v49 =	vshll.u32 v48, $0x3  }
0x1b9: {  	v12 =	vand.u32 $0x7, v48;
	v13 =	vand.u32 $0xFFFFFFC0, v49  }
0x1ba: {  	v12 =	vor.u32 v12, v13  }
0x1bb: {  	v13 =	vperm.xlane v12, v0;
	_ =	sdelay $0x1  }
0x1bc: {  	v13 =	vadd.s32 v1, v13;
	_ =	sdelay $0x3  }
0x1bd: {  	s7 =	simm.s32 $0x18C80  }
0x1be: {  	[tilespmem:s7], [sflag:$0x1] =	stream.indirect_vreg.gather [hbm4b:s1+s3], $0x80, v13, vm0, $0xb8;
	[tilespmem:$0x1CC80] =	vst v63  }
0x1bf: {  	v12 =	vperm.xlane v12, v2;
	s7 =	simm.s32 $0x19480  }
0x1c0: {  	[tilespmem:s7], [sflag:$0x1] =	stream.indirect_vreg.gather [hbm4b:s10+s3], $0x80, v13, vm0, $0xb8;
	[tilespmem:$0x1CC80] =	vst v63  }
0x1c1: {  	v12 =	vadd.s32 v1, v12;
	s7 =	simm.s32 $0x19C80  }
0x1c2: {  	[tilespmem:s7], [sflag:$0x1] =	stream.indirect_vreg.gather [hbm4b:s17+s3], $0x80, v13, vm0, $0xb8;
	[tilespmem:$0x1CC80] =	vst v63  }
0x1c3: {  	_ = 	snop  }
0x1c4: {  	[tilespmem:s4], [sflag:$0x1] =	stream.indirect_vreg.gather [hbm4b:s11+s3], $0x80, v13, vm0, $0xb8;
	[tilespmem:$0x1CC80] =	vst v63  }
0x1c5: {  	_ = 	snop  }
0x1c6: {  	[tilespmem:s21], [sflag:$0x1] =	stream.indirect_vreg.gather [hbm4b:s1+s3], $0x80, v12, vm0, $0xb8;
	[tilespmem:$0x1CC80] =	vst v63  }
0x1c7: {  	s21 =	simm.s32 $0x1B480  }
0x1c8: {  	[tilespmem:s21], [sflag:$0x1] =	stream.indirect_vreg.gather [hbm4b:s10+s3], $0x80, v12, vm0, $0xb8;
	[tilespmem:$0x1CC80] =	vst v63  }
0x1c9: {  	_ = 	snop  }
0x1ca: {  	[tilespmem:s18], [sflag:$0x1] =	stream.indirect_vreg.gather [hbm4b:s17+s3], $0x80, v12, vm0, $0xb8;
	[tilespmem:$0x1CC80] =	vst v63  }
0x1cb: {  	_ = 	snop  }
0x1cc: {  	[tilespmem:s0], [sflag:$0x1] =	stream.indirect_vreg.gather [hbm4b:s11+s3], $0x80, v12, vm0, $0xb8;
	[tilespmem:$0x1CC80] =	vst v63  }
0x1cd: {  	_ =	swait.ge [sflag:s5], $0x4000  }
0x1ce: {  	[sflag:s5] =	ssyncset.done $0x0  }
0x1cf: {  	[sflag:s5] =	ssyncadd.s32 $0xFFFFC000  }
0x1d0: {  	v50 =	vld [tilespmem:$0x10580];
	_ =	sdelay $0x4  }
0x1d1: {  	v51 =	vshll.u32 v50, $0x3  }
0x1d2: {  	v12 =	vand.u32 $0x7, v50;
	v13 =	vand.u32 $0xFFFFFFC0, v51  }
0x1d3: {  	v12 =	vor.u32 v12, v13  }
0x1d4: {  	v13 =	vperm.xlane v12, v0;
	_ =	sdelay $0x1  }
0x1d5: {  	v13 =	vadd.s32 v1, v13;
	_ =	sdelay $0x3  }
0x1d6: {  	s4 =	simm.s32 $0x10C80  }
0x1d7: {  	[hbm4b:s8+s3] =	stream.indirect_vreg.scatter [tilespmem:s4], [sflag:$0x2], $0x80, v13, vm0, $0xb8;
	[tilespmem:$0x1CC80] =	vst v63  }
0x1d8: {  	s7 =	simm.s32 $0x11480;
	v12 =	vperm.xlane v12, v2  }
0x1d9: {  	[hbm4b:s22+s3] =	stream.indirect_vreg.scatter [tilespmem:s7], [sflag:$0x2], $0x80, v13, vm0, $0xb8;
	[tilespmem:$0x1CC80] =	vst v63  }
0x1da: {  	v12 =	vadd.s32 v1, v12  }
0x1db: {  	[hbm4b:s23+s3] =	stream.indirect_vreg.scatter [tilespmem:s12], [sflag:$0x2], $0x80, v13, vm0, $0xb8;
	[tilespmem:$0x1CC80] =	vst v63  }
0x1dc: {  	_ = 	snop  }
0x1dd: {  	[hbm4b:s6+s3] =	stream.indirect_vreg.scatter [tilespmem:s13], [sflag:$0x2], $0x80, v13, vm0, $0xb8;
	[tilespmem:$0x1CC80] =	vst v63  }
0x1de: {  	_ = 	snop  }
0x1df: {  	[hbm4b:s8+s3] =	stream.indirect_vreg.scatter [tilespmem:s14], [sflag:$0x2], $0x80, v12, vm0, $0xb8;
	[tilespmem:$0x1CC80] =	vst v63  }
0x1e0: {  	_ = 	snop  }
0x1e1: {  	[hbm4b:s22+s3] =	stream.indirect_vreg.scatter [tilespmem:s15], [sflag:$0x2], $0x80, v12, vm0, $0xb8;
	[tilespmem:$0x1CC80] =	vst v63  }
0x1e2: {  	_ = 	snop  }
0x1e3: {  	[hbm4b:s23+s3] =	stream.indirect_vreg.scatter [tilespmem:s16], [sflag:$0x2], $0x80, v12, vm0, $0xb8;
	[tilespmem:$0x1CC80] =	vst v63  }
0x1e4: {  	_ = 	snop  }
0x1e5: {  	[hbm4b:s6+s3] =	stream.indirect_vreg.scatter [tilespmem:s19], [sflag:$0x2], $0x80, v12, vm0, $0xb8;
	[tilespmem:$0x1CC80] =	vst v63  }
0x1e6: {  	_ =	swait.ge [sflag:s9], $0x4000  }
0x1e7: {  	[sflag:s9] =	ssyncset.done $0x0  }
0x1e8: {  	[sflag:s9] =	ssyncadd.s32 $0xFFFFC000  }
0x1e9: {  	v52 =	vld [tilespmem:$0x10300];
	_ =	sdelay $0x4  }
0x1ea: {  	v53 =	vshll.u32 v52, $0x3  }
0x1eb: {  	v12 =	vand.u32 $0x7, v52;
	v13 =	vand.u32 $0xFFFFFFC0, v53  }
0x1ec: {  	v12 =	vor.u32 v12, v13  }
0x1ed: {  	v13 =	vperm.xlane v12, v0;
	_ =	sdelay $0x1  }
0x1ee: {  	v13 =	vadd.s32 v1, v13;
	_ =	sdelay $0x4  }
0x1ef: {  	[tilespmem:s4], [sflag:$0x1] =	stream.indirect_vreg.gather [hbm4b:s1+s3], $0x80, v13, vm0, $0xb8;
	[tilespmem:$0x1CC80] =	vst v63  }
0x1f0: {  	v12 =	vperm.xlane v12, v2  }
0x1f1: {  	[tilespmem:s7], [sflag:$0x1] =	stream.indirect_vreg.gather [hbm4b:s10+s3], $0x80, v13, vm0, $0xb8;
	[tilespmem:$0x1CC80] =	vst v63  }
0x1f2: {  	v12 =	vadd.s32 v1, v12  }
0x1f3: {  	[tilespmem:s12], [sflag:$0x1] =	stream.indirect_vreg.gather [hbm4b:s17+s3], $0x80, v13, vm0, $0xb8;
	[tilespmem:$0x1CC80] =	vst v63  }
0x1f4: {  	_ = 	snop  }
0x1f5: {  	[tilespmem:s13], [sflag:$0x1] =	stream.indirect_vreg.gather [hbm4b:s11+s3], $0x80, v13, vm0, $0xb8;
	[tilespmem:$0x1CC80] =	vst v63  }
0x1f6: {  	_ = 	snop  }
0x1f7: {  	[tilespmem:s14], [sflag:$0x1] =	stream.indirect_vreg.gather [hbm4b:s1+s3], $0x80, v12, vm0, $0xb8;
	[tilespmem:$0x1CC80] =	vst v63  }
0x1f8: {  	_ = 	snop  }
0x1f9: {  	[tilespmem:s15], [sflag:$0x1] =	stream.indirect_vreg.gather [hbm4b:s10+s3], $0x80, v12, vm0, $0xb8;
	[tilespmem:$0x1CC80] =	vst v63  }
0x1fa: {  	_ = 	snop  }
0x1fb: {  	[tilespmem:s16], [sflag:$0x1] =	stream.indirect_vreg.gather [hbm4b:s17+s3], $0x80, v12, vm0, $0xb8;
	[tilespmem:$0x1CC80] =	vst v63  }
0x1fc: {  	_ = 	snop  }
0x1fd: {  	[tilespmem:s19], [sflag:$0x1] =	stream.indirect_vreg.gather [hbm4b:s11+s3], $0x80, v12, vm0, $0xb8;
	[tilespmem:$0x1CC80] =	vst v63  }
0x1fe: {  	_ =	swait.ge [sflag:s5], $0x4000  }
0x1ff: {  	[sflag:s5] =	ssyncset.done $0x0  }
0x200: {  	[sflag:s5] =	ssyncadd.s32 $0xFFFFC000  }
0x201: {  	v54 =	vld [tilespmem:$0x10600];
	_ =	sdelay $0x4  }
0x202: {  	v55 =	vshll.u32 v54, $0x3  }
0x203: {  	v12 =	vand.u32 $0x7, v54;
	v13 =	vand.u32 $0xFFFFFFC0, v55  }
0x204: {  	v12 =	vor.u32 v12, v13  }
0x205: {  	v13 =	vperm.xlane v12, v0;
	_ =	sdelay $0x1  }
0x206: {  	v13 =	vadd.s32 v1, v13;
	_ =	sdelay $0x4  }
0x207: {  	[hbm4b:s8+s3] =	stream.indirect_vreg.scatter [tilespmem:s20], [sflag:$0x2], $0x80, v13, vm0, $0xb8;
	[tilespmem:$0x1CC80] =	vst v63  }
0x208: {  	v12 =	vperm.xlane v12, v2  }
0x209: {  	[hbm4b:s22+s3] =	stream.indirect_vreg.scatter [tilespmem:s24], [sflag:$0x2], $0x80, v13, vm0, $0xb8;
	[tilespmem:$0x1CC80] =	vst v63  }
0x20a: {  	v12 =	vadd.s32 v1, v12  }
0x20b: {  	[hbm4b:s23+s3] =	stream.indirect_vreg.scatter [tilespmem:s25], [sflag:$0x2], $0x80, v13, vm0, $0xb8;
	[tilespmem:$0x1CC80] =	vst v63  }
0x20c: {  	_ = 	snop  }
0x20d: {  	[hbm4b:s6+s3] =	stream.indirect_vreg.scatter [tilespmem:s26], [sflag:$0x2], $0x80, v13, vm0, $0xb8;
	[tilespmem:$0x1CC80] =	vst v63  }
0x20e: {  	_ = 	snop  }
0x20f: {  	[hbm4b:s8+s3] =	stream.indirect_vreg.scatter [tilespmem:s28], [sflag:$0x2], $0x80, v12, vm0, $0xb8;
	[tilespmem:$0x1CC80] =	vst v63  }
0x210: {  	_ = 	snop  }
0x211: {  	[hbm4b:s22+s3] =	stream.indirect_vreg.scatter [tilespmem:s29], [sflag:$0x2], $0x80, v12, vm0, $0xb8;
	[tilespmem:$0x1CC80] =	vst v63  }
0x212: {  	_ = 	snop  }
0x213: {  	[hbm4b:s23+s3] =	stream.indirect_vreg.scatter [tilespmem:s30], [sflag:$0x2], $0x80, v12, vm0, $0xb8;
	[tilespmem:$0x1CC80] =	vst v63  }
0x214: {  	_ = 	snop  }
0x215: {  	[hbm4b:s6+s3] =	stream.indirect_vreg.scatter [tilespmem:s31], [sflag:$0x2], $0x80, v12, vm0, $0xb8;
	[tilespmem:$0x1CC80] =	vst v63  }
0x216: {  	_ =	swait.ge [sflag:s9], $0x4000  }
0x217: {  	[sflag:s9] =	ssyncset.done $0x0  }
0x218: {  	[sflag:s9] =	ssyncadd.s32 $0xFFFFC000  }
0x219: {  	v56 =	vld [tilespmem:$0x10380];
	_ =	sdelay $0x4  }
0x21a: {  	v57 =	vshll.u32 v56, $0x3  }
0x21b: {  	v12 =	vand.u32 $0x7, v56;
	v13 =	vand.u32 $0xFFFFFFC0, v57  }
0x21c: {  	v12 =	vor.u32 v12, v13  }
0x21d: {  	v13 =	vperm.xlane v12, v0;
	_ =	sdelay $0x1  }
0x21e: {  	v13 =	vadd.s32 v1, v13;
	_ =	sdelay $0x4  }
0x21f: {  	[tilespmem:s20], [sflag:$0x1] =	stream.indirect_vreg.gather [hbm4b:s1+s3], $0x80, v13, vm0, $0xb8;
	[tilespmem:$0x1CC80] =	vst v63  }
0x220: {  	v12 =	vperm.xlane v12, v2  }
0x221: {  	[tilespmem:s24], [sflag:$0x1] =	stream.indirect_vreg.gather [hbm4b:s10+s3], $0x80, v13, vm0, $0xb8;
	[tilespmem:$0x1CC80] =	vst v63  }
0x222: {  	v12 =	vadd.s32 v1, v12  }
0x223: {  	[tilespmem:s25], [sflag:$0x1] =	stream.indirect_vreg.gather [hbm4b:s17+s3], $0x80, v13, vm0, $0xb8;
	[tilespmem:$0x1CC80] =	vst v63  }
0x224: {  	_ = 	snop  }
0x225: {  	[tilespmem:s26], [sflag:$0x1] =	stream.indirect_vreg.gather [hbm4b:s11+s3], $0x80, v13, vm0, $0xb8;
	[tilespmem:$0x1CC80] =	vst v63  }
0x226: {  	_ = 	snop  }
0x227: {  	[tilespmem:s28], [sflag:$0x1] =	stream.indirect_vreg.gather [hbm4b:s1+s3], $0x80, v12, vm0, $0xb8;
	[tilespmem:$0x1CC80] =	vst v63  }
0x228: {  	_ = 	snop  }
0x229: {  	[tilespmem:s29], [sflag:$0x1] =	stream.indirect_vreg.gather [hbm4b:s10+s3], $0x80, v12, vm0, $0xb8;
	[tilespmem:$0x1CC80] =	vst v63  }
0x22a: {  	_ = 	snop  }
0x22b: {  	[tilespmem:s30], [sflag:$0x1] =	stream.indirect_vreg.gather [hbm4b:s17+s3], $0x80, v12, vm0, $0xb8;
	[tilespmem:$0x1CC80] =	vst v63  }
0x22c: {  	_ = 	snop  }
0x22d: {  	[tilespmem:s31], [sflag:$0x1] =	stream.indirect_vreg.gather [hbm4b:s11+s3], $0x80, v12, vm0, $0xb8;
	[tilespmem:$0x1CC80] =	vst v63  }
0x22e: {  	_ =	swait.ge [sflag:s5], $0x4000  }
0x22f: {  	[sflag:s5] =	ssyncset.done $0x0  }
0x230: {  	[sflag:s5] =	ssyncadd.s32 $0xFFFFC000  }
0x231: {  	v58 =	vld [tilespmem:$0x10680];
	_ =	sdelay $0x4  }
0x232: {  	v59 =	vshll.u32 v58, $0x3  }
0x233: {  	v12 =	vand.u32 $0x7, v58;
	v13 =	vand.u32 $0xFFFFFFC0, v59  }
0x234: {  	v12 =	vor.u32 v12, v13  }
0x235: {  	v13 =	vperm.xlane v12, v0;
	_ =	sdelay $0x1  }
0x236: {  	v13 =	vadd.s32 v1, v13;
	_ =	sdelay $0x3  }
0x237: {  	s4 =	simm.s32 $0x18C80  }
0x238: {  	[hbm4b:s8+s3] =	stream.indirect_vreg.scatter [tilespmem:s4], [sflag:$0x2], $0x80, v13, vm0, $0xb8;
	[tilespmem:$0x1CC80] =	vst v63  }
0x239: {  	v12 =	vperm.xlane v12, v2;
	s4 =	simm.s32 $0x19480  }
0x23a: {  	[hbm4b:s22+s3] =	stream.indirect_vreg.scatter [tilespmem:s4], [sflag:$0x2], $0x80, v13, vm0, $0xb8;
	[tilespmem:$0x1CC80] =	vst v63  }
0x23b: {  	v12 =	vadd.s32 v1, v12;
	s4 =	simm.s32 $0x19C80  }
0x23c: {  	[hbm4b:s23+s3] =	stream.indirect_vreg.scatter [tilespmem:s4], [sflag:$0x2], $0x80, v13, vm0, $0xb8;
	[tilespmem:$0x1CC80] =	vst v63  }
0x23d: {  	s0 =	simm.s32 $0x1A480  }
0x23e: {  	[hbm4b:s6+s3] =	stream.indirect_vreg.scatter [tilespmem:s0], [sflag:$0x2], $0x80, v13, vm0, $0xb8;
	[tilespmem:$0x1CC80] =	vst v63  }
0x23f: {  	s4 =	simm.s32 $0x1AC80  }
0x240: {  	[hbm4b:s8+s3] =	stream.indirect_vreg.scatter [tilespmem:s4], [sflag:$0x2], $0x80, v12, vm0, $0xb8;
	[tilespmem:$0x1CC80] =	vst v63  }
0x241: {  	_ = 	snop  }
0x242: {  	[hbm4b:s22+s3] =	stream.indirect_vreg.scatter [tilespmem:s21], [sflag:$0x2], $0x80, v12, vm0, $0xb8;
	[tilespmem:$0x1CC80] =	vst v63  }
0x243: {  	_ = 	snop  }
0x244: {  	[hbm4b:s23+s3] =	stream.indirect_vreg.scatter [tilespmem:s18], [sflag:$0x2], $0x80, v12, vm0, $0xb8;
	[tilespmem:$0x1CC80] =	vst v63  }
0x245: {  	s4 =	simm.s32 $0x1C480  }
0x246: {  	[hbm4b:s6+s3] =	stream.indirect_vreg.scatter [tilespmem:s4], [sflag:$0x2], $0x80, v12, vm0, $0xb8;
	[tilespmem:$0x1CC80] =	vst v63  }
0x247: {  	_ =	swait.ge [sflag:s5], $0x4000  }
0x248: {  	[sflag:s5] =	ssyncset.done $0x0  }
0x249: {  	[sflag:s5] =	ssyncadd.s32 $0xFFFFC000  }
0x24a: {  	v60 =	vld [tilespmem:$0x10700];
	_ =	sdelay $0x4  }
0x24b: {  	v61 =	vshll.u32 v60, $0x3  }
0x24c: {  	v12 =	vand.u32 $0x7, v60;
	v13 =	vand.u32 $0xFFFFFFC0, v61  }
0x24d: {  	v12 =	vor.u32 v12, v13  }
0x24e: {  	v13 =	vperm.xlane v12, v0;
	_ =	sdelay $0x1  }
0x24f: {  	v13 =	vadd.s32 v1, v13;
	_ =	sdelay $0x3  }
0x250: {  	s4 =	simm.s32 $0x10C80  }
0x251: {  	[hbm4b:s8+s3] =	stream.indirect_vreg.scatter [tilespmem:s4], [sflag:$0x2], $0x80, v13, vm0, $0xb8;
	[tilespmem:$0x1CC80] =	vst v63  }
0x252: {  	v12 =	vperm.xlane v12, v2  }
0x253: {  	[hbm4b:s22+s3] =	stream.indirect_vreg.scatter [tilespmem:s7], [sflag:$0x2], $0x80, v13, vm0, $0xb8;
	[tilespmem:$0x1CC80] =	vst v63  }
0x254: {  	v12 =	vadd.s32 v1, v12  }
0x255: {  	[hbm4b:s23+s3] =	stream.indirect_vreg.scatter [tilespmem:s12], [sflag:$0x2], $0x80, v13, vm0, $0xb8;
	[tilespmem:$0x1CC80] =	vst v63  }
0x256: {  	_ = 	snop  }
0x257: {  	[hbm4b:s6+s3] =	stream.indirect_vreg.scatter [tilespmem:s13], [sflag:$0x2], $0x80, v13, vm0, $0xb8;
	[tilespmem:$0x1CC80] =	vst v63  }
0x258: {  	_ = 	snop  }
0x259: {  	[hbm4b:s8+s3] =	stream.indirect_vreg.scatter [tilespmem:s14], [sflag:$0x2], $0x80, v12, vm0, $0xb8;
	[tilespmem:$0x1CC80] =	vst v63  }
0x25a: {  	_ = 	snop  }
0x25b: {  	[hbm4b:s22+s3] =	stream.indirect_vreg.scatter [tilespmem:s15], [sflag:$0x2], $0x80, v12, vm0, $0xb8;
	[tilespmem:$0x1CC80] =	vst v63  }
0x25c: {  	_ = 	snop  }
0x25d: {  	[hbm4b:s23+s3] =	stream.indirect_vreg.scatter [tilespmem:s16], [sflag:$0x2], $0x80, v12, vm0, $0xb8;
	[tilespmem:$0x1CC80] =	vst v63  }
0x25e: {  	_ = 	snop  }
0x25f: {  	[hbm4b:s6+s3] =	stream.indirect_vreg.scatter [tilespmem:s19], [sflag:$0x2], $0x80, v12, vm0, $0xb8;
	[tilespmem:$0x1CC80] =	vst v63  }
0x260: {  	_ =	swait.ge [sflag:s5], $0x4000  }
0x261: {  	[sflag:s5] =	ssyncset.done $0x0  }
0x262: {  	[sflag:s5] =	ssyncadd.s32 $0xFFFFC000  }
0x263: {  	v62 =	vld [tilespmem:$0x10780];
	_ =	sdelay $0x4  }
0x264: {  	v63 =	vshll.u32 v62, $0x3  }
0x265: {  	v12 =	vand.u32 $0x7, v62;
	v13 =	vand.u32 $0xFFFFFFC0, v63  }
0x266: {  	v12 =	vor.u32 v12, v13  }
0x267: {  	v13 =	vperm.xlane v12, v0;
	_ =	sdelay $0x1  }
0x268: {  	v13 =	vadd.s32 v1, v13;
	_ =	sdelay $0x4  }
0x269: {  	[hbm4b:s8+s3] =	stream.indirect_vreg.scatter [tilespmem:s20], [sflag:$0x2], $0x80, v13, vm0, $0xb8;
	[tilespmem:$0x1CC80] =	vst v63  }
0x26a: {  	v12 =	vperm.xlane v12, v2  }
0x26b: {  	[hbm4b:s22+s3] =	stream.indirect_vreg.scatter [tilespmem:s24], [sflag:$0x2], $0x80, v13, vm0, $0xb8;
	[tilespmem:$0x1CC80] =	vst v63  }
0x26c: {  	v12 =	vadd.s32 v1, v12  }
0x26d: {  	[hbm4b:s23+s3] =	stream.indirect_vreg.scatter [tilespmem:s25], [sflag:$0x2], $0x80, v13, vm0, $0xb8;
	[tilespmem:$0x1CC80] =	vst v63  }
0x26e: {  	_ = 	snop  }
0x26f: {  	[hbm4b:s6+s3] =	stream.indirect_vreg.scatter [tilespmem:s26], [sflag:$0x2], $0x80, v13, vm0, $0xb8;
	[tilespmem:$0x1CC80] =	vst v63  }
0x270: {  	_ = 	snop  }
0x271: {  	[hbm4b:s8+s3] =	stream.indirect_vreg.scatter [tilespmem:s28], [sflag:$0x2], $0x80, v12, vm0, $0xb8;
	[tilespmem:$0x1CC80] =	vst v63  }
0x272: {  	_ = 	snop  }
0x273: {  	[hbm4b:s22+s3] =	stream.indirect_vreg.scatter [tilespmem:s29], [sflag:$0x2], $0x80, v12, vm0, $0xb8;
	[tilespmem:$0x1CC80] =	vst v63  }
0x274: {  	_ = 	snop  }
0x275: {  	[hbm4b:s23+s3] =	stream.indirect_vreg.scatter [tilespmem:s30], [sflag:$0x2], $0x80, v12, vm0, $0xb8;
	[tilespmem:$0x1CC80] =	vst v63  }
0x276: {  	_ = 	snop  }
0x277: {  	[hbm4b:s6+s3] =	stream.indirect_vreg.scatter [tilespmem:s31], [sflag:$0x2], $0x80, v12, vm0, $0xb8;
	[tilespmem:$0x1CC80] =	vst v63  }
0x278: {  	_ =	swait.ge [sflag:s9], $0x4000  }
0x279: {  	[sflag:s9] =	ssyncset.done $0x0  }
0x27a: {  	[sflag:s9] =	ssyncadd.s32 $0xFFFFC000  }
0x27b: {  	_ =	swait.ge [sflag:s9], $0x4000  }
0x27c: {  	[sflag:s9] =	ssyncset.done $0x0  }
0x27d: {  	[sflag:s9] =	ssyncadd.s32 $0xFFFFC000  }
0x27e: {  	_ =	swait.ge [sflag:s9], $0x4000  }
0x27f: {  	s22 =	rddreg [dreg:$0x15]  }
0x280: {  	s23 =	rddreg [dreg:$0x10];
	s4 =	sadd.s32 $0x1, s22  }
0x281: {  	p1 =	sne.s32 s4, s23  }
.Ltmp1:
0x282: {  	_ = 	snop;
	(pc) =	sbr.rel @p1 .LBB2_1-.Ltmp1, $3  }
0x283: {  	_ =	sdelay $0x1  }
0x284: {  	s5 =	smov.u32 s10;
	s8 =	smov.u32 s17;
	[sflag:s9] =	ssyncset.done $0x0  }
0x285: {  	s6 =	simm.s32 $0x10C80;
	[sflag:s9] =	ssyncadd.s32 $0xFFFFC000;
	s9 =	smov.u32 s11  }
0x286: {  	_ =	sfence.sel $0x180000  }
0x287: {  	[bflag:$0x0] =	sbarrier.arrive $0xFFFF  }
0x288: {  	_ =	strace $0x90000047  }
0x289: {  	s0 =	stileid.u32;
	[bflag:$0x2] =	sbarrier.arrive $0xFFFF  }
0x28a: {  	p0 =	sne.s32 s0, $0x0;
	s0 =	rddreg [dreg:$0x2]  }
0x28b: {  	s0 =	sadd.s32 @!p0 $0x100000, s0  }
0x28c: {  	[sflag:s0] =	ssyncadd.tile.s32 @!p0 $0x1;
	_ =	shalt  }
.Lfunc_end2:
_tile_overlayer_lowered:
.L_overlay_start_2:
0x28d: {  	(tag) =	ssettag $0x2  }
0x28e: {  	s0 =	rddreg [dreg:$0x0];
	s2 =	stileid.u32  }
0x28f: {  	s1 =	rddreg [dreg:$0x1];
	p0 =	sne.s32 s2, $0x0  }
0x290: {  	s3 =	rddreg [dreg:$0x2];
	[bflag:$0x3] =	sbarrier.arrive $0xFFFF;
	s2 =	simm.s32 @!p0 $0x1C03  }
0x291: {  	[timem:s3], [sflag:s2] =	dma.local @!p0 [hbm:s0], s1  }
0x292: {  	s0 =	simm.s32 @!p0 $0x3  }
0x293: {  	_ =	swait.ge @!p0 [sflag:s0], s1  }
0x294: {  	s1 =	ssub.s32 @!p0 $0x0, s1;
	[sflag:s0] =	ssyncset.done @!p0 $0x0  }
0x295: {  	[sflag:s0] =	ssyncadd.s32 @!p0 s1  }
0x296: {  	[bflag:$0x3] =	sbarrier.arrive $0xFFFF  }
0x297: {  	_ =	shalt  }

</sc_bundles>
